<compile_context>
chip_gen: v7x
topology: tpu7x:2x2x1
jax: 0.10.2.dev20260603
libtpu: 0.0.44.dev20260713+nightly
codegen_flags: <defaults>
</compile_context>

<pallas_src>
import functools

import jax
import jax.numpy as jnp
from jax import lax
from jax.experimental import pallas as pl
from jax.experimental.pallas import tpu as pltpu
from jax.experimental.pallas import tpu_sc as plsc

N = 10000
E = 320000
ND = 128
ED = 16
HID = 64
N_ITERS = 3

NC = 2
NS = 16
NW = NC * NS
EPT = E // NW
BATCH = 80
NB = EPT // BATCH
NPAD = 10240
NPT = NPAD // NS

NBUF = 6
BE = 2000
GE = E // BE
BN = 1000
GN = N // BN

_mesh = plsc.VectorSubcoreMesh(
    core_axis_name="c", subcore_axis_name="s", num_cores=NC, num_subcores=NS)

f32 = jnp.float32
i32 = jnp.int32


@functools.partial(
    pl.kernel,
    out_type=(jax.ShapeDtypeStruct((E, 3 * ED), f32),
              jax.ShapeDtypeStruct((E, 3 * ED), f32)),
    mesh=_mesh,
    compiler_params=pltpu.CompilerParams(use_tc_tiling_on_sc=False, needs_layout_passes=False),
    scratch_types=[
        pltpu.VMEM((NB, BATCH), i32),
        pltpu.VMEM((NB, BATCH), i32),
        pltpu.VMEM((NBUF, BATCH, 3 * ED), f32),
        pltpu.VMEM((NBUF, BATCH, 3 * ED), f32),
        pltpu.SemaphoreType.DMA,
        pltpu.SemaphoreType.DMA,
        pltpu.SemaphoreType.DMA,
        pltpu.SemaphoreType.DMA,
    ],
)
def _gather_sc(pa_hbm, pb_hbm, src_hbm, dst_hbm, ga_hbm, gb_hbm,
               sall, dall, abuf, bbuf, sga, sgb, soa, sob):
    cid = lax.axis_index("c")
    sid = lax.axis_index("s")
    wid = sid * NC + cid
    base = wid * EPT
    bb = wid * NB

    pltpu.sync_copy(src_hbm.at[pl.ds(bb, NB)], sall)
    pltpu.sync_copy(dst_hbm.at[pl.ds(bb, NB)], dall)
    for p in range(NBUF - 1):
        pltpu.async_copy(pa_hbm.at[sall.at[p]], abuf.at[p], sga)
        pltpu.async_copy(pb_hbm.at[dall.at[p]], bbuf.at[p], sgb)

    @pl.loop(0, NB)
    def _batch(b):
        slot = lax.rem(b, NBUF)
        pltpu.make_async_copy(pa_hbm.at[sall.at[0]], abuf.at[slot], sga).wait()
        pltpu.make_async_copy(pb_hbm.at[dall.at[0]], bbuf.at[slot], sgb).wait()
        off = base + b * BATCH
        pltpu.async_copy(abuf.at[slot], ga_hbm.at[pl.ds(off, BATCH)], soa)
        pltpu.async_copy(bbuf.at[slot], gb_hbm.at[pl.ds(off, BATCH)], sob)

        @pl.when(b + NBUF - 1 < NB)
        def _issue():
            @pl.when(b >= 1)
            def _drain():
                pltpu.make_async_copy(
                    abuf.at[0], ga_hbm.at[pl.ds(base, BATCH)], soa).wait()
                pltpu.make_async_copy(
                    bbuf.at[0], gb_hbm.at[pl.ds(base, BATCH)], sob).wait()

            ns = lax.rem(b + NBUF - 1, NBUF)
            pltpu.async_copy(pa_hbm.at[sall.at[b + NBUF - 1]],
                             abuf.at[ns], sga)
            pltpu.async_copy(pb_hbm.at[dall.at[b + NBUF - 1]],
                             bbuf.at[ns], sgb)

    for _ in range(NBUF):
        pltpu.make_async_copy(
            abuf.at[0], ga_hbm.at[pl.ds(base, BATCH)], soa).wait()
        pltpu.make_async_copy(
            bbuf.at[0], gb_hbm.at[pl.ds(base, BATCH)], sob).wait()


@functools.partial(
    pl.kernel,
    out_type=(jax.ShapeDtypeStruct((NC, NPAD), f32),
              jax.ShapeDtypeStruct((NC, NPAD, ED), f32)),
    mesh=_mesh,
    compiler_params=pltpu.CompilerParams(use_tc_tiling_on_sc=False, needs_layout_passes=False),
    scratch_types=[
        pltpu.VMEM((NB, BATCH), i32),
        pltpu.VMEM((NB, BATCH), f32),
        pltpu.VMEM((NBUF, BATCH, ED), f32),
        pltpu.VMEM((NPAD,), f32),
        pltpu.VMEM((NPT, ED), f32),
        pltpu.VMEM((NPT,), f32),
        pltpu.VMEM((NPT,), f32),
        pltpu.VMEM_SHARED((NS, NPAD), f32),
        pltpu.VMEM_SHARED((NPAD, ED), f32),
        pltpu.SemaphoreType.DMA,
    ],
)
def _agg_sc(dst_hbm, e_hbm, msg_hbm, s2_hbm, agg2_hbm,
            dall, eall, mbuf, s_local, zbuf, comb, tmp, stage, agg_sp, semm):
    cid = lax.axis_index("c")
    sid = lax.axis_index("s")
    wid = sid * NC + cid
    base = wid * EPT
    bb = wid * NB

    pltpu.sync_copy(dst_hbm.at[pl.ds(bb, NB)], dall)
    pltpu.sync_copy(e_hbm.at[pl.ds(bb, NB)], eall)

    @pl.loop(0, NPAD // 16)
    def _zero(k):
        s_local[pl.ds(k * 16, 16)] = jnp.zeros((16,), f32)

    @pl.loop(0, NPT)
    def _zr(r):
        zbuf[r, :] = jnp.zeros((16,), f32)

    pltpu.sync_copy(zbuf, agg_sp.at[pl.ds(sid * NPT, NPT)])
    plsc.subcore_barrier()

    for p in range(NBUF - 1):
        pltpu.async_copy(msg_hbm.at[pl.ds(base + p * BATCH, BATCH)],
                         mbuf.at[p], semm)

    @pl.loop(0, NB)
    def _batch(b):
        slot = lax.rem(b, NBUF)
        pltpu.make_async_copy(msg_hbm.at[pl.ds(base, BATCH)],
                              mbuf.at[slot], semm).wait()

        @pl.loop(0, BATCH // 16)
        def _grp(g):
            dv = dall[b, pl.ds(g * 16, 16)]
            ev = eall[b, pl.ds(g * 16, 16)]
            plsc.addupdate_scatter(s_local, [dv], ev)

        pltpu.sync_copy(mbuf.at[slot], agg_sp.at[dall.at[b]], add=True)

        @pl.when(b + NBUF - 1 < NB)
        def _issue():
            ns = lax.rem(b + NBUF - 1, NBUF)
            pltpu.async_copy(
                msg_hbm.at[pl.ds(base + (b + NBUF - 1) * BATCH, BATCH)],
                mbuf.at[ns], semm)

    pltpu.sync_copy(s_local, stage.at[sid])
    plsc.subcore_barrier()

    @pl.loop(0, NPT // 16)
    def _zc(k):
        comb[pl.ds(k * 16, 16)] = jnp.zeros((16,), f32)

    @pl.loop(0, NS)
    def _acc(r):
        pltpu.sync_copy(stage.at[r, pl.ds(sid * NPT, NPT)], tmp)

        @pl.loop(0, NPT // 16)
        def _add(k):
            sl = pl.ds(k * 16, 16)
            comb[sl] = comb[sl] + tmp[sl]

    pltpu.sync_copy(comb, s2_hbm.at[cid, pl.ds(sid * NPT, NPT)])
    pltpu.sync_copy(agg_sp.at[pl.ds(sid * NPT, NPT)], zbuf)
    pltpu.sync_copy(zbuf, agg2_hbm.at[cid, pl.ds(sid * NPT, NPT)])


def _proj_body(nf_ref, wa_ref, wb_ref, pa_ref, pb_ref):
    x = nf_ref[...]
    pa_ref[...] = jnp.dot(x, wa_ref[...], preferred_element_type=f32)
    pb_ref[...] = jnp.dot(x, wb_ref[...], preferred_element_type=f32)


def _proj(nf, wat, wbt):
    return pl.pallas_call(
        _proj_body,
        grid=(GN,),
        in_specs=[
            pl.BlockSpec((BN, ND), lambda i: (i, 0)),
            pl.BlockSpec((ND, 3 * ED), lambda i: (0, 0)),
            pl.BlockSpec((ND, 3 * ED), lambda i: (0, 0)),
        ],
        out_specs=[
            pl.BlockSpec((BN, 3 * ED), lambda i: (i, 0)),
            pl.BlockSpec((BN, 3 * ED), lambda i: (i, 0)),
        ],
        out_shape=[
            jax.ShapeDtypeStruct((N, 3 * ED), f32),
            jax.ShapeDtypeStruct((N, 3 * ED), f32),
        ],
    )(nf, wat, wbt)


def _edge_body(ga_ref, gb_ref, ef_ref, whh_ref, bih_ref, bhh_ref,
               w1_ref, b1_ref, w2_ref,
               uef_ref, msg_ref, e_ref):
    gi = ga_ref[...] + gb_ref[...] + bih_ref[...]
    ef = ef_ref[...]
    gh = jnp.dot(ef, whh_ref[...], preferred_element_type=f32) + bhh_ref[...]
    r = jax.nn.sigmoid(gi[:, 0:ED] + gh[:, 0:ED])
    z = jax.nn.sigmoid(gi[:, ED:2 * ED] + gh[:, ED:2 * ED])
    n = jnp.tanh(gi[:, 2 * ED:] + r * gh[:, 2 * ED:])
    uef = (1.0 - z) * n + z * ef
    uef_ref[...] = uef
    hid = jnp.maximum(jnp.dot(uef, w1_ref[...], preferred_element_type=f32)
                      + b1_ref[...], 0.0)
    e = jnp.exp(jnp.sum(hid * w2_ref[...], axis=1, keepdims=True))
    e_ref[...] = e
    msg_ref[...] = uef * e


def _edge(ga, gb, ef, whht, bih, bhh, w1t, b1, w2):
    return pl.pallas_call(
        _edge_body,
        grid=(GE,),
        in_specs=[
            pl.BlockSpec((BE, 3 * ED), lambda i: (i, 0)),
            pl.BlockSpec((BE, 3 * ED), lambda i: (i, 0)),
            pl.BlockSpec((BE, ED), lambda i: (i, 0)),
            pl.BlockSpec((ED, 3 * ED), lambda i: (0, 0)),
            pl.BlockSpec((1, 3 * ED), lambda i: (0, 0)),
            pl.BlockSpec((1, 3 * ED), lambda i: (0, 0)),
            pl.BlockSpec((ED, HID), lambda i: (0, 0)),
            pl.BlockSpec((1, HID), lambda i: (0, 0)),
            pl.BlockSpec((1, HID), lambda i: (0, 0)),
        ],
        out_specs=[
            pl.BlockSpec((BE, ED), lambda i: (i, 0)),
            pl.BlockSpec((BE, ED), lambda i: (i, 0)),
            pl.BlockSpec((BE, 1), lambda i: (i, 0)),
        ],
        out_shape=[
            jax.ShapeDtypeStruct((E, ED), f32),
            jax.ShapeDtypeStruct((E, ED), f32),
            jax.ShapeDtypeStruct((E, 1), f32),
        ],
    )(ga, gb, ef, whht, bih, bhh, w1t, b1, w2)


def _node_body(agg2_ref, s2_ref, nf_ref, wih_ref, whh_ref, bih_ref, bhh_ref,
               wa_ref, wb_ref, nfo_ref, pa_ref, pb_ref):
    araw = agg2_ref[0, :, :] + agg2_ref[1, :, :]
    s = s2_ref[0, :, :] + s2_ref[1, :, :]
    a = araw * (1.0 / (s + 1e-16))
    h = nf_ref[...]
    gi = jnp.dot(a, wih_ref[...], preferred_element_type=f32) + bih_ref[...]
    gh = jnp.dot(h, whh_ref[...], preferred_element_type=f32) + bhh_ref[...]
    r = jax.nn.sigmoid(gi[:, 0:ND] + gh[:, 0:ND])
    z = jax.nn.sigmoid(gi[:, ND:2 * ND] + gh[:, ND:2 * ND])
    n = jnp.tanh(gi[:, 2 * ND:] + r * gh[:, 2 * ND:])
    nfo = (1.0 - z) * n + z * h
    nfo_ref[...] = nfo
    pa_ref[...] = jnp.dot(nfo, wa_ref[...], preferred_element_type=f32)
    pb_ref[...] = jnp.dot(nfo, wb_ref[...], preferred_element_type=f32)


def _node(agg2, s2r, nf, wiht, whht, bih, bhh, wat, wbt):
    return pl.pallas_call(
        _node_body,
        grid=(GN,),
        in_specs=[
            pl.BlockSpec((NC, BN, ED), lambda i: (0, i, 0)),
            pl.BlockSpec((NC, BN, 1), lambda i: (0, i, 0)),
            pl.BlockSpec((BN, ND), lambda i: (i, 0)),
            pl.BlockSpec((ED, 3 * ND), lambda i: (0, 0)),
            pl.BlockSpec((ND, 3 * ND), lambda i: (0, 0)),
            pl.BlockSpec((1, 3 * ND), lambda i: (0, 0)),
            pl.BlockSpec((1, 3 * ND), lambda i: (0, 0)),
            pl.BlockSpec((ND, 3 * ED), lambda i: (0, 0)),
            pl.BlockSpec((ND, 3 * ED), lambda i: (0, 0)),
        ],
        out_specs=[
            pl.BlockSpec((BN, ND), lambda i: (i, 0)),
            pl.BlockSpec((BN, 3 * ED), lambda i: (i, 0)),
            pl.BlockSpec((BN, 3 * ED), lambda i: (i, 0)),
        ],
        out_shape=[
            jax.ShapeDtypeStruct((N, ND), f32),
            jax.ShapeDtypeStruct((N, 3 * ED), f32),
            jax.ShapeDtypeStruct((N, 3 * ED), f32),
        ],
    )(agg2, s2r, nf, wiht, whht, bih, bhh, wat, wbt)


def kernel(nf, ef, edge_index, W_ih_e, W_hh_e, b_ih_e, b_hh_e,
           W_ih_n, W_hh_n, b_ih_n, b_hh_n, W1, b1, W2, b2):
    src = edge_index[0]
    dst = edge_index[1]
    wat = W_ih_e[:, :ND].T
    wbt = W_ih_e[:, ND:].T
    whhet = W_hh_e.T
    bih_e = b_ih_e[None, :]
    bhh_e = b_hh_e[None, :]
    w1t = W1.T
    b1r = b1[None, :]
    w2r = W2
    wihnt = W_ih_n.T
    whhnt = W_hh_n.T
    bih_n = b_ih_n[None, :]
    bhh_n = b_hh_n[None, :]

    src80 = src.reshape(E // BATCH, BATCH)
    dst80 = dst.reshape(E // BATCH, BATCH)
    pa, pb = _proj(nf, wat, wbt)
    for _ in range(N_ITERS):
        ga, gb = _gather_sc(pa, pb, src80, dst80)
        uef, msg, e = _edge(ga, gb, ef, whhet, bih_e, bhh_e,
                            w1t, b1r, w2r)
        s2, agg2 = _agg_sc(dst80, e.reshape(E // BATCH, BATCH), msg)
        s2r = s2[:, :N, None]
        nf, pa, pb = _node(agg2, s2r, nf, wihnt, whhnt, bih_n, bhh_n,
                           wat, wbt)
        ef = uef
    return (nf, ef)

# --- scband reference (transcript-rebuilt; emitter-appended) ---
"""Pipeline reference for scband-grumpnn-43920335569128 (READ-ONLY COPY).

The authoritative reference and input builder live on the scoring server;
editing this copy changes nothing except your own understanding.
"""

import jax, jax.numpy as jnp
import numpy as np

N = 10000
E = 320000
ND = 128
ED = 16
HID = 64
N_ITERS = 3


def gru_cell(x, h, W_ih, W_hh, b_ih, b_hh):
    gi = x @ W_ih.T + b_ih
    gh = h @ W_hh.T + b_hh
    i_r, i_z, i_n = jnp.split(gi, 3, axis=-1)
    h_r, h_z, h_n = jnp.split(gh, 3, axis=-1)
    r = jax.nn.sigmoid(i_r + h_r)
    z = jax.nn.sigmoid(i_z + h_z)
    n = jnp.tanh(i_n + r * h_n)
    return (1.0 - z) * n + z * h


def setup_inputs(seed: int = 0):
    key = jax.random.key(seed)
    ks = jax.random.split(key, 16)
    nf = jax.random.normal(ks[0], (N, ND), dtype=jnp.float32)
    ef = jax.random.normal(ks[1], (E, ED), dtype=jnp.float32)
    edge_index = jax.random.randint(ks[2], (2, E), 0, N, dtype=jnp.int32)
    W_ih_e = 0.1 * jax.random.normal(ks[3], (3 * ED, 2 * ND), dtype=jnp.float32)
    W_hh_e = 0.1 * jax.random.normal(ks[4], (3 * ED, ED), dtype=jnp.float32)
    b_ih_e = 0.1 * jax.random.normal(ks[5], (3 * ED,), dtype=jnp.float32)
    b_hh_e = 0.1 * jax.random.normal(ks[6], (3 * ED,), dtype=jnp.float32)
    W_ih_n = 0.1 * jax.random.normal(ks[7], (3 * ND, ED), dtype=jnp.float32)
    W_hh_n = 0.1 * jax.random.normal(ks[8], (3 * ND, ND), dtype=jnp.float32)
    b_ih_n = 0.1 * jax.random.normal(ks[9], (3 * ND,), dtype=jnp.float32)
    b_hh_n = 0.1 * jax.random.normal(ks[10], (3 * ND,), dtype=jnp.float32)
    W1 = 0.1 * jax.random.normal(ks[11], (HID, ED), dtype=jnp.float32)
    b1 = 0.1 * jax.random.normal(ks[12], (HID,), dtype=jnp.float32)
    W2 = 0.1 * jax.random.normal(ks[13], (1, HID), dtype=jnp.float32)
    b2 = 0.1 * jax.random.normal(ks[14], (1,), dtype=jnp.float32)
    return {"nf": nf, "ef": ef, "edge_index": edge_index,
            "W_ih_e": W_ih_e, "W_hh_e": W_hh_e, "b_ih_e": b_ih_e, "b_hh_e": b_hh_e,
            "W_ih_n": W_ih_n, "W_hh_n": W_hh_n, "b_ih_n": b_ih_n, "b_hh_n": b_hh_n,
            "W1": W1, "b1": b1, "W2": W2, "b2": b2}


def reference(nf, ef, edge_index, W_ih_e, W_hh_e, b_ih_e, b_hh_e,
              W_ih_n, W_hh_n, b_ih_n, b_hh_n, W1, b1, W2, b2):
    src = edge_index[0]
    dst = edge_index[1]
    for _ in range(N_ITERS):
        # edge update: GRUCell(input=[h_src, h_dst], hidden=ef)
        edge_in = jnp.concatenate([nf[src], nf[dst]], axis=-1)
        uef = gru_cell(edge_in, ef, W_ih_e, W_hh_e, b_ih_e, b_hh_e)
        # attention MLP -> edge_softmax over incoming edges of each dst node
        logits = (jax.nn.relu(uef @ W1.T + b1) @ W2.T + b2)[:, 0]
        mx = jax.ops.segment_max(logits, dst, num_segments=N)
        mx = jnp.where(jnp.isfinite(mx), mx, 0.0)
        e = jnp.exp(logits - mx[dst])
        s = jax.ops.segment_sum(e, dst, num_segments=N)
        attn = e / (s[dst] + 1e-16)
        # message = uef * attn, sum-aggregate per dst node
        agg = jax.ops.segment_sum(uef * attn[:, None], dst, num_segments=N)
        # node update: GRUCell(input=agg_m, hidden=nf)
        nf = gru_cell(agg, nf, W_ih_n, W_hh_n, b_ih_n, b_hh_n)
        ef = uef
    return (nf, ef)

if __name__ == "__main__":
    import jax
    _d = setup_inputs()
    print(jax.jit(kernel)(*tuple(_d.values())))

</pallas_src>

<mosaic_0001>
#map = affine_map<(d0, d1) -> (0, 0)>
#map1 = affine_map<(d0, d1) -> (0, 0, 0)>
module attributes {stable_mosaic.version = 14 : i64} {
  func.func @_agg_sc(%arg0: i32, %arg1: i32, %arg2: memref<4000x80xi32, #tpu.memory_space<hbm>>, %arg3: memref<4000x80xf32, #tpu.memory_space<hbm>>, %arg4: memref<320000x16xf32, #tpu.memory_space<hbm>>, %arg5: memref<2x10240xf32, #tpu.memory_space<hbm>>, %arg6: memref<2x10240x16xf32, #tpu.memory_space<hbm>>, %arg7: memref<125x80xi32, #tpu.memory_space<vmem>>, %arg8: memref<125x80xf32, #tpu.memory_space<vmem>>, %arg9: memref<6x80x16xf32, #tpu.memory_space<vmem>>, %arg10: memref<10240xf32, #tpu.memory_space<vmem>>, %arg11: memref<640x16xf32, #tpu.memory_space<vmem>>, %arg12: memref<640xf32, #tpu.memory_space<vmem>>, %arg13: memref<640xf32, #tpu.memory_space<vmem>>, %arg14: memref<16x10240xf32, #tpu.memory_space<vmem_shared>>, %arg15: memref<10240x16xf32, #tpu.memory_space<vmem_shared>>, %arg16: memref<!tpu.dma_semaphore, #tpu.memory_space<semaphore_mem>>) attributes {dimension_semantics = [#tpu.dimension_semantics<core_parallel>, #tpu.dimension_semantics<subcore_parallel>], iteration_bounds = array<i64: 2, 16>, scalar_prefetch = 0 : i64, scratch_operands = 10 : i64, tpu.core_type = #tpu.core_type<sc_vector_subcore>, window_params = [{transform_indices = #map}, {transform_indices = #map}, {transform_indices = #map}, {transform_indices = #map}, {transform_indices = #map1}]} {
    %mul3A = arith.constant 2 : i32
    %mul3A_0 = arith.muli %arg1, %mul3A : i32
    %add3A = arith.addi %mul3A_0, %arg0 : i32
    %mul3A_1 = arith.constant 10000 : i32
    %mul3A_2 = arith.muli %add3A, %mul3A_1 : i32
    %mul3A_3 = arith.constant 125 : i32
    %mul3A_4 = arith.muli %add3A, %mul3A_3 : i32
    "tpu.region"() ({
      %run_scoped3A = tpu.sem_alloc : memref<!tpu.dma_semaphore, #tpu.memory_space<semaphore_mem>>
      %dma_start3A_112 = arith.constant 0 : i32
      %dma_start3A_113 = tpu.memref_slice %arg2[%mul3A_4, %dma_start3A_112] : memref<4000x80xi32, #tpu.memory_space<hbm>> -> memref<125x80xi32, #tpu.memory_space<hbm>>
      %dma_start3A_114 = arith.constant 0 : i32
      %dma_start3A_115 = tpu.memref_slice %arg2[%mul3A_4, %dma_start3A_114] : memref<4000x80xi32, #tpu.memory_space<hbm>> -> memref<125x80xi32, #tpu.memory_space<hbm>>
      tpu.enqueue_dma source(%dma_start3A_115 : memref<125x80xi32, #tpu.memory_space<hbm>>) target(%arg7 : memref<125x80xi32, #tpu.memory_space<vmem>>) target_semaphore(%run_scoped3A : memref<!tpu.dma_semaphore, #tpu.memory_space<semaphore_mem>>)
      %dma_wait3A = arith.constant 0 : i32
      %dma_wait3A_116 = tpu.memref_slice %arg2[%mul3A_4, %dma_wait3A] : memref<4000x80xi32, #tpu.memory_space<hbm>> -> memref<125x80xi32, #tpu.memory_space<hbm>>
      %dma_wait3A_117 = arith.constant 0 : i32
      %dma_wait3A_118 = tpu.memref_slice %arg2[%mul3A_4, %dma_wait3A_117] : memref<4000x80xi32, #tpu.memory_space<hbm>> -> memref<125x80xi32, #tpu.memory_space<hbm>>
      tpu.wait_dma2 semaphore(%run_scoped3A : memref<!tpu.dma_semaphore, #tpu.memory_space<semaphore_mem>>) src(%dma_wait3A_118 : memref<125x80xi32, #tpu.memory_space<hbm>>) dst(%arg7 : memref<125x80xi32, #tpu.memory_space<vmem>>)
      tpu.yield
    }) : () -> ()
    "tpu.region"() ({
      %run_scoped3A = tpu.sem_alloc : memref<!tpu.dma_semaphore, #tpu.memory_space<semaphore_mem>>
      %dma_start3A_112 = arith.constant 0 : i32
      %dma_start3A_113 = tpu.memref_slice %arg3[%mul3A_4, %dma_start3A_112] : memref<4000x80xf32, #tpu.memory_space<hbm>> -> memref<125x80xf32, #tpu.memory_space<hbm>>
      %dma_start3A_114 = arith.constant 0 : i32
      %dma_start3A_115 = tpu.memref_slice %arg3[%mul3A_4, %dma_start3A_114] : memref<4000x80xf32, #tpu.memory_space<hbm>> -> memref<125x80xf32, #tpu.memory_space<hbm>>
      tpu.enqueue_dma source(%dma_start3A_115 : memref<125x80xf32, #tpu.memory_space<hbm>>) target(%arg8 : memref<125x80xf32, #tpu.memory_space<vmem>>) target_semaphore(%run_scoped3A : memref<!tpu.dma_semaphore, #tpu.memory_space<semaphore_mem>>)
      %dma_wait3A = arith.constant 0 : i32
      %dma_wait3A_116 = tpu.memref_slice %arg3[%mul3A_4, %dma_wait3A] : memref<4000x80xf32, #tpu.memory_space<hbm>> -> memref<125x80xf32, #tpu.memory_space<hbm>>
      %dma_wait3A_117 = arith.constant 0 : i32
      %dma_wait3A_118 = tpu.memref_slice %arg3[%mul3A_4, %dma_wait3A_117] : memref<4000x80xf32, #tpu.memory_space<hbm>> -> memref<125x80xf32, #tpu.memory_space<hbm>>
      tpu.wait_dma2 semaphore(%run_scoped3A : memref<!tpu.dma_semaphore, #tpu.memory_space<semaphore_mem>>) src(%dma_wait3A_118 : memref<125x80xf32, #tpu.memory_space<hbm>>) dst(%arg8 : memref<125x80xf32, #tpu.memory_space<vmem>>)
      tpu.yield
    }) : () -> ()
    %scan3A = arith.constant 0 : i32
    %scan3A_5 = arith.constant 640 : i32
    %scan3A_6 = arith.addi %scan3A, %scan3A_5 : i32
    %scan3A_7 = arith.constant 1 : i32
    scf.for %scan3A_112 = %scan3A to %scan3A_6 step %scan3A_7  : i32 {
      %mul3A_113 = arith.constant 1 : i32
      %mul3A_114 = arith.muli %scan3A_112, %mul3A_113 : i32
      %add3A_115 = arith.constant 0 : i32
      %add3A_116 = arith.addi %add3A_115, %mul3A_114 : i32
      %broadcast_in_dim3A = arith.constant 0.000000e+00 : f32
      %broadcast_in_dim3A_117 = vector.broadcast %broadcast_in_dim3A : f32 to vector<16xf32>
      %mul3A_118 = arith.constant 16 : i32
      %mul3A_119 = arith.muli %add3A_116, %mul3A_118 : i32
      %swap3A = arith.index_cast %mul3A_119 : i32 to index
      %swap3A_120 = tpu.vector_load %arg10[%swap3A] {strides = array<i32>} : memref<10240xf32, #tpu.memory_space<vmem>>, vector<16xf32>,
      tpu.vector_store %arg10[%swap3A], %broadcast_in_dim3A_117 {strides = array<i32>} : memref<10240xf32, #tpu.memory_space<vmem>>, vector<16xf32>,
    }
    %scan3A_8 = arith.constant 640 : i32
    %scan3A_9 = arith.constant 0 : i32
    %scan3A_10 = arith.constant 640 : i32
    %scan3A_11 = arith.addi %scan3A_9, %scan3A_10 : i32
    %scan3A_12 = arith.constant 1 : i32
    scf.for %scan3A_112 = %scan3A_9 to %scan3A_11 step %scan3A_12  : i32 {
      %mul3A_113 = arith.constant 1 : i32
      %mul3A_114 = arith.muli %scan3A_112, %mul3A_113 : i32
      %add3A_115 = arith.constant 0 : i32
      %add3A_116 = arith.addi %add3A_115, %mul3A_114 : i32
      %broadcast_in_dim3A = arith.constant 0.000000e+00 : f32
      %broadcast_in_dim3A_117 = vector.broadcast %broadcast_in_dim3A : f32 to vector<16xf32>
      %swap3A = arith.index_cast %add3A_116 : i32 to index
      %swap3A_118 = arith.constant 0 : index
      %swap3A_119 = tpu.vector_load %arg11[%swap3A, %swap3A_118] {strides = array<i32>} : memref<640x16xf32, #tpu.memory_space<vmem>>, vector<16xf32>,
      tpu.vector_store %arg11[%swap3A, %swap3A_118], %broadcast_in_dim3A_117 {strides = array<i32>} : memref<640x16xf32, #tpu.memory_space<vmem>>, vector<16xf32>,
    }
    %scan3A_13 = arith.constant 640 : i32
    %mul3A_14 = arith.constant 640 : i32
    %mul3A_15 = arith.muli %arg1, %mul3A_14 : i32
    "tpu.region"() ({
      %run_scoped3A = tpu.sem_alloc : memref<!tpu.dma_semaphore, #tpu.memory_space<semaphore_mem>>
      %dma_start3A_112 = arith.constant 0 : i32
      %dma_start3A_113 = tpu.memref_slice %arg15[%mul3A_15, %dma_start3A_112] : memref<10240x16xf32, #tpu.memory_space<vmem_shared>> -> memref<640x16xf32, #tpu.memory_space<vmem_shared>>
      %dma_start3A_114 = arith.constant 0 : i32
      %dma_start3A_115 = tpu.memref_slice %arg15[%mul3A_15, %dma_start3A_114] : memref<10240x16xf32, #tpu.memory_space<vmem_shared>> -> memref<640x16xf32, #tpu.memory_space<vmem_shared>>
      tpu.enqueue_dma source(%arg11 : memref<640x16xf32, #tpu.memory_space<vmem>>) target(%dma_start3A_115 : memref<640x16xf32, #tpu.memory_space<vmem_shared>>) target_semaphore(%run_scoped3A : memref<!tpu.dma_semaphore, #tpu.memory_space<semaphore_mem>>)
      %dma_wait3A = arith.constant 0 : i32
      %dma_wait3A_116 = tpu.memref_slice %arg15[%mul3A_15, %dma_wait3A] : memref<10240x16xf32, #tpu.memory_space<vmem_shared>> -> memref<640x16xf32, #tpu.memory_space<vmem_shared>>
      %dma_wait3A_117 = arith.constant 0 : i32
      %dma_wait3A_118 = tpu.memref_slice %arg15[%mul3A_15, %dma_wait3A_117] : memref<10240x16xf32, #tpu.memory_space<vmem_shared>> -> memref<640x16xf32, #tpu.memory_space<vmem_shared>>
      tpu.wait_dma2 semaphore(%run_scoped3A : memref<!tpu.dma_semaphore, #tpu.memory_space<semaphore_mem>>) src(%arg11 : memref<640x16xf32, #tpu.memory_space<vmem>>) dst(%dma_wait3A_118 : memref<640x16xf32, #tpu.memory_space<vmem_shared>>)
      tpu.yield
    }) : () -> ()
    %barrier3A = arith.constant 0 : index
    tpu.barrier barrier_id(%barrier3A)
    %add3A_16 = arith.constant 0 : i32
    %add3A_17 = arith.addi %mul3A_2, %add3A_16 : i32
    %dma_start3A = arith.constant 0 : i32
    %dma_start3A_18 = arith.constant 0 : i32
    %dma_start3A_19 = arith.constant 0 : i32
    %dma_start3A_20 = tpu.memref_slice %arg9[%dma_start3A, %dma_start3A_18, %dma_start3A_19] : memref<6x80x16xf32, #tpu.memory_space<vmem>> -> memref<1x80x16xf32, #tpu.memory_space<vmem>>
    %dma_start3A_21 = tpu.memref_squeeze %dma_start3A_20 : memref<1x80x16xf32, #tpu.memory_space<vmem>> -> memref<80x16xf32, #tpu.memory_space<vmem>>
    %dma_start3A_22 = arith.constant 0 : i32
    %dma_start3A_23 = tpu.memref_slice %arg4[%add3A_17, %dma_start3A_22] : memref<320000x16xf32, #tpu.memory_space<hbm>> -> memref<80x16xf32, #tpu.memory_space<hbm>>
    %dma_start3A_24 = arith.constant 0 : i32
    %dma_start3A_25 = arith.constant 0 : i32
    %dma_start3A_26 = tpu.memref_slice %arg9[%dma_start3A, %dma_start3A_24, %dma_start3A_25] : memref<6x80x16xf32, #tpu.memory_space<vmem>> -> memref<1x80x16xf32, #tpu.memory_space<vmem>>
    %dma_start3A_27 = tpu.memref_squeeze %dma_start3A_26 : memref<1x80x16xf32, #tpu.memory_space<vmem>> -> memref<80x16xf32, #tpu.memory_space<vmem>>
    %dma_start3A_28 = arith.constant 0 : i32
    %dma_start3A_29 = tpu.memref_slice %arg4[%add3A_17, %dma_start3A_28] : memref<320000x16xf32, #tpu.memory_space<hbm>> -> memref<80x16xf32, #tpu.memory_space<hbm>>
    tpu.enqueue_dma source(%dma_start3A_29 : memref<80x16xf32, #tpu.memory_space<hbm>>) target(%dma_start3A_27 : memref<80x16xf32, #tpu.memory_space<vmem>>) target_semaphore(%arg16 : memref<!tpu.dma_semaphore, #tpu.memory_space<semaphore_mem>>)
    %add3A_30 = arith.constant 80 : i32
    %add3A_31 = arith.addi %mul3A_2, %add3A_30 : i32
    %dma_start3A_32 = arith.constant 1 : i32
    %dma_start3A_33 = arith.constant 0 : i32
    %dma_start3A_34 = arith.constant 0 : i32
    %dma_start3A_35 = tpu.memref_slice %arg9[%dma_start3A_32, %dma_start3A_33, %dma_start3A_34] : memref<6x80x16xf32, #tpu.memory_space<vmem>> -> memref<1x80x16xf32, #tpu.memory_space<vmem>>
    %dma_start3A_36 = tpu.memref_squeeze %dma_start3A_35 : memref<1x80x16xf32, #tpu.memory_space<vmem>> -> memref<80x16xf32, #tpu.memory_space<vmem>>
    %dma_start3A_37 = arith.constant 0 : i32
    %dma_start3A_38 = tpu.memref_slice %arg4[%add3A_31, %dma_start3A_37] : memref<320000x16xf32, #tpu.memory_space<hbm>> -> memref<80x16xf32, #tpu.memory_space<hbm>>
    %dma_start3A_39 = arith.constant 0 : i32
    %dma_start3A_40 = arith.constant 0 : i32
    %dma_start3A_41 = tpu.memref_slice %arg9[%dma_start3A_32, %dma_start3A_39, %dma_start3A_40] : memref<6x80x16xf32, #tpu.memory_space<vmem>> -> memref<1x80x16xf32, #tpu.memory_space<vmem>>
    %dma_start3A_42 = tpu.memref_squeeze %dma_start3A_41 : memref<1x80x16xf32, #tpu.memory_space<vmem>> -> memref<80x16xf32, #tpu.memory_space<vmem>>
    %dma_start3A_43 = arith.constant 0 : i32
    %dma_start3A_44 = tpu.memref_slice %arg4[%add3A_31, %dma_start3A_43] : memref<320000x16xf32, #tpu.memory_space<hbm>> -> memref<80x16xf32, #tpu.memory_space<hbm>>
    tpu.enqueue_dma source(%dma_start3A_44 : memref<80x16xf32, #tpu.memory_space<hbm>>) target(%dma_start3A_42 : memref<80x16xf32, #tpu.memory_space<vmem>>) target_semaphore(%arg16 : memref<!tpu.dma_semaphore, #tpu.memory_space<semaphore_mem>>)
    %add3A_45 = arith.constant 160 : i32
    %add3A_46 = arith.addi %mul3A_2, %add3A_45 : i32
    %dma_start3A_47 = arith.constant 2 : i32
    %dma_start3A_48 = arith.constant 0 : i32
    %dma_start3A_49 = arith.constant 0 : i32
    %dma_start3A_50 = tpu.memref_slice %arg9[%dma_start3A_47, %dma_start3A_48, %dma_start3A_49] : memref<6x80x16xf32, #tpu.memory_space<vmem>> -> memref<1x80x16xf32, #tpu.memory_space<vmem>>
    %dma_start3A_51 = tpu.memref_squeeze %dma_start3A_50 : memref<1x80x16xf32, #tpu.memory_space<vmem>> -> memref<80x16xf32, #tpu.memory_space<vmem>>
    %dma_start3A_52 = arith.constant 0 : i32
    %dma_start3A_53 = tpu.memref_slice %arg4[%add3A_46, %dma_start3A_52] : memref<320000x16xf32, #tpu.memory_space<hbm>> -> memref<80x16xf32, #tpu.memory_space<hbm>>
    %dma_start3A_54 = arith.constant 0 : i32
    %dma_start3A_55 = arith.constant 0 : i32
    %dma_start3A_56 = tpu.memref_slice %arg9[%dma_start3A_47, %dma_start3A_54, %dma_start3A_55] : memref<6x80x16xf32, #tpu.memory_space<vmem>> -> memref<1x80x16xf32, #tpu.memory_space<vmem>>
    %dma_start3A_57 = tpu.memref_squeeze %dma_start3A_56 : memref<1x80x16xf32, #tpu.memory_space<vmem>> -> memref<80x16xf32, #tpu.memory_space<vmem>>
    %dma_start3A_58 = arith.constant 0 : i32
    %dma_start3A_59 = tpu.memref_slice %arg4[%add3A_46, %dma_start3A_58] : memref<320000x16xf32, #tpu.memory_space<hbm>> -> memref<80x16xf32, #tpu.memory_space<hbm>>
    tpu.enqueue_dma source(%dma_start3A_59 : memref<80x16xf32, #tpu.memory_space<hbm>>) target(%dma_start3A_57 : memref<80x16xf32, #tpu.memory_space<vmem>>) target_semaphore(%arg16 : memref<!tpu.dma_semaphore, #tpu.memory_space<semaphore_mem>>)
    %add3A_60 = arith.constant 240 : i32
    %add3A_61 = arith.addi %mul3A_2, %add3A_60 : i32
    %dma_start3A_62 = arith.constant 3 : i32
    %dma_start3A_63 = arith.constant 0 : i32
    %dma_start3A_64 = arith.constant 0 : i32
    %dma_start3A_65 = tpu.memref_slice %arg9[%dma_start3A_62, %dma_start3A_63, %dma_start3A_64] : memref<6x80x16xf32, #tpu.memory_space<vmem>> -> memref<1x80x16xf32, #tpu.memory_space<vmem>>
    %dma_start3A_66 = tpu.memref_squeeze %dma_start3A_65 : memref<1x80x16xf32, #tpu.memory_space<vmem>> -> memref<80x16xf32, #tpu.memory_space<vmem>>
    %dma_start3A_67 = arith.constant 0 : i32
    %dma_start3A_68 = tpu.memref_slice %arg4[%add3A_61, %dma_start3A_67] : memref<320000x16xf32, #tpu.memory_space<hbm>> -> memref<80x16xf32, #tpu.memory_space<hbm>>
    %dma_start3A_69 = arith.constant 0 : i32
    %dma_start3A_70 = arith.constant 0 : i32
    %dma_start3A_71 = tpu.memref_slice %arg9[%dma_start3A_62, %dma_start3A_69, %dma_start3A_70] : memref<6x80x16xf32, #tpu.memory_space<vmem>> -> memref<1x80x16xf32, #tpu.memory_space<vmem>>
    %dma_start3A_72 = tpu.memref_squeeze %dma_start3A_71 : memref<1x80x16xf32, #tpu.memory_space<vmem>> -> memref<80x16xf32, #tpu.memory_space<vmem>>
    %dma_start3A_73 = arith.constant 0 : i32
    %dma_start3A_74 = tpu.memref_slice %arg4[%add3A_61, %dma_start3A_73] : memref<320000x16xf32, #tpu.memory_space<hbm>> -> memref<80x16xf32, #tpu.memory_space<hbm>>
    tpu.enqueue_dma source(%dma_start3A_74 : memref<80x16xf32, #tpu.memory_space<hbm>>) target(%dma_start3A_72 : memref<80x16xf32, #tpu.memory_space<vmem>>) target_semaphore(%arg16 : memref<!tpu.dma_semaphore, #tpu.memory_space<semaphore_mem>>)
    %add3A_75 = arith.constant 320 : i32
    %add3A_76 = arith.addi %mul3A_2, %add3A_75 : i32
    %dma_start3A_77 = arith.constant 4 : i32
    %dma_start3A_78 = arith.constant 0 : i32
    %dma_start3A_79 = arith.constant 0 : i32
    %dma_start3A_80 = tpu.memref_slice %arg9[%dma_start3A_77, %dma_start3A_78, %dma_start3A_79] : memref<6x80x16xf32, #tpu.memory_space<vmem>> -> memref<1x80x16xf32, #tpu.memory_space<vmem>>
    %dma_start3A_81 = tpu.memref_squeeze %dma_start3A_80 : memref<1x80x16xf32, #tpu.memory_space<vmem>> -> memref<80x16xf32, #tpu.memory_space<vmem>>
    %dma_start3A_82 = arith.constant 0 : i32
    %dma_start3A_83 = tpu.memref_slice %arg4[%add3A_76, %dma_start3A_82] : memref<320000x16xf32, #tpu.memory_space<hbm>> -> memref<80x16xf32, #tpu.memory_space<hbm>>
    %dma_start3A_84 = arith.constant 0 : i32
    %dma_start3A_85 = arith.constant 0 : i32
    %dma_start3A_86 = tpu.memref_slice %arg9[%dma_start3A_77, %dma_start3A_84, %dma_start3A_85] : memref<6x80x16xf32, #tpu.memory_space<vmem>> -> memref<1x80x16xf32, #tpu.memory_space<vmem>>
    %dma_start3A_87 = tpu.memref_squeeze %dma_start3A_86 : memref<1x80x16xf32, #tpu.memory_space<vmem>> -> memref<80x16xf32, #tpu.memory_space<vmem>>
    %dma_start3A_88 = arith.constant 0 : i32
    %dma_start3A_89 = tpu.memref_slice %arg4[%add3A_76, %dma_start3A_88] : memref<320000x16xf32, #tpu.memory_space<hbm>> -> memref<80x16xf32, #tpu.memory_space<hbm>>
    tpu.enqueue_dma source(%dma_start3A_89 : memref<80x16xf32, #tpu.memory_space<hbm>>) target(%dma_start3A_87 : memref<80x16xf32, #tpu.memory_space<vmem>>) target_semaphore(%arg16 : memref<!tpu.dma_semaphore, #tpu.memory_space<semaphore_mem>>)
    %scan3A_90 = arith.constant 0 : i32
    %scan3A_91 = arith.constant 125 : i32
    %scan3A_92 = arith.addi %scan3A_90, %scan3A_91 : i32
    %scan3A_93 = arith.constant 1 : i32
    scf.for %scan3A_112 = %scan3A_90 to %scan3A_92 step %scan3A_93  : i32 {
      %mul3A_113 = arith.constant 1 : i32
      %mul3A_114 = arith.muli %scan3A_112, %mul3A_113 : i32
      %add3A_115 = arith.constant 0 : i32
      %add3A_116 = arith.addi %add3A_115, %mul3A_114 : i32
      %rem3A = arith.constant 6 : i32
      %rem3A_117 = arith.remsi %add3A_116, %rem3A : i32
      %dma_wait3A = arith.constant 0 : i32
      %dma_wait3A_118 = arith.constant 0 : i32
      %dma_wait3A_119 = tpu.memref_slice %arg9[%rem3A_117, %dma_wait3A, %dma_wait3A_118] : memref<6x80x16xf32, #tpu.memory_space<vmem>> -> memref<1x80x16xf32, #tpu.memory_space<vmem>>
      %dma_wait3A_120 = tpu.memref_squeeze %dma_wait3A_119 : memref<1x80x16xf32, #tpu.memory_space<vmem>> -> memref<80x16xf32, #tpu.memory_space<vmem>>
      %dma_wait3A_121 = arith.constant 0 : i32
      %dma_wait3A_122 = tpu.memref_slice %arg4[%mul3A_2, %dma_wait3A_121] : memref<320000x16xf32, #tpu.memory_space<hbm>> -> memref<80x16xf32, #tpu.memory_space<hbm>>
      %dma_wait3A_123 = arith.constant 0 : i32
      %dma_wait3A_124 = arith.constant 0 : i32
      %dma_wait3A_125 = tpu.memref_slice %arg9[%rem3A_117, %dma_wait3A_123, %dma_wait3A_124] : memref<6x80x16xf32, #tpu.memory_space<vmem>> -> memref<1x80x16xf32, #tpu.memory_space<vmem>>
      %dma_wait3A_126 = tpu.memref_squeeze %dma_wait3A_125 : memref<1x80x16xf32, #tpu.memory_space<vmem>> -> memref<80x16xf32, #tpu.memory_space<vmem>>
      %dma_wait3A_127 = arith.constant 0 : i32
      %dma_wait3A_128 = tpu.memref_slice %arg4[%mul3A_2, %dma_wait3A_127] : memref<320000x16xf32, #tpu.memory_space<hbm>> -> memref<80x16xf32, #tpu.memory_space<hbm>>
      tpu.wait_dma2 semaphore(%arg16 : memref<!tpu.dma_semaphore, #tpu.memory_space<semaphore_mem>>) src(%dma_wait3A_128 : memref<80x16xf32, #tpu.memory_space<hbm>>) dst(%dma_wait3A_126 : memref<80x16xf32, #tpu.memory_space<vmem>>)
      %scan3A_129 = arith.constant 0 : i32
      %scan3A_130 = arith.constant 5 : i32
      %scan3A_131 = arith.addi %scan3A_129, %scan3A_130 : i32
      %scan3A_132 = arith.constant 1 : i32
      scf.for %scan3A_139 = %scan3A_129 to %scan3A_131 step %scan3A_132  : i32 {
        %mul3A_140 = arith.constant 1 : i32
        %mul3A_141 = arith.muli %scan3A_139, %mul3A_140 : i32
        %add3A_142 = arith.constant 0 : i32
        %add3A_143 = arith.addi %add3A_142, %mul3A_141 : i32
        %mul3A_144 = arith.constant 16 : i32
        %mul3A_145 = arith.muli %add3A_143, %mul3A_144 : i32
        %get3A = arith.index_cast %add3A_116 : i32 to index
        %get3A_146 = arith.index_cast %mul3A_145 : i32 to index
        %get3A_147 = tpu.vector_load %arg7[%get3A, %get3A_146] {strides = array<i32>} : memref<125x80xi32, #tpu.memory_space<vmem>>, vector<16xi32>,
        %mul3A_148 = arith.constant 16 : i32
        %mul3A_149 = arith.muli %add3A_143, %mul3A_148 : i32
        %get3A_150 = arith.index_cast %add3A_116 : i32 to index
        %get3A_151 = arith.index_cast %mul3A_149 : i32 to index
        %get3A_152 = tpu.vector_load %arg8[%get3A_150, %get3A_151] {strides = array<i32>} : memref<125x80xf32, #tpu.memory_space<vmem>>, vector<16xf32>,
        tpu.vector_store_idx %arg10[%get3A_147], %get3A_152 {add = true} : memref<10240xf32, #tpu.memory_space<vmem>>[vector<16xi32>], vector<16xf32>,
      }
      %scan3A_133 = arith.constant 5 : i32
      "tpu.region"() ({
        %run_scoped3A = tpu.sem_alloc : memref<!tpu.dma_semaphore, #tpu.memory_space<semaphore_mem>>
        %dma_start3A_139 = arith.constant 0 : i32
        %dma_start3A_140 = arith.constant 0 : i32
        %dma_start3A_141 = tpu.memref_slice %arg9[%rem3A_117, %dma_start3A_139, %dma_start3A_140] : memref<6x80x16xf32, #tpu.memory_space<vmem>> -> memref<1x80x16xf32, #tpu.memory_space<vmem>>
        %dma_start3A_142 = tpu.memref_squeeze %dma_start3A_141 : memref<1x80x16xf32, #tpu.memory_space<vmem>> -> memref<80x16xf32, #tpu.memory_space<vmem>>
        %dma_start3A_143 = arith.constant 0 : i32
        %dma_start3A_144 = tpu.memref_slice %arg7[%add3A_116, %dma_start3A_143] : memref<125x80xi32, #tpu.memory_space<vmem>> -> memref<1x80xi32, #tpu.memory_space<vmem>>
        %dma_start3A_145 = tpu.memref_squeeze %dma_start3A_144 : memref<1x80xi32, #tpu.memory_space<vmem>> -> memref<80xi32, #tpu.memory_space<vmem>>
        %dma_start3A_146 = arith.constant 0 : i32
        %dma_start3A_147 = arith.constant 0 : i32
        %dma_start3A_148 = tpu.memref_slice %arg15[%dma_start3A_146, %dma_start3A_147] : memref<10240x16xf32, #tpu.memory_space<vmem_shared>> -> memref<10240x16xf32, #tpu.memory_space<vmem_shared>>
        tpu.enqueue_indirect_dma source(%dma_start3A_142 : memref<80x16xf32, #tpu.memory_space<vmem>>) target(%dma_start3A_148 : memref<10240x16xf32, #tpu.memory_space<vmem_shared>>) offsets(%dma_start3A_145 : memref<80xi32, #tpu.memory_space<vmem>>) semaphore(%run_scoped3A : memref<!tpu.dma_semaphore, #tpu.memory_space<semaphore_mem>>) {add = true}
        %dma_wait3A_149 = arith.constant 0 : i32
        %dma_wait3A_150 = arith.constant 0 : i32
        %dma_wait3A_151 = tpu.memref_slice %arg9[%rem3A_117, %dma_wait3A_149, %dma_wait3A_150] : memref<6x80x16xf32, #tpu.memory_space<vmem>> -> memref<1x80x16xf32, #tpu.memory_space<vmem>>
        %dma_wait3A_152 = tpu.memref_squeeze %dma_wait3A_151 : memref<1x80x16xf32, #tpu.memory_space<vmem>> -> memref<80x16xf32, #tpu.memory_space<vmem>>
        %dma_wait3A_153 = arith.constant 0 : i32
        %dma_wait3A_154 = tpu.memref_slice %arg7[%add3A_116, %dma_wait3A_153] : memref<125x80xi32, #tpu.memory_space<vmem>> -> memref<1x80xi32, #tpu.memory_space<vmem>>
        %dma_wait3A_155 = tpu.memref_squeeze %dma_wait3A_154 : memref<1x80xi32, #tpu.memory_space<vmem>> -> memref<80xi32, #tpu.memory_space<vmem>>
        %dma_wait3A_156 = arith.constant 0 : i32
        %dma_wait3A_157 = arith.constant 0 : i32
        %dma_wait3A_158 = tpu.memref_slice %arg15[%dma_wait3A_156, %dma_wait3A_157] : memref<10240x16xf32, #tpu.memory_space<vmem_shared>> -> memref<10240x16xf32, #tpu.memory_space<vmem_shared>>
        tpu.wait_indirect_dma semaphore(%run_scoped3A : memref<!tpu.dma_semaphore, #tpu.memory_space<semaphore_mem>>) src(%dma_wait3A_152 : memref<80x16xf32, #tpu.memory_space<vmem>>) dst(%dma_wait3A_158 : memref<10240x16xf32, #tpu.memory_space<vmem_shared>>)
        tpu.yield
      }) : () -> ()
      %add3A_134 = arith.constant 6 : i32
      %add3A_135 = arith.addi %add3A_116, %add3A_134 : i32
      %sub3A = arith.constant 1 : i32
      %sub3A_136 = arith.subi %add3A_135, %sub3A : i32
      %lt3A = arith.constant 125 : i32
      %lt3A_137 = arith.cmpi slt, %sub3A_136, %lt3A : i32
      %convert_element_type3A = arith.extui %lt3A_137 : i1 to i32
      %cond3A = arith.constant 0 : i32
      %cond3A_138 = arith.cmpi ne, %convert_element_type3A, %cond3A : i32
      scf.if %cond3A_138 {
        %add3A_139 = arith.constant 6 : i32
        %add3A_140 = arith.addi %add3A_116, %add3A_139 : i32
        %sub3A_141 = arith.constant 1 : i32
        %sub3A_142 = arith.subi %add3A_140, %sub3A_141 : i32
        %rem3A_143 = arith.constant 6 : i32
        %rem3A_144 = arith.remsi %sub3A_142, %rem3A_143 : i32
        %add3A_145 = arith.constant 6 : i32
        %add3A_146 = arith.addi %add3A_116, %add3A_145 : i32
        %sub3A_147 = arith.constant 1 : i32
        %sub3A_148 = arith.subi %add3A_146, %sub3A_147 : i32
        %mul3A_149 = arith.constant 80 : i32
        %mul3A_150 = arith.muli %sub3A_148, %mul3A_149 : i32
        %add3A_151 = arith.addi %mul3A_2, %mul3A_150 : i32
        %dma_start3A_152 = arith.constant 0 : i32
        %dma_start3A_153 = arith.constant 0 : i32
        %dma_start3A_154 = tpu.memref_slice %arg9[%rem3A_144, %dma_start3A_152, %dma_start3A_153] : memref<6x80x16xf32, #tpu.memory_space<vmem>> -> memref<1x80x16xf32, #tpu.memory_space<vmem>>
        %dma_start3A_155 = tpu.memref_squeeze %dma_start3A_154 : memref<1x80x16xf32, #tpu.memory_space<vmem>> -> memref<80x16xf32, #tpu.memory_space<vmem>>
        %dma_start3A_156 = arith.constant 0 : i32
        %dma_start3A_157 = tpu.memref_slice %arg4[%add3A_151, %dma_start3A_156] : memref<320000x16xf32, #tpu.memory_space<hbm>> -> memref<80x16xf32, #tpu.memory_space<hbm>>
        %dma_start3A_158 = arith.constant 0 : i32
        %dma_start3A_159 = arith.constant 0 : i32
        %dma_start3A_160 = tpu.memref_slice %arg9[%rem3A_144, %dma_start3A_158, %dma_start3A_159] : memref<6x80x16xf32, #tpu.memory_space<vmem>> -> memref<1x80x16xf32, #tpu.memory_space<vmem>>
        %dma_start3A_161 = tpu.memref_squeeze %dma_start3A_160 : memref<1x80x16xf32, #tpu.memory_space<vmem>> -> memref<80x16xf32, #tpu.memory_space<vmem>>
        %dma_start3A_162 = arith.constant 0 : i32
        %dma_start3A_163 = tpu.memref_slice %arg4[%add3A_151, %dma_start3A_162] : memref<320000x16xf32, #tpu.memory_space<hbm>> -> memref<80x16xf32, #tpu.memory_space<hbm>>
        tpu.enqueue_dma source(%dma_start3A_163 : memref<80x16xf32, #tpu.memory_space<hbm>>) target(%dma_start3A_161 : memref<80x16xf32, #tpu.memory_space<vmem>>) target_semaphore(%arg16 : memref<!tpu.dma_semaphore, #tpu.memory_space<semaphore_mem>>)
      } else {
      }
    }
    %scan3A_94 = arith.constant 125 : i32
    "tpu.region"() ({
      %run_scoped3A = tpu.sem_alloc : memref<!tpu.dma_semaphore, #tpu.memory_space<semaphore_mem>>
      %dma_start3A_112 = arith.constant 0 : i32
      %dma_start3A_113 = tpu.memref_slice %arg14[%arg1, %dma_start3A_112] : memref<16x10240xf32, #tpu.memory_space<vmem_shared>> -> memref<1x10240xf32, #tpu.memory_space<vmem_shared>>
      %dma_start3A_114 = tpu.memref_squeeze %dma_start3A_113 : memref<1x10240xf32, #tpu.memory_space<vmem_shared>> -> memref<10240xf32, #tpu.memory_space<vmem_shared>>
      %dma_start3A_115 = arith.constant 0 : i32
      %dma_start3A_116 = tpu.memref_slice %arg14[%arg1, %dma_start3A_115] : memref<16x10240xf32, #tpu.memory_space<vmem_shared>> -> memref<1x10240xf32, #tpu.memory_space<vmem_shared>>
      %dma_start3A_117 = tpu.memref_squeeze %dma_start3A_116 : memref<1x10240xf32, #tpu.memory_space<vmem_shared>> -> memref<10240xf32, #tpu.memory_space<vmem_shared>>
      tpu.enqueue_dma source(%arg10 : memref<10240xf32, #tpu.memory_space<vmem>>) target(%dma_start3A_117 : memref<10240xf32, #tpu.memory_space<vmem_shared>>) target_semaphore(%run_scoped3A : memref<!tpu.dma_semaphore, #tpu.memory_space<semaphore_mem>>)
      %dma_wait3A = arith.constant 0 : i32
      %dma_wait3A_118 = tpu.memref_slice %arg14[%arg1, %dma_wait3A] : memref<16x10240xf32, #tpu.memory_space<vmem_shared>> -> memref<1x10240xf32, #tpu.memory_space<vmem_shared>>
      %dma_wait3A_119 = tpu.memref_squeeze %dma_wait3A_118 : memref<1x10240xf32, #tpu.memory_space<vmem_shared>> -> memref<10240xf32, #tpu.memory_space<vmem_shared>>
      %dma_wait3A_120 = arith.constant 0 : i32
      %dma_wait3A_121 = tpu.memref_slice %arg14[%arg1, %dma_wait3A_120] : memref<16x10240xf32, #tpu.memory_space<vmem_shared>> -> memref<1x10240xf32, #tpu.memory_space<vmem_shared>>
      %dma_wait3A_122 = tpu.memref_squeeze %dma_wait3A_121 : memref<1x10240xf32, #tpu.memory_space<vmem_shared>> -> memref<10240xf32, #tpu.memory_space<vmem_shared>>
      tpu.wait_dma2 semaphore(%run_scoped3A : memref<!tpu.dma_semaphore, #tpu.memory_space<semaphore_mem>>) src(%arg10 : memref<10240xf32, #tpu.memory_space<vmem>>) dst(%dma_wait3A_122 : memref<10240xf32, #tpu.memory_space<vmem_shared>>)
      tpu.yield
    }) : () -> ()
    %barrier3A_95 = arith.constant 0 : index
    tpu.barrier barrier_id(%barrier3A_95)
    %scan3A_96 = arith.constant 0 : i32
    %scan3A_97 = arith.constant 40 : i32
    %scan3A_98 = arith.addi %scan3A_96, %scan3A_97 : i32
    %scan3A_99 = arith.constant 1 : i32
    scf.for %scan3A_112 = %scan3A_96 to %scan3A_98 step %scan3A_99  : i32 {
      %mul3A_113 = arith.constant 1 : i32
      %mul3A_114 = arith.muli %scan3A_112, %mul3A_113 : i32
      %add3A_115 = arith.constant 0 : i32
      %add3A_116 = arith.addi %add3A_115, %mul3A_114 : i32
      %broadcast_in_dim3A = arith.constant 0.000000e+00 : f32
      %broadcast_in_dim3A_117 = vector.broadcast %broadcast_in_dim3A : f32 to vector<16xf32>
      %mul3A_118 = arith.constant 16 : i32
      %mul3A_119 = arith.muli %add3A_116, %mul3A_118 : i32
      %swap3A = arith.index_cast %mul3A_119 : i32 to index
      %swap3A_120 = tpu.vector_load %arg12[%swap3A] {strides = array<i32>} : memref<640xf32, #tpu.memory_space<vmem>>, vector<16xf32>,
      tpu.vector_store %arg12[%swap3A], %broadcast_in_dim3A_117 {strides = array<i32>} : memref<640xf32, #tpu.memory_space<vmem>>, vector<16xf32>,
    }
    %scan3A_100 = arith.constant 40 : i32
    %scan3A_101 = arith.constant 0 : i32
    %scan3A_102 = arith.constant 16 : i32
    %scan3A_103 = arith.addi %scan3A_101, %scan3A_102 : i32
    %scan3A_104 = arith.constant 1 : i32
    scf.for %scan3A_112 = %scan3A_101 to %scan3A_103 step %scan3A_104  : i32 {
      %mul3A_113 = arith.constant 1 : i32
      %mul3A_114 = arith.muli %scan3A_112, %mul3A_113 : i32
      %add3A_115 = arith.constant 0 : i32
      %add3A_116 = arith.addi %add3A_115, %mul3A_114 : i32
      %mul3A_117 = arith.constant 640 : i32
      %mul3A_118 = arith.muli %arg1, %mul3A_117 : i32
      "tpu.region"() ({
        %run_scoped3A = tpu.sem_alloc : memref<!tpu.dma_semaphore, #tpu.memory_space<semaphore_mem>>
        %dma_start3A_124 = tpu.memref_slice %arg14[%add3A_116, %mul3A_118] : memref<16x10240xf32, #tpu.memory_space<vmem_shared>> -> memref<1x640xf32, #tpu.memory_space<vmem_shared>>
        %dma_start3A_125 = tpu.memref_squeeze %dma_start3A_124 : memref<1x640xf32, #tpu.memory_space<vmem_shared>> -> memref<640xf32, #tpu.memory_space<vmem_shared>>
        %dma_start3A_126 = tpu.memref_slice %arg14[%add3A_116, %mul3A_118] : memref<16x10240xf32, #tpu.memory_space<vmem_shared>> -> memref<1x640xf32, #tpu.memory_space<vmem_shared>>
        %dma_start3A_127 = tpu.memref_squeeze %dma_start3A_126 : memref<1x640xf32, #tpu.memory_space<vmem_shared>> -> memref<640xf32, #tpu.memory_space<vmem_shared>>
        tpu.enqueue_dma source(%dma_start3A_127 : memref<640xf32, #tpu.memory_space<vmem_shared>>) target(%arg13 : memref<640xf32, #tpu.memory_space<vmem>>) target_semaphore(%run_scoped3A : memref<!tpu.dma_semaphore, #tpu.memory_space<semaphore_mem>>)
        %dma_wait3A = tpu.memref_slice %arg14[%add3A_116, %mul3A_118] : memref<16x10240xf32, #tpu.memory_space<vmem_shared>> -> memref<1x640xf32, #tpu.memory_space<vmem_shared>>
        %dma_wait3A_128 = tpu.memref_squeeze %dma_wait3A : memref<1x640xf32, #tpu.memory_space<vmem_shared>> -> memref<640xf32, #tpu.memory_space<vmem_shared>>
        %dma_wait3A_129 = tpu.memref_slice %arg14[%add3A_116, %mul3A_118] : memref<16x10240xf32, #tpu.memory_space<vmem_shared>> -> memref<1x640xf32, #tpu.memory_space<vmem_shared>>
        %dma_wait3A_130 = tpu.memref_squeeze %dma_wait3A_129 : memref<1x640xf32, #tpu.memory_space<vmem_shared>> -> memref<640xf32, #tpu.memory_space<vmem_shared>>
        tpu.wait_dma2 semaphore(%run_scoped3A : memref<!tpu.dma_semaphore, #tpu.memory_space<semaphore_mem>>) src(%dma_wait3A_130 : memref<640xf32, #tpu.memory_space<vmem_shared>>) dst(%arg13 : memref<640xf32, #tpu.memory_space<vmem>>)
        tpu.yield
      }) : () -> ()
      %scan3A_119 = arith.constant 0 : i32
      %scan3A_120 = arith.constant 40 : i32
      %scan3A_121 = arith.addi %scan3A_119, %scan3A_120 : i32
      %scan3A_122 = arith.constant 1 : i32
      scf.for %scan3A_124 = %scan3A_119 to %scan3A_121 step %scan3A_122  : i32 {
        %mul3A_125 = arith.constant 1 : i32
        %mul3A_126 = arith.muli %scan3A_124, %mul3A_125 : i32
        %add3A_127 = arith.constant 0 : i32
        %add3A_128 = arith.addi %add3A_127, %mul3A_126 : i32
        %mul3A_129 = arith.constant 16 : i32
        %mul3A_130 = arith.muli %add3A_128, %mul3A_129 : i32
        %get3A = arith.index_cast %mul3A_130 : i32 to index
        %get3A_131 = tpu.vector_load %arg12[%get3A] {strides = array<i32>} : memref<640xf32, #tpu.memory_space<vmem>>, vector<16xf32>,
        %get3A_132 = arith.index_cast %mul3A_130 : i32 to index
        %get3A_133 = tpu.vector_load %arg13[%get3A_132] {strides = array<i32>} : memref<640xf32, #tpu.memory_space<vmem>>, vector<16xf32>,
        %add3A_134 = arith.addf %get3A_131, %get3A_133 : vector<16xf32>
        %swap3A = arith.index_cast %mul3A_130 : i32 to index
        %swap3A_135 = tpu.vector_load %arg12[%swap3A] {strides = array<i32>} : memref<640xf32, #tpu.memory_space<vmem>>, vector<16xf32>,
        tpu.vector_store %arg12[%swap3A], %add3A_134 {strides = array<i32>} : memref<640xf32, #tpu.memory_space<vmem>>, vector<16xf32>,
      }
      %scan3A_123 = arith.constant 40 : i32
    }
    %scan3A_105 = arith.constant 16 : i32
    %mul3A_106 = arith.constant 640 : i32
    %mul3A_107 = arith.muli %arg1, %mul3A_106 : i32
    "tpu.region"() ({
      %run_scoped3A = tpu.sem_alloc : memref<!tpu.dma_semaphore, #tpu.memory_space<semaphore_mem>>
      %dma_start3A_112 = tpu.memref_slice %arg5[%arg0, %mul3A_107] : memref<2x10240xf32, #tpu.memory_space<hbm>> -> memref<1x640xf32, #tpu.memory_space<hbm>>
      %dma_start3A_113 = tpu.memref_squeeze %dma_start3A_112 : memref<1x640xf32, #tpu.memory_space<hbm>> -> memref<640xf32, #tpu.memory_space<hbm>>
      %dma_start3A_114 = tpu.memref_slice %arg5[%arg0, %mul3A_107] : memref<2x10240xf32, #tpu.memory_space<hbm>> -> memref<1x640xf32, #tpu.memory_space<hbm>>
      %dma_start3A_115 = tpu.memref_squeeze %dma_start3A_114 : memref<1x640xf32, #tpu.memory_space<hbm>> -> memref<640xf32, #tpu.memory_space<hbm>>
      tpu.enqueue_dma source(%arg12 : memref<640xf32, #tpu.memory_space<vmem>>) target(%dma_start3A_115 : memref<640xf32, #tpu.memory_space<hbm>>) target_semaphore(%run_scoped3A : memref<!tpu.dma_semaphore, #tpu.memory_space<semaphore_mem>>)
      %dma_wait3A = tpu.memref_slice %arg5[%arg0, %mul3A_107] : memref<2x10240xf32, #tpu.memory_space<hbm>> -> memref<1x640xf32, #tpu.memory_space<hbm>>
      %dma_wait3A_116 = tpu.memref_squeeze %dma_wait3A : memref<1x640xf32, #tpu.memory_space<hbm>> -> memref<640xf32, #tpu.memory_space<hbm>>
      %dma_wait3A_117 = tpu.memref_slice %arg5[%arg0, %mul3A_107] : memref<2x10240xf32, #tpu.memory_space<hbm>> -> memref<1x640xf32, #tpu.memory_space<hbm>>
      %dma_wait3A_118 = tpu.memref_squeeze %dma_wait3A_117 : memref<1x640xf32, #tpu.memory_space<hbm>> -> memref<640xf32, #tpu.memory_space<hbm>>
      tpu.wait_dma2 semaphore(%run_scoped3A : memref<!tpu.dma_semaphore, #tpu.memory_space<semaphore_mem>>) src(%arg12 : memref<640xf32, #tpu.memory_space<vmem>>) dst(%dma_wait3A_118 : memref<640xf32, #tpu.memory_space<hbm>>)
      tpu.yield
    }) : () -> ()
    %mul3A_108 = arith.constant 640 : i32
    %mul3A_109 = arith.muli %arg1, %mul3A_108 : i32
    "tpu.region"() ({
      %run_scoped3A = tpu.sem_alloc : memref<!tpu.dma_semaphore, #tpu.memory_space<semaphore_mem>>
      %dma_start3A_112 = arith.constant 0 : i32
      %dma_start3A_113 = tpu.memref_slice %arg15[%mul3A_109, %dma_start3A_112] : memref<10240x16xf32, #tpu.memory_space<vmem_shared>> -> memref<640x16xf32, #tpu.memory_space<vmem_shared>>
      %dma_start3A_114 = arith.constant 0 : i32
      %dma_start3A_115 = tpu.memref_slice %arg15[%mul3A_109, %dma_start3A_114] : memref<10240x16xf32, #tpu.memory_space<vmem_shared>> -> memref<640x16xf32, #tpu.memory_space<vmem_shared>>
      tpu.enqueue_dma source(%dma_start3A_115 : memref<640x16xf32, #tpu.memory_space<vmem_shared>>) target(%arg11 : memref<640x16xf32, #tpu.memory_space<vmem>>) target_semaphore(%run_scoped3A : memref<!tpu.dma_semaphore, #tpu.memory_space<semaphore_mem>>)
      %dma_wait3A = arith.constant 0 : i32
      %dma_wait3A_116 = tpu.memref_slice %arg15[%mul3A_109, %dma_wait3A] : memref<10240x16xf32, #tpu.memory_space<vmem_shared>> -> memref<640x16xf32, #tpu.memory_space<vmem_shared>>
      %dma_wait3A_117 = arith.constant 0 : i32
      %dma_wait3A_118 = tpu.memref_slice %arg15[%mul3A_109, %dma_wait3A_117] : memref<10240x16xf32, #tpu.memory_space<vmem_shared>> -> memref<640x16xf32, #tpu.memory_space<vmem_shared>>
      tpu.wait_dma2 semaphore(%run_scoped3A : memref<!tpu.dma_semaphore, #tpu.memory_space<semaphore_mem>>) src(%dma_wait3A_118 : memref<640x16xf32, #tpu.memory_space<vmem_shared>>) dst(%arg11 : memref<640x16xf32, #tpu.memory_space<vmem>>)
      tpu.yield
    }) : () -> ()
    %mul3A_110 = arith.constant 640 : i32
    %mul3A_111 = arith.muli %arg1, %mul3A_110 : i32
    "tpu.region"() ({
      %run_scoped3A = tpu.sem_alloc : memref<!tpu.dma_semaphore, #tpu.memory_space<semaphore_mem>>
      %dma_start3A_112 = arith.constant 0 : i32
      %dma_start3A_113 = tpu.memref_slice %arg6[%arg0, %mul3A_111, %dma_start3A_112] : memref<2x10240x16xf32, #tpu.memory_space<hbm>> -> memref<1x640x16xf32, #tpu.memory_space<hbm>>
      %dma_start3A_114 = tpu.memref_squeeze %dma_start3A_113 : memref<1x640x16xf32, #tpu.memory_space<hbm>> -> memref<640x16xf32, #tpu.memory_space<hbm>>
      %dma_start3A_115 = arith.constant 0 : i32
      %dma_start3A_116 = tpu.memref_slice %arg6[%arg0, %mul3A_111, %dma_start3A_115] : memref<2x10240x16xf32, #tpu.memory_space<hbm>> -> memref<1x640x16xf32, #tpu.memory_space<hbm>>
      %dma_start3A_117 = tpu.memref_squeeze %dma_start3A_116 : memref<1x640x16xf32, #tpu.memory_space<hbm>> -> memref<640x16xf32, #tpu.memory_space<hbm>>
      tpu.enqueue_dma source(%arg11 : memref<640x16xf32, #tpu.memory_space<vmem>>) target(%dma_start3A_117 : memref<640x16xf32, #tpu.memory_space<hbm>>) target_semaphore(%run_scoped3A : memref<!tpu.dma_semaphore, #tpu.memory_space<semaphore_mem>>)
      %dma_wait3A = arith.constant 0 : i32
      %dma_wait3A_118 = tpu.memref_slice %arg6[%arg0, %mul3A_111, %dma_wait3A] : memref<2x10240x16xf32, #tpu.memory_space<hbm>> -> memref<1x640x16xf32, #tpu.memory_space<hbm>>
      %dma_wait3A_119 = tpu.memref_squeeze %dma_wait3A_118 : memref<1x640x16xf32, #tpu.memory_space<hbm>> -> memref<640x16xf32, #tpu.memory_space<hbm>>
      %dma_wait3A_120 = arith.constant 0 : i32
      %dma_wait3A_121 = tpu.memref_slice %arg6[%arg0, %mul3A_111, %dma_wait3A_120] : memref<2x10240x16xf32, #tpu.memory_space<hbm>> -> memref<1x640x16xf32, #tpu.memory_space<hbm>>
      %dma_wait3A_122 = tpu.memref_squeeze %dma_wait3A_121 : memref<1x640x16xf32, #tpu.memory_space<hbm>> -> memref<640x16xf32, #tpu.memory_space<hbm>>
      tpu.wait_dma2 semaphore(%run_scoped3A : memref<!tpu.dma_semaphore, #tpu.memory_space<semaphore_mem>>) src(%arg11 : memref<640x16xf32, #tpu.memory_space<vmem>>) dst(%dma_wait3A_122 : memref<640x16xf32, #tpu.memory_space<hbm>>)
      tpu.yield
    }) : () -> ()
    return
  }
}

#map = affine_map<(d0, d1) -> (0, 0)>
module attributes {stable_mosaic.version = 14 : i64} {
  func.func @_gather_sc(%arg0: i32, %arg1: i32, %arg2: memref<10000x48xf32, #tpu.memory_space<hbm>>, %arg3: memref<10000x48xf32, #tpu.memory_space<hbm>>, %arg4: memref<4000x80xi32, #tpu.memory_space<hbm>>, %arg5: memref<4000x80xi32, #tpu.memory_space<hbm>>, %arg6: memref<320000x48xf32, #tpu.memory_space<hbm>>, %arg7: memref<320000x48xf32, #tpu.memory_space<hbm>>, %arg8: memref<125x80xi32, #tpu.memory_space<vmem>>, %arg9: memref<125x80xi32, #tpu.memory_space<vmem>>, %arg10: memref<6x80x48xf32, #tpu.memory_space<vmem>>, %arg11: memref<6x80x48xf32, #tpu.memory_space<vmem>>, %arg12: memref<!tpu.dma_semaphore, #tpu.memory_space<semaphore_mem>>, %arg13: memref<!tpu.dma_semaphore, #tpu.memory_space<semaphore_mem>>, %arg14: memref<!tpu.dma_semaphore, #tpu.memory_space<semaphore_mem>>, %arg15: memref<!tpu.dma_semaphore, #tpu.memory_space<semaphore_mem>>) attributes {dimension_semantics = [#tpu.dimension_semantics<core_parallel>, #tpu.dimension_semantics<subcore_parallel>], iteration_bounds = array<i64: 2, 16>, scalar_prefetch = 0 : i64, scratch_operands = 8 : i64, tpu.core_type = #tpu.core_type<sc_vector_subcore>, window_params = [{transform_indices = #map}, {transform_indices = #map}, {transform_indices = #map}, {transform_indices = #map}, {transform_indices = #map}, {transform_indices = #map}]} {
    %mul3A = arith.constant 2 : i32
    %mul3A_0 = arith.muli %arg1, %mul3A : i32
    %add3A = arith.addi %mul3A_0, %arg0 : i32
    %mul3A_1 = arith.constant 10000 : i32
    %mul3A_2 = arith.muli %add3A, %mul3A_1 : i32
    %mul3A_3 = arith.constant 125 : i32
    %mul3A_4 = arith.muli %add3A, %mul3A_3 : i32
    "tpu.region"() ({
      %run_scoped3A = tpu.sem_alloc : memref<!tpu.dma_semaphore, #tpu.memory_space<semaphore_mem>>
      %dma_start3A_283 = arith.constant 0 : i32
      %dma_start3A_284 = tpu.memref_slice %arg4[%mul3A_4, %dma_start3A_283] : memref<4000x80xi32, #tpu.memory_space<hbm>> -> memref<125x80xi32, #tpu.memory_space<hbm>>
      %dma_start3A_285 = arith.constant 0 : i32
      %dma_start3A_286 = tpu.memref_slice %arg4[%mul3A_4, %dma_start3A_285] : memref<4000x80xi32, #tpu.memory_space<hbm>> -> memref<125x80xi32, #tpu.memory_space<hbm>>
      tpu.enqueue_dma source(%dma_start3A_286 : memref<125x80xi32, #tpu.memory_space<hbm>>) target(%arg8 : memref<125x80xi32, #tpu.memory_space<vmem>>) target_semaphore(%run_scoped3A : memref<!tpu.dma_semaphore, #tpu.memory_space<semaphore_mem>>)
      %dma_wait3A_287 = arith.constant 0 : i32
      %dma_wait3A_288 = tpu.memref_slice %arg4[%mul3A_4, %dma_wait3A_287] : memref<4000x80xi32, #tpu.memory_space<hbm>> -> memref<125x80xi32, #tpu.memory_space<hbm>>
      %dma_wait3A_289 = arith.constant 0 : i32
      %dma_wait3A_290 = tpu.memref_slice %arg4[%mul3A_4, %dma_wait3A_289] : memref<4000x80xi32, #tpu.memory_space<hbm>> -> memref<125x80xi32, #tpu.memory_space<hbm>>
      tpu.wait_dma2 semaphore(%run_scoped3A : memref<!tpu.dma_semaphore, #tpu.memory_space<semaphore_mem>>) src(%dma_wait3A_290 : memref<125x80xi32, #tpu.memory_space<hbm>>) dst(%arg8 : memref<125x80xi32, #tpu.memory_space<vmem>>)
      tpu.yield
    }) : () -> ()
    "tpu.region"() ({
      %run_scoped3A = tpu.sem_alloc : memref<!tpu.dma_semaphore, #tpu.memory_space<semaphore_mem>>
      %dma_start3A_283 = arith.constant 0 : i32
      %dma_start3A_284 = tpu.memref_slice %arg5[%mul3A_4, %dma_start3A_283] : memref<4000x80xi32, #tpu.memory_space<hbm>> -> memref<125x80xi32, #tpu.memory_space<hbm>>
      %dma_start3A_285 = arith.constant 0 : i32
      %dma_start3A_286 = tpu.memref_slice %arg5[%mul3A_4, %dma_start3A_285] : memref<4000x80xi32, #tpu.memory_space<hbm>> -> memref<125x80xi32, #tpu.memory_space<hbm>>
      tpu.enqueue_dma source(%dma_start3A_286 : memref<125x80xi32, #tpu.memory_space<hbm>>) target(%arg9 : memref<125x80xi32, #tpu.memory_space<vmem>>) target_semaphore(%run_scoped3A : memref<!tpu.dma_semaphore, #tpu.memory_space<semaphore_mem>>)
      %dma_wait3A_287 = arith.constant 0 : i32
      %dma_wait3A_288 = tpu.memref_slice %arg5[%mul3A_4, %dma_wait3A_287] : memref<4000x80xi32, #tpu.memory_space<hbm>> -> memref<125x80xi32, #tpu.memory_space<hbm>>
      %dma_wait3A_289 = arith.constant 0 : i32
      %dma_wait3A_290 = tpu.memref_slice %arg5[%mul3A_4, %dma_wait3A_289] : memref<4000x80xi32, #tpu.memory_space<hbm>> -> memref<125x80xi32, #tpu.memory_space<hbm>>
      tpu.wait_dma2 semaphore(%run_scoped3A : memref<!tpu.dma_semaphore, #tpu.memory_space<semaphore_mem>>) src(%dma_wait3A_290 : memref<125x80xi32, #tpu.memory_space<hbm>>) dst(%arg9 : memref<125x80xi32, #tpu.memory_space<vmem>>)
      tpu.yield
    }) : () -> ()
    %dma_start3A = arith.constant 0 : i32
    %dma_start3A_5 = arith.constant 0 : i32
    %dma_start3A_6 = arith.constant 0 : i32
    %dma_start3A_7 = arith.constant 0 : i32
    %dma_start3A_8 = tpu.memref_slice %arg10[%dma_start3A_5, %dma_start3A_6, %dma_start3A_7] : memref<6x80x48xf32, #tpu.memory_space<vmem>> -> memref<1x80x48xf32, #tpu.memory_space<vmem>>
    %dma_start3A_9 = tpu.memref_squeeze %dma_start3A_8 : memref<1x80x48xf32, #tpu.memory_space<vmem>> -> memref<80x48xf32, #tpu.memory_space<vmem>>
    %dma_start3A_10 = arith.constant 0 : i32
    %dma_start3A_11 = tpu.memref_slice %arg8[%dma_start3A, %dma_start3A_10] : memref<125x80xi32, #tpu.memory_space<vmem>> -> memref<1x80xi32, #tpu.memory_space<vmem>>
    %dma_start3A_12 = tpu.memref_squeeze %dma_start3A_11 : memref<1x80xi32, #tpu.memory_space<vmem>> -> memref<80xi32, #tpu.memory_space<vmem>>
    %dma_start3A_13 = arith.constant 0 : i32
    %dma_start3A_14 = arith.constant 0 : i32
    %dma_start3A_15 = tpu.memref_slice %arg2[%dma_start3A_13, %dma_start3A_14] : memref<10000x48xf32, #tpu.memory_space<hbm>> -> memref<10000x48xf32, #tpu.memory_space<hbm>>
    tpu.enqueue_indirect_dma source(%dma_start3A_15 : memref<10000x48xf32, #tpu.memory_space<hbm>>) target(%dma_start3A_9 : memref<80x48xf32, #tpu.memory_space<vmem>>) offsets(%dma_start3A_12 : memref<80xi32, #tpu.memory_space<vmem>>) semaphore(%arg12 : memref<!tpu.dma_semaphore, #tpu.memory_space<semaphore_mem>>)
    %dma_start3A_16 = arith.constant 0 : i32
    %dma_start3A_17 = arith.constant 0 : i32
    %dma_start3A_18 = arith.constant 0 : i32
    %dma_start3A_19 = arith.constant 0 : i32
    %dma_start3A_20 = tpu.memref_slice %arg11[%dma_start3A_17, %dma_start3A_18, %dma_start3A_19] : memref<6x80x48xf32, #tpu.memory_space<vmem>> -> memref<1x80x48xf32, #tpu.memory_space<vmem>>
    %dma_start3A_21 = tpu.memref_squeeze %dma_start3A_20 : memref<1x80x48xf32, #tpu.memory_space<vmem>> -> memref<80x48xf32, #tpu.memory_space<vmem>>
    %dma_start3A_22 = arith.constant 0 : i32
    %dma_start3A_23 = tpu.memref_slice %arg9[%dma_start3A_16, %dma_start3A_22] : memref<125x80xi32, #tpu.memory_space<vmem>> -> memref<1x80xi32, #tpu.memory_space<vmem>>
    %dma_start3A_24 = tpu.memref_squeeze %dma_start3A_23 : memref<1x80xi32, #tpu.memory_space<vmem>> -> memref<80xi32, #tpu.memory_space<vmem>>
    %dma_start3A_25 = arith.constant 0 : i32
    %dma_start3A_26 = arith.constant 0 : i32
    %dma_start3A_27 = tpu.memref_slice %arg3[%dma_start3A_25, %dma_start3A_26] : memref<10000x48xf32, #tpu.memory_space<hbm>> -> memref<10000x48xf32, #tpu.memory_space<hbm>>
    tpu.enqueue_indirect_dma source(%dma_start3A_27 : memref<10000x48xf32, #tpu.memory_space<hbm>>) target(%dma_start3A_21 : memref<80x48xf32, #tpu.memory_space<vmem>>) offsets(%dma_start3A_24 : memref<80xi32, #tpu.memory_space<vmem>>) semaphore(%arg13 : memref<!tpu.dma_semaphore, #tpu.memory_space<semaphore_mem>>)
    %dma_start3A_28 = arith.constant 1 : i32
    %dma_start3A_29 = arith.constant 1 : i32
    %dma_start3A_30 = arith.constant 0 : i32
    %dma_start3A_31 = arith.constant 0 : i32
    %dma_start3A_32 = tpu.memref_slice %arg10[%dma_start3A_29, %dma_start3A_30, %dma_start3A_31] : memref<6x80x48xf32, #tpu.memory_space<vmem>> -> memref<1x80x48xf32, #tpu.memory_space<vmem>>
    %dma_start3A_33 = tpu.memref_squeeze %dma_start3A_32 : memref<1x80x48xf32, #tpu.memory_space<vmem>> -> memref<80x48xf32, #tpu.memory_space<vmem>>
    %dma_start3A_34 = arith.constant 0 : i32
    %dma_start3A_35 = tpu.memref_slice %arg8[%dma_start3A_28, %dma_start3A_34] : memref<125x80xi32, #tpu.memory_space<vmem>> -> memref<1x80xi32, #tpu.memory_space<vmem>>
    %dma_start3A_36 = tpu.memref_squeeze %dma_start3A_35 : memref<1x80xi32, #tpu.memory_space<vmem>> -> memref<80xi32, #tpu.memory_space<vmem>>
    %dma_start3A_37 = arith.constant 0 : i32
    %dma_start3A_38 = arith.constant 0 : i32
    %dma_start3A_39 = tpu.memref_slice %arg2[%dma_start3A_37, %dma_start3A_38] : memref<10000x48xf32, #tpu.memory_space<hbm>> -> memref<10000x48xf32, #tpu.memory_space<hbm>>
    tpu.enqueue_indirect_dma source(%dma_start3A_39 : memref<10000x48xf32, #tpu.memory_space<hbm>>) target(%dma_start3A_33 : memref<80x48xf32, #tpu.memory_space<vmem>>) offsets(%dma_start3A_36 : memref<80xi32, #tpu.memory_space<vmem>>) semaphore(%arg12 : memref<!tpu.dma_semaphore, #tpu.memory_space<semaphore_mem>>)
    %dma_start3A_40 = arith.constant 1 : i32
    %dma_start3A_41 = arith.constant 1 : i32
    %dma_start3A_42 = arith.constant 0 : i32
    %dma_start3A_43 = arith.constant 0 : i32
    %dma_start3A_44 = tpu.memref_slice %arg11[%dma_start3A_41, %dma_start3A_42, %dma_start3A_43] : memref<6x80x48xf32, #tpu.memory_space<vmem>> -> memref<1x80x48xf32, #tpu.memory_space<vmem>>
    %dma_start3A_45 = tpu.memref_squeeze %dma_start3A_44 : memref<1x80x48xf32, #tpu.memory_space<vmem>> -> memref<80x48xf32, #tpu.memory_space<vmem>>
    %dma_start3A_46 = arith.constant 0 : i32
    %dma_start3A_47 = tpu.memref_slice %arg9[%dma_start3A_40, %dma_start3A_46] : memref<125x80xi32, #tpu.memory_space<vmem>> -> memref<1x80xi32, #tpu.memory_space<vmem>>
    %dma_start3A_48 = tpu.memref_squeeze %dma_start3A_47 : memref<1x80xi32, #tpu.memory_space<vmem>> -> memref<80xi32, #tpu.memory_space<vmem>>
    %dma_start3A_49 = arith.constant 0 : i32
    %dma_start3A_50 = arith.constant 0 : i32
    %dma_start3A_51 = tpu.memref_slice %arg3[%dma_start3A_49, %dma_start3A_50] : memref<10000x48xf32, #tpu.memory_space<hbm>> -> memref<10000x48xf32, #tpu.memory_space<hbm>>
    tpu.enqueue_indirect_dma source(%dma_start3A_51 : memref<10000x48xf32, #tpu.memory_space<hbm>>) target(%dma_start3A_45 : memref<80x48xf32, #tpu.memory_space<vmem>>) offsets(%dma_start3A_48 : memref<80xi32, #tpu.memory_space<vmem>>) semaphore(%arg13 : memref<!tpu.dma_semaphore, #tpu.memory_space<semaphore_mem>>)
    %dma_start3A_52 = arith.constant 2 : i32
    %dma_start3A_53 = arith.constant 2 : i32
    %dma_start3A_54 = arith.constant 0 : i32
    %dma_start3A_55 = arith.constant 0 : i32
    %dma_start3A_56 = tpu.memref_slice %arg10[%dma_start3A_53, %dma_start3A_54, %dma_start3A_55] : memref<6x80x48xf32, #tpu.memory_space<vmem>> -> memref<1x80x48xf32, #tpu.memory_space<vmem>>
    %dma_start3A_57 = tpu.memref_squeeze %dma_start3A_56 : memref<1x80x48xf32, #tpu.memory_space<vmem>> -> memref<80x48xf32, #tpu.memory_space<vmem>>
    %dma_start3A_58 = arith.constant 0 : i32
    %dma_start3A_59 = tpu.memref_slice %arg8[%dma_start3A_52, %dma_start3A_58] : memref<125x80xi32, #tpu.memory_space<vmem>> -> memref<1x80xi32, #tpu.memory_space<vmem>>
    %dma_start3A_60 = tpu.memref_squeeze %dma_start3A_59 : memref<1x80xi32, #tpu.memory_space<vmem>> -> memref<80xi32, #tpu.memory_space<vmem>>
    %dma_start3A_61 = arith.constant 0 : i32
    %dma_start3A_62 = arith.constant 0 : i32
    %dma_start3A_63 = tpu.memref_slice %arg2[%dma_start3A_61, %dma_start3A_62] : memref<10000x48xf32, #tpu.memory_space<hbm>> -> memref<10000x48xf32, #tpu.memory_space<hbm>>
    tpu.enqueue_indirect_dma source(%dma_start3A_63 : memref<10000x48xf32, #tpu.memory_space<hbm>>) target(%dma_start3A_57 : memref<80x48xf32, #tpu.memory_space<vmem>>) offsets(%dma_start3A_60 : memref<80xi32, #tpu.memory_space<vmem>>) semaphore(%arg12 : memref<!tpu.dma_semaphore, #tpu.memory_space<semaphore_mem>>)
    %dma_start3A_64 = arith.constant 2 : i32
    %dma_start3A_65 = arith.constant 2 : i32
    %dma_start3A_66 = arith.constant 0 : i32
    %dma_start3A_67 = arith.constant 0 : i32
    %dma_start3A_68 = tpu.memref_slice %arg11[%dma_start3A_65, %dma_start3A_66, %dma_start3A_67] : memref<6x80x48xf32, #tpu.memory_space<vmem>> -> memref<1x80x48xf32, #tpu.memory_space<vmem>>
    %dma_start3A_69 = tpu.memref_squeeze %dma_start3A_68 : memref<1x80x48xf32, #tpu.memory_space<vmem>> -> memref<80x48xf32, #tpu.memory_space<vmem>>
    %dma_start3A_70 = arith.constant 0 : i32
    %dma_start3A_71 = tpu.memref_slice %arg9[%dma_start3A_64, %dma_start3A_70] : memref<125x80xi32, #tpu.memory_space<vmem>> -> memref<1x80xi32, #tpu.memory_space<vmem>>
    %dma_start3A_72 = tpu.memref_squeeze %dma_start3A_71 : memref<1x80xi32, #tpu.memory_space<vmem>> -> memref<80xi32, #tpu.memory_space<vmem>>
    %dma_start3A_73 = arith.constant 0 : i32
    %dma_start3A_74 = arith.constant 0 : i32
    %dma_start3A_75 = tpu.memref_slice %arg3[%dma_start3A_73, %dma_start3A_74] : memref<10000x48xf32, #tpu.memory_space<hbm>> -> memref<10000x48xf32, #tpu.memory_space<hbm>>
    tpu.enqueue_indirect_dma source(%dma_start3A_75 : memref<10000x48xf32, #tpu.memory_space<hbm>>) target(%dma_start3A_69 : memref<80x48xf32, #tpu.memory_space<vmem>>) offsets(%dma_start3A_72 : memref<80xi32, #tpu.memory_space<vmem>>) semaphore(%arg13 : memref<!tpu.dma_semaphore, #tpu.memory_space<semaphore_mem>>)
    %dma_start3A_76 = arith.constant 3 : i32
    %dma_start3A_77 = arith.constant 3 : i32
    %dma_start3A_78 = arith.constant 0 : i32
    %dma_start3A_79 = arith.constant 0 : i32
    %dma_start3A_80 = tpu.memref_slice %arg10[%dma_start3A_77, %dma_start3A_78, %dma_start3A_79] : memref<6x80x48xf32, #tpu.memory_space<vmem>> -> memref<1x80x48xf32, #tpu.memory_space<vmem>>
    %dma_start3A_81 = tpu.memref_squeeze %dma_start3A_80 : memref<1x80x48xf32, #tpu.memory_space<vmem>> -> memref<80x48xf32, #tpu.memory_space<vmem>>
    %dma_start3A_82 = arith.constant 0 : i32
    %dma_start3A_83 = tpu.memref_slice %arg8[%dma_start3A_76, %dma_start3A_82] : memref<125x80xi32, #tpu.memory_space<vmem>> -> memref<1x80xi32, #tpu.memory_space<vmem>>
    %dma_start3A_84 = tpu.memref_squeeze %dma_start3A_83 : memref<1x80xi32, #tpu.memory_space<vmem>> -> memref<80xi32, #tpu.memory_space<vmem>>
    %dma_start3A_85 = arith.constant 0 : i32
    %dma_start3A_86 = arith.constant 0 : i32
    %dma_start3A_87 = tpu.memref_slice %arg2[%dma_start3A_85, %dma_start3A_86] : memref<10000x48xf32, #tpu.memory_space<hbm>> -> memref<10000x48xf32, #tpu.memory_space<hbm>>
    tpu.enqueue_indirect_dma source(%dma_start3A_87 : memref<10000x48xf32, #tpu.memory_space<hbm>>) target(%dma_start3A_81 : memref<80x48xf32, #tpu.memory_space<vmem>>) offsets(%dma_start3A_84 : memref<80xi32, #tpu.memory_space<vmem>>) semaphore(%arg12 : memref<!tpu.dma_semaphore, #tpu.memory_space<semaphore_mem>>)
    %dma_start3A_88 = arith.constant 3 : i32
    %dma_start3A_89 = arith.constant 3 : i32
    %dma_start3A_90 = arith.constant 0 : i32
    %dma_start3A_91 = arith.constant 0 : i32
    %dma_start3A_92 = tpu.memref_slice %arg11[%dma_start3A_89, %dma_start3A_90, %dma_start3A_91] : memref<6x80x48xf32, #tpu.memory_space<vmem>> -> memref<1x80x48xf32, #tpu.memory_space<vmem>>
    %dma_start3A_93 = tpu.memref_squeeze %dma_start3A_92 : memref<1x80x48xf32, #tpu.memory_space<vmem>> -> memref<80x48xf32, #tpu.memory_space<vmem>>
    %dma_start3A_94 = arith.constant 0 : i32
    %dma_start3A_95 = tpu.memref_slice %arg9[%dma_start3A_88, %dma_start3A_94] : memref<125x80xi32, #tpu.memory_space<vmem>> -> memref<1x80xi32, #tpu.memory_space<vmem>>
    %dma_start3A_96 = tpu.memref_squeeze %dma_start3A_95 : memref<1x80xi32, #tpu.memory_space<vmem>> -> memref<80xi32, #tpu.memory_space<vmem>>
    %dma_start3A_97 = arith.constant 0 : i32
    %dma_start3A_98 = arith.constant 0 : i32
    %dma_start3A_99 = tpu.memref_slice %arg3[%dma_start3A_97, %dma_start3A_98] : memref<10000x48xf32, #tpu.memory_space<hbm>> -> memref<10000x48xf32, #tpu.memory_space<hbm>>
    tpu.enqueue_indirect_dma source(%dma_start3A_99 : memref<10000x48xf32, #tpu.memory_space<hbm>>) target(%dma_start3A_93 : memref<80x48xf32, #tpu.memory_space<vmem>>) offsets(%dma_start3A_96 : memref<80xi32, #tpu.memory_space<vmem>>) semaphore(%arg13 : memref<!tpu.dma_semaphore, #tpu.memory_space<semaphore_mem>>)
    %dma_start3A_100 = arith.constant 4 : i32
    %dma_start3A_101 = arith.constant 4 : i32
    %dma_start3A_102 = arith.constant 0 : i32
    %dma_start3A_103 = arith.constant 0 : i32
    %dma_start3A_104 = tpu.memref_slice %arg10[%dma_start3A_101, %dma_start3A_102, %dma_start3A_103] : memref<6x80x48xf32, #tpu.memory_space<vmem>> -> memref<1x80x48xf32, #tpu.memory_space<vmem>>
    %dma_start3A_105 = tpu.memref_squeeze %dma_start3A_104 : memref<1x80x48xf32, #tpu.memory_space<vmem>> -> memref<80x48xf32, #tpu.memory_space<vmem>>
    %dma_start3A_106 = arith.constant 0 : i32
    %dma_start3A_107 = tpu.memref_slice %arg8[%dma_start3A_100, %dma_start3A_106] : memref<125x80xi32, #tpu.memory_space<vmem>> -> memref<1x80xi32, #tpu.memory_space<vmem>>
    %dma_start3A_108 = tpu.memref_squeeze %dma_start3A_107 : memref<1x80xi32, #tpu.memory_space<vmem>> -> memref<80xi32, #tpu.memory_space<vmem>>
    %dma_start3A_109 = arith.constant 0 : i32
    %dma_start3A_110 = arith.constant 0 : i32
    %dma_start3A_111 = tpu.memref_slice %arg2[%dma_start3A_109, %dma_start3A_110] : memref<10000x48xf32, #tpu.memory_space<hbm>> -> memref<10000x48xf32, #tpu.memory_space<hbm>>
    tpu.enqueue_indirect_dma source(%dma_start3A_111 : memref<10000x48xf32, #tpu.memory_space<hbm>>) target(%dma_start3A_105 : memref<80x48xf32, #tpu.memory_space<vmem>>) offsets(%dma_start3A_108 : memref<80xi32, #tpu.memory_space<vmem>>) semaphore(%arg12 : memref<!tpu.dma_semaphore, #tpu.memory_space<semaphore_mem>>)
    %dma_start3A_112 = arith.constant 4 : i32
    %dma_start3A_113 = arith.constant 4 : i32
    %dma_start3A_114 = arith.constant 0 : i32
    %dma_start3A_115 = arith.constant 0 : i32
    %dma_start3A_116 = tpu.memref_slice %arg11[%dma_start3A_113, %dma_start3A_114, %dma_start3A_115] : memref<6x80x48xf32, #tpu.memory_space<vmem>> -> memref<1x80x48xf32, #tpu.memory_space<vmem>>
    %dma_start3A_117 = tpu.memref_squeeze %dma_start3A_116 : memref<1x80x48xf32, #tpu.memory_space<vmem>> -> memref<80x48xf32, #tpu.memory_space<vmem>>
    %dma_start3A_118 = arith.constant 0 : i32
    %dma_start3A_119 = tpu.memref_slice %arg9[%dma_start3A_112, %dma_start3A_118] : memref<125x80xi32, #tpu.memory_space<vmem>> -> memref<1x80xi32, #tpu.memory_space<vmem>>
    %dma_start3A_120 = tpu.memref_squeeze %dma_start3A_119 : memref<1x80xi32, #tpu.memory_space<vmem>> -> memref<80xi32, #tpu.memory_space<vmem>>
    %dma_start3A_121 = arith.constant 0 : i32
    %dma_start3A_122 = arith.constant 0 : i32
    %dma_start3A_123 = tpu.memref_slice %arg3[%dma_start3A_121, %dma_start3A_122] : memref<10000x48xf32, #tpu.memory_space<hbm>> -> memref<10000x48xf32, #tpu.memory_space<hbm>>
    tpu.enqueue_indirect_dma source(%dma_start3A_123 : memref<10000x48xf32, #tpu.memory_space<hbm>>) target(%dma_start3A_117 : memref<80x48xf32, #tpu.memory_space<vmem>>) offsets(%dma_start3A_120 : memref<80xi32, #tpu.memory_space<vmem>>) semaphore(%arg13 : memref<!tpu.dma_semaphore, #tpu.memory_space<semaphore_mem>>)
    %scan3A = arith.constant 0 : i32
    %scan3A_124 = arith.constant 125 : i32
    %scan3A_125 = arith.addi %scan3A, %scan3A_124 : i32
    %scan3A_126 = arith.constant 1 : i32
    scf.for %scan3A_283 = %scan3A to %scan3A_125 step %scan3A_126  : i32 {
      %mul3A_284 = arith.constant 1 : i32
      %mul3A_285 = arith.muli %scan3A_283, %mul3A_284 : i32
      %add3A_286 = arith.constant 0 : i32
      %add3A_287 = arith.addi %add3A_286, %mul3A_285 : i32
      %rem3A = arith.constant 6 : i32
      %rem3A_288 = arith.remsi %add3A_287, %rem3A : i32
      %dma_wait3A_289 = arith.constant 0 : i32
      %dma_wait3A_290 = arith.constant 0 : i32
      %dma_wait3A_291 = arith.constant 0 : i32
      %dma_wait3A_292 = tpu.memref_slice %arg10[%rem3A_288, %dma_wait3A_290, %dma_wait3A_291] : memref<6x80x48xf32, #tpu.memory_space<vmem>> -> memref<1x80x48xf32, #tpu.memory_space<vmem>>
      %dma_wait3A_293 = tpu.memref_squeeze %dma_wait3A_292 : memref<1x80x48xf32, #tpu.memory_space<vmem>> -> memref<80x48xf32, #tpu.memory_space<vmem>>
      %dma_wait3A_294 = arith.constant 0 : i32
      %dma_wait3A_295 = tpu.memref_slice %arg8[%dma_wait3A_289, %dma_wait3A_294] : memref<125x80xi32, #tpu.memory_space<vmem>> -> memref<1x80xi32, #tpu.memory_space<vmem>>
      %dma_wait3A_296 = tpu.memref_squeeze %dma_wait3A_295 : memref<1x80xi32, #tpu.memory_space<vmem>> -> memref<80xi32, #tpu.memory_space<vmem>>
      %dma_wait3A_297 = arith.constant 0 : i32
      %dma_wait3A_298 = arith.constant 0 : i32
      %dma_wait3A_299 = tpu.memref_slice %arg2[%dma_wait3A_297, %dma_wait3A_298] : memref<10000x48xf32, #tpu.memory_space<hbm>> -> memref<10000x48xf32, #tpu.memory_space<hbm>>
      tpu.wait_indirect_dma semaphore(%arg12 : memref<!tpu.dma_semaphore, #tpu.memory_space<semaphore_mem>>) src(%dma_wait3A_299 : memref<10000x48xf32, #tpu.memory_space<hbm>>) dst(%dma_wait3A_293 : memref<80x48xf32, #tpu.memory_space<vmem>>)
      %dma_wait3A_300 = arith.constant 0 : i32
      %dma_wait3A_301 = arith.constant 0 : i32
      %dma_wait3A_302 = arith.constant 0 : i32
      %dma_wait3A_303 = tpu.memref_slice %arg11[%rem3A_288, %dma_wait3A_301, %dma_wait3A_302] : memref<6x80x48xf32, #tpu.memory_space<vmem>> -> memref<1x80x48xf32, #tpu.memory_space<vmem>>
      %dma_wait3A_304 = tpu.memref_squeeze %dma_wait3A_303 : memref<1x80x48xf32, #tpu.memory_space<vmem>> -> memref<80x48xf32, #tpu.memory_space<vmem>>
      %dma_wait3A_305 = arith.constant 0 : i32
      %dma_wait3A_306 = tpu.memref_slice %arg9[%dma_wait3A_300, %dma_wait3A_305] : memref<125x80xi32, #tpu.memory_space<vmem>> -> memref<1x80xi32, #tpu.memory_space<vmem>>
      %dma_wait3A_307 = tpu.memref_squeeze %dma_wait3A_306 : memref<1x80xi32, #tpu.memory_space<vmem>> -> memref<80xi32, #tpu.memory_space<vmem>>
      %dma_wait3A_308 = arith.constant 0 : i32
      %dma_wait3A_309 = arith.constant 0 : i32
      %dma_wait3A_310 = tpu.memref_slice %arg3[%dma_wait3A_308, %dma_wait3A_309] : memref<10000x48xf32, #tpu.memory_space<hbm>> -> memref<10000x48xf32, #tpu.memory_space<hbm>>
      tpu.wait_indirect_dma semaphore(%arg13 : memref<!tpu.dma_semaphore, #tpu.memory_space<semaphore_mem>>) src(%dma_wait3A_310 : memref<10000x48xf32, #tpu.memory_space<hbm>>) dst(%dma_wait3A_304 : memref<80x48xf32, #tpu.memory_space<vmem>>)
      %mul3A_311 = arith.constant 80 : i32
      %mul3A_312 = arith.muli %add3A_287, %mul3A_311 : i32
      %add3A_313 = arith.addi %mul3A_2, %mul3A_312 : i32
      %dma_start3A_314 = arith.constant 0 : i32
      %dma_start3A_315 = arith.constant 0 : i32
      %dma_start3A_316 = tpu.memref_slice %arg10[%rem3A_288, %dma_start3A_314, %dma_start3A_315] : memref<6x80x48xf32, #tpu.memory_space<vmem>> -> memref<1x80x48xf32, #tpu.memory_space<vmem>>
      %dma_start3A_317 = tpu.memref_squeeze %dma_start3A_316 : memref<1x80x48xf32, #tpu.memory_space<vmem>> -> memref<80x48xf32, #tpu.memory_space<vmem>>
      %dma_start3A_318 = arith.constant 0 : i32
      %dma_start3A_319 = tpu.memref_slice %arg6[%add3A_313, %dma_start3A_318] : memref<320000x48xf32, #tpu.memory_space<hbm>> -> memref<80x48xf32, #tpu.memory_space<hbm>>
      %dma_start3A_320 = arith.constant 0 : i32
      %dma_start3A_321 = tpu.memref_slice %arg6[%add3A_313, %dma_start3A_320] : memref<320000x48xf32, #tpu.memory_space<hbm>> -> memref<80x48xf32, #tpu.memory_space<hbm>>
      %dma_start3A_322 = arith.constant 0 : i32
      %dma_start3A_323 = arith.constant 0 : i32
      %dma_start3A_324 = tpu.memref_slice %arg10[%rem3A_288, %dma_start3A_322, %dma_start3A_323] : memref<6x80x48xf32, #tpu.memory_space<vmem>> -> memref<1x80x48xf32, #tpu.memory_space<vmem>>
      %dma_start3A_325 = tpu.memref_squeeze %dma_start3A_324 : memref<1x80x48xf32, #tpu.memory_space<vmem>> -> memref<80x48xf32, #tpu.memory_space<vmem>>
      tpu.enqueue_dma source(%dma_start3A_325 : memref<80x48xf32, #tpu.memory_space<vmem>>) target(%dma_start3A_321 : memref<80x48xf32, #tpu.memory_space<hbm>>) target_semaphore(%arg14 : memref<!tpu.dma_semaphore, #tpu.memory_space<semaphore_mem>>)
      %dma_start3A_326 = arith.constant 0 : i32
      %dma_start3A_327 = arith.constant 0 : i32
      %dma_start3A_328 = tpu.memref_slice %arg11[%rem3A_288, %dma_start3A_326, %dma_start3A_327] : memref<6x80x48xf32, #tpu.memory_space<vmem>> -> memref<1x80x48xf32, #tpu.memory_space<vmem>>
      %dma_start3A_329 = tpu.memref_squeeze %dma_start3A_328 : memref<1x80x48xf32, #tpu.memory_space<vmem>> -> memref<80x48xf32, #tpu.memory_space<vmem>>
      %dma_start3A_330 = arith.constant 0 : i32
      %dma_start3A_331 = tpu.memref_slice %arg7[%add3A_313, %dma_start3A_330] : memref<320000x48xf32, #tpu.memory_space<hbm>> -> memref<80x48xf32, #tpu.memory_space<hbm>>
      %dma_start3A_332 = arith.constant 0 : i32
      %dma_start3A_333 = tpu.memref_slice %arg7[%add3A_313, %dma_start3A_332] : memref<320000x48xf32, #tpu.memory_space<hbm>> -> memref<80x48xf32, #tpu.memory_space<hbm>>
      %dma_start3A_334 = arith.constant 0 : i32
      %dma_start3A_335 = arith.constant 0 : i32
      %dma_start3A_336 = tpu.memref_slice %arg11[%rem3A_288, %dma_start3A_334, %dma_start3A_335] : memref<6x80x48xf32, #tpu.memory_space<vmem>> -> memref<1x80x48xf32, #tpu.memory_space<vmem>>
      %dma_start3A_337 = tpu.memref_squeeze %dma_start3A_336 : memref<1x80x48xf32, #tpu.memory_space<vmem>> -> memref<80x48xf32, #tpu.memory_space<vmem>>
      tpu.enqueue_dma source(%dma_start3A_337 : memref<80x48xf32, #tpu.memory_space<vmem>>) target(%dma_start3A_333 : memref<80x48xf32, #tpu.memory_space<hbm>>) target_semaphore(%arg15 : memref<!tpu.dma_semaphore, #tpu.memory_space<semaphore_mem>>)
      %add3A_338 = arith.constant 6 : i32
      %add3A_339 = arith.addi %add3A_287, %add3A_338 : i32
      %sub3A = arith.constant 1 : i32
      %sub3A_340 = arith.subi %add3A_339, %sub3A : i32
      %lt3A = arith.constant 125 : i32
      %lt3A_341 = arith.cmpi slt, %sub3A_340, %lt3A : i32
      %convert_element_type3A = arith.extui %lt3A_341 : i1 to i32
      %cond3A = arith.constant 0 : i32
      %cond3A_342 = arith.cmpi ne, %convert_element_type3A, %cond3A : i32
      scf.if %cond3A_342 {
        %ge3A = arith.constant 1 : i32
        %ge3A_343 = arith.cmpi sge, %add3A_287, %ge3A : i32
        %convert_element_type3A_344 = arith.extui %ge3A_343 : i1 to i32
        %cond3A_345 = arith.constant 0 : i32
        %cond3A_346 = arith.cmpi ne, %convert_element_type3A_344, %cond3A_345 : i32
        scf.if %cond3A_346 {
          %dma_wait3A_381 = arith.constant 0 : i32
          %dma_wait3A_382 = arith.constant 0 : i32
          %dma_wait3A_383 = arith.constant 0 : i32
          %dma_wait3A_384 = tpu.memref_slice %arg10[%dma_wait3A_381, %dma_wait3A_382, %dma_wait3A_383] : memref<6x80x48xf32, #tpu.memory_space<vmem>> -> memref<1x80x48xf32, #tpu.memory_space<vmem>>
          %dma_wait3A_385 = tpu.memref_squeeze %dma_wait3A_384 : memref<1x80x48xf32, #tpu.memory_space<vmem>> -> memref<80x48xf32, #tpu.memory_space<vmem>>
          %dma_wait3A_386 = arith.constant 0 : i32
          %dma_wait3A_387 = tpu.memref_slice %arg6[%mul3A_2, %dma_wait3A_386] : memref<320000x48xf32, #tpu.memory_space<hbm>> -> memref<80x48xf32, #tpu.memory_space<hbm>>
          %dma_wait3A_388 = arith.constant 0 : i32
          %dma_wait3A_389 = tpu.memref_slice %arg6[%mul3A_2, %dma_wait3A_388] : memref<320000x48xf32, #tpu.memory_space<hbm>> -> memref<80x48xf32, #tpu.memory_space<hbm>>
          %dma_wait3A_390 = arith.constant 0 : i32
          %dma_wait3A_391 = arith.constant 0 : i32
          %dma_wait3A_392 = tpu.memref_slice %arg10[%dma_wait3A_381, %dma_wait3A_390, %dma_wait3A_391] : memref<6x80x48xf32, #tpu.memory_space<vmem>> -> memref<1x80x48xf32, #tpu.memory_space<vmem>>
          %dma_wait3A_393 = tpu.memref_squeeze %dma_wait3A_392 : memref<1x80x48xf32, #tpu.memory_space<vmem>> -> memref<80x48xf32, #tpu.memory_space<vmem>>
          tpu.wait_dma2 semaphore(%arg14 : memref<!tpu.dma_semaphore, #tpu.memory_space<semaphore_mem>>) src(%dma_wait3A_393 : memref<80x48xf32, #tpu.memory_space<vmem>>) dst(%dma_wait3A_389 : memref<80x48xf32, #tpu.memory_space<hbm>>)
          %dma_wait3A_394 = arith.constant 0 : i32
          %dma_wait3A_395 = arith.constant 0 : i32
          %dma_wait3A_396 = arith.constant 0 : i32
          %dma_wait3A_397 = tpu.memref_slice %arg11[%dma_wait3A_394, %dma_wait3A_395, %dma_wait3A_396] : memref<6x80x48xf32, #tpu.memory_space<vmem>> -> memref<1x80x48xf32, #tpu.memory_space<vmem>>
          %dma_wait3A_398 = tpu.memref_squeeze %dma_wait3A_397 : memref<1x80x48xf32, #tpu.memory_space<vmem>> -> memref<80x48xf32, #tpu.memory_space<vmem>>
          %dma_wait3A_399 = arith.constant 0 : i32
          %dma_wait3A_400 = tpu.memref_slice %arg7[%mul3A_2, %dma_wait3A_399] : memref<320000x48xf32, #tpu.memory_space<hbm>> -> memref<80x48xf32, #tpu.memory_space<hbm>>
          %dma_wait3A_401 = arith.constant 0 : i32
          %dma_wait3A_402 = tpu.memref_slice %arg7[%mul3A_2, %dma_wait3A_401] : memref<320000x48xf32, #tpu.memory_space<hbm>> -> memref<80x48xf32, #tpu.memory_space<hbm>>
          %dma_wait3A_403 = arith.constant 0 : i32
          %dma_wait3A_404 = arith.constant 0 : i32
          %dma_wait3A_405 = tpu.memref_slice %arg11[%dma_wait3A_394, %dma_wait3A_403, %dma_wait3A_404] : memref<6x80x48xf32, #tpu.memory_space<vmem>> -> memref<1x80x48xf32, #tpu.memory_space<vmem>>
          %dma_wait3A_406 = tpu.memref_squeeze %dma_wait3A_405 : memref<1x80x48xf32, #tpu.memory_space<vmem>> -> memref<80x48xf32, #tpu.memory_space<vmem>>
          tpu.wait_dma2 semaphore(%arg15 : memref<!tpu.dma_semaphore, #tpu.memory_space<semaphore_mem>>) src(%dma_wait3A_406 : memref<80x48xf32, #tpu.memory_space<vmem>>) dst(%dma_wait3A_402 : memref<80x48xf32, #tpu.memory_space<hbm>>)
        } else {
        }
        %add3A_347 = arith.constant 6 : i32
        %add3A_348 = arith.addi %add3A_287, %add3A_347 : i32
        %sub3A_349 = arith.constant 1 : i32
        %sub3A_350 = arith.subi %add3A_348, %sub3A_349 : i32
        %rem3A_351 = arith.constant 6 : i32
        %rem3A_352 = arith.remsi %sub3A_350, %rem3A_351 : i32
        %add3A_353 = arith.constant 6 : i32
        %add3A_354 = arith.addi %add3A_287, %add3A_353 : i32
        %sub3A_355 = arith.constant 1 : i32
        %sub3A_356 = arith.subi %add3A_354, %sub3A_355 : i32
        %dma_start3A_357 = arith.constant 0 : i32
        %dma_start3A_358 = arith.constant 0 : i32
        %dma_start3A_359 = tpu.memref_slice %arg10[%rem3A_352, %dma_start3A_357, %dma_start3A_358] : memref<6x80x48xf32, #tpu.memory_space<vmem>> -> memref<1x80x48xf32, #tpu.memory_space<vmem>>
        %dma_start3A_360 = tpu.memref_squeeze %dma_start3A_359 : memref<1x80x48xf32, #tpu.memory_space<vmem>> -> memref<80x48xf32, #tpu.memory_space<vmem>>
        %dma_start3A_361 = arith.constant 0 : i32
        %dma_start3A_362 = tpu.memref_slice %arg8[%sub3A_356, %dma_start3A_361] : memref<125x80xi32, #tpu.memory_space<vmem>> -> memref<1x80xi32, #tpu.memory_space<vmem>>
        %dma_start3A_363 = tpu.memref_squeeze %dma_start3A_362 : memref<1x80xi32, #tpu.memory_space<vmem>> -> memref<80xi32, #tpu.memory_space<vmem>>
        %dma_start3A_364 = arith.constant 0 : i32
        %dma_start3A_365 = arith.constant 0 : i32
        %dma_start3A_366 = tpu.memref_slice %arg2[%dma_start3A_364, %dma_start3A_365] : memref<10000x48xf32, #tpu.memory_space<hbm>> -> memref<10000x48xf32, #tpu.memory_space<hbm>>
        tpu.enqueue_indirect_dma source(%dma_start3A_366 : memref<10000x48xf32, #tpu.memory_space<hbm>>) target(%dma_start3A_360 : memref<80x48xf32, #tpu.memory_space<vmem>>) offsets(%dma_start3A_363 : memref<80xi32, #tpu.memory_space<vmem>>) semaphore(%arg12 : memref<!tpu.dma_semaphore, #tpu.memory_space<semaphore_mem>>)
        %add3A_367 = arith.constant 6 : i32
        %add3A_368 = arith.addi %add3A_287, %add3A_367 : i32
        %sub3A_369 = arith.constant 1 : i32
        %sub3A_370 = arith.subi %add3A_368, %sub3A_369 : i32
        %dma_start3A_371 = arith.constant 0 : i32
        %dma_start3A_372 = arith.constant 0 : i32
        %dma_start3A_373 = tpu.memref_slice %arg11[%rem3A_352, %dma_start3A_371, %dma_start3A_372] : memref<6x80x48xf32, #tpu.memory_space<vmem>> -> memref<1x80x48xf32, #tpu.memory_space<vmem>>
        %dma_start3A_374 = tpu.memref_squeeze %dma_start3A_373 : memref<1x80x48xf32, #tpu.memory_space<vmem>> -> memref<80x48xf32, #tpu.memory_space<vmem>>
        %dma_start3A_375 = arith.constant 0 : i32
        %dma_start3A_376 = tpu.memref_slice %arg9[%sub3A_370, %dma_start3A_375] : memref<125x80xi32, #tpu.memory_space<vmem>> -> memref<1x80xi32, #tpu.memory_space<vmem>>
        %dma_start3A_377 = tpu.memref_squeeze %dma_start3A_376 : memref<1x80xi32, #tpu.memory_space<vmem>> -> memref<80xi32, #tpu.memory_space<vmem>>
        %dma_start3A_378 = arith.constant 0 : i32
        %dma_start3A_379 = arith.constant 0 : i32
        %dma_start3A_380 = tpu.memref_slice %arg3[%dma_start3A_378, %dma_start3A_379] : memref<10000x48xf32, #tpu.memory_space<hbm>> -> memref<10000x48xf32, #tpu.memory_space<hbm>>
        tpu.enqueue_indirect_dma source(%dma_start3A_380 : memref<10000x48xf32, #tpu.memory_space<hbm>>) target(%dma_start3A_374 : memref<80x48xf32, #tpu.memory_space<vmem>>) offsets(%dma_start3A_377 : memref<80xi32, #tpu.memory_space<vmem>>) semaphore(%arg13 : memref<!tpu.dma_semaphore, #tpu.memory_space<semaphore_mem>>)
      } else {
      }
    }
    %scan3A_127 = arith.constant 125 : i32
    %dma_wait3A = arith.constant 0 : i32
    %dma_wait3A_128 = arith.constant 0 : i32
    %dma_wait3A_129 = arith.constant 0 : i32
    %dma_wait3A_130 = tpu.memref_slice %arg10[%dma_wait3A, %dma_wait3A_128, %dma_wait3A_129] : memref<6x80x48xf32, #tpu.memory_space<vmem>> -> memref<1x80x48xf32, #tpu.memory_space<vmem>>
    %dma_wait3A_131 = tpu.memref_squeeze %dma_wait3A_130 : memref<1x80x48xf32, #tpu.memory_space<vmem>> -> memref<80x48xf32, #tpu.memory_space<vmem>>
    %dma_wait3A_132 = arith.constant 0 : i32
    %dma_wait3A_133 = tpu.memref_slice %arg6[%mul3A_2, %dma_wait3A_132] : memref<320000x48xf32, #tpu.memory_space<hbm>> -> memref<80x48xf32, #tpu.memory_space<hbm>>
    %dma_wait3A_134 = arith.constant 0 : i32
    %dma_wait3A_135 = tpu.memref_slice %arg6[%mul3A_2, %dma_wait3A_134] : memref<320000x48xf32, #tpu.memory_space<hbm>> -> memref<80x48xf32, #tpu.memory_space<hbm>>
    %dma_wait3A_136 = arith.constant 0 : i32
    %dma_wait3A_137 = arith.constant 0 : i32
    %dma_wait3A_138 = tpu.memref_slice %arg10[%dma_wait3A, %dma_wait3A_136, %dma_wait3A_137] : memref<6x80x48xf32, #tpu.memory_space<vmem>> -> memref<1x80x48xf32, #tpu.memory_space<vmem>>
    %dma_wait3A_139 = tpu.memref_squeeze %dma_wait3A_138 : memref<1x80x48xf32, #tpu.memory_space<vmem>> -> memref<80x48xf32, #tpu.memory_space<vmem>>
    tpu.wait_dma2 semaphore(%arg14 : memref<!tpu.dma_semaphore, #tpu.memory_space<semaphore_mem>>) src(%dma_wait3A_139 : memref<80x48xf32, #tpu.memory_space<vmem>>) dst(%dma_wait3A_135 : memref<80x48xf32, #tpu.memory_space<hbm>>)
    %dma_wait3A_140 = arith.constant 0 : i32
    %dma_wait3A_141 = arith.constant 0 : i32
    %dma_wait3A_142 = arith.constant 0 : i32
    %dma_wait3A_143 = tpu.memref_slice %arg11[%dma_wait3A_140, %dma_wait3A_141, %dma_wait3A_142] : memref<6x80x48xf32, #tpu.memory_space<vmem>> -> memref<1x80x48xf32, #tpu.memory_space<vmem>>
    %dma_wait3A_144 = tpu.memref_squeeze %dma_wait3A_143 : memref<1x80x48xf32, #tpu.memory_space<vmem>> -> memref<80x48xf32, #tpu.memory_space<vmem>>
    %dma_wait3A_145 = arith.constant 0 : i32
    %dma_wait3A_146 = tpu.memref_slice %arg7[%mul3A_2, %dma_wait3A_145] : memref<320000x48xf32, #tpu.memory_space<hbm>> -> memref<80x48xf32, #tpu.memory_space<hbm>>
    %dma_wait3A_147 = arith.constant 0 : i32
    %dma_wait3A_148 = tpu.memref_slice %arg7[%mul3A_2, %dma_wait3A_147] : memref<320000x48xf32, #tpu.memory_space<hbm>> -> memref<80x48xf32, #tpu.memory_space<hbm>>
    %dma_wait3A_149 = arith.constant 0 : i32
    %dma_wait3A_150 = arith.constant 0 : i32
    %dma_wait3A_151 = tpu.memref_slice %arg11[%dma_wait3A_140, %dma_wait3A_149, %dma_wait3A_150] : memref<6x80x48xf32, #tpu.memory_space<vmem>> -> memref<1x80x48xf32, #tpu.memory_space<vmem>>
    %dma_wait3A_152 = tpu.memref_squeeze %dma_wait3A_151 : memref<1x80x48xf32, #tpu.memory_space<vmem>> -> memref<80x48xf32, #tpu.memory_space<vmem>>
    tpu.wait_dma2 semaphore(%arg15 : memref<!tpu.dma_semaphore, #tpu.memory_space<semaphore_mem>>) src(%dma_wait3A_152 : memref<80x48xf32, #tpu.memory_space<vmem>>) dst(%dma_wait3A_148 : memref<80x48xf32, #tpu.memory_space<hbm>>)
    %dma_wait3A_153 = arith.constant 0 : i32
    %dma_wait3A_154 = arith.constant 0 : i32
    %dma_wait3A_155 = arith.constant 0 : i32
    %dma_wait3A_156 = tpu.memref_slice %arg10[%dma_wait3A_153, %dma_wait3A_154, %dma_wait3A_155] : memref<6x80x48xf32, #tpu.memory_space<vmem>> -> memref<1x80x48xf32, #tpu.memory_space<vmem>>
    %dma_wait3A_157 = tpu.memref_squeeze %dma_wait3A_156 : memref<1x80x48xf32, #tpu.memory_space<vmem>> -> memref<80x48xf32, #tpu.memory_space<vmem>>
    %dma_wait3A_158 = arith.constant 0 : i32
    %dma_wait3A_159 = tpu.memref_slice %arg6[%mul3A_2, %dma_wait3A_158] : memref<320000x48xf32, #tpu.memory_space<hbm>> -> memref<80x48xf32, #tpu.memory_space<hbm>>
    %dma_wait3A_160 = arith.constant 0 : i32
    %dma_wait3A_161 = tpu.memref_slice %arg6[%mul3A_2, %dma_wait3A_160] : memref<320000x48xf32, #tpu.memory_space<hbm>> -> memref<80x48xf32, #tpu.memory_space<hbm>>
    %dma_wait3A_162 = arith.constant 0 : i32
    %dma_wait3A_163 = arith.constant 0 : i32
    %dma_wait3A_164 = tpu.memref_slice %arg10[%dma_wait3A_153, %dma_wait3A_162, %dma_wait3A_163] : memref<6x80x48xf32, #tpu.memory_space<vmem>> -> memref<1x80x48xf32, #tpu.memory_space<vmem>>
    %dma_wait3A_165 = tpu.memref_squeeze %dma_wait3A_164 : memref<1x80x48xf32, #tpu.memory_space<vmem>> -> memref<80x48xf32, #tpu.memory_space<vmem>>
    tpu.wait_dma2 semaphore(%arg14 : memref<!tpu.dma_semaphore, #tpu.memory_space<semaphore_mem>>) src(%dma_wait3A_165 : memref<80x48xf32, #tpu.memory_space<vmem>>) dst(%dma_wait3A_161 : memref<80x48xf32, #tpu.memory_space<hbm>>)
    %dma_wait3A_166 = arith.constant 0 : i32
    %dma_wait3A_167 = arith.constant 0 : i32
    %dma_wait3A_168 = arith.constant 0 : i32
    %dma_wait3A_169 = tpu.memref_slice %arg11[%dma_wait3A_166, %dma_wait3A_167, %dma_wait3A_168] : memref<6x80x48xf32, #tpu.memory_space<vmem>> -> memref<1x80x48xf32, #tpu.memory_space<vmem>>
    %dma_wait3A_170 = tpu.memref_squeeze %dma_wait3A_169 : memref<1x80x48xf32, #tpu.memory_space<vmem>> -> memref<80x48xf32, #tpu.memory_space<vmem>>
    %dma_wait3A_171 = arith.constant 0 : i32
    %dma_wait3A_172 = tpu.memref_slice %arg7[%mul3A_2, %dma_wait3A_171] : memref<320000x48xf32, #tpu.memory_space<hbm>> -> memref<80x48xf32, #tpu.memory_space<hbm>>
    %dma_wait3A_173 = arith.constant 0 : i32
    %dma_wait3A_174 = tpu.memref_slice %arg7[%mul3A_2, %dma_wait3A_173] : memref<320000x48xf32, #tpu.memory_space<hbm>> -> memref<80x48xf32, #tpu.memory_space<hbm>>
    %dma_wait3A_175 = arith.constant 0 : i32
    %dma_wait3A_176 = arith.constant 0 : i32
    %dma_wait3A_177 = tpu.memref_slice %arg11[%dma_wait3A_166, %dma_wait3A_175, %dma_wait3A_176] : memref<6x80x48xf32, #tpu.memory_space<vmem>> -> memref<1x80x48xf32, #tpu.memory_space<vmem>>
    %dma_wait3A_178 = tpu.memref_squeeze %dma_wait3A_177 : memref<1x80x48xf32, #tpu.memory_space<vmem>> -> memref<80x48xf32, #tpu.memory_space<vmem>>
    tpu.wait_dma2 semaphore(%arg15 : memref<!tpu.dma_semaphore, #tpu.memory_space<semaphore_mem>>) src(%dma_wait3A_178 : memref<80x48xf32, #tpu.memory_space<vmem>>) dst(%dma_wait3A_174 : memref<80x48xf32, #tpu.memory_space<hbm>>)
    %dma_wait3A_179 = arith.constant 0 : i32
    %dma_wait3A_180 = arith.constant 0 : i32
    %dma_wait3A_181 = arith.constant 0 : i32
    %dma_wait3A_182 = tpu.memref_slice %arg10[%dma_wait3A_179, %dma_wait3A_180, %dma_wait3A_181] : memref<6x80x48xf32, #tpu.memory_space<vmem>> -> memref<1x80x48xf32, #tpu.memory_space<vmem>>
    %dma_wait3A_183 = tpu.memref_squeeze %dma_wait3A_182 : memref<1x80x48xf32, #tpu.memory_space<vmem>> -> memref<80x48xf32, #tpu.memory_space<vmem>>
    %dma_wait3A_184 = arith.constant 0 : i32
    %dma_wait3A_185 = tpu.memref_slice %arg6[%mul3A_2, %dma_wait3A_184] : memref<320000x48xf32, #tpu.memory_space<hbm>> -> memref<80x48xf32, #tpu.memory_space<hbm>>
    %dma_wait3A_186 = arith.constant 0 : i32
    %dma_wait3A_187 = tpu.memref_slice %arg6[%mul3A_2, %dma_wait3A_186] : memref<320000x48xf32, #tpu.memory_space<hbm>> -> memref<80x48xf32, #tpu.memory_space<hbm>>
    %dma_wait3A_188 = arith.constant 0 : i32
    %dma_wait3A_189 = arith.constant 0 : i32
    %dma_wait3A_190 = tpu.memref_slice %arg10[%dma_wait3A_179, %dma_wait3A_188, %dma_wait3A_189] : memref<6x80x48xf32, #tpu.memory_space<vmem>> -> memref<1x80x48xf32, #tpu.memory_space<vmem>>
    %dma_wait3A_191 = tpu.memref_squeeze %dma_wait3A_190 : memref<1x80x48xf32, #tpu.memory_space<vmem>> -> memref<80x48xf32, #tpu.memory_space<vmem>>
    tpu.wait_dma2 semaphore(%arg14 : memref<!tpu.dma_semaphore, #tpu.memory_space<semaphore_mem>>) src(%dma_wait3A_191 : memref<80x48xf32, #tpu.memory_space<vmem>>) dst(%dma_wait3A_187 : memref<80x48xf32, #tpu.memory_space<hbm>>)
    %dma_wait3A_192 = arith.constant 0 : i32
    %dma_wait3A_193 = arith.constant 0 : i32
    %dma_wait3A_194 = arith.constant 0 : i32
    %dma_wait3A_195 = tpu.memref_slice %arg11[%dma_wait3A_192, %dma_wait3A_193, %dma_wait3A_194] : memref<6x80x48xf32, #tpu.memory_space<vmem>> -> memref<1x80x48xf32, #tpu.memory_space<vmem>>
    %dma_wait3A_196 = tpu.memref_squeeze %dma_wait3A_195 : memref<1x80x48xf32, #tpu.memory_space<vmem>> -> memref<80x48xf32, #tpu.memory_space<vmem>>
    %dma_wait3A_197 = arith.constant 0 : i32
    %dma_wait3A_198 = tpu.memref_slice %arg7[%mul3A_2, %dma_wait3A_197] : memref<320000x48xf32, #tpu.memory_space<hbm>> -> memref<80x48xf32, #tpu.memory_space<hbm>>
    %dma_wait3A_199 = arith.constant 0 : i32
    %dma_wait3A_200 = tpu.memref_slice %arg7[%mul3A_2, %dma_wait3A_199] : memref<320000x48xf32, #tpu.memory_space<hbm>> -> memref<80x48xf32, #tpu.memory_space<hbm>>
    %dma_wait3A_201 = arith.constant 0 : i32
    %dma_wait3A_202 = arith.constant 0 : i32
    %dma_wait3A_203 = tpu.memref_slice %arg11[%dma_wait3A_192, %dma_wait3A_201, %dma_wait3A_202] : memref<6x80x48xf32, #tpu.memory_space<vmem>> -> memref<1x80x48xf32, #tpu.memory_space<vmem>>
    %dma_wait3A_204 = tpu.memref_squeeze %dma_wait3A_203 : memref<1x80x48xf32, #tpu.memory_space<vmem>> -> memref<80x48xf32, #tpu.memory_space<vmem>>
    tpu.wait_dma2 semaphore(%arg15 : memref<!tpu.dma_semaphore, #tpu.memory_space<semaphore_mem>>) src(%dma_wait3A_204 : memref<80x48xf32, #tpu.memory_space<vmem>>) dst(%dma_wait3A_200 : memref<80x48xf32, #tpu.memory_space<hbm>>)
    %dma_wait3A_205 = arith.constant 0 : i32
    %dma_wait3A_206 = arith.constant 0 : i32
    %dma_wait3A_207 = arith.constant 0 : i32
    %dma_wait3A_208 = tpu.memref_slice %arg10[%dma_wait3A_205, %dma_wait3A_206, %dma_wait3A_207] : memref<6x80x48xf32, #tpu.memory_space<vmem>> -> memref<1x80x48xf32, #tpu.memory_space<vmem>>
    %dma_wait3A_209 = tpu.memref_squeeze %dma_wait3A_208 : memref<1x80x48xf32, #tpu.memory_space<vmem>> -> memref<80x48xf32, #tpu.memory_space<vmem>>
    %dma_wait3A_210 = arith.constant 0 : i32
    %dma_wait3A_211 = tpu.memref_slice %arg6[%mul3A_2, %dma_wait3A_210] : memref<320000x48xf32, #tpu.memory_space<hbm>> -> memref<80x48xf32, #tpu.memory_space<hbm>>
    %dma_wait3A_212 = arith.constant 0 : i32
    %dma_wait3A_213 = tpu.memref_slice %arg6[%mul3A_2, %dma_wait3A_212] : memref<320000x48xf32, #tpu.memory_space<hbm>> -> memref<80x48xf32, #tpu.memory_space<hbm>>
    %dma_wait3A_214 = arith.constant 0 : i32
    %dma_wait3A_215 = arith.constant 0 : i32
    %dma_wait3A_216 = tpu.memref_slice %arg10[%dma_wait3A_205, %dma_wait3A_214, %dma_wait3A_215] : memref<6x80x48xf32, #tpu.memory_space<vmem>> -> memref<1x80x48xf32, #tpu.memory_space<vmem>>
    %dma_wait3A_217 = tpu.memref_squeeze %dma_wait3A_216 : memref<1x80x48xf32, #tpu.memory_space<vmem>> -> memref<80x48xf32, #tpu.memory_space<vmem>>
    tpu.wait_dma2 semaphore(%arg14 : memref<!tpu.dma_semaphore, #tpu.memory_space<semaphore_mem>>) src(%dma_wait3A_217 : memref<80x48xf32, #tpu.memory_space<vmem>>) dst(%dma_wait3A_213 : memref<80x48xf32, #tpu.memory_space<hbm>>)
    %dma_wait3A_218 = arith.constant 0 : i32
    %dma_wait3A_219 = arith.constant 0 : i32
    %dma_wait3A_220 = arith.constant 0 : i32
    %dma_wait3A_221 = tpu.memref_slice %arg11[%dma_wait3A_218, %dma_wait3A_219, %dma_wait3A_220] : memref<6x80x48xf32, #tpu.memory_space<vmem>> -> memref<1x80x48xf32, #tpu.memory_space<vmem>>
    %dma_wait3A_222 = tpu.memref_squeeze %dma_wait3A_221 : memref<1x80x48xf32, #tpu.memory_space<vmem>> -> memref<80x48xf32, #tpu.memory_space<vmem>>
    %dma_wait3A_223 = arith.constant 0 : i32
    %dma_wait3A_224 = tpu.memref_slice %arg7[%mul3A_2, %dma_wait3A_223] : memref<320000x48xf32, #tpu.memory_space<hbm>> -> memref<80x48xf32, #tpu.memory_space<hbm>>
    %dma_wait3A_225 = arith.constant 0 : i32
    %dma_wait3A_226 = tpu.memref_slice %arg7[%mul3A_2, %dma_wait3A_225] : memref<320000x48xf32, #tpu.memory_space<hbm>> -> memref<80x48xf32, #tpu.memory_space<hbm>>
    %dma_wait3A_227 = arith.constant 0 : i32
    %dma_wait3A_228 = arith.constant 0 : i32
    %dma_wait3A_229 = tpu.memref_slice %arg11[%dma_wait3A_218, %dma_wait3A_227, %dma_wait3A_228] : memref<6x80x48xf32, #tpu.memory_space<vmem>> -> memref<1x80x48xf32, #tpu.memory_space<vmem>>
    %dma_wait3A_230 = tpu.memref_squeeze %dma_wait3A_229 : memref<1x80x48xf32, #tpu.memory_space<vmem>> -> memref<80x48xf32, #tpu.memory_space<vmem>>
    tpu.wait_dma2 semaphore(%arg15 : memref<!tpu.dma_semaphore, #tpu.memory_space<semaphore_mem>>) src(%dma_wait3A_230 : memref<80x48xf32, #tpu.memory_space<vmem>>) dst(%dma_wait3A_226 : memref<80x48xf32, #tpu.memory_space<hbm>>)
    %dma_wait3A_231 = arith.constant 0 : i32
    %dma_wait3A_232 = arith.constant 0 : i32
    %dma_wait3A_233 = arith.constant 0 : i32
    %dma_wait3A_234 = tpu.memref_slice %arg10[%dma_wait3A_231, %dma_wait3A_232, %dma_wait3A_233] : memref<6x80x48xf32, #tpu.memory_space<vmem>> -> memref<1x80x48xf32, #tpu.memory_space<vmem>>
    %dma_wait3A_235 = tpu.memref_squeeze %dma_wait3A_234 : memref<1x80x48xf32, #tpu.memory_space<vmem>> -> memref<80x48xf32, #tpu.memory_space<vmem>>
    %dma_wait3A_236 = arith.constant 0 : i32
    %dma_wait3A_237 = tpu.memref_slice %arg6[%mul3A_2, %dma_wait3A_236] : memref<320000x48xf32, #tpu.memory_space<hbm>> -> memref<80x48xf32, #tpu.memory_space<hbm>>
    %dma_wait3A_238 = arith.constant 0 : i32
    %dma_wait3A_239 = tpu.memref_slice %arg6[%mul3A_2, %dma_wait3A_238] : memref<320000x48xf32, #tpu.memory_space<hbm>> -> memref<80x48xf32, #tpu.memory_space<hbm>>
    %dma_wait3A_240 = arith.constant 0 : i32
    %dma_wait3A_241 = arith.constant 0 : i32
    %dma_wait3A_242 = tpu.memref_slice %arg10[%dma_wait3A_231, %dma_wait3A_240, %dma_wait3A_241] : memref<6x80x48xf32, #tpu.memory_space<vmem>> -> memref<1x80x48xf32, #tpu.memory_space<vmem>>
    %dma_wait3A_243 = tpu.memref_squeeze %dma_wait3A_242 : memref<1x80x48xf32, #tpu.memory_space<vmem>> -> memref<80x48xf32, #tpu.memory_space<vmem>>
    tpu.wait_dma2 semaphore(%arg14 : memref<!tpu.dma_semaphore, #tpu.memory_space<semaphore_mem>>) src(%dma_wait3A_243 : memref<80x48xf32, #tpu.memory_space<vmem>>) dst(%dma_wait3A_239 : memref<80x48xf32, #tpu.memory_space<hbm>>)
    %dma_wait3A_244 = arith.constant 0 : i32
    %dma_wait3A_245 = arith.constant 0 : i32
    %dma_wait3A_246 = arith.constant 0 : i32
    %dma_wait3A_247 = tpu.memref_slice %arg11[%dma_wait3A_244, %dma_wait3A_245, %dma_wait3A_246] : memref<6x80x48xf32, #tpu.memory_space<vmem>> -> memref<1x80x48xf32, #tpu.memory_space<vmem>>
    %dma_wait3A_248 = tpu.memref_squeeze %dma_wait3A_247 : memref<1x80x48xf32, #tpu.memory_space<vmem>> -> memref<80x48xf32, #tpu.memory_space<vmem>>
    %dma_wait3A_249 = arith.constant 0 : i32
    %dma_wait3A_250 = tpu.memref_slice %arg7[%mul3A_2, %dma_wait3A_249] : memref<320000x48xf32, #tpu.memory_space<hbm>> -> memref<80x48xf32, #tpu.memory_space<hbm>>
    %dma_wait3A_251 = arith.constant 0 : i32
    %dma_wait3A_252 = tpu.memref_slice %arg7[%mul3A_2, %dma_wait3A_251] : memref<320000x48xf32, #tpu.memory_space<hbm>> -> memref<80x48xf32, #tpu.memory_space<hbm>>
    %dma_wait3A_253 = arith.constant 0 : i32
    %dma_wait3A_254 = arith.constant 0 : i32
    %dma_wait3A_255 = tpu.memref_slice %arg11[%dma_wait3A_244, %dma_wait3A_253, %dma_wait3A_254] : memref<6x80x48xf32, #tpu.memory_space<vmem>> -> memref<1x80x48xf32, #tpu.memory_space<vmem>>
    %dma_wait3A_256 = tpu.memref_squeeze %dma_wait3A_255 : memref<1x80x48xf32, #tpu.memory_space<vmem>> -> memref<80x48xf32, #tpu.memory_space<vmem>>
    tpu.wait_dma2 semaphore(%arg15 : memref<!tpu.dma_semaphore, #tpu.memory_space<semaphore_mem>>) src(%dma_wait3A_256 : memref<80x48xf32, #tpu.memory_space<vmem>>) dst(%dma_wait3A_252 : memref<80x48xf32, #tpu.memory_space<hbm>>)
    %dma_wait3A_257 = arith.constant 0 : i32
    %dma_wait3A_258 = arith.constant 0 : i32
    %dma_wait3A_259 = arith.constant 0 : i32
    %dma_wait3A_260 = tpu.memref_slice %arg10[%dma_wait3A_257, %dma_wait3A_258, %dma_wait3A_259] : memref<6x80x48xf32, #tpu.memory_space<vmem>> -> memref<1x80x48xf32, #tpu.memory_space<vmem>>
    %dma_wait3A_261 = tpu.memref_squeeze %dma_wait3A_260 : memref<1x80x48xf32, #tpu.memory_space<vmem>> -> memref<80x48xf32, #tpu.memory_space<vmem>>
    %dma_wait3A_262 = arith.constant 0 : i32
    %dma_wait3A_263 = tpu.memref_slice %arg6[%mul3A_2, %dma_wait3A_262] : memref<320000x48xf32, #tpu.memory_space<hbm>> -> memref<80x48xf32, #tpu.memory_space<hbm>>
    %dma_wait3A_264 = arith.constant 0 : i32
    %dma_wait3A_265 = tpu.memref_slice %arg6[%mul3A_2, %dma_wait3A_264] : memref<320000x48xf32, #tpu.memory_space<hbm>> -> memref<80x48xf32, #tpu.memory_space<hbm>>
    %dma_wait3A_266 = arith.constant 0 : i32
    %dma_wait3A_267 = arith.constant 0 : i32
    %dma_wait3A_268 = tpu.memref_slice %arg10[%dma_wait3A_257, %dma_wait3A_266, %dma_wait3A_267] : memref<6x80x48xf32, #tpu.memory_space<vmem>> -> memref<1x80x48xf32, #tpu.memory_space<vmem>>
    %dma_wait3A_269 = tpu.memref_squeeze %dma_wait3A_268 : memref<1x80x48xf32, #tpu.memory_space<vmem>> -> memref<80x48xf32, #tpu.memory_space<vmem>>
    tpu.wait_dma2 semaphore(%arg14 : memref<!tpu.dma_semaphore, #tpu.memory_space<semaphore_mem>>) src(%dma_wait3A_269 : memref<80x48xf32, #tpu.memory_space<vmem>>) dst(%dma_wait3A_265 : memref<80x48xf32, #tpu.memory_space<hbm>>)
    %dma_wait3A_270 = arith.constant 0 : i32
    %dma_wait3A_271 = arith.constant 0 : i32
    %dma_wait3A_272 = arith.constant 0 : i32
    %dma_wait3A_273 = tpu.memref_slice %arg11[%dma_wait3A_270, %dma_wait3A_271, %dma_wait3A_272] : memref<6x80x48xf32, #tpu.memory_space<vmem>> -> memref<1x80x48xf32, #tpu.memory_space<vmem>>
    %dma_wait3A_274 = tpu.memref_squeeze %dma_wait3A_273 : memref<1x80x48xf32, #tpu.memory_space<vmem>> -> memref<80x48xf32, #tpu.memory_space<vmem>>
    %dma_wait3A_275 = arith.constant 0 : i32
    %dma_wait3A_276 = tpu.memref_slice %arg7[%mul3A_2, %dma_wait3A_275] : memref<320000x48xf32, #tpu.memory_space<hbm>> -> memref<80x48xf32, #tpu.memory_space<hbm>>
    %dma_wait3A_277 = arith.constant 0 : i32
    %dma_wait3A_278 = tpu.memref_slice %arg7[%mul3A_2, %dma_wait3A_277] : memref<320000x48xf32, #tpu.memory_space<hbm>> -> memref<80x48xf32, #tpu.memory_space<hbm>>
    %dma_wait3A_279 = arith.constant 0 : i32
    %dma_wait3A_280 = arith.constant 0 : i32
    %dma_wait3A_281 = tpu.memref_slice %arg11[%dma_wait3A_270, %dma_wait3A_279, %dma_wait3A_280] : memref<6x80x48xf32, #tpu.memory_space<vmem>> -> memref<1x80x48xf32, #tpu.memory_space<vmem>>
    %dma_wait3A_282 = tpu.memref_squeeze %dma_wait3A_281 : memref<1x80x48xf32, #tpu.memory_space<vmem>> -> memref<80x48xf32, #tpu.memory_space<vmem>>
    tpu.wait_dma2 semaphore(%arg15 : memref<!tpu.dma_semaphore, #tpu.memory_space<semaphore_mem>>) src(%dma_wait3A_282 : memref<80x48xf32, #tpu.memory_space<vmem>>) dst(%dma_wait3A_278 : memref<80x48xf32, #tpu.memory_space<hbm>>)
    return
  }
}

#map = affine_map<(d0, d1) -> (0, 0)>
module attributes {stable_mosaic.version = 14 : i64} {
  func.func @_gather_sc(%arg0: i32, %arg1: i32, %arg2: memref<10000x48xf32, #tpu.memory_space<hbm>>, %arg3: memref<10000x48xf32, #tpu.memory_space<hbm>>, %arg4: memref<4000x80xi32, #tpu.memory_space<hbm>>, %arg5: memref<4000x80xi32, #tpu.memory_space<hbm>>, %arg6: memref<320000x48xf32, #tpu.memory_space<hbm>>, %arg7: memref<320000x48xf32, #tpu.memory_space<hbm>>, %arg8: memref<125x80xi32, #tpu.memory_space<vmem>>, %arg9: memref<125x80xi32, #tpu.memory_space<vmem>>, %arg10: memref<6x80x48xf32, #tpu.memory_space<vmem>>, %arg11: memref<6x80x48xf32, #tpu.memory_space<vmem>>, %arg12: memref<!tpu.dma_semaphore, #tpu.memory_space<semaphore_mem>>, %arg13: memref<!tpu.dma_semaphore, #tpu.memory_space<semaphore_mem>>, %arg14: memref<!tpu.dma_semaphore, #tpu.memory_space<semaphore_mem>>, %arg15: memref<!tpu.dma_semaphore, #tpu.memory_space<semaphore_mem>>) attributes {dimension_semantics = [#tpu.dimension_semantics<core_parallel>, #tpu.dimension_semantics<subcore_parallel>], iteration_bounds = array<i64: 2, 16>, scalar_prefetch = 0 : i64, scratch_operands = 8 : i64, tpu.core_type = #tpu.core_type<sc_vector_subcore>, window_params = [{transform_indices = #map}, {transform_indices = #map}, {transform_indices = #map}, {transform_indices = #map}, {transform_indices = #map}, {transform_indices = #map}]} {
    %mul3A = arith.constant 2 : i32
    %mul3A_0 = arith.muli %arg1, %mul3A : i32
    %add3A = arith.addi %mul3A_0, %arg0 : i32
    %mul3A_1 = arith.constant 10000 : i32
    %mul3A_2 = arith.muli %add3A, %mul3A_1 : i32
    %mul3A_3 = arith.constant 125 : i32
    %mul3A_4 = arith.muli %add3A, %mul3A_3 : i32
    "tpu.region"() ({
      %run_scoped3A = tpu.sem_alloc : memref<!tpu.dma_semaphore, #tpu.memory_space<semaphore_mem>>
      %dma_start3A_283 = arith.constant 0 : i32
      %dma_start3A_284 = tpu.memref_slice %arg4[%mul3A_4, %dma_start3A_283] : memref<4000x80xi32, #tpu.memory_space<hbm>> -> memref<125x80xi32, #tpu.memory_space<hbm>>
      %dma_start3A_285 = arith.constant 0 : i32
      %dma_start3A_286 = tpu.memref_slice %arg4[%mul3A_4, %dma_start3A_285] : memref<4000x80xi32, #tpu.memory_space<hbm>> -> memref<125x80xi32, #tpu.memory_space<hbm>>
      tpu.enqueue_dma source(%dma_start3A_286 : memref<125x80xi32, #tpu.memory_space<hbm>>) target(%arg8 : memref<125x80xi32, #tpu.memory_space<vmem>>) target_semaphore(%run_scoped3A : memref<!tpu.dma_semaphore, #tpu.memory_space<semaphore_mem>>)
      %dma_wait3A_287 = arith.constant 0 : i32
      %dma_wait3A_288 = tpu.memref_slice %arg4[%mul3A_4, %dma_wait3A_287] : memref<4000x80xi32, #tpu.memory_space<hbm>> -> memref<125x80xi32, #tpu.memory_space<hbm>>
      %dma_wait3A_289 = arith.constant 0 : i32
      %dma_wait3A_290 = tpu.memref_slice %arg4[%mul3A_4, %dma_wait3A_289] : memref<4000x80xi32, #tpu.memory_space<hbm>> -> memref<125x80xi32, #tpu.memory_space<hbm>>
      tpu.wait_dma2 semaphore(%run_scoped3A : memref<!tpu.dma_semaphore, #tpu.memory_space<semaphore_mem>>) src(%dma_wait3A_290 : memref<125x80xi32, #tpu.memory_space<hbm>>) dst(%arg8 : memref<125x80xi32, #tpu.memory_space<vmem>>)
      tpu.yield
    }) : () -> ()
    "tpu.region"() ({
      %run_scoped3A = tpu.sem_alloc : memref<!tpu.dma_semaphore, #tpu.memory_space<semaphore_mem>>
      %dma_start3A_283 = arith.constant 0 : i32
      %dma_start3A_284 = tpu.memref_slice %arg5[%mul3A_4, %dma_start3A_283] : memref<4000x80xi32, #tpu.memory_space<hbm>> -> memref<125x80xi32, #tpu.memory_space<hbm>>
      %dma_start3A_285 = arith.constant 0 : i32
      %dma_start3A_286 = tpu.memref_slice %arg5[%mul3A_4, %dma_start3A_285] : memref<4000x80xi32, #tpu.memory_space<hbm>> -> memref<125x80xi32, #tpu.memory_space<hbm>>
      tpu.enqueue_dma source(%dma_start3A_286 : memref<125x80xi32, #tpu.memory_space<hbm>>) target(%arg9 : memref<125x80xi32, #tpu.memory_space<vmem>>) target_semaphore(%run_scoped3A : memref<!tpu.dma_semaphore, #tpu.memory_space<semaphore_mem>>)
      %dma_wait3A_287 = arith.constant 0 : i32
      %dma_wait3A_288 = tpu.memref_slice %arg5[%mul3A_4, %dma_wait3A_287] : memref<4000x80xi32, #tpu.memory_space<hbm>> -> memref<125x80xi32, #tpu.memory_space<hbm>>
      %dma_wait3A_289 = arith.constant 0 : i32
      %dma_wait3A_290 = tpu.memref_slice %arg5[%mul3A_4, %dma_wait3A_289] : memref<4000x80xi32, #tpu.memory_space<hbm>> -> memref<125x80xi32, #tpu.memory_space<hbm>>
      tpu.wait_dma2 semaphore(%run_scoped3A : memref<!tpu.dma_semaphore, #tpu.memory_space<semaphore_mem>>) src(%dma_wait3A_290 : memref<125x80xi32, #tpu.memory_space<hbm>>) dst(%arg9 : memref<125x80xi32, #tpu.memory_space<vmem>>)
      tpu.yield
    }) : () -> ()
    %dma_start3A = arith.constant 0 : i32
    %dma_start3A_5 = arith.constant 0 : i32
    %dma_start3A_6 = arith.constant 0 : i32
    %dma_start3A_7 = arith.constant 0 : i32
    %dma_start3A_8 = tpu.memref_slice %arg10[%dma_start3A_5, %dma_start3A_6, %dma_start3A_7] : memref<6x80x48xf32, #tpu.memory_space<vmem>> -> memref<1x80x48xf32, #tpu.memory_space<vmem>>
    %dma_start3A_9 = tpu.memref_squeeze %dma_start3A_8 : memref<1x80x48xf32, #tpu.memory_space<vmem>> -> memref<80x48xf32, #tpu.memory_space<vmem>>
    %dma_start3A_10 = arith.constant 0 : i32
    %dma_start3A_11 = tpu.memref_slice %arg8[%dma_start3A, %dma_start3A_10] : memref<125x80xi32, #tpu.memory_space<vmem>> -> memref<1x80xi32, #tpu.memory_space<vmem>>
    %dma_start3A_12 = tpu.memref_squeeze %dma_start3A_11 : memref<1x80xi32, #tpu.memory_space<vmem>> -> memref<80xi32, #tpu.memory_space<vmem>>
    %dma_start3A_13 = arith.constant 0 : i32
    %dma_start3A_14 = arith.constant 0 : i32
    %dma_start3A_15 = tpu.memref_slice %arg2[%dma_start3A_13, %dma_start3A_14] : memref<10000x48xf32, #tpu.memory_space<hbm>> -> memref<10000x48xf32, #tpu.memory_space<hbm>>
    tpu.enqueue_indirect_dma source(%dma_start3A_15 : memref<10000x48xf32, #tpu.memory_space<hbm>>) target(%dma_start3A_9 : memref<80x48xf32, #tpu.memory_space<vmem>>) offsets(%dma_start3A_12 : memref<80xi32, #tpu.memory_space<vmem>>) semaphore(%arg12 : memref<!tpu.dma_semaphore, #tpu.memory_space<semaphore_mem>>)
    %dma_start3A_16 = arith.constant 0 : i32
    %dma_start3A_17 = arith.constant 0 : i32
    %dma_start3A_18 = arith.constant 0 : i32
    %dma_start3A_19 = arith.constant 0 : i32
    %dma_start3A_20 = tpu.memref_slice %arg11[%dma_start3A_17, %dma_start3A_18, %dma_start3A_19] : memref<6x80x48xf32, #tpu.memory_space<vmem>> -> memref<1x80x48xf32, #tpu.memory_space<vmem>>
    %dma_start3A_21 = tpu.memref_squeeze %dma_start3A_20 : memref<1x80x48xf32, #tpu.memory_space<vmem>> -> memref<80x48xf32, #tpu.memory_space<vmem>>
    %dma_start3A_22 = arith.constant 0 : i32
    %dma_start3A_23 = tpu.memref_slice %arg9[%dma_start3A_16, %dma_start3A_22] : memref<125x80xi32, #tpu.memory_space<vmem>> -> memref<1x80xi32, #tpu.memory_space<vmem>>
    %dma_start3A_24 = tpu.memref_squeeze %dma_start3A_23 : memref<1x80xi32, #tpu.memory_space<vmem>> -> memref<80xi32, #tpu.memory_space<vmem>>
    %dma_start3A_25 = arith.constant 0 : i32
    %dma_start3A_26 = arith.constant 0 : i32
    %dma_start3A_27 = tpu.memref_slice %arg3[%dma_start3A_25, %dma_start3A_26] : memref<10000x48xf32, #tpu.memory_space<hbm>> -> memref<10000x48xf32, #tpu.memory_space<hbm>>
    tpu.enqueue_indirect_dma source(%dma_start3A_27 : memref<10000x48xf32, #tpu.memory_space<hbm>>) target(%dma_start3A_21 : memref<80x48xf32, #tpu.memory_space<vmem>>) offsets(%dma_start3A_24 : memref<80xi32, #tpu.memory_space<vmem>>) semaphore(%arg13 : memref<!tpu.dma_semaphore, #tpu.memory_space<semaphore_mem>>)
    %dma_start3A_28 = arith.constant 1 : i32
    %dma_start3A_29 = arith.constant 1 : i32
    %dma_start3A_30 = arith.constant 0 : i32
    %dma_start3A_31 = arith.constant 0 : i32
    %dma_start3A_32 = tpu.memref_slice %arg10[%dma_start3A_29, %dma_start3A_30, %dma_start3A_31] : memref<6x80x48xf32, #tpu.memory_space<vmem>> -> memref<1x80x48xf32, #tpu.memory_space<vmem>>
    %dma_start3A_33 = tpu.memref_squeeze %dma_start3A_32 : memref<1x80x48xf32, #tpu.memory_space<vmem>> -> memref<80x48xf32, #tpu.memory_space<vmem>>
    %dma_start3A_34 = arith.constant 0 : i32
    %dma_start3A_35 = tpu.memref_slice %arg8[%dma_start3A_28, %dma_start3A_34] : memref<125x80xi32, #tpu.memory_space<vmem>> -> memref<1x80xi32, #tpu.memory_space<vmem>>
    %dma_start3A_36 = tpu.memref_squeeze %dma_start3A_35 : memref<1x80xi32, #tpu.memory_space<vmem>> -> memref<80xi32, #tpu.memory_space<vmem>>
    %dma_start3A_37 = arith.constant 0 : i32
    %dma_start3A_38 = arith.constant 0 : i32
    %dma_start3A_39 = tpu.memref_slice %arg2[%dma_start3A_37, %dma_start3A_38] : memref<10000x48xf32, #tpu.memory_space<hbm>> -> memref<10000x48xf32, #tpu.memory_space<hbm>>
    tpu.enqueue_indirect_dma source(%dma_start3A_39 : memref<10000x48xf32, #tpu.memory_space<hbm>>) target(%dma_start3A_33 : memref<80x48xf32, #tpu.memory_space<vmem>>) offsets(%dma_start3A_36 : memref<80xi32, #tpu.memory_space<vmem>>) semaphore(%arg12 : memref<!tpu.dma_semaphore, #tpu.memory_space<semaphore_mem>>)
    %dma_start3A_40 = arith.constant 1 : i32
    %dma_start3A_41 = arith.constant 1 : i32
    %dma_start3A_42 = arith.constant 0 : i32
    %dma_start3A_43 = arith.constant 0 : i32
    %dma_start3A_44 = tpu.memref_slice %arg11[%dma_start3A_41, %dma_start3A_42, %dma_start3A_43] : memref<6x80x48xf32, #tpu.memory_space<vmem>> -> memref<1x80x48xf32, #tpu.memory_space<vmem>>
    %dma_start3A_45 = tpu.memref_squeeze %dma_start3A_44 : memref<1x80x48xf32, #tpu.memory_space<vmem>> -> memref<80x48xf32, #tpu.memory_space<vmem>>
    %dma_start3A_46 = arith.constant 0 : i32
    %dma_start3A_47 = tpu.memref_slice %arg9[%dma_start3A_40, %dma_start3A_46] : memref<125x80xi32, #tpu.memory_space<vmem>> -> memref<1x80xi32, #tpu.memory_space<vmem>>
    %dma_start3A_48 = tpu.memref_squeeze %dma_start3A_47 : memref<1x80xi32, #tpu.memory_space<vmem>> -> memref<80xi32, #tpu.memory_space<vmem>>
    %dma_start3A_49 = arith.constant 0 : i32
    %dma_start3A_50 = arith.constant 0 : i32
    %dma_start3A_51 = tpu.memref_slice %arg3[%dma_start3A_49, %dma_start3A_50] : memref<10000x48xf32, #tpu.memory_space<hbm>> -> memref<10000x48xf32, #tpu.memory_space<hbm>>
    tpu.enqueue_indirect_dma source(%dma_start3A_51 : memref<10000x48xf32, #tpu.memory_space<hbm>>) target(%dma_start3A_45 : memref<80x48xf32, #tpu.memory_space<vmem>>) offsets(%dma_start3A_48 : memref<80xi32, #tpu.memory_space<vmem>>) semaphore(%arg13 : memref<!tpu.dma_semaphore, #tpu.memory_space<semaphore_mem>>)
    %dma_start3A_52 = arith.constant 2 : i32
    %dma_start3A_53 = arith.constant 2 : i32
    %dma_start3A_54 = arith.constant 0 : i32
    %dma_start3A_55 = arith.constant 0 : i32
    %dma_start3A_56 = tpu.memref_slice %arg10[%dma_start3A_53, %dma_start3A_54, %dma_start3A_55] : memref<6x80x48xf32, #tpu.memory_space<vmem>> -> memref<1x80x48xf32, #tpu.memory_space<vmem>>
    %dma_start3A_57 = tpu.memref_squeeze %dma_start3A_56 : memref<1x80x48xf32, #tpu.memory_space<vmem>> -> memref<80x48xf32, #tpu.memory_space<vmem>>
    %dma_start3A_58 = arith.constant 0 : i32
    %dma_start3A_59 = tpu.memref_slice %arg8[%dma_start3A_52, %dma_start3A_58] : memref<125x80xi32, #tpu.memory_space<vmem>> -> memref<1x80xi32, #tpu.memory_space<vmem>>
    %dma_start3A_60 = tpu.memref_squeeze %dma_start3A_59 : memref<1x80xi32, #tpu.memory_space<vmem>> -> memref<80xi32, #tpu.memory_space<vmem>>
    %dma_start3A_61 = arith.constant 0 : i32
    %dma_start3A_62 = arith.constant 0 : i32
    %dma_start3A_63 = tpu.memref_slice %arg2[%dma_start3A_61, %dma_start3A_62] : memref<10000x48xf32, #tpu.memory_space<hbm>> -> memref<10000x48xf32, #tpu.memory_space<hbm>>
    tpu.enqueue_indirect_dma source(%dma_start3A_63 : memref<10000x48xf32, #tpu.memory_space<hbm>>) target(%dma_start3A_57 : memref<80x48xf32, #tpu.memory_space<vmem>>) offsets(%dma_start3A_60 : memref<80xi32, #tpu.memory_space<vmem>>) semaphore(%arg12 : memref<!tpu.dma_semaphore, #tpu.memory_space<semaphore_mem>>)
    %dma_start3A_64 = arith.constant 2 : i32
    %dma_start3A_65 = arith.constant 2 : i32
    %dma_start3A_66 = arith.constant 0 : i32
    %dma_start3A_67 = arith.constant 0 : i32
    %dma_start3A_68 = tpu.memref_slice %arg11[%dma_start3A_65, %dma_start3A_66, %dma_start3A_67] : memref<6x80x48xf32, #tpu.memory_space<vmem>> -> memref<1x80x48xf32, #tpu.memory_space<vmem>>
    %dma_start3A_69 = tpu.memref_squeeze %dma_start3A_68 : memref<1x80x48xf32, #tpu.memory_space<vmem>> -> memref<80x48xf32, #tpu.memory_space<vmem>>
    %dma_start3A_70 = arith.constant 0 : i32
    %dma_start3A_71 = tpu.memref_slice %arg9[%dma_start3A_64, %dma_start3A_70] : memref<125x80xi32, #tpu.memory_space<vmem>> -> memref<1x80xi32, #tpu.memory_space<vmem>>
    %dma_start3A_72 = tpu.memref_squeeze %dma_start3A_71 : memref<1x80xi32, #tpu.memory_space<vmem>> -> memref<80xi32, #tpu.memory_space<vmem>>
    %dma_start3A_73 = arith.constant 0 : i32
    %dma_start3A_74 = arith.constant 0 : i32
    %dma_start3A_75 = tpu.memref_slice %arg3[%dma_start3A_73, %dma_start3A_74] : memref<10000x48xf32, #tpu.memory_space<hbm>> -> memref<10000x48xf32, #tpu.memory_space<hbm>>
    tpu.enqueue_indirect_dma source(%dma_start3A_75 : memref<10000x48xf32, #tpu.memory_space<hbm>>) target(%dma_start3A_69 : memref<80x48xf32, #tpu.memory_space<vmem>>) offsets(%dma_start3A_72 : memref<80xi32, #tpu.memory_space<vmem>>) semaphore(%arg13 : memref<!tpu.dma_semaphore, #tpu.memory_space<semaphore_mem>>)
    %dma_start3A_76 = arith.constant 3 : i32
    %dma_start3A_77 = arith.constant 3 : i32
    %dma_start3A_78 = arith.constant 0 : i32
    %dma_start3A_79 = arith.constant 0 : i32
    %dma_start3A_80 = tpu.memref_slice %arg10[%dma_start3A_77, %dma_start3A_78, %dma_start3A_79] : memref<6x80x48xf32, #tpu.memory_space<vmem>> -> memref<1x80x48xf32, #tpu.memory_space<vmem>>
    %dma_start3A_81 = tpu.memref_squeeze %dma_start3A_80 : memref<1x80x48xf32, #tpu.memory_space<vmem>> -> memref<80x48xf32, #tpu.memory_space<vmem>>
    %dma_start3A_82 = arith.constant 0 : i32
    %dma_start3A_83 = tpu.memref_slice %arg8[%dma_start3A_76, %dma_start3A_82] : memref<125x80xi32, #tpu.memory_space<vmem>> -> memref<1x80xi32, #tpu.memory_space<vmem>>
    %dma_start3A_84 = tpu.memref_squeeze %dma_start3A_83 : memref<1x80xi32, #tpu.memory_space<vmem>> -> memref<80xi32, #tpu.memory_space<vmem>>
    %dma_start3A_85 = arith.constant 0 : i32
    %dma_start3A_86 = arith.constant 0 : i32
    %dma_start3A_87 = tpu.memref_slice %arg2[%dma_start3A_85, %dma_start3A_86] : memref<10000x48xf32, #tpu.memory_space<hbm>> -> memref<10000x48xf32, #tpu.memory_space<hbm>>
    tpu.enqueue_indirect_dma source(%dma_start3A_87 : memref<10000x48xf32, #tpu.memory_space<hbm>>) target(%dma_start3A_81 : memref<80x48xf32, #tpu.memory_space<vmem>>) offsets(%dma_start3A_84 : memref<80xi32, #tpu.memory_space<vmem>>) semaphore(%arg12 : memref<!tpu.dma_semaphore, #tpu.memory_space<semaphore_mem>>)
    %dma_start3A_88 = arith.constant 3 : i32
    %dma_start3A_89 = arith.constant 3 : i32
    %dma_start3A_90 = arith.constant 0 : i32
    %dma_start3A_91 = arith.constant 0 : i32
    %dma_start3A_92 = tpu.memref_slice %arg11[%dma_start3A_89, %dma_start3A_90, %dma_start3A_91] : memref<6x80x48xf32, #tpu.memory_space<vmem>> -> memref<1x80x48xf32, #tpu.memory_space<vmem>>
    %dma_start3A_93 = tpu.memref_squeeze %dma_start3A_92 : memref<1x80x48xf32, #tpu.memory_space<vmem>> -> memref<80x48xf32, #tpu.memory_space<vmem>>
    %dma_start3A_94 = arith.constant 0 : i32
    %dma_start3A_95 = tpu.memref_slice %arg9[%dma_start3A_88, %dma_start3A_94] : memref<125x80xi32, #tpu.memory_space<vmem>> -> memref<1x80xi32, #tpu.memory_space<vmem>>
    %dma_start3A_96 = tpu.memref_squeeze %dma_start3A_95 : memref<1x80xi32, #tpu.memory_space<vmem>> -> memref<80xi32, #tpu.memory_space<vmem>>
    %dma_start3A_97 = arith.constant 0 : i32
    %dma_start3A_98 = arith.constant 0 : i32
    %dma_start3A_99 = tpu.memref_slice %arg3[%dma_start3A_97, %dma_start3A_98] : memref<10000x48xf32, #tpu.memory_space<hbm>> -> memref<10000x48xf32, #tpu.memory_space<hbm>>
    tpu.enqueue_indirect_dma source(%dma_start3A_99 : memref<10000x48xf32, #tpu.memory_space<hbm>>) target(%dma_start3A_93 : memref<80x48xf32, #tpu.memory_space<vmem>>) offsets(%dma_start3A_96 : memref<80xi32, #tpu.memory_space<vmem>>) semaphore(%arg13 : memref<!tpu.dma_semaphore, #tpu.memory_space<semaphore_mem>>)
    %dma_start3A_100 = arith.constant 4 : i32
    %dma_start3A_101 = arith.constant 4 : i32
    %dma_start3A_102 = arith.constant 0 : i32
    %dma_start3A_103 = arith.constant 0 : i32
    %dma_start3A_104 = tpu.memref_slice %arg10[%dma_start3A_101, %dma_start3A_102, %dma_start3A_103] : memref<6x80x48xf32, #tpu.memory_space<vmem>> -> memref<1x80x48xf32, #tpu.memory_space<vmem>>
    %dma_start3A_105 = tpu.memref_squeeze %dma_start3A_104 : memref<1x80x48xf32, #tpu.memory_space<vmem>> -> memref<80x48xf32, #tpu.memory_space<vmem>>
    %dma_start3A_106 = arith.constant 0 : i32
    %dma_start3A_107 = tpu.memref_slice %arg8[%dma_start3A_100, %dma_start3A_106] : memref<125x80xi32, #tpu.memory_space<vmem>> -> memref<1x80xi32, #tpu.memory_space<vmem>>
    %dma_start3A_108 = tpu.memref_squeeze %dma_start3A_107 : memref<1x80xi32, #tpu.memory_space<vmem>> -> memref<80xi32, #tpu.memory_space<vmem>>
    %dma_start3A_109 = arith.constant 0 : i32
    %dma_start3A_110 = arith.constant 0 : i32
    %dma_start3A_111 = tpu.memref_slice %arg2[%dma_start3A_109, %dma_start3A_110] : memref<10000x48xf32, #tpu.memory_space<hbm>> -> memref<10000x48xf32, #tpu.memory_space<hbm>>
    tpu.enqueue_indirect_dma source(%dma_start3A_111 : memref<10000x48xf32, #tpu.memory_space<hbm>>) target(%dma_start3A_105 : memref<80x48xf32, #tpu.memory_space<vmem>>) offsets(%dma_start3A_108 : memref<80xi32, #tpu.memory_space<vmem>>) semaphore(%arg12 : memref<!tpu.dma_semaphore, #tpu.memory_space<semaphore_mem>>)
    %dma_start3A_112 = arith.constant 4 : i32
    %dma_start3A_113 = arith.constant 4 : i32
    %dma_start3A_114 = arith.constant 0 : i32
    %dma_start3A_115 = arith.constant 0 : i32
    %dma_start3A_116 = tpu.memref_slice %arg11[%dma_start3A_113, %dma_start3A_114, %dma_start3A_115] : memref<6x80x48xf32, #tpu.memory_space<vmem>> -> memref<1x80x48xf32, #tpu.memory_space<vmem>>
    %dma_start3A_117 = tpu.memref_squeeze %dma_start3A_116 : memref<1x80x48xf32, #tpu.memory_space<vmem>> -> memref<80x48xf32, #tpu.memory_space<vmem>>
    %dma_start3A_118 = arith.constant 0 : i32
    %dma_start3A_119 = tpu.memref_slice %arg9[%dma_start3A_112, %dma_start3A_118] : memref<125x80xi32, #tpu.memory_space<vmem>> -> memref<1x80xi32, #tpu.memory_space<vmem>>
    %dma_start3A_120 = tpu.memref_squeeze %dma_start3A_119 : memref<1x80xi32, #tpu.memory_space<vmem>> -> memref<80xi32, #tpu.memory_space<vmem>>
    %dma_start3A_121 = arith.constant 0 : i32
    %dma_start3A_122 = arith.constant 0 : i32
    %dma_start3A_123 = tpu.memref_slice %arg3[%dma_start3A_121, %dma_start3A_122] : memref<10000x48xf32, #tpu.memory_space<hbm>> -> memref<10000x48xf32, #tpu.memory_space<hbm>>
    tpu.enqueue_indirect_dma source(%dma_start3A_123 : memref<10000x48xf32, #tpu.memory_space<hbm>>) target(%dma_start3A_117 : memref<80x48xf32, #tpu.memory_space<vmem>>) offsets(%dma_start3A_120 : memref<80xi32, #tpu.memory_space<vmem>>) semaphore(%arg13 : memref<!tpu.dma_semaphore, #tpu.memory_space<semaphore_mem>>)
    %scan3A = arith.constant 0 : i32
    %scan3A_124 = arith.constant 125 : i32
    %scan3A_125 = arith.addi %scan3A, %scan3A_124 : i32
    %scan3A_126 = arith.constant 1 : i32
    scf.for %scan3A_283 = %scan3A to %scan3A_125 step %scan3A_126  : i32 {
      %mul3A_284 = arith.constant 1 : i32
      %mul3A_285 = arith.muli %scan3A_283, %mul3A_284 : i32
      %add3A_286 = arith.constant 0 : i32
      %add3A_287 = arith.addi %add3A_286, %mul3A_285 : i32
      %rem3A = arith.constant 6 : i32
      %rem3A_288 = arith.remsi %add3A_287, %rem3A : i32
      %dma_wait3A_289 = arith.constant 0 : i32
      %dma_wait3A_290 = arith.constant 0 : i32
      %dma_wait3A_291 = arith.constant 0 : i32
      %dma_wait3A_292 = tpu.memref_slice %arg10[%rem3A_288, %dma_wait3A_290, %dma_wait3A_291] : memref<6x80x48xf32, #tpu.memory_space<vmem>> -> memref<1x80x48xf32, #tpu.memory_space<vmem>>
      %dma_wait3A_293 = tpu.memref_squeeze %dma_wait3A_292 : memref<1x80x48xf32, #tpu.memory_space<vmem>> -> memref<80x48xf32, #tpu.memory_space<vmem>>
      %dma_wait3A_294 = arith.constant 0 : i32
      %dma_wait3A_295 = tpu.memref_slice %arg8[%dma_wait3A_289, %dma_wait3A_294] : memref<125x80xi32, #tpu.memory_space<vmem>> -> memref<1x80xi32, #tpu.memory_space<vmem>>
      %dma_wait3A_296 = tpu.memref_squeeze %dma_wait3A_295 : memref<1x80xi32, #tpu.memory_space<vmem>> -> memref<80xi32, #tpu.memory_space<vmem>>
      %dma_wait3A_297 = arith.constant 0 : i32
      %dma_wait3A_298 = arith.constant 0 : i32
      %dma_wait3A_299 = tpu.memref_slice %arg2[%dma_wait3A_297, %dma_wait3A_298] : memref<10000x48xf32, #tpu.memory_space<hbm>> -> memref<10000x48xf32, #tpu.memory_space<hbm>>
      tpu.wait_indirect_dma semaphore(%arg12 : memref<!tpu.dma_semaphore, #tpu.memory_space<semaphore_mem>>) src(%dma_wait3A_299 : memref<10000x48xf32, #tpu.memory_space<hbm>>) dst(%dma_wait3A_293 : memref<80x48xf32, #tpu.memory_space<vmem>>)
      %dma_wait3A_300 = arith.constant 0 : i32
      %dma_wait3A_301 = arith.constant 0 : i32
      %dma_wait3A_302 = arith.constant 0 : i32
      %dma_wait3A_303 = tpu.memref_slice %arg11[%rem3A_288, %dma_wait3A_301, %dma_wait3A_302] : memref<6x80x48xf32, #tpu.memory_space<vmem>> -> memref<1x80x48xf32, #tpu.memory_space<vmem>>
      %dma_wait3A_304 = tpu.memref_squeeze %dma_wait3A_303 : memref<1x80x48xf32, #tpu.memory_space<vmem>> -> memref<80x48xf32, #tpu.memory_space<vmem>>
      %dma_wait3A_305 = arith.constant 0 : i32
      %dma_wait3A_306 = tpu.memref_slice %arg9[%dma_wait3A_300, %dma_wait3A_305] : memref<125x80xi32, #tpu.memory_space<vmem>> -> memref<1x80xi32, #tpu.memory_space<vmem>>
      %dma_wait3A_307 = tpu.memref_squeeze %dma_wait3A_306 : memref<1x80xi32, #tpu.memory_space<vmem>> -> memref<80xi32, #tpu.memory_space<vmem>>
      %dma_wait3A_308 = arith.constant 0 : i32
      %dma_wait3A_309 = arith.constant 0 : i32
      %dma_wait3A_310 = tpu.memref_slice %arg3[%dma_wait3A_308, %dma_wait3A_309] : memref<10000x48xf32, #tpu.memory_space<hbm>> -> memref<10000x48xf32, #tpu.memory_space<hbm>>
      tpu.wait_indirect_dma semaphore(%arg13 : memref<!tpu.dma_semaphore, #tpu.memory_space<semaphore_mem>>) src(%dma_wait3A_310 : memref<10000x48xf32, #tpu.memory_space<hbm>>) dst(%dma_wait3A_304 : memref<80x48xf32, #tpu.memory_space<vmem>>)
      %mul3A_311 = arith.constant 80 : i32
      %mul3A_312 = arith.muli %add3A_287, %mul3A_311 : i32
      %add3A_313 = arith.addi %mul3A_2, %mul3A_312 : i32
      %dma_start3A_314 = arith.constant 0 : i32
      %dma_start3A_315 = arith.constant 0 : i32
      %dma_start3A_316 = tpu.memref_slice %arg10[%rem3A_288, %dma_start3A_314, %dma_start3A_315] : memref<6x80x48xf32, #tpu.memory_space<vmem>> -> memref<1x80x48xf32, #tpu.memory_space<vmem>>
      %dma_start3A_317 = tpu.memref_squeeze %dma_start3A_316 : memref<1x80x48xf32, #tpu.memory_space<vmem>> -> memref<80x48xf32, #tpu.memory_space<vmem>>
      %dma_start3A_318 = arith.constant 0 : i32
      %dma_start3A_319 = tpu.memref_slice %arg6[%add3A_313, %dma_start3A_318] : memref<320000x48xf32, #tpu.memory_space<hbm>> -> memref<80x48xf32, #tpu.memory_space<hbm>>
      %dma_start3A_320 = arith.constant 0 : i32
      %dma_start3A_321 = tpu.memref_slice %arg6[%add3A_313, %dma_start3A_320] : memref<320000x48xf32, #tpu.memory_space<hbm>> -> memref<80x48xf32, #tpu.memory_space<hbm>>
      %dma_start3A_322 = arith.constant 0 : i32
      %dma_start3A_323 = arith.constant 0 : i32
      %dma_start3A_324 = tpu.memref_slice %arg10[%rem3A_288, %dma_start3A_322, %dma_start3A_323] : memref<6x80x48xf32, #tpu.memory_space<vmem>> -> memref<1x80x48xf32, #tpu.memory_space<vmem>>
      %dma_start3A_325 = tpu.memref_squeeze %dma_start3A_324 : memref<1x80x48xf32, #tpu.memory_space<vmem>> -> memref<80x48xf32, #tpu.memory_space<vmem>>
      tpu.enqueue_dma source(%dma_start3A_325 : memref<80x48xf32, #tpu.memory_space<vmem>>) target(%dma_start3A_321 : memref<80x48xf32, #tpu.memory_space<hbm>>) target_semaphore(%arg14 : memref<!tpu.dma_semaphore, #tpu.memory_space<semaphore_mem>>)
      %dma_start3A_326 = arith.constant 0 : i32
      %dma_start3A_327 = arith.constant 0 : i32
      %dma_start3A_328 = tpu.memref_slice %arg11[%rem3A_288, %dma_start3A_326, %dma_start3A_327] : memref<6x80x48xf32, #tpu.memory_space<vmem>> -> memref<1x80x48xf32, #tpu.memory_space<vmem>>
      %dma_start3A_329 = tpu.memref_squeeze %dma_start3A_328 : memref<1x80x48xf32, #tpu.memory_space<vmem>> -> memref<80x48xf32, #tpu.memory_space<vmem>>
      %dma_start3A_330 = arith.constant 0 : i32
      %dma_start3A_331 = tpu.memref_slice %arg7[%add3A_313, %dma_start3A_330] : memref<320000x48xf32, #tpu.memory_space<hbm>> -> memref<80x48xf32, #tpu.memory_space<hbm>>
      %dma_start3A_332 = arith.constant 0 : i32
      %dma_start3A_333 = tpu.memref_slice %arg7[%add3A_313, %dma_start3A_332] : memref<320000x48xf32, #tpu.memory_space<hbm>> -> memref<80x48xf32, #tpu.memory_space<hbm>>
      %dma_start3A_334 = arith.constant 0 : i32
      %dma_start3A_335 = arith.constant 0 : i32
      %dma_start3A_336 = tpu.memref_slice %arg11[%rem3A_288, %dma_start3A_334, %dma_start3A_335] : memref<6x80x48xf32, #tpu.memory_space<vmem>> -> memref<1x80x48xf32, #tpu.memory_space<vmem>>
      %dma_start3A_337 = tpu.memref_squeeze %dma_start3A_336 : memref<1x80x48xf32, #tpu.memory_space<vmem>> -> memref<80x48xf32, #tpu.memory_space<vmem>>
      tpu.enqueue_dma source(%dma_start3A_337 : memref<80x48xf32, #tpu.memory_space<vmem>>) target(%dma_start3A_333 : memref<80x48xf32, #tpu.memory_space<hbm>>) target_semaphore(%arg15 : memref<!tpu.dma_semaphore, #tpu.memory_space<semaphore_mem>>)
      %add3A_338 = arith.constant 6 : i32
      %add3A_339 = arith.addi %add3A_287, %add3A_338 : i32
      %sub3A = arith.constant 1 : i32
      %sub3A_340 = arith.subi %add3A_339, %sub3A : i32
      %lt3A = arith.constant 125 : i32
      %lt3A_341 = arith.cmpi slt, %sub3A_340, %lt3A : i32
      %convert_element_type3A = arith.extui %lt3A_341 : i1 to i32
      %cond3A = arith.constant 0 : i32
      %cond3A_342 = arith.cmpi ne, %convert_element_type3A, %cond3A : i32
      scf.if %cond3A_342 {
        %ge3A = arith.constant 1 : i32
        %ge3A_343 = arith.cmpi sge, %add3A_287, %ge3A : i32
        %convert_element_type3A_344 = arith.extui %ge3A_343 : i1 to i32
        %cond3A_345 = arith.constant 0 : i32
        %cond3A_346 = arith.cmpi ne, %convert_element_type3A_344, %cond3A_345 : i32
        scf.if %cond3A_346 {
          %dma_wait3A_381 = arith.constant 0 : i32
          %dma_wait3A_382 = arith.constant 0 : i32
          %dma_wait3A_383 = arith.constant 0 : i32
          %dma_wait3A_384 = tpu.memref_slice %arg10[%dma_wait3A_381, %dma_wait3A_382, %dma_wait3A_383] : memref<6x80x48xf32, #tpu.memory_space<vmem>> -> memref<1x80x48xf32, #tpu.memory_space<vmem>>
          %dma_wait3A_385 = tpu.memref_squeeze %dma_wait3A_384 : memref<1x80x48xf32, #tpu.memory_space<vmem>> -> memref<80x48xf32, #tpu.memory_space<vmem>>
          %dma_wait3A_386 = arith.constant 0 : i32
          %dma_wait3A_387 = tpu.memref_slice %arg6[%mul3A_2, %dma_wait3A_386] : memref<320000x48xf32, #tpu.memory_space<hbm>> -> memref<80x48xf32, #tpu.memory_space<hbm>>
          %dma_wait3A_388 = arith.constant 0 : i32
          %dma_wait3A_389 = tpu.memref_slice %arg6[%mul3A_2, %dma_wait3A_388] : memref<320000x48xf32, #tpu.memory_space<hbm>> -> memref<80x48xf32, #tpu.memory_space<hbm>>
          %dma_wait3A_390 = arith.constant 0 : i32
          %dma_wait3A_391 = arith.constant 0 : i32
          %dma_wait3A_392 = tpu.memref_slice %arg10[%dma_wait3A_381, %dma_wait3A_390, %dma_wait3A_391] : memref<6x80x48xf32, #tpu.memory_space<vmem>> -> memref<1x80x48xf32, #tpu.memory_space<vmem>>
          %dma_wait3A_393 = tpu.memref_squeeze %dma_wait3A_392 : memref<1x80x48xf32, #tpu.memory_space<vmem>> -> memref<80x48xf32, #tpu.memory_space<vmem>>
          tpu.wait_dma2 semaphore(%arg14 : memref<!tpu.dma_semaphore, #tpu.memory_space<semaphore_mem>>) src(%dma_wait3A_393 : memref<80x48xf32, #tpu.memory_space<vmem>>) dst(%dma_wait3A_389 : memref<80x48xf32, #tpu.memory_space<hbm>>)
          %dma_wait3A_394 = arith.constant 0 : i32
          %dma_wait3A_395 = arith.constant 0 : i32
          %dma_wait3A_396 = arith.constant 0 : i32
          %dma_wait3A_397 = tpu.memref_slice %arg11[%dma_wait3A_394, %dma_wait3A_395, %dma_wait3A_396] : memref<6x80x48xf32, #tpu.memory_space<vmem>> -> memref<1x80x48xf32, #tpu.memory_space<vmem>>
          %dma_wait3A_398 = tpu.memref_squeeze %dma_wait3A_397 : memref<1x80x48xf32, #tpu.memory_space<vmem>> -> memref<80x48xf32, #tpu.memory_space<vmem>>
          %dma_wait3A_399 = arith.constant 0 : i32
          %dma_wait3A_400 = tpu.memref_slice %arg7[%mul3A_2, %dma_wait3A_399] : memref<320000x48xf32, #tpu.memory_space<hbm>> -> memref<80x48xf32, #tpu.memory_space<hbm>>
          %dma_wait3A_401 = arith.constant 0 : i32
          %dma_wait3A_402 = tpu.memref_slice %arg7[%mul3A_2, %dma_wait3A_401] : memref<320000x48xf32, #tpu.memory_space<hbm>> -> memref<80x48xf32, #tpu.memory_space<hbm>>
          %dma_wait3A_403 = arith.constant 0 : i32
          %dma_wait3A_404 = arith.constant 0 : i32
          %dma_wait3A_405 = tpu.memref_slice %arg11[%dma_wait3A_394, %dma_wait3A_403, %dma_wait3A_404] : memref<6x80x48xf32, #tpu.memory_space<vmem>> -> memref<1x80x48xf32, #tpu.memory_space<vmem>>
          %dma_wait3A_406 = tpu.memref_squeeze %dma_wait3A_405 : memref<1x80x48xf32, #tpu.memory_space<vmem>> -> memref<80x48xf32, #tpu.memory_space<vmem>>
          tpu.wait_dma2 semaphore(%arg15 : memref<!tpu.dma_semaphore, #tpu.memory_space<semaphore_mem>>) src(%dma_wait3A_406 : memref<80x48xf32, #tpu.memory_space<vmem>>) dst(%dma_wait3A_402 : memref<80x48xf32, #tpu.memory_space<hbm>>)
        } else {
        }
        %add3A_347 = arith.constant 6 : i32
        %add3A_348 = arith.addi %add3A_287, %add3A_347 : i32
        %sub3A_349 = arith.constant 1 : i32
        %sub3A_350 = arith.subi %add3A_348, %sub3A_349 : i32
        %rem3A_351 = arith.constant 6 : i32
        %rem3A_352 = arith.remsi %sub3A_350, %rem3A_351 : i32
        %add3A_353 = arith.constant 6 : i32
        %add3A_354 = arith.addi %add3A_287, %add3A_353 : i32
        %sub3A_355 = arith.constant 1 : i32
        %sub3A_356 = arith.subi %add3A_354, %sub3A_355 : i32
        %dma_start3A_357 = arith.constant 0 : i32
        %dma_start3A_358 = arith.constant 0 : i32
        %dma_start3A_359 = tpu.memref_slice %arg10[%rem3A_352, %dma_start3A_357, %dma_start3A_358] : memref<6x80x48xf32, #tpu.memory_space<vmem>> -> memref<1x80x48xf32, #tpu.memory_space<vmem>>
        %dma_start3A_360 = tpu.memref_squeeze %dma_start3A_359 : memref<1x80x48xf32, #tpu.memory_space<vmem>> -> memref<80x48xf32, #tpu.memory_space<vmem>>
        %dma_start3A_361 = arith.constant 0 : i32
        %dma_start3A_362 = tpu.memref_slice %arg8[%sub3A_356, %dma_start3A_361] : memref<125x80xi32, #tpu.memory_space<vmem>> -> memref<1x80xi32, #tpu.memory_space<vmem>>
        %dma_start3A_363 = tpu.memref_squeeze %dma_start3A_362 : memref<1x80xi32, #tpu.memory_space<vmem>> -> memref<80xi32, #tpu.memory_space<vmem>>
        %dma_start3A_364 = arith.constant 0 : i32
        %dma_start3A_365 = arith.constant 0 : i32
        %dma_start3A_366 = tpu.memref_slice %arg2[%dma_start3A_364, %dma_start3A_365] : memref<10000x48xf32, #tpu.memory_space<hbm>> -> memref<10000x48xf32, #tpu.memory_space<hbm>>
        tpu.enqueue_indirect_dma source(%dma_start3A_366 : memref<10000x48xf32, #tpu.memory_space<hbm>>) target(%dma_start3A_360 : memref<80x48xf32, #tpu.memory_space<vmem>>) offsets(%dma_start3A_363 : memref<80xi32, #tpu.memory_space<vmem>>) semaphore(%arg12 : memref<!tpu.dma_semaphore, #tpu.memory_space<semaphore_mem>>)
        %add3A_367 = arith.constant 6 : i32
        %add3A_368 = arith.addi %add3A_287, %add3A_367 : i32
        %sub3A_369 = arith.constant 1 : i32
        %sub3A_370 = arith.subi %add3A_368, %sub3A_369 : i32
        %dma_start3A_371 = arith.constant 0 : i32
        %dma_start3A_372 = arith.constant 0 : i32
        %dma_start3A_373 = tpu.memref_slice %arg11[%rem3A_352, %dma_start3A_371, %dma_start3A_372] : memref<6x80x48xf32, #tpu.memory_space<vmem>> -> memref<1x80x48xf32, #tpu.memory_space<vmem>>
        %dma_start3A_374 = tpu.memref_squeeze %dma_start3A_373 : memref<1x80x48xf32, #tpu.memory_space<vmem>> -> memref<80x48xf32, #tpu.memory_space<vmem>>
        %dma_start3A_375 = arith.constant 0 : i32
        %dma_start3A_376 = tpu.memref_slice %arg9[%sub3A_370, %dma_start3A_375] : memref<125x80xi32, #tpu.memory_space<vmem>> -> memref<1x80xi32, #tpu.memory_space<vmem>>
        %dma_start3A_377 = tpu.memref_squeeze %dma_start3A_376 : memref<1x80xi32, #tpu.memory_space<vmem>> -> memref<80xi32, #tpu.memory_space<vmem>>
        %dma_start3A_378 = arith.constant 0 : i32
        %dma_start3A_379 = arith.constant 0 : i32
        %dma_start3A_380 = tpu.memref_slice %arg3[%dma_start3A_378, %dma_start3A_379] : memref<10000x48xf32, #tpu.memory_space<hbm>> -> memref<10000x48xf32, #tpu.memory_space<hbm>>
        tpu.enqueue_indirect_dma source(%dma_start3A_380 : memref<10000x48xf32, #tpu.memory_space<hbm>>) target(%dma_start3A_374 : memref<80x48xf32, #tpu.memory_space<vmem>>) offsets(%dma_start3A_377 : memref<80xi32, #tpu.memory_space<vmem>>) semaphore(%arg13 : memref<!tpu.dma_semaphore, #tpu.memory_space<semaphore_mem>>)
      } else {
      }
    }
    %scan3A_127 = arith.constant 125 : i32
    %dma_wait3A = arith.constant 0 : i32
    %dma_wait3A_128 = arith.constant 0 : i32
    %dma_wait3A_129 = arith.constant 0 : i32
    %dma_wait3A_130 = tpu.memref_slice %arg10[%dma_wait3A, %dma_wait3A_128, %dma_wait3A_129] : memref<6x80x48xf32, #tpu.memory_space<vmem>> -> memref<1x80x48xf32, #tpu.memory_space<vmem>>
    %dma_wait3A_131 = tpu.memref_squeeze %dma_wait3A_130 : memref<1x80x48xf32, #tpu.memory_space<vmem>> -> memref<80x48xf32, #tpu.memory_space<vmem>>
    %dma_wait3A_132 = arith.constant 0 : i32
    %dma_wait3A_133 = tpu.memref_slice %arg6[%mul3A_2, %dma_wait3A_132] : memref<320000x48xf32, #tpu.memory_space<hbm>> -> memref<80x48xf32, #tpu.memory_space<hbm>>
    %dma_wait3A_134 = arith.constant 0 : i32
    %dma_wait3A_135 = tpu.memref_slice %arg6[%mul3A_2, %dma_wait3A_134] : memref<320000x48xf32, #tpu.memory_space<hbm>> -> memref<80x48xf32, #tpu.memory_space<hbm>>
    %dma_wait3A_136 = arith.constant 0 : i32
    %dma_wait3A_137 = arith.constant 0 : i32
    %dma_wait3A_138 = tpu.memref_slice %arg10[%dma_wait3A, %dma_wait3A_136, %dma_wait3A_137] : memref<6x80x48xf32, #tpu.memory_space<vmem>> -> memref<1x80x48xf32, #tpu.memory_space<vmem>>
    %dma_wait3A_139 = tpu.memref_squeeze %dma_wait3A_138 : memref<1x80x48xf32, #tpu.memory_space<vmem>> -> memref<80x48xf32, #tpu.memory_space<vmem>>
    tpu.wait_dma2 semaphore(%arg14 : memref<!tpu.dma_semaphore, #tpu.memory_space<semaphore_mem>>) src(%dma_wait3A_139 : memref<80x48xf32, #tpu.memory_space<vmem>>) dst(%dma_wait3A_135 : memref<80x48xf32, #tpu.memory_space<hbm>>)
    %dma_wait3A_140 = arith.constant 0 : i32
    %dma_wait3A_141 = arith.constant 0 : i32
    %dma_wait3A_142 = arith.constant 0 : i32
    %dma_wait3A_143 = tpu.memref_slice %arg11[%dma_wait3A_140, %dma_wait3A_141, %dma_wait3A_142] : memref<6x80x48xf32, #tpu.memory_space<vmem>> -> memref<1x80x48xf32, #tpu.memory_space<vmem>>
    %dma_wait3A_144 = tpu.memref_squeeze %dma_wait3A_143 : memref<1x80x48xf32, #tpu.memory_space<vmem>> -> memref<80x48xf32, #tpu.memory_space<vmem>>
    %dma_wait3A_145 = arith.constant 0 : i32
    %dma_wait3A_146 = tpu.memref_slice %arg7[%mul3A_2, %dma_wait3A_145] : memref<320000x48xf32, #tpu.memory_space<hbm>> -> memref<80x48xf32, #tpu.memory_space<hbm>>
    %dma_wait3A_147 = arith.constant 0 : i32
    %dma_wait3A_148 = tpu.memref_slice %arg7[%mul3A_2, %dma_wait3A_147] : memref<320000x48xf32, #tpu.memory_space<hbm>> -> memref<80x48xf32, #tpu.memory_space<hbm>>
    %dma_wait3A_149 = arith.constant 0 : i32
    %dma_wait3A_150 = arith.constant 0 : i32
    %dma_wait3A_151 = tpu.memref_slice %arg11[%dma_wait3A_140, %dma_wait3A_149, %dma_wait3A_150] : memref<6x80x48xf32, #tpu.memory_space<vmem>> -> memref<1x80x48xf32, #tpu.memory_space<vmem>>
    %dma_wait3A_152 = tpu.memref_squeeze %dma_wait3A_151 : memref<1x80x48xf32, #tpu.memory_space<vmem>> -> memref<80x48xf32, #tpu.memory_space<vmem>>
    tpu.wait_dma2 semaphore(%arg15 : memref<!tpu.dma_semaphore, #tpu.memory_space<semaphore_mem>>) src(%dma_wait3A_152 : memref<80x48xf32, #tpu.memory_space<vmem>>) dst(%dma_wait3A_148 : memref<80x48xf32, #tpu.memory_space<hbm>>)
    %dma_wait3A_153 = arith.constant 0 : i32
    %dma_wait3A_154 = arith.constant 0 : i32
    %dma_wait3A_155 = arith.constant 0 : i32
    %dma_wait3A_156 = tpu.memref_slice %arg10[%dma_wait3A_153, %dma_wait3A_154, %dma_wait3A_155] : memref<6x80x48xf32, #tpu.memory_space<vmem>> -> memref<1x80x48xf32, #tpu.memory_space<vmem>>
    %dma_wait3A_157 = tpu.memref_squeeze %dma_wait3A_156 : memref<1x80x48xf32, #tpu.memory_space<vmem>> -> memref<80x48xf32, #tpu.memory_space<vmem>>
    %dma_wait3A_158 = arith.constant 0 : i32
    %dma_wait3A_159 = tpu.memref_slice %arg6[%mul3A_2, %dma_wait3A_158] : memref<320000x48xf32, #tpu.memory_space<hbm>> -> memref<80x48xf32, #tpu.memory_space<hbm>>
    %dma_wait3A_160 = arith.constant 0 : i32
    %dma_wait3A_161 = tpu.memref_slice %arg6[%mul3A_2, %dma_wait3A_160] : memref<320000x48xf32, #tpu.memory_space<hbm>> -> memref<80x48xf32, #tpu.memory_space<hbm>>
    %dma_wait3A_162 = arith.constant 0 : i32
    %dma_wait3A_163 = arith.constant 0 : i32
    %dma_wait3A_164 = tpu.memref_slice %arg10[%dma_wait3A_153, %dma_wait3A_162, %dma_wait3A_163] : memref<6x80x48xf32, #tpu.memory_space<vmem>> -> memref<1x80x48xf32, #tpu.memory_space<vmem>>
    %dma_wait3A_165 = tpu.memref_squeeze %dma_wait3A_164 : memref<1x80x48xf32, #tpu.memory_space<vmem>> -> memref<80x48xf32, #tpu.memory_space<vmem>>
    tpu.wait_dma2 semaphore(%arg14 : memref<!tpu.dma_semaphore, #tpu.memory_space<semaphore_mem>>) src(%dma_wait3A_165 : memref<80x48xf32, #tpu.memory_space<vmem>>) dst(%dma_wait3A_161 : memref<80x48xf32, #tpu.memory_space<hbm>>)
    %dma_wait3A_166 = arith.constant 0 : i32
    %dma_wait3A_167 = arith.constant 0 : i32
    %dma_wait3A_168 = arith.constant 0 : i32
    %dma_wait3A_169 = tpu.memref_slice %arg11[%dma_wait3A_166, %dma_wait3A_167, %dma_wait3A_168] : memref<6x80x48xf32, #tpu.memory_space<vmem>> -> memref<1x80x48xf32, #tpu.memory_space<vmem>>
    %dma_wait3A_170 = tpu.memref_squeeze %dma_wait3A_169 : memref<1x80x48xf32, #tpu.memory_space<vmem>> -> memref<80x48xf32, #tpu.memory_space<vmem>>
    %dma_wait3A_171 = arith.constant 0 : i32
    %dma_wait3A_172 = tpu.memref_slice %arg7[%mul3A_2, %dma_wait3A_171] : memref<320000x48xf32, #tpu.memory_space<hbm>> -> memref<80x48xf32, #tpu.memory_space<hbm>>
    %dma_wait3A_173 = arith.constant 0 : i32
    %dma_wait3A_174 = tpu.memref_slice %arg7[%mul3A_2, %dma_wait3A_173] : memref<320000x48xf32, #tpu.memory_space<hbm>> -> memref<80x48xf32, #tpu.memory_space<hbm>>
    %dma_wait3A_175 = arith.constant 0 : i32
    %dma_wait3A_176 = arith.constant 0 : i32
    %dma_wait3A_177 = tpu.memref_slice %arg11[%dma_wait3A_166, %dma_wait3A_175, %dma_wait3A_176] : memref<6x80x48xf32, #tpu.memory_space<vmem>> -> memref<1x80x48xf32, #tpu.memory_space<vmem>>
    %dma_wait3A_178 = tpu.memref_squeeze %dma_wait3A_177 : memref<1x80x48xf32, #tpu.memory_space<vmem>> -> memref<80x48xf32, #tpu.memory_space<vmem>>
    tpu.wait_dma2 semaphore(%arg15 : memref<!tpu.dma_semaphore, #tpu.memory_space<semaphore_mem>>) src(%dma_wait3A_178 : memref<80x48xf32, #tpu.memory_space<vmem>>) dst(%dma_wait3A_174 : memref<80x48xf32, #tpu.memory_space<hbm>>)
    %dma_wait3A_179 = arith.constant 0 : i32
    %dma_wait3A_180 = arith.constant 0 : i32
    %dma_wait3A_181 = arith.constant 0 : i32
    %dma_wait3A_182 = tpu.memref_slice %arg10[%dma_wait3A_179, %dma_wait3A_180, %dma_wait3A_181] : memref<6x80x48xf32, #tpu.memory_space<vmem>> -> memref<1x80x48xf32, #tpu.memory_space<vmem>>
    %dma_wait3A_183 = tpu.memref_squeeze %dma_wait3A_182 : memref<1x80x48xf32, #tpu.memory_space<vmem>> -> memref<80x48xf32, #tpu.memory_space<vmem>>
    %dma_wait3A_184 = arith.constant 0 : i32
    %dma_wait3A_185 = tpu.memref_slice %arg6[%mul3A_2, %dma_wait3A_184] : memref<320000x48xf32, #tpu.memory_space<hbm>> -> memref<80x48xf32, #tpu.memory_space<hbm>>
    %dma_wait3A_186 = arith.constant 0 : i32
    %dma_wait3A_187 = tpu.memref_slice %arg6[%mul3A_2, %dma_wait3A_186] : memref<320000x48xf32, #tpu.memory_space<hbm>> -> memref<80x48xf32, #tpu.memory_space<hbm>>
    %dma_wait3A_188 = arith.constant 0 : i32
    %dma_wait3A_189 = arith.constant 0 : i32
    %dma_wait3A_190 = tpu.memref_slice %arg10[%dma_wait3A_179, %dma_wait3A_188, %dma_wait3A_189] : memref<6x80x48xf32, #tpu.memory_space<vmem>> -> memref<1x80x48xf32, #tpu.memory_space<vmem>>
    %dma_wait3A_191 = tpu.memref_squeeze %dma_wait3A_190 : memref<1x80x48xf32, #tpu.memory_space<vmem>> -> memref<80x48xf32, #tpu.memory_space<vmem>>
    tpu.wait_dma2 semaphore(%arg14 : memref<!tpu.dma_semaphore, #tpu.memory_space<semaphore_mem>>) src(%dma_wait3A_191 : memref<80x48xf32, #tpu.memory_space<vmem>>) dst(%dma_wait3A_187 : memref<80x48xf32, #tpu.memory_space<hbm>>)
    %dma_wait3A_192 = arith.constant 0 : i32
    %dma_wait3A_193 = arith.constant 0 : i32
    %dma_wait3A_194 = arith.constant 0 : i32
    %dma_wait3A_195 = tpu.memref_slice %arg11[%dma_wait3A_192, %dma_wait3A_193, %dma_wait3A_194] : memref<6x80x48xf32, #tpu.memory_space<vmem>> -> memref<1x80x48xf32, #tpu.memory_space<vmem>>
    %dma_wait3A_196 = tpu.memref_squeeze %dma_wait3A_195 : memref<1x80x48xf32, #tpu.memory_space<vmem>> -> memref<80x48xf32, #tpu.memory_space<vmem>>
    %dma_wait3A_197 = arith.constant 0 : i32
    %dma_wait3A_198 = tpu.memref_slice %arg7[%mul3A_2, %dma_wait3A_197] : memref<320000x48xf32, #tpu.memory_space<hbm>> -> memref<80x48xf32, #tpu.memory_space<hbm>>
    %dma_wait3A_199 = arith.constant 0 : i32
    %dma_wait3A_200 = tpu.memref_slice %arg7[%mul3A_2, %dma_wait3A_199] : memref<320000x48xf32, #tpu.memory_space<hbm>> -> memref<80x48xf32, #tpu.memory_space<hbm>>
    %dma_wait3A_201 = arith.constant 0 : i32
    %dma_wait3A_202 = arith.constant 0 : i32
    %dma_wait3A_203 = tpu.memref_slice %arg11[%dma_wait3A_192, %dma_wait3A_201, %dma_wait3A_202] : memref<6x80x48xf32, #tpu.memory_space<vmem>> -> memref<1x80x48xf32, #tpu.memory_space<vmem>>
    %dma_wait3A_204 = tpu.memref_squeeze %dma_wait3A_203 : memref<1x80x48xf32, #tpu.memory_space<vmem>> -> memref<80x48xf32, #tpu.memory_space<vmem>>
    tpu.wait_dma2 semaphore(%arg15 : memref<!tpu.dma_semaphore, #tpu.memory_space<semaphore_mem>>) src(%dma_wait3A_204 : memref<80x48xf32, #tpu.memory_space<vmem>>) dst(%dma_wait3A_200 : memref<80x48xf32, #tpu.memory_space<hbm>>)
    %dma_wait3A_205 = arith.constant 0 : i32
    %dma_wait3A_206 = arith.constant 0 : i32
    %dma_wait3A_207 = arith.constant 0 : i32
    %dma_wait3A_208 = tpu.memref_slice %arg10[%dma_wait3A_205, %dma_wait3A_206, %dma_wait3A_207] : memref<6x80x48xf32, #tpu.memory_space<vmem>> -> memref<1x80x48xf32, #tpu.memory_space<vmem>>
    %dma_wait3A_209 = tpu.memref_squeeze %dma_wait3A_208 : memref<1x80x48xf32, #tpu.memory_space<vmem>> -> memref<80x48xf32, #tpu.memory_space<vmem>>
    %dma_wait3A_210 = arith.constant 0 : i32
    %dma_wait3A_211 = tpu.memref_slice %arg6[%mul3A_2, %dma_wait3A_210] : memref<320000x48xf32, #tpu.memory_space<hbm>> -> memref<80x48xf32, #tpu.memory_space<hbm>>
    %dma_wait3A_212 = arith.constant 0 : i32
    %dma_wait3A_213 = tpu.memref_slice %arg6[%mul3A_2, %dma_wait3A_212] : memref<320000x48xf32, #tpu.memory_space<hbm>> -> memref<80x48xf32, #tpu.memory_space<hbm>>
    %dma_wait3A_214 = arith.constant 0 : i32
    %dma_wait3A_215 = arith.constant 0 : i32
    %dma_wait3A_216 = tpu.memref_slice %arg10[%dma_wait3A_205, %dma_wait3A_214, %dma_wait3A_215] : memref<6x80x48xf32, #tpu.memory_space<vmem>> -> memref<1x80x48xf32, #tpu.memory_space<vmem>>
    %dma_wait3A_217 = tpu.memref_squeeze %dma_wait3A_216 : memref<1x80x48xf32, #tpu.memory_space<vmem>> -> memref<80x48xf32, #tpu.memory_space<vmem>>
    tpu.wait_dma2 semaphore(%arg14 : memref<!tpu.dma_semaphore, #tpu.memory_space<semaphore_mem>>) src(%dma_wait3A_217 : memref<80x48xf32, #tpu.memory_space<vmem>>) dst(%dma_wait3A_213 : memref<80x48xf32, #tpu.memory_space<hbm>>)
    %dma_wait3A_218 = arith.constant 0 : i32
    %dma_wait3A_219 = arith.constant 0 : i32
    %dma_wait3A_220 = arith.constant 0 : i32
    %dma_wait3A_221 = tpu.memref_slice %arg11[%dma_wait3A_218, %dma_wait3A_219, %dma_wait3A_220] : memref<6x80x48xf32, #tpu.memory_space<vmem>> -> memref<1x80x48xf32, #tpu.memory_space<vmem>>
    %dma_wait3A_222 = tpu.memref_squeeze %dma_wait3A_221 : memref<1x80x48xf32, #tpu.memory_space<vmem>> -> memref<80x48xf32, #tpu.memory_space<vmem>>
    %dma_wait3A_223 = arith.constant 0 : i32
    %dma_wait3A_224 = tpu.memref_slice %arg7[%mul3A_2, %dma_wait3A_223] : memref<320000x48xf32, #tpu.memory_space<hbm>> -> memref<80x48xf32, #tpu.memory_space<hbm>>
    %dma_wait3A_225 = arith.constant 0 : i32
    %dma_wait3A_226 = tpu.memref_slice %arg7[%mul3A_2, %dma_wait3A_225] : memref<320000x48xf32, #tpu.memory_space<hbm>> -> memref<80x48xf32, #tpu.memory_space<hbm>>
    %dma_wait3A_227 = arith.constant 0 : i32
    %dma_wait3A_228 = arith.constant 0 : i32
    %dma_wait3A_229 = tpu.memref_slice %arg11[%dma_wait3A_218, %dma_wait3A_227, %dma_wait3A_228] : memref<6x80x48xf32, #tpu.memory_space<vmem>> -> memref<1x80x48xf32, #tpu.memory_space<vmem>>
    %dma_wait3A_230 = tpu.memref_squeeze %dma_wait3A_229 : memref<1x80x48xf32, #tpu.memory_space<vmem>> -> memref<80x48xf32, #tpu.memory_space<vmem>>
    tpu.wait_dma2 semaphore(%arg15 : memref<!tpu.dma_semaphore, #tpu.memory_space<semaphore_mem>>) src(%dma_wait3A_230 : memref<80x48xf32, #tpu.memory_space<vmem>>) dst(%dma_wait3A_226 : memref<80x48xf32, #tpu.memory_space<hbm>>)
    %dma_wait3A_231 = arith.constant 0 : i32
    %dma_wait3A_232 = arith.constant 0 : i32
    %dma_wait3A_233 = arith.constant 0 : i32
    %dma_wait3A_234 = tpu.memref_slice %arg10[%dma_wait3A_231, %dma_wait3A_232, %dma_wait3A_233] : memref<6x80x48xf32, #tpu.memory_space<vmem>> -> memref<1x80x48xf32, #tpu.memory_space<vmem>>
    %dma_wait3A_235 = tpu.memref_squeeze %dma_wait3A_234 : memref<1x80x48xf32, #tpu.memory_space<vmem>> -> memref<80x48xf32, #tpu.memory_space<vmem>>
    %dma_wait3A_236 = arith.constant 0 : i32
    %dma_wait3A_237 = tpu.memref_slice %arg6[%mul3A_2, %dma_wait3A_236] : memref<320000x48xf32, #tpu.memory_space<hbm>> -> memref<80x48xf32, #tpu.memory_space<hbm>>
    %dma_wait3A_238 = arith.constant 0 : i32
    %dma_wait3A_239 = tpu.memref_slice %arg6[%mul3A_2, %dma_wait3A_238] : memref<320000x48xf32, #tpu.memory_space<hbm>> -> memref<80x48xf32, #tpu.memory_space<hbm>>
    %dma_wait3A_240 = arith.constant 0 : i32
    %dma_wait3A_241 = arith.constant 0 : i32
    %dma_wait3A_242 = tpu.memref_slice %arg10[%dma_wait3A_231, %dma_wait3A_240, %dma_wait3A_241] : memref<6x80x48xf32, #tpu.memory_space<vmem>> -> memref<1x80x48xf32, #tpu.memory_space<vmem>>
    %dma_wait3A_243 = tpu.memref_squeeze %dma_wait3A_242 : memref<1x80x48xf32, #tpu.memory_space<vmem>> -> memref<80x48xf32, #tpu.memory_space<vmem>>
    tpu.wait_dma2 semaphore(%arg14 : memref<!tpu.dma_semaphore, #tpu.memory_space<semaphore_mem>>) src(%dma_wait3A_243 : memref<80x48xf32, #tpu.memory_space<vmem>>) dst(%dma_wait3A_239 : memref<80x48xf32, #tpu.memory_space<hbm>>)
    %dma_wait3A_244 = arith.constant 0 : i32
    %dma_wait3A_245 = arith.constant 0 : i32
    %dma_wait3A_246 = arith.constant 0 : i32
    %dma_wait3A_247 = tpu.memref_slice %arg11[%dma_wait3A_244, %dma_wait3A_245, %dma_wait3A_246] : memref<6x80x48xf32, #tpu.memory_space<vmem>> -> memref<1x80x48xf32, #tpu.memory_space<vmem>>
    %dma_wait3A_248 = tpu.memref_squeeze %dma_wait3A_247 : memref<1x80x48xf32, #tpu.memory_space<vmem>> -> memref<80x48xf32, #tpu.memory_space<vmem>>
    %dma_wait3A_249 = arith.constant 0 : i32
    %dma_wait3A_250 = tpu.memref_slice %arg7[%mul3A_2, %dma_wait3A_249] : memref<320000x48xf32, #tpu.memory_space<hbm>> -> memref<80x48xf32, #tpu.memory_space<hbm>>
    %dma_wait3A_251 = arith.constant 0 : i32
    %dma_wait3A_252 = tpu.memref_slice %arg7[%mul3A_2, %dma_wait3A_251] : memref<320000x48xf32, #tpu.memory_space<hbm>> -> memref<80x48xf32, #tpu.memory_space<hbm>>
    %dma_wait3A_253 = arith.constant 0 : i32
    %dma_wait3A_254 = arith.constant 0 : i32
    %dma_wait3A_255 = tpu.memref_slice %arg11[%dma_wait3A_244, %dma_wait3A_253, %dma_wait3A_254] : memref<6x80x48xf32, #tpu.memory_space<vmem>> -> memref<1x80x48xf32, #tpu.memory_space<vmem>>
    %dma_wait3A_256 = tpu.memref_squeeze %dma_wait3A_255 : memref<1x80x48xf32, #tpu.memory_space<vmem>> -> memref<80x48xf32, #tpu.memory_space<vmem>>
    tpu.wait_dma2 semaphore(%arg15 : memref<!tpu.dma_semaphore, #tpu.memory_space<semaphore_mem>>) src(%dma_wait3A_256 : memref<80x48xf32, #tpu.memory_space<vmem>>) dst(%dma_wait3A_252 : memref<80x48xf32, #tpu.memory_space<hbm>>)
    %dma_wait3A_257 = arith.constant 0 : i32
    %dma_wait3A_258 = arith.constant 0 : i32
    %dma_wait3A_259 = arith.constant 0 : i32
    %dma_wait3A_260 = tpu.memref_slice %arg10[%dma_wait3A_257, %dma_wait3A_258, %dma_wait3A_259] : memref<6x80x48xf32, #tpu.memory_space<vmem>> -> memref<1x80x48xf32, #tpu.memory_space<vmem>>
    %dma_wait3A_261 = tpu.memref_squeeze %dma_wait3A_260 : memref<1x80x48xf32, #tpu.memory_space<vmem>> -> memref<80x48xf32, #tpu.memory_space<vmem>>
    %dma_wait3A_262 = arith.constant 0 : i32
    %dma_wait3A_263 = tpu.memref_slice %arg6[%mul3A_2, %dma_wait3A_262] : memref<320000x48xf32, #tpu.memory_space<hbm>> -> memref<80x48xf32, #tpu.memory_space<hbm>>
    %dma_wait3A_264 = arith.constant 0 : i32
    %dma_wait3A_265 = tpu.memref_slice %arg6[%mul3A_2, %dma_wait3A_264] : memref<320000x48xf32, #tpu.memory_space<hbm>> -> memref<80x48xf32, #tpu.memory_space<hbm>>
    %dma_wait3A_266 = arith.constant 0 : i32
    %dma_wait3A_267 = arith.constant 0 : i32
    %dma_wait3A_268 = tpu.memref_slice %arg10[%dma_wait3A_257, %dma_wait3A_266, %dma_wait3A_267] : memref<6x80x48xf32, #tpu.memory_space<vmem>> -> memref<1x80x48xf32, #tpu.memory_space<vmem>>
    %dma_wait3A_269 = tpu.memref_squeeze %dma_wait3A_268 : memref<1x80x48xf32, #tpu.memory_space<vmem>> -> memref<80x48xf32, #tpu.memory_space<vmem>>
    tpu.wait_dma2 semaphore(%arg14 : memref<!tpu.dma_semaphore, #tpu.memory_space<semaphore_mem>>) src(%dma_wait3A_269 : memref<80x48xf32, #tpu.memory_space<vmem>>) dst(%dma_wait3A_265 : memref<80x48xf32, #tpu.memory_space<hbm>>)
    %dma_wait3A_270 = arith.constant 0 : i32
    %dma_wait3A_271 = arith.constant 0 : i32
    %dma_wait3A_272 = arith.constant 0 : i32
    %dma_wait3A_273 = tpu.memref_slice %arg11[%dma_wait3A_270, %dma_wait3A_271, %dma_wait3A_272] : memref<6x80x48xf32, #tpu.memory_space<vmem>> -> memref<1x80x48xf32, #tpu.memory_space<vmem>>
    %dma_wait3A_274 = tpu.memref_squeeze %dma_wait3A_273 : memref<1x80x48xf32, #tpu.memory_space<vmem>> -> memref<80x48xf32, #tpu.memory_space<vmem>>
    %dma_wait3A_275 = arith.constant 0 : i32
    %dma_wait3A_276 = tpu.memref_slice %arg7[%mul3A_2, %dma_wait3A_275] : memref<320000x48xf32, #tpu.memory_space<hbm>> -> memref<80x48xf32, #tpu.memory_space<hbm>>
    %dma_wait3A_277 = arith.constant 0 : i32
    %dma_wait3A_278 = tpu.memref_slice %arg7[%mul3A_2, %dma_wait3A_277] : memref<320000x48xf32, #tpu.memory_space<hbm>> -> memref<80x48xf32, #tpu.memory_space<hbm>>
    %dma_wait3A_279 = arith.constant 0 : i32
    %dma_wait3A_280 = arith.constant 0 : i32
    %dma_wait3A_281 = tpu.memref_slice %arg11[%dma_wait3A_270, %dma_wait3A_279, %dma_wait3A_280] : memref<6x80x48xf32, #tpu.memory_space<vmem>> -> memref<1x80x48xf32, #tpu.memory_space<vmem>>
    %dma_wait3A_282 = tpu.memref_squeeze %dma_wait3A_281 : memref<1x80x48xf32, #tpu.memory_space<vmem>> -> memref<80x48xf32, #tpu.memory_space<vmem>>
    tpu.wait_dma2 semaphore(%arg15 : memref<!tpu.dma_semaphore, #tpu.memory_space<semaphore_mem>>) src(%dma_wait3A_282 : memref<80x48xf32, #tpu.memory_space<vmem>>) dst(%dma_wait3A_278 : memref<80x48xf32, #tpu.memory_space<hbm>>)
    return
  }
}

#map = affine_map<(d0, d1) -> (0, 0)>
#map1 = affine_map<(d0, d1) -> (0, 0, 0)>
module attributes {stable_mosaic.version = 14 : i64} {
  func.func @_agg_sc(%arg0: i32, %arg1: i32, %arg2: memref<4000x80xi32, #tpu.memory_space<hbm>>, %arg3: memref<4000x80xf32, #tpu.memory_space<hbm>>, %arg4: memref<320000x16xf32, #tpu.memory_space<hbm>>, %arg5: memref<2x10240xf32, #tpu.memory_space<hbm>>, %arg6: memref<2x10240x16xf32, #tpu.memory_space<hbm>>, %arg7: memref<125x80xi32, #tpu.memory_space<vmem>>, %arg8: memref<125x80xf32, #tpu.memory_space<vmem>>, %arg9: memref<6x80x16xf32, #tpu.memory_space<vmem>>, %arg10: memref<10240xf32, #tpu.memory_space<vmem>>, %arg11: memref<640x16xf32, #tpu.memory_space<vmem>>, %arg12: memref<640xf32, #tpu.memory_space<vmem>>, %arg13: memref<640xf32, #tpu.memory_space<vmem>>, %arg14: memref<16x10240xf32, #tpu.memory_space<vmem_shared>>, %arg15: memref<10240x16xf32, #tpu.memory_space<vmem_shared>>, %arg16: memref<!tpu.dma_semaphore, #tpu.memory_space<semaphore_mem>>) attributes {dimension_semantics = [#tpu.dimension_semantics<core_parallel>, #tpu.dimension_semantics<subcore_parallel>], iteration_bounds = array<i64: 2, 16>, scalar_prefetch = 0 : i64, scratch_operands = 10 : i64, tpu.core_type = #tpu.core_type<sc_vector_subcore>, window_params = [{transform_indices = #map}, {transform_indices = #map}, {transform_indices = #map}, {transform_indices = #map}, {transform_indices = #map1}]} {
    %mul3A = arith.constant 2 : i32
    %mul3A_0 = arith.muli %arg1, %mul3A : i32
    %add3A = arith.addi %mul3A_0, %arg0 : i32
    %mul3A_1 = arith.constant 10000 : i32
    %mul3A_2 = arith.muli %add3A, %mul3A_1 : i32
    %mul3A_3 = arith.constant 125 : i32
    %mul3A_4 = arith.muli %add3A, %mul3A_3 : i32
    "tpu.region"() ({
      %run_scoped3A = tpu.sem_alloc : memref<!tpu.dma_semaphore, #tpu.memory_space<semaphore_mem>>
      %dma_start3A_112 = arith.constant 0 : i32
      %dma_start3A_113 = tpu.memref_slice %arg2[%mul3A_4, %dma_start3A_112] : memref<4000x80xi32, #tpu.memory_space<hbm>> -> memref<125x80xi32, #tpu.memory_space<hbm>>
      %dma_start3A_114 = arith.constant 0 : i32
      %dma_start3A_115 = tpu.memref_slice %arg2[%mul3A_4, %dma_start3A_114] : memref<4000x80xi32, #tpu.memory_space<hbm>> -> memref<125x80xi32, #tpu.memory_space<hbm>>
      tpu.enqueue_dma source(%dma_start3A_115 : memref<125x80xi32, #tpu.memory_space<hbm>>) target(%arg7 : memref<125x80xi32, #tpu.memory_space<vmem>>) target_semaphore(%run_scoped3A : memref<!tpu.dma_semaphore, #tpu.memory_space<semaphore_mem>>)
      %dma_wait3A = arith.constant 0 : i32
      %dma_wait3A_116 = tpu.memref_slice %arg2[%mul3A_4, %dma_wait3A] : memref<4000x80xi32, #tpu.memory_space<hbm>> -> memref<125x80xi32, #tpu.memory_space<hbm>>
      %dma_wait3A_117 = arith.constant 0 : i32
      %dma_wait3A_118 = tpu.memref_slice %arg2[%mul3A_4, %dma_wait3A_117] : memref<4000x80xi32, #tpu.memory_space<hbm>> -> memref<125x80xi32, #tpu.memory_space<hbm>>
      tpu.wait_dma2 semaphore(%run_scoped3A : memref<!tpu.dma_semaphore, #tpu.memory_space<semaphore_mem>>) src(%dma_wait3A_118 : memref<125x80xi32, #tpu.memory_space<hbm>>) dst(%arg7 : memref<125x80xi32, #tpu.memory_space<vmem>>)
      tpu.yield
    }) : () -> ()
    "tpu.region"() ({
      %run_scoped3A = tpu.sem_alloc : memref<!tpu.dma_semaphore, #tpu.memory_space<semaphore_mem>>
      %dma_start3A_112 = arith.constant 0 : i32
      %dma_start3A_113 = tpu.memref_slice %arg3[%mul3A_4, %dma_start3A_112] : memref<4000x80xf32, #tpu.memory_space<hbm>> -> memref<125x80xf32, #tpu.memory_space<hbm>>
      %dma_start3A_114 = arith.constant 0 : i32
      %dma_start3A_115 = tpu.memref_slice %arg3[%mul3A_4, %dma_start3A_114] : memref<4000x80xf32, #tpu.memory_space<hbm>> -> memref<125x80xf32, #tpu.memory_space<hbm>>
      tpu.enqueue_dma source(%dma_start3A_115 : memref<125x80xf32, #tpu.memory_space<hbm>>) target(%arg8 : memref<125x80xf32, #tpu.memory_space<vmem>>) target_semaphore(%run_scoped3A : memref<!tpu.dma_semaphore, #tpu.memory_space<semaphore_mem>>)
      %dma_wait3A = arith.constant 0 : i32
      %dma_wait3A_116 = tpu.memref_slice %arg3[%mul3A_4, %dma_wait3A] : memref<4000x80xf32, #tpu.memory_space<hbm>> -> memref<125x80xf32, #tpu.memory_space<hbm>>
      %dma_wait3A_117 = arith.constant 0 : i32
      %dma_wait3A_118 = tpu.memref_slice %arg3[%mul3A_4, %dma_wait3A_117] : memref<4000x80xf32, #tpu.memory_space<hbm>> -> memref<125x80xf32, #tpu.memory_space<hbm>>
      tpu.wait_dma2 semaphore(%run_scoped3A : memref<!tpu.dma_semaphore, #tpu.memory_space<semaphore_mem>>) src(%dma_wait3A_118 : memref<125x80xf32, #tpu.memory_space<hbm>>) dst(%arg8 : memref<125x80xf32, #tpu.memory_space<vmem>>)
      tpu.yield
    }) : () -> ()
    %scan3A = arith.constant 0 : i32
    %scan3A_5 = arith.constant 640 : i32
    %scan3A_6 = arith.addi %scan3A, %scan3A_5 : i32
    %scan3A_7 = arith.constant 1 : i32
    scf.for %scan3A_112 = %scan3A to %scan3A_6 step %scan3A_7  : i32 {
      %mul3A_113 = arith.constant 1 : i32
      %mul3A_114 = arith.muli %scan3A_112, %mul3A_113 : i32
      %add3A_115 = arith.constant 0 : i32
      %add3A_116 = arith.addi %add3A_115, %mul3A_114 : i32
      %broadcast_in_dim3A = arith.constant 0.000000e+00 : f32
      %broadcast_in_dim3A_117 = vector.broadcast %broadcast_in_dim3A : f32 to vector<16xf32>
      %mul3A_118 = arith.constant 16 : i32
      %mul3A_119 = arith.muli %add3A_116, %mul3A_118 : i32
      %swap3A = arith.index_cast %mul3A_119 : i32 to index
      %swap3A_120 = tpu.vector_load %arg10[%swap3A] {strides = array<i32>} : memref<10240xf32, #tpu.memory_space<vmem>>, vector<16xf32>,
      tpu.vector_store %arg10[%swap3A], %broadcast_in_dim3A_117 {strides = array<i32>} : memref<10240xf32, #tpu.memory_space<vmem>>, vector<16xf32>,
    }
    %scan3A_8 = arith.constant 640 : i32
    %scan3A_9 = arith.constant 0 : i32
    %scan3A_10 = arith.constant 640 : i32
    %scan3A_11 = arith.addi %scan3A_9, %scan3A_10 : i32
    %scan3A_12 = arith.constant 1 : i32
    scf.for %scan3A_112 = %scan3A_9 to %scan3A_11 step %scan3A_12  : i32 {
      %mul3A_113 = arith.constant 1 : i32
      %mul3A_114 = arith.muli %scan3A_112, %mul3A_113 : i32
      %add3A_115 = arith.constant 0 : i32
      %add3A_116 = arith.addi %add3A_115, %mul3A_114 : i32
      %broadcast_in_dim3A = arith.constant 0.000000e+00 : f32
      %broadcast_in_dim3A_117 = vector.broadcast %broadcast_in_dim3A : f32 to vector<16xf32>
      %swap3A = arith.index_cast %add3A_116 : i32 to index
      %swap3A_118 = arith.constant 0 : index
      %swap3A_119 = tpu.vector_load %arg11[%swap3A, %swap3A_118] {strides = array<i32>} : memref<640x16xf32, #tpu.memory_space<vmem>>, vector<16xf32>,
      tpu.vector_store %arg11[%swap3A, %swap3A_118], %broadcast_in_dim3A_117 {strides = array<i32>} : memref<640x16xf32, #tpu.memory_space<vmem>>, vector<16xf32>,
    }
    %scan3A_13 = arith.constant 640 : i32
    %mul3A_14 = arith.constant 640 : i32
    %mul3A_15 = arith.muli %arg1, %mul3A_14 : i32
    "tpu.region"() ({
      %run_scoped3A = tpu.sem_alloc : memref<!tpu.dma_semaphore, #tpu.memory_space<semaphore_mem>>
      %dma_start3A_112 = arith.constant 0 : i32
      %dma_start3A_113 = tpu.memref_slice %arg15[%mul3A_15, %dma_start3A_112] : memref<10240x16xf32, #tpu.memory_space<vmem_shared>> -> memref<640x16xf32, #tpu.memory_space<vmem_shared>>
      %dma_start3A_114 = arith.constant 0 : i32
      %dma_start3A_115 = tpu.memref_slice %arg15[%mul3A_15, %dma_start3A_114] : memref<10240x16xf32, #tpu.memory_space<vmem_shared>> -> memref<640x16xf32, #tpu.memory_space<vmem_shared>>
      tpu.enqueue_dma source(%arg11 : memref<640x16xf32, #tpu.memory_space<vmem>>) target(%dma_start3A_115 : memref<640x16xf32, #tpu.memory_space<vmem_shared>>) target_semaphore(%run_scoped3A : memref<!tpu.dma_semaphore, #tpu.memory_space<semaphore_mem>>)
      %dma_wait3A = arith.constant 0 : i32
      %dma_wait3A_116 = tpu.memref_slice %arg15[%mul3A_15, %dma_wait3A] : memref<10240x16xf32, #tpu.memory_space<vmem_shared>> -> memref<640x16xf32, #tpu.memory_space<vmem_shared>>
      %dma_wait3A_117 = arith.constant 0 : i32
      %dma_wait3A_118 = tpu.memref_slice %arg15[%mul3A_15, %dma_wait3A_117] : memref<10240x16xf32, #tpu.memory_space<vmem_shared>> -> memref<640x16xf32, #tpu.memory_space<vmem_shared>>
      tpu.wait_dma2 semaphore(%run_scoped3A : memref<!tpu.dma_semaphore, #tpu.memory_space<semaphore_mem>>) src(%arg11 : memref<640x16xf32, #tpu.memory_space<vmem>>) dst(%dma_wait3A_118 : memref<640x16xf32, #tpu.memory_space<vmem_shared>>)
      tpu.yield
    }) : () -> ()
    %barrier3A = arith.constant 0 : index
    tpu.barrier barrier_id(%barrier3A)
    %add3A_16 = arith.constant 0 : i32
    %add3A_17 = arith.addi %mul3A_2, %add3A_16 : i32
    %dma_start3A = arith.constant 0 : i32
    %dma_start3A_18 = arith.constant 0 : i32
    %dma_start3A_19 = arith.constant 0 : i32
    %dma_start3A_20 = tpu.memref_slice %arg9[%dma_start3A, %dma_start3A_18, %dma_start3A_19] : memref<6x80x16xf32, #tpu.memory_space<vmem>> -> memref<1x80x16xf32, #tpu.memory_space<vmem>>
    %dma_start3A_21 = tpu.memref_squeeze %dma_start3A_20 : memref<1x80x16xf32, #tpu.memory_space<vmem>> -> memref<80x16xf32, #tpu.memory_space<vmem>>
    %dma_start3A_22 = arith.constant 0 : i32
    %dma_start3A_23 = tpu.memref_slice %arg4[%add3A_17, %dma_start3A_22] : memref<320000x16xf32, #tpu.memory_space<hbm>> -> memref<80x16xf32, #tpu.memory_space<hbm>>
    %dma_start3A_24 = arith.constant 0 : i32
    %dma_start3A_25 = arith.constant 0 : i32
    %dma_start3A_26 = tpu.memref_slice %arg9[%dma_start3A, %dma_start3A_24, %dma_start3A_25] : memref<6x80x16xf32, #tpu.memory_space<vmem>> -> memref<1x80x16xf32, #tpu.memory_space<vmem>>
    %dma_start3A_27 = tpu.memref_squeeze %dma_start3A_26 : memref<1x80x16xf32, #tpu.memory_space<vmem>> -> memref<80x16xf32, #tpu.memory_space<vmem>>
    %dma_start3A_28 = arith.constant 0 : i32
    %dma_start3A_29 = tpu.memref_slice %arg4[%add3A_17, %dma_start3A_28] : memref<320000x16xf32, #tpu.memory_space<hbm>> -> memref<80x16xf32, #tpu.memory_space<hbm>>
    tpu.enqueue_dma source(%dma_start3A_29 : memref<80x16xf32, #tpu.memory_space<hbm>>) target(%dma_start3A_27 : memref<80x16xf32, #tpu.memory_space<vmem>>) target_semaphore(%arg16 : memref<!tpu.dma_semaphore, #tpu.memory_space<semaphore_mem>>)
    %add3A_30 = arith.constant 80 : i32
    %add3A_31 = arith.addi %mul3A_2, %add3A_30 : i32
    %dma_start3A_32 = arith.constant 1 : i32
    %dma_start3A_33 = arith.constant 0 : i32
    %dma_start3A_34 = arith.constant 0 : i32
    %dma_start3A_35 = tpu.memref_slice %arg9[%dma_start3A_32, %dma_start3A_33, %dma_start3A_34] : memref<6x80x16xf32, #tpu.memory_space<vmem>> -> memref<1x80x16xf32, #tpu.memory_space<vmem>>
    %dma_start3A_36 = tpu.memref_squeeze %dma_start3A_35 : memref<1x80x16xf32, #tpu.memory_space<vmem>> -> memref<80x16xf32, #tpu.memory_space<vmem>>
    %dma_start3A_37 = arith.constant 0 : i32
    %dma_start3A_38 = tpu.memref_slice %arg4[%add3A_31, %dma_start3A_37] : memref<320000x16xf32, #tpu.memory_space<hbm>> -> memref<80x16xf32, #tpu.memory_space<hbm>>
    %dma_start3A_39 = arith.constant 0 : i32
    %dma_start3A_40 = arith.constant 0 : i32
    %dma_start3A_41 = tpu.memref_slice %arg9[%dma_start3A_32, %dma_start3A_39, %dma_start3A_40] : memref<6x80x16xf32, #tpu.memory_space<vmem>> -> memref<1x80x16xf32, #tpu.memory_space<vmem>>
    %dma_start3A_42 = tpu.memref_squeeze %dma_start3A_41 : memref<1x80x16xf32, #tpu.memory_space<vmem>> -> memref<80x16xf32, #tpu.memory_space<vmem>>
    %dma_start3A_43 = arith.constant 0 : i32
    %dma_start3A_44 = tpu.memref_slice %arg4[%add3A_31, %dma_start3A_43] : memref<320000x16xf32, #tpu.memory_space<hbm>> -> memref<80x16xf32, #tpu.memory_space<hbm>>
    tpu.enqueue_dma source(%dma_start3A_44 : memref<80x16xf32, #tpu.memory_space<hbm>>) target(%dma_start3A_42 : memref<80x16xf32, #tpu.memory_space<vmem>>) target_semaphore(%arg16 : memref<!tpu.dma_semaphore, #tpu.memory_space<semaphore_mem>>)
    %add3A_45 = arith.constant 160 : i32
    %add3A_46 = arith.addi %mul3A_2, %add3A_45 : i32
    %dma_start3A_47 = arith.constant 2 : i32
    %dma_start3A_48 = arith.constant 0 : i32
    %dma_start3A_49 = arith.constant 0 : i32
    %dma_start3A_50 = tpu.memref_slice %arg9[%dma_start3A_47, %dma_start3A_48, %dma_start3A_49] : memref<6x80x16xf32, #tpu.memory_space<vmem>> -> memref<1x80x16xf32, #tpu.memory_space<vmem>>
    %dma_start3A_51 = tpu.memref_squeeze %dma_start3A_50 : memref<1x80x16xf32, #tpu.memory_space<vmem>> -> memref<80x16xf32, #tpu.memory_space<vmem>>
    %dma_start3A_52 = arith.constant 0 : i32
    %dma_start3A_53 = tpu.memref_slice %arg4[%add3A_46, %dma_start3A_52] : memref<320000x16xf32, #tpu.memory_space<hbm>> -> memref<80x16xf32, #tpu.memory_space<hbm>>
    %dma_start3A_54 = arith.constant 0 : i32
    %dma_start3A_55 = arith.constant 0 : i32
    %dma_start3A_56 = tpu.memref_slice %arg9[%dma_start3A_47, %dma_start3A_54, %dma_start3A_55] : memref<6x80x16xf32, #tpu.memory_space<vmem>> -> memref<1x80x16xf32, #tpu.memory_space<vmem>>
    %dma_start3A_57 = tpu.memref_squeeze %dma_start3A_56 : memref<1x80x16xf32, #tpu.memory_space<vmem>> -> memref<80x16xf32, #tpu.memory_space<vmem>>
    %dma_start3A_58 = arith.constant 0 : i32
    %dma_start3A_59 = tpu.memref_slice %arg4[%add3A_46, %dma_start3A_58] : memref<320000x16xf32, #tpu.memory_space<hbm>> -> memref<80x16xf32, #tpu.memory_space<hbm>>
    tpu.enqueue_dma source(%dma_start3A_59 : memref<80x16xf32, #tpu.memory_space<hbm>>) target(%dma_start3A_57 : memref<80x16xf32, #tpu.memory_space<vmem>>) target_semaphore(%arg16 : memref<!tpu.dma_semaphore, #tpu.memory_space<semaphore_mem>>)
    %add3A_60 = arith.constant 240 : i32
    %add3A_61 = arith.addi %mul3A_2, %add3A_60 : i32
    %dma_start3A_62 = arith.constant 3 : i32
    %dma_start3A_63 = arith.constant 0 : i32
    %dma_start3A_64 = arith.constant 0 : i32
    %dma_start3A_65 = tpu.memref_slice %arg9[%dma_start3A_62, %dma_start3A_63, %dma_start3A_64] : memref<6x80x16xf32, #tpu.memory_space<vmem>> -> memref<1x80x16xf32, #tpu.memory_space<vmem>>
    %dma_start3A_66 = tpu.memref_squeeze %dma_start3A_65 : memref<1x80x16xf32, #tpu.memory_space<vmem>> -> memref<80x16xf32, #tpu.memory_space<vmem>>
    %dma_start3A_67 = arith.constant 0 : i32
    %dma_start3A_68 = tpu.memref_slice %arg4[%add3A_61, %dma_start3A_67] : memref<320000x16xf32, #tpu.memory_space<hbm>> -> memref<80x16xf32, #tpu.memory_space<hbm>>
    %dma_start3A_69 = arith.constant 0 : i32
    %dma_start3A_70 = arith.constant 0 : i32
    %dma_start3A_71 = tpu.memref_slice %arg9[%dma_start3A_62, %dma_start3A_69, %dma_start3A_70] : memref<6x80x16xf32, #tpu.memory_space<vmem>> -> memref<1x80x16xf32, #tpu.memory_space<vmem>>
    %dma_start3A_72 = tpu.memref_squeeze %dma_start3A_71 : memref<1x80x16xf32, #tpu.memory_space<vmem>> -> memref<80x16xf32, #tpu.memory_space<vmem>>
    %dma_start3A_73 = arith.constant 0 : i32
    %dma_start3A_74 = tpu.memref_slice %arg4[%add3A_61, %dma_start3A_73] : memref<320000x16xf32, #tpu.memory_space<hbm>> -> memref<80x16xf32, #tpu.memory_space<hbm>>
    tpu.enqueue_dma source(%dma_start3A_74 : memref<80x16xf32, #tpu.memory_space<hbm>>) target(%dma_start3A_72 : memref<80x16xf32, #tpu.memory_space<vmem>>) target_semaphore(%arg16 : memref<!tpu.dma_semaphore, #tpu.memory_space<semaphore_mem>>)
    %add3A_75 = arith.constant 320 : i32
    %add3A_76 = arith.addi %mul3A_2, %add3A_75 : i32
    %dma_start3A_77 = arith.constant 4 : i32
    %dma_start3A_78 = arith.constant 0 : i32
    %dma_start3A_79 = arith.constant 0 : i32
    %dma_start3A_80 = tpu.memref_slice %arg9[%dma_start3A_77, %dma_start3A_78, %dma_start3A_79] : memref<6x80x16xf32, #tpu.memory_space<vmem>> -> memref<1x80x16xf32, #tpu.memory_space<vmem>>
    %dma_start3A_81 = tpu.memref_squeeze %dma_start3A_80 : memref<1x80x16xf32, #tpu.memory_space<vmem>> -> memref<80x16xf32, #tpu.memory_space<vmem>>
    %dma_start3A_82 = arith.constant 0 : i32
    %dma_start3A_83 = tpu.memref_slice %arg4[%add3A_76, %dma_start3A_82] : memref<320000x16xf32, #tpu.memory_space<hbm>> -> memref<80x16xf32, #tpu.memory_space<hbm>>
    %dma_start3A_84 = arith.constant 0 : i32
    %dma_start3A_85 = arith.constant 0 : i32
    %dma_start3A_86 = tpu.memref_slice %arg9[%dma_start3A_77, %dma_start3A_84, %dma_start3A_85] : memref<6x80x16xf32, #tpu.memory_space<vmem>> -> memref<1x80x16xf32, #tpu.memory_space<vmem>>
    %dma_start3A_87 = tpu.memref_squeeze %dma_start3A_86 : memref<1x80x16xf32, #tpu.memory_space<vmem>> -> memref<80x16xf32, #tpu.memory_space<vmem>>
    %dma_start3A_88 = arith.constant 0 : i32
    %dma_start3A_89 = tpu.memref_slice %arg4[%add3A_76, %dma_start3A_88] : memref<320000x16xf32, #tpu.memory_space<hbm>> -> memref<80x16xf32, #tpu.memory_space<hbm>>
    tpu.enqueue_dma source(%dma_start3A_89 : memref<80x16xf32, #tpu.memory_space<hbm>>) target(%dma_start3A_87 : memref<80x16xf32, #tpu.memory_space<vmem>>) target_semaphore(%arg16 : memref<!tpu.dma_semaphore, #tpu.memory_space<semaphore_mem>>)
    %scan3A_90 = arith.constant 0 : i32
    %scan3A_91 = arith.constant 125 : i32
    %scan3A_92 = arith.addi %scan3A_90, %scan3A_91 : i32
    %scan3A_93 = arith.constant 1 : i32
    scf.for %scan3A_112 = %scan3A_90 to %scan3A_92 step %scan3A_93  : i32 {
      %mul3A_113 = arith.constant 1 : i32
      %mul3A_114 = arith.muli %scan3A_112, %mul3A_113 : i32
      %add3A_115 = arith.constant 0 : i32
      %add3A_116 = arith.addi %add3A_115, %mul3A_114 : i32
      %rem3A = arith.constant 6 : i32
      %rem3A_117 = arith.remsi %add3A_116, %rem3A : i32
      %dma_wait3A = arith.constant 0 : i32
      %dma_wait3A_118 = arith.constant 0 : i32
      %dma_wait3A_119 = tpu.memref_slice %arg9[%rem3A_117, %dma_wait3A, %dma_wait3A_118] : memref<6x80x16xf32, #tpu.memory_space<vmem>> -> memref<1x80x16xf32, #tpu.memory_space<vmem>>
      %dma_wait3A_120 = tpu.memref_squeeze %dma_wait3A_119 : memref<1x80x16xf32, #tpu.memory_space<vmem>> -> memref<80x16xf32, #tpu.memory_space<vmem>>
      %dma_wait3A_121 = arith.constant 0 : i32
      %dma_wait3A_122 = tpu.memref_slice %arg4[%mul3A_2, %dma_wait3A_121] : memref<320000x16xf32, #tpu.memory_space<hbm>> -> memref<80x16xf32, #tpu.memory_space<hbm>>
      %dma_wait3A_123 = arith.constant 0 : i32
      %dma_wait3A_124 = arith.constant 0 : i32
      %dma_wait3A_125 = tpu.memref_slice %arg9[%rem3A_117, %dma_wait3A_123, %dma_wait3A_124] : memref<6x80x16xf32, #tpu.memory_space<vmem>> -> memref<1x80x16xf32, #tpu.memory_space<vmem>>
      %dma_wait3A_126 = tpu.memref_squeeze %dma_wait3A_125 : memref<1x80x16xf32, #tpu.memory_space<vmem>> -> memref<80x16xf32, #tpu.memory_space<vmem>>
      %dma_wait3A_127 = arith.constant 0 : i32
      %dma_wait3A_128 = tpu.memref_slice %arg4[%mul3A_2, %dma_wait3A_127] : memref<320000x16xf32, #tpu.memory_space<hbm>> -> memref<80x16xf32, #tpu.memory_space<hbm>>
      tpu.wait_dma2 semaphore(%arg16 : memref<!tpu.dma_semaphore, #tpu.memory_space<semaphore_mem>>) src(%dma_wait3A_128 : memref<80x16xf32, #tpu.memory_space<hbm>>) dst(%dma_wait3A_126 : memref<80x16xf32, #tpu.memory_space<vmem>>)
      %scan3A_129 = arith.constant 0 : i32
      %scan3A_130 = arith.constant 5 : i32
      %scan3A_131 = arith.addi %scan3A_129, %scan3A_130 : i32
      %scan3A_132 = arith.constant 1 : i32
      scf.for %scan3A_139 = %scan3A_129 to %scan3A_131 step %scan3A_132  : i32 {
        %mul3A_140 = arith.constant 1 : i32
        %mul3A_141 = arith.muli %scan3A_139, %mul3A_140 : i32
        %add3A_142 = arith.constant 0 : i32
        %add3A_143 = arith.addi %add3A_142, %mul3A_141 : i32
        %mul3A_144 = arith.constant 16 : i32
        %mul3A_145 = arith.muli %add3A_143, %mul3A_144 : i32
        %get3A = arith.index_cast %add3A_116 : i32 to index
        %get3A_146 = arith.index_cast %mul3A_145 : i32 to index
        %get3A_147 = tpu.vector_load %arg7[%get3A, %get3A_146] {strides = array<i32>} : memref<125x80xi32, #tpu.memory_space<vmem>>, vector<16xi32>,
        %mul3A_148 = arith.constant 16 : i32
        %mul3A_149 = arith.muli %add3A_143, %mul3A_148 : i32
        %get3A_150 = arith.index_cast %add3A_116 : i32 to index
        %get3A_151 = arith.index_cast %mul3A_149 : i32 to index
        %get3A_152 = tpu.vector_load %arg8[%get3A_150, %get3A_151] {strides = array<i32>} : memref<125x80xf32, #tpu.memory_space<vmem>>, vector<16xf32>,
        tpu.vector_store_idx %arg10[%get3A_147], %get3A_152 {add = true} : memref<10240xf32, #tpu.memory_space<vmem>>[vector<16xi32>], vector<16xf32>,
      }
      %scan3A_133 = arith.constant 5 : i32
      "tpu.region"() ({
        %run_scoped3A = tpu.sem_alloc : memref<!tpu.dma_semaphore, #tpu.memory_space<semaphore_mem>>
        %dma_start3A_139 = arith.constant 0 : i32
        %dma_start3A_140 = arith.constant 0 : i32
        %dma_start3A_141 = tpu.memref_slice %arg9[%rem3A_117, %dma_start3A_139, %dma_start3A_140] : memref<6x80x16xf32, #tpu.memory_space<vmem>> -> memref<1x80x16xf32, #tpu.memory_space<vmem>>
        %dma_start3A_142 = tpu.memref_squeeze %dma_start3A_141 : memref<1x80x16xf32, #tpu.memory_space<vmem>> -> memref<80x16xf32, #tpu.memory_space<vmem>>
        %dma_start3A_143 = arith.constant 0 : i32
        %dma_start3A_144 = tpu.memref_slice %arg7[%add3A_116, %dma_start3A_143] : memref<125x80xi32, #tpu.memory_space<vmem>> -> memref<1x80xi32, #tpu.memory_space<vmem>>
        %dma_start3A_145 = tpu.memref_squeeze %dma_start3A_144 : memref<1x80xi32, #tpu.memory_space<vmem>> -> memref<80xi32, #tpu.memory_space<vmem>>
        %dma_start3A_146 = arith.constant 0 : i32
        %dma_start3A_147 = arith.constant 0 : i32
        %dma_start3A_148 = tpu.memref_slice %arg15[%dma_start3A_146, %dma_start3A_147] : memref<10240x16xf32, #tpu.memory_space<vmem_shared>> -> memref<10240x16xf32, #tpu.memory_space<vmem_shared>>
        tpu.enqueue_indirect_dma source(%dma_start3A_142 : memref<80x16xf32, #tpu.memory_space<vmem>>) target(%dma_start3A_148 : memref<10240x16xf32, #tpu.memory_space<vmem_shared>>) offsets(%dma_start3A_145 : memref<80xi32, #tpu.memory_space<vmem>>) semaphore(%run_scoped3A : memref<!tpu.dma_semaphore, #tpu.memory_space<semaphore_mem>>) {add = true}
        %dma_wait3A_149 = arith.constant 0 : i32
        %dma_wait3A_150 = arith.constant 0 : i32
        %dma_wait3A_151 = tpu.memref_slice %arg9[%rem3A_117, %dma_wait3A_149, %dma_wait3A_150] : memref<6x80x16xf32, #tpu.memory_space<vmem>> -> memref<1x80x16xf32, #tpu.memory_space<vmem>>
        %dma_wait3A_152 = tpu.memref_squeeze %dma_wait3A_151 : memref<1x80x16xf32, #tpu.memory_space<vmem>> -> memref<80x16xf32, #tpu.memory_space<vmem>>
        %dma_wait3A_153 = arith.constant 0 : i32
        %dma_wait3A_154 = tpu.memref_slice %arg7[%add3A_116, %dma_wait3A_153] : memref<125x80xi32, #tpu.memory_space<vmem>> -> memref<1x80xi32, #tpu.memory_space<vmem>>
        %dma_wait3A_155 = tpu.memref_squeeze %dma_wait3A_154 : memref<1x80xi32, #tpu.memory_space<vmem>> -> memref<80xi32, #tpu.memory_space<vmem>>
        %dma_wait3A_156 = arith.constant 0 : i32
        %dma_wait3A_157 = arith.constant 0 : i32
        %dma_wait3A_158 = tpu.memref_slice %arg15[%dma_wait3A_156, %dma_wait3A_157] : memref<10240x16xf32, #tpu.memory_space<vmem_shared>> -> memref<10240x16xf32, #tpu.memory_space<vmem_shared>>
        tpu.wait_indirect_dma semaphore(%run_scoped3A : memref<!tpu.dma_semaphore, #tpu.memory_space<semaphore_mem>>) src(%dma_wait3A_152 : memref<80x16xf32, #tpu.memory_space<vmem>>) dst(%dma_wait3A_158 : memref<10240x16xf32, #tpu.memory_space<vmem_shared>>)
        tpu.yield
      }) : () -> ()
      %add3A_134 = arith.constant 6 : i32
      %add3A_135 = arith.addi %add3A_116, %add3A_134 : i32
      %sub3A = arith.constant 1 : i32
      %sub3A_136 = arith.subi %add3A_135, %sub3A : i32
      %lt3A = arith.constant 125 : i32
      %lt3A_137 = arith.cmpi slt, %sub3A_136, %lt3A : i32
      %convert_element_type3A = arith.extui %lt3A_137 : i1 to i32
      %cond3A = arith.constant 0 : i32
      %cond3A_138 = arith.cmpi ne, %convert_element_type3A, %cond3A : i32
      scf.if %cond3A_138 {
        %add3A_139 = arith.constant 6 : i32
        %add3A_140 = arith.addi %add3A_116, %add3A_139 : i32
        %sub3A_141 = arith.constant 1 : i32
        %sub3A_142 = arith.subi %add3A_140, %sub3A_141 : i32
        %rem3A_143 = arith.constant 6 : i32
        %rem3A_144 = arith.remsi %sub3A_142, %rem3A_143 : i32
        %add3A_145 = arith.constant 6 : i32
        %add3A_146 = arith.addi %add3A_116, %add3A_145 : i32
        %sub3A_147 = arith.constant 1 : i32
        %sub3A_148 = arith.subi %add3A_146, %sub3A_147 : i32
        %mul3A_149 = arith.constant 80 : i32
        %mul3A_150 = arith.muli %sub3A_148, %mul3A_149 : i32
        %add3A_151 = arith.addi %mul3A_2, %mul3A_150 : i32
        %dma_start3A_152 = arith.constant 0 : i32
        %dma_start3A_153 = arith.constant 0 : i32
        %dma_start3A_154 = tpu.memref_slice %arg9[%rem3A_144, %dma_start3A_152, %dma_start3A_153] : memref<6x80x16xf32, #tpu.memory_space<vmem>> -> memref<1x80x16xf32, #tpu.memory_space<vmem>>
        %dma_start3A_155 = tpu.memref_squeeze %dma_start3A_154 : memref<1x80x16xf32, #tpu.memory_space<vmem>> -> memref<80x16xf32, #tpu.memory_space<vmem>>
        %dma_start3A_156 = arith.constant 0 : i32
        %dma_start3A_157 = tpu.memref_slice %arg4[%add3A_151, %dma_start3A_156] : memref<320000x16xf32, #tpu.memory_space<hbm>> -> memref<80x16xf32, #tpu.memory_space<hbm>>
        %dma_start3A_158 = arith.constant 0 : i32
        %dma_start3A_159 = arith.constant 0 : i32
        %dma_start3A_160 = tpu.memref_slice %arg9[%rem3A_144, %dma_start3A_158, %dma_start3A_159] : memref<6x80x16xf32, #tpu.memory_space<vmem>> -> memref<1x80x16xf32, #tpu.memory_space<vmem>>
        %dma_start3A_161 = tpu.memref_squeeze %dma_start3A_160 : memref<1x80x16xf32, #tpu.memory_space<vmem>> -> memref<80x16xf32, #tpu.memory_space<vmem>>
        %dma_start3A_162 = arith.constant 0 : i32
        %dma_start3A_163 = tpu.memref_slice %arg4[%add3A_151, %dma_start3A_162] : memref<320000x16xf32, #tpu.memory_space<hbm>> -> memref<80x16xf32, #tpu.memory_space<hbm>>
        tpu.enqueue_dma source(%dma_start3A_163 : memref<80x16xf32, #tpu.memory_space<hbm>>) target(%dma_start3A_161 : memref<80x16xf32, #tpu.memory_space<vmem>>) target_semaphore(%arg16 : memref<!tpu.dma_semaphore, #tpu.memory_space<semaphore_mem>>)
      } else {
      }
    }
    %scan3A_94 = arith.constant 125 : i32
    "tpu.region"() ({
      %run_scoped3A = tpu.sem_alloc : memref<!tpu.dma_semaphore, #tpu.memory_space<semaphore_mem>>
      %dma_start3A_112 = arith.constant 0 : i32
      %dma_start3A_113 = tpu.memref_slice %arg14[%arg1, %dma_start3A_112] : memref<16x10240xf32, #tpu.memory_space<vmem_shared>> -> memref<1x10240xf32, #tpu.memory_space<vmem_shared>>
      %dma_start3A_114 = tpu.memref_squeeze %dma_start3A_113 : memref<1x10240xf32, #tpu.memory_space<vmem_shared>> -> memref<10240xf32, #tpu.memory_space<vmem_shared>>
      %dma_start3A_115 = arith.constant 0 : i32
      %dma_start3A_116 = tpu.memref_slice %arg14[%arg1, %dma_start3A_115] : memref<16x10240xf32, #tpu.memory_space<vmem_shared>> -> memref<1x10240xf32, #tpu.memory_space<vmem_shared>>
      %dma_start3A_117 = tpu.memref_squeeze %dma_start3A_116 : memref<1x10240xf32, #tpu.memory_space<vmem_shared>> -> memref<10240xf32, #tpu.memory_space<vmem_shared>>
      tpu.enqueue_dma source(%arg10 : memref<10240xf32, #tpu.memory_space<vmem>>) target(%dma_start3A_117 : memref<10240xf32, #tpu.memory_space<vmem_shared>>) target_semaphore(%run_scoped3A : memref<!tpu.dma_semaphore, #tpu.memory_space<semaphore_mem>>)
      %dma_wait3A = arith.constant 0 : i32
      %dma_wait3A_118 = tpu.memref_slice %arg14[%arg1, %dma_wait3A] : memref<16x10240xf32, #tpu.memory_space<vmem_shared>> -> memref<1x10240xf32, #tpu.memory_space<vmem_shared>>
      %dma_wait3A_119 = tpu.memref_squeeze %dma_wait3A_118 : memref<1x10240xf32, #tpu.memory_space<vmem_shared>> -> memref<10240xf32, #tpu.memory_space<vmem_shared>>
      %dma_wait3A_120 = arith.constant 0 : i32
      %dma_wait3A_121 = tpu.memref_slice %arg14[%arg1, %dma_wait3A_120] : memref<16x10240xf32, #tpu.memory_space<vmem_shared>> -> memref<1x10240xf32, #tpu.memory_space<vmem_shared>>
      %dma_wait3A_122 = tpu.memref_squeeze %dma_wait3A_121 : memref<1x10240xf32, #tpu.memory_space<vmem_shared>> -> memref<10240xf32, #tpu.memory_space<vmem_shared>>
      tpu.wait_dma2 semaphore(%run_scoped3A : memref<!tpu.dma_semaphore, #tpu.memory_space<semaphore_mem>>) src(%arg10 : memref<10240xf32, #tpu.memory_space<vmem>>) dst(%dma_wait3A_122 : memref<10240xf32, #tpu.memory_space<vmem_shared>>)
      tpu.yield
    }) : () -> ()
    %barrier3A_95 = arith.constant 0 : index
    tpu.barrier barrier_id(%barrier3A_95)
    %scan3A_96 = arith.constant 0 : i32
    %scan3A_97 = arith.constant 40 : i32
    %scan3A_98 = arith.addi %scan3A_96, %scan3A_97 : i32
    %scan3A_99 = arith.constant 1 : i32
    scf.for %scan3A_112 = %scan3A_96 to %scan3A_98 step %scan3A_99  : i32 {
      %mul3A_113 = arith.constant 1 : i32
      %mul3A_114 = arith.muli %scan3A_112, %mul3A_113 : i32
      %add3A_115 = arith.constant 0 : i32
      %add3A_116 = arith.addi %add3A_115, %mul3A_114 : i32
      %broadcast_in_dim3A = arith.constant 0.000000e+00 : f32
      %broadcast_in_dim3A_117 = vector.broadcast %broadcast_in_dim3A : f32 to vector<16xf32>
      %mul3A_118 = arith.constant 16 : i32
      %mul3A_119 = arith.muli %add3A_116, %mul3A_118 : i32
      %swap3A = arith.index_cast %mul3A_119 : i32 to index
      %swap3A_120 = tpu.vector_load %arg12[%swap3A] {strides = array<i32>} : memref<640xf32, #tpu.memory_space<vmem>>, vector<16xf32>,
      tpu.vector_store %arg12[%swap3A], %broadcast_in_dim3A_117 {strides = array<i32>} : memref<640xf32, #tpu.memory_space<vmem>>, vector<16xf32>,
    }
    %scan3A_100 = arith.constant 40 : i32
    %scan3A_101 = arith.constant 0 : i32
    %scan3A_102 = arith.constant 16 : i32
    %scan3A_103 = arith.addi %scan3A_101, %scan3A_102 : i32
    %scan3A_104 = arith.constant 1 : i32
    scf.for %scan3A_112 = %scan3A_101 to %scan3A_103 step %scan3A_104  : i32 {
      %mul3A_113 = arith.constant 1 : i32
      %mul3A_114 = arith.muli %scan3A_112, %mul3A_113 : i32
      %add3A_115 = arith.constant 0 : i32
      %add3A_116 = arith.addi %add3A_115, %mul3A_114 : i32
      %mul3A_117 = arith.constant 640 : i32
      %mul3A_118 = arith.muli %arg1, %mul3A_117 : i32
      "tpu.region"() ({
        %run_scoped3A = tpu.sem_alloc : memref<!tpu.dma_semaphore, #tpu.memory_space<semaphore_mem>>
        %dma_start3A_124 = tpu.memref_slice %arg14[%add3A_116, %mul3A_118] : memref<16x10240xf32, #tpu.memory_space<vmem_shared>> -> memref<1x640xf32, #tpu.memory_space<vmem_shared>>
        %dma_start3A_125 = tpu.memref_squeeze %dma_start3A_124 : memref<1x640xf32, #tpu.memory_space<vmem_shared>> -> memref<640xf32, #tpu.memory_space<vmem_shared>>
        %dma_start3A_126 = tpu.memref_slice %arg14[%add3A_116, %mul3A_118] : memref<16x10240xf32, #tpu.memory_space<vmem_shared>> -> memref<1x640xf32, #tpu.memory_space<vmem_shared>>
        %dma_start3A_127 = tpu.memref_squeeze %dma_start3A_126 : memref<1x640xf32, #tpu.memory_space<vmem_shared>> -> memref<640xf32, #tpu.memory_space<vmem_shared>>
        tpu.enqueue_dma source(%dma_start3A_127 : memref<640xf32, #tpu.memory_space<vmem_shared>>) target(%arg13 : memref<640xf32, #tpu.memory_space<vmem>>) target_semaphore(%run_scoped3A : memref<!tpu.dma_semaphore, #tpu.memory_space<semaphore_mem>>)
        %dma_wait3A = tpu.memref_slice %arg14[%add3A_116, %mul3A_118] : memref<16x10240xf32, #tpu.memory_space<vmem_shared>> -> memref<1x640xf32, #tpu.memory_space<vmem_shared>>
        %dma_wait3A_128 = tpu.memref_squeeze %dma_wait3A : memref<1x640xf32, #tpu.memory_space<vmem_shared>> -> memref<640xf32, #tpu.memory_space<vmem_shared>>
        %dma_wait3A_129 = tpu.memref_slice %arg14[%add3A_116, %mul3A_118] : memref<16x10240xf32, #tpu.memory_space<vmem_shared>> -> memref<1x640xf32, #tpu.memory_space<vmem_shared>>
        %dma_wait3A_130 = tpu.memref_squeeze %dma_wait3A_129 : memref<1x640xf32, #tpu.memory_space<vmem_shared>> -> memref<640xf32, #tpu.memory_space<vmem_shared>>
        tpu.wait_dma2 semaphore(%run_scoped3A : memref<!tpu.dma_semaphore, #tpu.memory_space<semaphore_mem>>) src(%dma_wait3A_130 : memref<640xf32, #tpu.memory_space<vmem_shared>>) dst(%arg13 : memref<640xf32, #tpu.memory_space<vmem>>)
        tpu.yield
      }) : () -> ()
      %scan3A_119 = arith.constant 0 : i32
      %scan3A_120 = arith.constant 40 : i32
      %scan3A_121 = arith.addi %scan3A_119, %scan3A_120 : i32
      %scan3A_122 = arith.constant 1 : i32
      scf.for %scan3A_124 = %scan3A_119 to %scan3A_121 step %scan3A_122  : i32 {
        %mul3A_125 = arith.constant 1 : i32
        %mul3A_126 = arith.muli %scan3A_124, %mul3A_125 : i32
        %add3A_127 = arith.constant 0 : i32
        %add3A_128 = arith.addi %add3A_127, %mul3A_126 : i32
        %mul3A_129 = arith.constant 16 : i32
        %mul3A_130 = arith.muli %add3A_128, %mul3A_129 : i32
        %get3A = arith.index_cast %mul3A_130 : i32 to index
        %get3A_131 = tpu.vector_load %arg12[%get3A] {strides = array<i32>} : memref<640xf32, #tpu.memory_space<vmem>>, vector<16xf32>,
        %get3A_132 = arith.index_cast %mul3A_130 : i32 to index
        %get3A_133 = tpu.vector_load %arg13[%get3A_132] {strides = array<i32>} : memref<640xf32, #tpu.memory_space<vmem>>, vector<16xf32>,
        %add3A_134 = arith.addf %get3A_131, %get3A_133 : vector<16xf32>
        %swap3A = arith.index_cast %mul3A_130 : i32 to index
        %swap3A_135 = tpu.vector_load %arg12[%swap3A] {strides = array<i32>} : memref<640xf32, #tpu.memory_space<vmem>>, vector<16xf32>,
        tpu.vector_store %arg12[%swap3A], %add3A_134 {strides = array<i32>} : memref<640xf32, #tpu.memory_space<vmem>>, vector<16xf32>,
      }
      %scan3A_123 = arith.constant 40 : i32
    }
    %scan3A_105 = arith.constant 16 : i32
    %mul3A_106 = arith.constant 640 : i32
    %mul3A_107 = arith.muli %arg1, %mul3A_106 : i32
    "tpu.region"() ({
      %run_scoped3A = tpu.sem_alloc : memref<!tpu.dma_semaphore, #tpu.memory_space<semaphore_mem>>
      %dma_start3A_112 = tpu.memref_slice %arg5[%arg0, %mul3A_107] : memref<2x10240xf32, #tpu.memory_space<hbm>> -> memref<1x640xf32, #tpu.memory_space<hbm>>
      %dma_start3A_113 = tpu.memref_squeeze %dma_start3A_112 : memref<1x640xf32, #tpu.memory_space<hbm>> -> memref<640xf32, #tpu.memory_space<hbm>>
      %dma_start3A_114 = tpu.memref_slice %arg5[%arg0, %mul3A_107] : memref<2x10240xf32, #tpu.memory_space<hbm>> -> memref<1x640xf32, #tpu.memory_space<hbm>>
      %dma_start3A_115 = tpu.memref_squeeze %dma_start3A_114 : memref<1x640xf32, #tpu.memory_space<hbm>> -> memref<640xf32, #tpu.memory_space<hbm>>
      tpu.enqueue_dma source(%arg12 : memref<640xf32, #tpu.memory_space<vmem>>) target(%dma_start3A_115 : memref<640xf32, #tpu.memory_space<hbm>>) target_semaphore(%run_scoped3A : memref<!tpu.dma_semaphore, #tpu.memory_space<semaphore_mem>>)
      %dma_wait3A = tpu.memref_slice %arg5[%arg0, %mul3A_107] : memref<2x10240xf32, #tpu.memory_space<hbm>> -> memref<1x640xf32, #tpu.memory_space<hbm>>
      %dma_wait3A_116 = tpu.memref_squeeze %dma_wait3A : memref<1x640xf32, #tpu.memory_space<hbm>> -> memref<640xf32, #tpu.memory_space<hbm>>
      %dma_wait3A_117 = tpu.memref_slice %arg5[%arg0, %mul3A_107] : memref<2x10240xf32, #tpu.memory_space<hbm>> -> memref<1x640xf32, #tpu.memory_space<hbm>>
      %dma_wait3A_118 = tpu.memref_squeeze %dma_wait3A_117 : memref<1x640xf32, #tpu.memory_space<hbm>> -> memref<640xf32, #tpu.memory_space<hbm>>
      tpu.wait_dma2 semaphore(%run_scoped3A : memref<!tpu.dma_semaphore, #tpu.memory_space<semaphore_mem>>) src(%arg12 : memref<640xf32, #tpu.memory_space<vmem>>) dst(%dma_wait3A_118 : memref<640xf32, #tpu.memory_space<hbm>>)
      tpu.yield
    }) : () -> ()
    %mul3A_108 = arith.constant 640 : i32
    %mul3A_109 = arith.muli %arg1, %mul3A_108 : i32
    "tpu.region"() ({
      %run_scoped3A = tpu.sem_alloc : memref<!tpu.dma_semaphore, #tpu.memory_space<semaphore_mem>>
      %dma_start3A_112 = arith.constant 0 : i32
      %dma_start3A_113 = tpu.memref_slice %arg15[%mul3A_109, %dma_start3A_112] : memref<10240x16xf32, #tpu.memory_space<vmem_shared>> -> memref<640x16xf32, #tpu.memory_space<vmem_shared>>
      %dma_start3A_114 = arith.constant 0 : i32
      %dma_start3A_115 = tpu.memref_slice %arg15[%mul3A_109, %dma_start3A_114] : memref<10240x16xf32, #tpu.memory_space<vmem_shared>> -> memref<640x16xf32, #tpu.memory_space<vmem_shared>>
      tpu.enqueue_dma source(%dma_start3A_115 : memref<640x16xf32, #tpu.memory_space<vmem_shared>>) target(%arg11 : memref<640x16xf32, #tpu.memory_space<vmem>>) target_semaphore(%run_scoped3A : memref<!tpu.dma_semaphore, #tpu.memory_space<semaphore_mem>>)
      %dma_wait3A = arith.constant 0 : i32
      %dma_wait3A_116 = tpu.memref_slice %arg15[%mul3A_109, %dma_wait3A] : memref<10240x16xf32, #tpu.memory_space<vmem_shared>> -> memref<640x16xf32, #tpu.memory_space<vmem_shared>>
      %dma_wait3A_117 = arith.constant 0 : i32
      %dma_wait3A_118 = tpu.memref_slice %arg15[%mul3A_109, %dma_wait3A_117] : memref<10240x16xf32, #tpu.memory_space<vmem_shared>> -> memref<640x16xf32, #tpu.memory_space<vmem_shared>>
      tpu.wait_dma2 semaphore(%run_scoped3A : memref<!tpu.dma_semaphore, #tpu.memory_space<semaphore_mem>>) src(%dma_wait3A_118 : memref<640x16xf32, #tpu.memory_space<vmem_shared>>) dst(%arg11 : memref<640x16xf32, #tpu.memory_space<vmem>>)
      tpu.yield
    }) : () -> ()
    %mul3A_110 = arith.constant 640 : i32
    %mul3A_111 = arith.muli %arg1, %mul3A_110 : i32
    "tpu.region"() ({
      %run_scoped3A = tpu.sem_alloc : memref<!tpu.dma_semaphore, #tpu.memory_space<semaphore_mem>>
      %dma_start3A_112 = arith.constant 0 : i32
      %dma_start3A_113 = tpu.memref_slice %arg6[%arg0, %mul3A_111, %dma_start3A_112] : memref<2x10240x16xf32, #tpu.memory_space<hbm>> -> memref<1x640x16xf32, #tpu.memory_space<hbm>>
      %dma_start3A_114 = tpu.memref_squeeze %dma_start3A_113 : memref<1x640x16xf32, #tpu.memory_space<hbm>> -> memref<640x16xf32, #tpu.memory_space<hbm>>
      %dma_start3A_115 = arith.constant 0 : i32
      %dma_start3A_116 = tpu.memref_slice %arg6[%arg0, %mul3A_111, %dma_start3A_115] : memref<2x10240x16xf32, #tpu.memory_space<hbm>> -> memref<1x640x16xf32, #tpu.memory_space<hbm>>
      %dma_start3A_117 = tpu.memref_squeeze %dma_start3A_116 : memref<1x640x16xf32, #tpu.memory_space<hbm>> -> memref<640x16xf32, #tpu.memory_space<hbm>>
      tpu.enqueue_dma source(%arg11 : memref<640x16xf32, #tpu.memory_space<vmem>>) target(%dma_start3A_117 : memref<640x16xf32, #tpu.memory_space<hbm>>) target_semaphore(%run_scoped3A : memref<!tpu.dma_semaphore, #tpu.memory_space<semaphore_mem>>)
      %dma_wait3A = arith.constant 0 : i32
      %dma_wait3A_118 = tpu.memref_slice %arg6[%arg0, %mul3A_111, %dma_wait3A] : memref<2x10240x16xf32, #tpu.memory_space<hbm>> -> memref<1x640x16xf32, #tpu.memory_space<hbm>>
      %dma_wait3A_119 = tpu.memref_squeeze %dma_wait3A_118 : memref<1x640x16xf32, #tpu.memory_space<hbm>> -> memref<640x16xf32, #tpu.memory_space<hbm>>
      %dma_wait3A_120 = arith.constant 0 : i32
      %dma_wait3A_121 = tpu.memref_slice %arg6[%arg0, %mul3A_111, %dma_wait3A_120] : memref<2x10240x16xf32, #tpu.memory_space<hbm>> -> memref<1x640x16xf32, #tpu.memory_space<hbm>>
      %dma_wait3A_122 = tpu.memref_squeeze %dma_wait3A_121 : memref<1x640x16xf32, #tpu.memory_space<hbm>> -> memref<640x16xf32, #tpu.memory_space<hbm>>
      tpu.wait_dma2 semaphore(%run_scoped3A : memref<!tpu.dma_semaphore, #tpu.memory_space<semaphore_mem>>) src(%arg11 : memref<640x16xf32, #tpu.memory_space<vmem>>) dst(%dma_wait3A_122 : memref<640x16xf32, #tpu.memory_space<hbm>>)
      tpu.yield
    }) : () -> ()
    return
  }
}

#map = affine_map<(d0, d1) -> (0, 0)>
module attributes {stable_mosaic.version = 14 : i64} {
  func.func @_gather_sc(%arg0: i32, %arg1: i32, %arg2: memref<10000x48xf32, #tpu.memory_space<hbm>>, %arg3: memref<10000x48xf32, #tpu.memory_space<hbm>>, %arg4: memref<4000x80xi32, #tpu.memory_space<hbm>>, %arg5: memref<4000x80xi32, #tpu.memory_space<hbm>>, %arg6: memref<320000x48xf32, #tpu.memory_space<hbm>>, %arg7: memref<320000x48xf32, #tpu.memory_space<hbm>>, %arg8: memref<125x80xi32, #tpu.memory_space<vmem>>, %arg9: memref<125x80xi32, #tpu.memory_space<vmem>>, %arg10: memref<6x80x48xf32, #tpu.memory_space<vmem>>, %arg11: memref<6x80x48xf32, #tpu.memory_space<vmem>>, %arg12: memref<!tpu.dma_semaphore, #tpu.memory_space<semaphore_mem>>, %arg13: memref<!tpu.dma_semaphore, #tpu.memory_space<semaphore_mem>>, %arg14: memref<!tpu.dma_semaphore, #tpu.memory_space<semaphore_mem>>, %arg15: memref<!tpu.dma_semaphore, #tpu.memory_space<semaphore_mem>>) attributes {dimension_semantics = [#tpu.dimension_semantics<core_parallel>, #tpu.dimension_semantics<subcore_parallel>], iteration_bounds = array<i64: 2, 16>, scalar_prefetch = 0 : i64, scratch_operands = 8 : i64, tpu.core_type = #tpu.core_type<sc_vector_subcore>, window_params = [{transform_indices = #map}, {transform_indices = #map}, {transform_indices = #map}, {transform_indices = #map}, {transform_indices = #map}, {transform_indices = #map}]} {
    %mul3A = arith.constant 2 : i32
    %mul3A_0 = arith.muli %arg1, %mul3A : i32
    %add3A = arith.addi %mul3A_0, %arg0 : i32
    %mul3A_1 = arith.constant 10000 : i32
    %mul3A_2 = arith.muli %add3A, %mul3A_1 : i32
    %mul3A_3 = arith.constant 125 : i32
    %mul3A_4 = arith.muli %add3A, %mul3A_3 : i32
    "tpu.region"() ({
      %run_scoped3A = tpu.sem_alloc : memref<!tpu.dma_semaphore, #tpu.memory_space<semaphore_mem>>
      %dma_start3A_283 = arith.constant 0 : i32
      %dma_start3A_284 = tpu.memref_slice %arg4[%mul3A_4, %dma_start3A_283] : memref<4000x80xi32, #tpu.memory_space<hbm>> -> memref<125x80xi32, #tpu.memory_space<hbm>>
      %dma_start3A_285 = arith.constant 0 : i32
      %dma_start3A_286 = tpu.memref_slice %arg4[%mul3A_4, %dma_start3A_285] : memref<4000x80xi32, #tpu.memory_space<hbm>> -> memref<125x80xi32, #tpu.memory_space<hbm>>
      tpu.enqueue_dma source(%dma_start3A_286 : memref<125x80xi32, #tpu.memory_space<hbm>>) target(%arg8 : memref<125x80xi32, #tpu.memory_space<vmem>>) target_semaphore(%run_scoped3A : memref<!tpu.dma_semaphore, #tpu.memory_space<semaphore_mem>>)
      %dma_wait3A_287 = arith.constant 0 : i32
      %dma_wait3A_288 = tpu.memref_slice %arg4[%mul3A_4, %dma_wait3A_287] : memref<4000x80xi32, #tpu.memory_space<hbm>> -> memref<125x80xi32, #tpu.memory_space<hbm>>
      %dma_wait3A_289 = arith.constant 0 : i32
      %dma_wait3A_290 = tpu.memref_slice %arg4[%mul3A_4, %dma_wait3A_289] : memref<4000x80xi32, #tpu.memory_space<hbm>> -> memref<125x80xi32, #tpu.memory_space<hbm>>
      tpu.wait_dma2 semaphore(%run_scoped3A : memref<!tpu.dma_semaphore, #tpu.memory_space<semaphore_mem>>) src(%dma_wait3A_290 : memref<125x80xi32, #tpu.memory_space<hbm>>) dst(%arg8 : memref<125x80xi32, #tpu.memory_space<vmem>>)
      tpu.yield
    }) : () -> ()
    "tpu.region"() ({
      %run_scoped3A = tpu.sem_alloc : memref<!tpu.dma_semaphore, #tpu.memory_space<semaphore_mem>>
      %dma_start3A_283 = arith.constant 0 : i32
      %dma_start3A_284 = tpu.memref_slice %arg5[%mul3A_4, %dma_start3A_283] : memref<4000x80xi32, #tpu.memory_space<hbm>> -> memref<125x80xi32, #tpu.memory_space<hbm>>
      %dma_start3A_285 = arith.constant 0 : i32
      %dma_start3A_286 = tpu.memref_slice %arg5[%mul3A_4, %dma_start3A_285] : memref<4000x80xi32, #tpu.memory_space<hbm>> -> memref<125x80xi32, #tpu.memory_space<hbm>>
      tpu.enqueue_dma source(%dma_start3A_286 : memref<125x80xi32, #tpu.memory_space<hbm>>) target(%arg9 : memref<125x80xi32, #tpu.memory_space<vmem>>) target_semaphore(%run_scoped3A : memref<!tpu.dma_semaphore, #tpu.memory_space<semaphore_mem>>)
      %dma_wait3A_287 = arith.constant 0 : i32
      %dma_wait3A_288 = tpu.memref_slice %arg5[%mul3A_4, %dma_wait3A_287] : memref<4000x80xi32, #tpu.memory_space<hbm>> -> memref<125x80xi32, #tpu.memory_space<hbm>>
      %dma_wait3A_289 = arith.constant 0 : i32
      %dma_wait3A_290 = tpu.memref_slice %arg5[%mul3A_4, %dma_wait3A_289] : memref<4000x80xi32, #tpu.memory_space<hbm>> -> memref<125x80xi32, #tpu.memory_space<hbm>>
      tpu.wait_dma2 semaphore(%run_scoped3A : memref<!tpu.dma_semaphore, #tpu.memory_space<semaphore_mem>>) src(%dma_wait3A_290 : memref<125x80xi32, #tpu.memory_space<hbm>>) dst(%arg9 : memref<125x80xi32, #tpu.memory_space<vmem>>)
      tpu.yield
    }) : () -> ()
    %dma_start3A = arith.constant 0 : i32
    %dma_start3A_5 = arith.constant 0 : i32
    %dma_start3A_6 = arith.constant 0 : i32
    %dma_start3A_7 = arith.constant 0 : i32
    %dma_start3A_8 = tpu.memref_slice %arg10[%dma_start3A_5, %dma_start3A_6, %dma_start3A_7] : memref<6x80x48xf32, #tpu.memory_space<vmem>> -> memref<1x80x48xf32, #tpu.memory_space<vmem>>
    %dma_start3A_9 = tpu.memref_squeeze %dma_start3A_8 : memref<1x80x48xf32, #tpu.memory_space<vmem>> -> memref<80x48xf32, #tpu.memory_space<vmem>>
    %dma_start3A_10 = arith.constant 0 : i32
    %dma_start3A_11 = tpu.memref_slice %arg8[%dma_start3A, %dma_start3A_10] : memref<125x80xi32, #tpu.memory_space<vmem>> -> memref<1x80xi32, #tpu.memory_space<vmem>>
    %dma_start3A_12 = tpu.memref_squeeze %dma_start3A_11 : memref<1x80xi32, #tpu.memory_space<vmem>> -> memref<80xi32, #tpu.memory_space<vmem>>
    %dma_start3A_13 = arith.constant 0 : i32
    %dma_start3A_14 = arith.constant 0 : i32
    %dma_start3A_15 = tpu.memref_slice %arg2[%dma_start3A_13, %dma_start3A_14] : memref<10000x48xf32, #tpu.memory_space<hbm>> -> memref<10000x48xf32, #tpu.memory_space<hbm>>
    tpu.enqueue_indirect_dma source(%dma_start3A_15 : memref<10000x48xf32, #tpu.memory_space<hbm>>) target(%dma_start3A_9 : memref<80x48xf32, #tpu.memory_space<vmem>>) offsets(%dma_start3A_12 : memref<80xi32, #tpu.memory_space<vmem>>) semaphore(%arg12 : memref<!tpu.dma_semaphore, #tpu.memory_space<semaphore_mem>>)
    %dma_start3A_16 = arith.constant 0 : i32
    %dma_start3A_17 = arith.constant 0 : i32
    %dma_start3A_18 = arith.constant 0 : i32
    %dma_start3A_19 = arith.constant 0 : i32
    %dma_start3A_20 = tpu.memref_slice %arg11[%dma_start3A_17, %dma_start3A_18, %dma_start3A_19] : memref<6x80x48xf32, #tpu.memory_space<vmem>> -> memref<1x80x48xf32, #tpu.memory_space<vmem>>
    %dma_start3A_21 = tpu.memref_squeeze %dma_start3A_20 : memref<1x80x48xf32, #tpu.memory_space<vmem>> -> memref<80x48xf32, #tpu.memory_space<vmem>>
    %dma_start3A_22 = arith.constant 0 : i32
    %dma_start3A_23 = tpu.memref_slice %arg9[%dma_start3A_16, %dma_start3A_22] : memref<125x80xi32, #tpu.memory_space<vmem>> -> memref<1x80xi32, #tpu.memory_space<vmem>>
    %dma_start3A_24 = tpu.memref_squeeze %dma_start3A_23 : memref<1x80xi32, #tpu.memory_space<vmem>> -> memref<80xi32, #tpu.memory_space<vmem>>
    %dma_start3A_25 = arith.constant 0 : i32
    %dma_start3A_26 = arith.constant 0 : i32
    %dma_start3A_27 = tpu.memref_slice %arg3[%dma_start3A_25, %dma_start3A_26] : memref<10000x48xf32, #tpu.memory_space<hbm>> -> memref<10000x48xf32, #tpu.memory_space<hbm>>
    tpu.enqueue_indirect_dma source(%dma_start3A_27 : memref<10000x48xf32, #tpu.memory_space<hbm>>) target(%dma_start3A_21 : memref<80x48xf32, #tpu.memory_space<vmem>>) offsets(%dma_start3A_24 : memref<80xi32, #tpu.memory_space<vmem>>) semaphore(%arg13 : memref<!tpu.dma_semaphore, #tpu.memory_space<semaphore_mem>>)
    %dma_start3A_28 = arith.constant 1 : i32
    %dma_start3A_29 = arith.constant 1 : i32
    %dma_start3A_30 = arith.constant 0 : i32
    %dma_start3A_31 = arith.constant 0 : i32
    %dma_start3A_32 = tpu.memref_slice %arg10[%dma_start3A_29, %dma_start3A_30, %dma_start3A_31] : memref<6x80x48xf32, #tpu.memory_space<vmem>> -> memref<1x80x48xf32, #tpu.memory_space<vmem>>
    %dma_start3A_33 = tpu.memref_squeeze %dma_start3A_32 : memref<1x80x48xf32, #tpu.memory_space<vmem>> -> memref<80x48xf32, #tpu.memory_space<vmem>>
    %dma_start3A_34 = arith.constant 0 : i32
    %dma_start3A_35 = tpu.memref_slice %arg8[%dma_start3A_28, %dma_start3A_34] : memref<125x80xi32, #tpu.memory_space<vmem>> -> memref<1x80xi32, #tpu.memory_space<vmem>>
    %dma_start3A_36 = tpu.memref_squeeze %dma_start3A_35 : memref<1x80xi32, #tpu.memory_space<vmem>> -> memref<80xi32, #tpu.memory_space<vmem>>
    %dma_start3A_37 = arith.constant 0 : i32
    %dma_start3A_38 = arith.constant 0 : i32
    %dma_start3A_39 = tpu.memref_slice %arg2[%dma_start3A_37, %dma_start3A_38] : memref<10000x48xf32, #tpu.memory_space<hbm>> -> memref<10000x48xf32, #tpu.memory_space<hbm>>
    tpu.enqueue_indirect_dma source(%dma_start3A_39 : memref<10000x48xf32, #tpu.memory_space<hbm>>) target(%dma_start3A_33 : memref<80x48xf32, #tpu.memory_space<vmem>>) offsets(%dma_start3A_36 : memref<80xi32, #tpu.memory_space<vmem>>) semaphore(%arg12 : memref<!tpu.dma_semaphore, #tpu.memory_space<semaphore_mem>>)
    %dma_start3A_40 = arith.constant 1 : i32
    %dma_start3A_41 = arith.constant 1 : i32
    %dma_start3A_42 = arith.constant 0 : i32
    %dma_start3A_43 = arith.constant 0 : i32
    %dma_start3A_44 = tpu.memref_slice %arg11[%dma_start3A_41, %dma_start3A_42, %dma_start3A_43] : memref<6x80x48xf32, #tpu.memory_space<vmem>> -> memref<1x80x48xf32, #tpu.memory_space<vmem>>
    %dma_start3A_45 = tpu.memref_squeeze %dma_start3A_44 : memref<1x80x48xf32, #tpu.memory_space<vmem>> -> memref<80x48xf32, #tpu.memory_space<vmem>>
    %dma_start3A_46 = arith.constant 0 : i32
    %dma_start3A_47 = tpu.memref_slice %arg9[%dma_start3A_40, %dma_start3A_46] : memref<125x80xi32, #tpu.memory_space<vmem>> -> memref<1x80xi32, #tpu.memory_space<vmem>>
    %dma_start3A_48 = tpu.memref_squeeze %dma_start3A_47 : memref<1x80xi32, #tpu.memory_space<vmem>> -> memref<80xi32, #tpu.memory_space<vmem>>
    %dma_start3A_49 = arith.constant 0 : i32
    %dma_start3A_50 = arith.constant 0 : i32
    %dma_start3A_51 = tpu.memref_slice %arg3[%dma_start3A_49, %dma_start3A_50] : memref<10000x48xf32, #tpu.memory_space<hbm>> -> memref<10000x48xf32, #tpu.memory_space<hbm>>
    tpu.enqueue_indirect_dma source(%dma_start3A_51 : memref<10000x48xf32, #tpu.memory_space<hbm>>) target(%dma_start3A_45 : memref<80x48xf32, #tpu.memory_space<vmem>>) offsets(%dma_start3A_48 : memref<80xi32, #tpu.memory_space<vmem>>) semaphore(%arg13 : memref<!tpu.dma_semaphore, #tpu.memory_space<semaphore_mem>>)
    %dma_start3A_52 = arith.constant 2 : i32
    %dma_start3A_53 = arith.constant 2 : i32
    %dma_start3A_54 = arith.constant 0 : i32
    %dma_start3A_55 = arith.constant 0 : i32
    %dma_start3A_56 = tpu.memref_slice %arg10[%dma_start3A_53, %dma_start3A_54, %dma_start3A_55] : memref<6x80x48xf32, #tpu.memory_space<vmem>> -> memref<1x80x48xf32, #tpu.memory_space<vmem>>
    %dma_start3A_57 = tpu.memref_squeeze %dma_start3A_56 : memref<1x80x48xf32, #tpu.memory_space<vmem>> -> memref<80x48xf32, #tpu.memory_space<vmem>>
    %dma_start3A_58 = arith.constant 0 : i32
    %dma_start3A_59 = tpu.memref_slice %arg8[%dma_start3A_52, %dma_start3A_58] : memref<125x80xi32, #tpu.memory_space<vmem>> -> memref<1x80xi32, #tpu.memory_space<vmem>>
    %dma_start3A_60 = tpu.memref_squeeze %dma_start3A_59 : memref<1x80xi32, #tpu.memory_space<vmem>> -> memref<80xi32, #tpu.memory_space<vmem>>
    %dma_start3A_61 = arith.constant 0 : i32
    %dma_start3A_62 = arith.constant 0 : i32
    %dma_start3A_63 = tpu.memref_slice %arg2[%dma_start3A_61, %dma_start3A_62] : memref<10000x48xf32, #tpu.memory_space<hbm>> -> memref<10000x48xf32, #tpu.memory_space<hbm>>
    tpu.enqueue_indirect_dma source(%dma_start3A_63 : memref<10000x48xf32, #tpu.memory_space<hbm>>) target(%dma_start3A_57 : memref<80x48xf32, #tpu.memory_space<vmem>>) offsets(%dma_start3A_60 : memref<80xi32, #tpu.memory_space<vmem>>) semaphore(%arg12 : memref<!tpu.dma_semaphore, #tpu.memory_space<semaphore_mem>>)
    %dma_start3A_64 = arith.constant 2 : i32
    %dma_start3A_65 = arith.constant 2 : i32
    %dma_start3A_66 = arith.constant 0 : i32
    %dma_start3A_67 = arith.constant 0 : i32
    %dma_start3A_68 = tpu.memref_slice %arg11[%dma_start3A_65, %dma_start3A_66, %dma_start3A_67] : memref<6x80x48xf32, #tpu.memory_space<vmem>> -> memref<1x80x48xf32, #tpu.memory_space<vmem>>
    %dma_start3A_69 = tpu.memref_squeeze %dma_start3A_68 : memref<1x80x48xf32, #tpu.memory_space<vmem>> -> memref<80x48xf32, #tpu.memory_space<vmem>>
    %dma_start3A_70 = arith.constant 0 : i32
    %dma_start3A_71 = tpu.memref_slice %arg9[%dma_start3A_64, %dma_start3A_70] : memref<125x80xi32, #tpu.memory_space<vmem>> -> memref<1x80xi32, #tpu.memory_space<vmem>>
    %dma_start3A_72 = tpu.memref_squeeze %dma_start3A_71 : memref<1x80xi32, #tpu.memory_space<vmem>> -> memref<80xi32, #tpu.memory_space<vmem>>
    %dma_start3A_73 = arith.constant 0 : i32
    %dma_start3A_74 = arith.constant 0 : i32
    %dma_start3A_75 = tpu.memref_slice %arg3[%dma_start3A_73, %dma_start3A_74] : memref<10000x48xf32, #tpu.memory_space<hbm>> -> memref<10000x48xf32, #tpu.memory_space<hbm>>
    tpu.enqueue_indirect_dma source(%dma_start3A_75 : memref<10000x48xf32, #tpu.memory_space<hbm>>) target(%dma_start3A_69 : memref<80x48xf32, #tpu.memory_space<vmem>>) offsets(%dma_start3A_72 : memref<80xi32, #tpu.memory_space<vmem>>) semaphore(%arg13 : memref<!tpu.dma_semaphore, #tpu.memory_space<semaphore_mem>>)
    %dma_start3A_76 = arith.constant 3 : i32
    %dma_start3A_77 = arith.constant 3 : i32
    %dma_start3A_78 = arith.constant 0 : i32
    %dma_start3A_79 = arith.constant 0 : i32
    %dma_start3A_80 = tpu.memref_slice %arg10[%dma_start3A_77, %dma_start3A_78, %dma_start3A_79] : memref<6x80x48xf32, #tpu.memory_space<vmem>> -> memref<1x80x48xf32, #tpu.memory_space<vmem>>
    %dma_start3A_81 = tpu.memref_squeeze %dma_start3A_80 : memref<1x80x48xf32, #tpu.memory_space<vmem>> -> memref<80x48xf32, #tpu.memory_space<vmem>>
    %dma_start3A_82 = arith.constant 0 : i32
    %dma_start3A_83 = tpu.memref_slice %arg8[%dma_start3A_76, %dma_start3A_82] : memref<125x80xi32, #tpu.memory_space<vmem>> -> memref<1x80xi32, #tpu.memory_space<vmem>>
    %dma_start3A_84 = tpu.memref_squeeze %dma_start3A_83 : memref<1x80xi32, #tpu.memory_space<vmem>> -> memref<80xi32, #tpu.memory_space<vmem>>
    %dma_start3A_85 = arith.constant 0 : i32
    %dma_start3A_86 = arith.constant 0 : i32
    %dma_start3A_87 = tpu.memref_slice %arg2[%dma_start3A_85, %dma_start3A_86] : memref<10000x48xf32, #tpu.memory_space<hbm>> -> memref<10000x48xf32, #tpu.memory_space<hbm>>
    tpu.enqueue_indirect_dma source(%dma_start3A_87 : memref<10000x48xf32, #tpu.memory_space<hbm>>) target(%dma_start3A_81 : memref<80x48xf32, #tpu.memory_space<vmem>>) offsets(%dma_start3A_84 : memref<80xi32, #tpu.memory_space<vmem>>) semaphore(%arg12 : memref<!tpu.dma_semaphore, #tpu.memory_space<semaphore_mem>>)
    %dma_start3A_88 = arith.constant 3 : i32
    %dma_start3A_89 = arith.constant 3 : i32
    %dma_start3A_90 = arith.constant 0 : i32
    %dma_start3A_91 = arith.constant 0 : i32
    %dma_start3A_92 = tpu.memref_slice %arg11[%dma_start3A_89, %dma_start3A_90, %dma_start3A_91] : memref<6x80x48xf32, #tpu.memory_space<vmem>> -> memref<1x80x48xf32, #tpu.memory_space<vmem>>
    %dma_start3A_93 = tpu.memref_squeeze %dma_start3A_92 : memref<1x80x48xf32, #tpu.memory_space<vmem>> -> memref<80x48xf32, #tpu.memory_space<vmem>>
    %dma_start3A_94 = arith.constant 0 : i32
    %dma_start3A_95 = tpu.memref_slice %arg9[%dma_start3A_88, %dma_start3A_94] : memref<125x80xi32, #tpu.memory_space<vmem>> -> memref<1x80xi32, #tpu.memory_space<vmem>>
    %dma_start3A_96 = tpu.memref_squeeze %dma_start3A_95 : memref<1x80xi32, #tpu.memory_space<vmem>> -> memref<80xi32, #tpu.memory_space<vmem>>
    %dma_start3A_97 = arith.constant 0 : i32
    %dma_start3A_98 = arith.constant 0 : i32
    %dma_start3A_99 = tpu.memref_slice %arg3[%dma_start3A_97, %dma_start3A_98] : memref<10000x48xf32, #tpu.memory_space<hbm>> -> memref<10000x48xf32, #tpu.memory_space<hbm>>
    tpu.enqueue_indirect_dma source(%dma_start3A_99 : memref<10000x48xf32, #tpu.memory_space<hbm>>) target(%dma_start3A_93 : memref<80x48xf32, #tpu.memory_space<vmem>>) offsets(%dma_start3A_96 : memref<80xi32, #tpu.memory_space<vmem>>) semaphore(%arg13 : memref<!tpu.dma_semaphore, #tpu.memory_space<semaphore_mem>>)
    %dma_start3A_100 = arith.constant 4 : i32
    %dma_start3A_101 = arith.constant 4 : i32
    %dma_start3A_102 = arith.constant 0 : i32
    %dma_start3A_103 = arith.constant 0 : i32
    %dma_start3A_104 = tpu.memref_slice %arg10[%dma_start3A_101, %dma_start3A_102, %dma_start3A_103] : memref<6x80x48xf32, #tpu.memory_space<vmem>> -> memref<1x80x48xf32, #tpu.memory_space<vmem>>
    %dma_start3A_105 = tpu.memref_squeeze %dma_start3A_104 : memref<1x80x48xf32, #tpu.memory_space<vmem>> -> memref<80x48xf32, #tpu.memory_space<vmem>>
    %dma_start3A_106 = arith.constant 0 : i32
    %dma_start3A_107 = tpu.memref_slice %arg8[%dma_start3A_100, %dma_start3A_106] : memref<125x80xi32, #tpu.memory_space<vmem>> -> memref<1x80xi32, #tpu.memory_space<vmem>>
    %dma_start3A_108 = tpu.memref_squeeze %dma_start3A_107 : memref<1x80xi32, #tpu.memory_space<vmem>> -> memref<80xi32, #tpu.memory_space<vmem>>
    %dma_start3A_109 = arith.constant 0 : i32
    %dma_start3A_110 = arith.constant 0 : i32
    %dma_start3A_111 = tpu.memref_slice %arg2[%dma_start3A_109, %dma_start3A_110] : memref<10000x48xf32, #tpu.memory_space<hbm>> -> memref<10000x48xf32, #tpu.memory_space<hbm>>
    tpu.enqueue_indirect_dma source(%dma_start3A_111 : memref<10000x48xf32, #tpu.memory_space<hbm>>) target(%dma_start3A_105 : memref<80x48xf32, #tpu.memory_space<vmem>>) offsets(%dma_start3A_108 : memref<80xi32, #tpu.memory_space<vmem>>) semaphore(%arg12 : memref<!tpu.dma_semaphore, #tpu.memory_space<semaphore_mem>>)
    %dma_start3A_112 = arith.constant 4 : i32
    %dma_start3A_113 = arith.constant 4 : i32
    %dma_start3A_114 = arith.constant 0 : i32
    %dma_start3A_115 = arith.constant 0 : i32
    %dma_start3A_116 = tpu.memref_slice %arg11[%dma_start3A_113, %dma_start3A_114, %dma_start3A_115] : memref<6x80x48xf32, #tpu.memory_space<vmem>> -> memref<1x80x48xf32, #tpu.memory_space<vmem>>
    %dma_start3A_117 = tpu.memref_squeeze %dma_start3A_116 : memref<1x80x48xf32, #tpu.memory_space<vmem>> -> memref<80x48xf32, #tpu.memory_space<vmem>>
    %dma_start3A_118 = arith.constant 0 : i32
    %dma_start3A_119 = tpu.memref_slice %arg9[%dma_start3A_112, %dma_start3A_118] : memref<125x80xi32, #tpu.memory_space<vmem>> -> memref<1x80xi32, #tpu.memory_space<vmem>>
    %dma_start3A_120 = tpu.memref_squeeze %dma_start3A_119 : memref<1x80xi32, #tpu.memory_space<vmem>> -> memref<80xi32, #tpu.memory_space<vmem>>
    %dma_start3A_121 = arith.constant 0 : i32
    %dma_start3A_122 = arith.constant 0 : i32
    %dma_start3A_123 = tpu.memref_slice %arg3[%dma_start3A_121, %dma_start3A_122] : memref<10000x48xf32, #tpu.memory_space<hbm>> -> memref<10000x48xf32, #tpu.memory_space<hbm>>
    tpu.enqueue_indirect_dma source(%dma_start3A_123 : memref<10000x48xf32, #tpu.memory_space<hbm>>) target(%dma_start3A_117 : memref<80x48xf32, #tpu.memory_space<vmem>>) offsets(%dma_start3A_120 : memref<80xi32, #tpu.memory_space<vmem>>) semaphore(%arg13 : memref<!tpu.dma_semaphore, #tpu.memory_space<semaphore_mem>>)
    %scan3A = arith.constant 0 : i32
    %scan3A_124 = arith.constant 125 : i32
    %scan3A_125 = arith.addi %scan3A, %scan3A_124 : i32
    %scan3A_126 = arith.constant 1 : i32
    scf.for %scan3A_283 = %scan3A to %scan3A_125 step %scan3A_126  : i32 {
      %mul3A_284 = arith.constant 1 : i32
      %mul3A_285 = arith.muli %scan3A_283, %mul3A_284 : i32
      %add3A_286 = arith.constant 0 : i32
      %add3A_287 = arith.addi %add3A_286, %mul3A_285 : i32
      %rem3A = arith.constant 6 : i32
      %rem3A_288 = arith.remsi %add3A_287, %rem3A : i32
      %dma_wait3A_289 = arith.constant 0 : i32
      %dma_wait3A_290 = arith.constant 0 : i32
      %dma_wait3A_291 = arith.constant 0 : i32
      %dma_wait3A_292 = tpu.memref_slice %arg10[%rem3A_288, %dma_wait3A_290, %dma_wait3A_291] : memref<6x80x48xf32, #tpu.memory_space<vmem>> -> memref<1x80x48xf32, #tpu.memory_space<vmem>>
      %dma_wait3A_293 = tpu.memref_squeeze %dma_wait3A_292 : memref<1x80x48xf32, #tpu.memory_space<vmem>> -> memref<80x48xf32, #tpu.memory_space<vmem>>
      %dma_wait3A_294 = arith.constant 0 : i32
      %dma_wait3A_295 = tpu.memref_slice %arg8[%dma_wait3A_289, %dma_wait3A_294] : memref<125x80xi32, #tpu.memory_space<vmem>> -> memref<1x80xi32, #tpu.memory_space<vmem>>
      %dma_wait3A_296 = tpu.memref_squeeze %dma_wait3A_295 : memref<1x80xi32, #tpu.memory_space<vmem>> -> memref<80xi32, #tpu.memory_space<vmem>>
      %dma_wait3A_297 = arith.constant 0 : i32
      %dma_wait3A_298 = arith.constant 0 : i32
      %dma_wait3A_299 = tpu.memref_slice %arg2[%dma_wait3A_297, %dma_wait3A_298] : memref<10000x48xf32, #tpu.memory_space<hbm>> -> memref<10000x48xf32, #tpu.memory_space<hbm>>
      tpu.wait_indirect_dma semaphore(%arg12 : memref<!tpu.dma_semaphore, #tpu.memory_space<semaphore_mem>>) src(%dma_wait3A_299 : memref<10000x48xf32, #tpu.memory_space<hbm>>) dst(%dma_wait3A_293 : memref<80x48xf32, #tpu.memory_space<vmem>>)
      %dma_wait3A_300 = arith.constant 0 : i32
      %dma_wait3A_301 = arith.constant 0 : i32
      %dma_wait3A_302 = arith.constant 0 : i32
      %dma_wait3A_303 = tpu.memref_slice %arg11[%rem3A_288, %dma_wait3A_301, %dma_wait3A_302] : memref<6x80x48xf32, #tpu.memory_space<vmem>> -> memref<1x80x48xf32, #tpu.memory_space<vmem>>
      %dma_wait3A_304 = tpu.memref_squeeze %dma_wait3A_303 : memref<1x80x48xf32, #tpu.memory_space<vmem>> -> memref<80x48xf32, #tpu.memory_space<vmem>>
      %dma_wait3A_305 = arith.constant 0 : i32
      %dma_wait3A_306 = tpu.memref_slice %arg9[%dma_wait3A_300, %dma_wait3A_305] : memref<125x80xi32, #tpu.memory_space<vmem>> -> memref<1x80xi32, #tpu.memory_space<vmem>>
      %dma_wait3A_307 = tpu.memref_squeeze %dma_wait3A_306 : memref<1x80xi32, #tpu.memory_space<vmem>> -> memref<80xi32, #tpu.memory_space<vmem>>
      %dma_wait3A_308 = arith.constant 0 : i32
      %dma_wait3A_309 = arith.constant 0 : i32
      %dma_wait3A_310 = tpu.memref_slice %arg3[%dma_wait3A_308, %dma_wait3A_309] : memref<10000x48xf32, #tpu.memory_space<hbm>> -> memref<10000x48xf32, #tpu.memory_space<hbm>>
      tpu.wait_indirect_dma semaphore(%arg13 : memref<!tpu.dma_semaphore, #tpu.memory_space<semaphore_mem>>) src(%dma_wait3A_310 : memref<10000x48xf32, #tpu.memory_space<hbm>>) dst(%dma_wait3A_304 : memref<80x48xf32, #tpu.memory_space<vmem>>)
      %mul3A_311 = arith.constant 80 : i32
      %mul3A_312 = arith.muli %add3A_287, %mul3A_311 : i32
      %add3A_313 = arith.addi %mul3A_2, %mul3A_312 : i32
      %dma_start3A_314 = arith.constant 0 : i32
      %dma_start3A_315 = arith.constant 0 : i32
      %dma_start3A_316 = tpu.memref_slice %arg10[%rem3A_288, %dma_start3A_314, %dma_start3A_315] : memref<6x80x48xf32, #tpu.memory_space<vmem>> -> memref<1x80x48xf32, #tpu.memory_space<vmem>>
      %dma_start3A_317 = tpu.memref_squeeze %dma_start3A_316 : memref<1x80x48xf32, #tpu.memory_space<vmem>> -> memref<80x48xf32, #tpu.memory_space<vmem>>
      %dma_start3A_318 = arith.constant 0 : i32
      %dma_start3A_319 = tpu.memref_slice %arg6[%add3A_313, %dma_start3A_318] : memref<320000x48xf32, #tpu.memory_space<hbm>> -> memref<80x48xf32, #tpu.memory_space<hbm>>
      %dma_start3A_320 = arith.constant 0 : i32
      %dma_start3A_321 = tpu.memref_slice %arg6[%add3A_313, %dma_start3A_320] : memref<320000x48xf32, #tpu.memory_space<hbm>> -> memref<80x48xf32, #tpu.memory_space<hbm>>
      %dma_start3A_322 = arith.constant 0 : i32
      %dma_start3A_323 = arith.constant 0 : i32
      %dma_start3A_324 = tpu.memref_slice %arg10[%rem3A_288, %dma_start3A_322, %dma_start3A_323] : memref<6x80x48xf32, #tpu.memory_space<vmem>> -> memref<1x80x48xf32, #tpu.memory_space<vmem>>
      %dma_start3A_325 = tpu.memref_squeeze %dma_start3A_324 : memref<1x80x48xf32, #tpu.memory_space<vmem>> -> memref<80x48xf32, #tpu.memory_space<vmem>>
      tpu.enqueue_dma source(%dma_start3A_325 : memref<80x48xf32, #tpu.memory_space<vmem>>) target(%dma_start3A_321 : memref<80x48xf32, #tpu.memory_space<hbm>>) target_semaphore(%arg14 : memref<!tpu.dma_semaphore, #tpu.memory_space<semaphore_mem>>)
      %dma_start3A_326 = arith.constant 0 : i32
      %dma_start3A_327 = arith.constant 0 : i32
      %dma_start3A_328 = tpu.memref_slice %arg11[%rem3A_288, %dma_start3A_326, %dma_start3A_327] : memref<6x80x48xf32, #tpu.memory_space<vmem>> -> memref<1x80x48xf32, #tpu.memory_space<vmem>>
      %dma_start3A_329 = tpu.memref_squeeze %dma_start3A_328 : memref<1x80x48xf32, #tpu.memory_space<vmem>> -> memref<80x48xf32, #tpu.memory_space<vmem>>
      %dma_start3A_330 = arith.constant 0 : i32
      %dma_start3A_331 = tpu.memref_slice %arg7[%add3A_313, %dma_start3A_330] : memref<320000x48xf32, #tpu.memory_space<hbm>> -> memref<80x48xf32, #tpu.memory_space<hbm>>
      %dma_start3A_332 = arith.constant 0 : i32
      %dma_start3A_333 = tpu.memref_slice %arg7[%add3A_313, %dma_start3A_332] : memref<320000x48xf32, #tpu.memory_space<hbm>> -> memref<80x48xf32, #tpu.memory_space<hbm>>
      %dma_start3A_334 = arith.constant 0 : i32
      %dma_start3A_335 = arith.constant 0 : i32
      %dma_start3A_336 = tpu.memref_slice %arg11[%rem3A_288, %dma_start3A_334, %dma_start3A_335] : memref<6x80x48xf32, #tpu.memory_space<vmem>> -> memref<1x80x48xf32, #tpu.memory_space<vmem>>
      %dma_start3A_337 = tpu.memref_squeeze %dma_start3A_336 : memref<1x80x48xf32, #tpu.memory_space<vmem>> -> memref<80x48xf32, #tpu.memory_space<vmem>>
      tpu.enqueue_dma source(%dma_start3A_337 : memref<80x48xf32, #tpu.memory_space<vmem>>) target(%dma_start3A_333 : memref<80x48xf32, #tpu.memory_space<hbm>>) target_semaphore(%arg15 : memref<!tpu.dma_semaphore, #tpu.memory_space<semaphore_mem>>)
      %add3A_338 = arith.constant 6 : i32
      %add3A_339 = arith.addi %add3A_287, %add3A_338 : i32
      %sub3A = arith.constant 1 : i32
      %sub3A_340 = arith.subi %add3A_339, %sub3A : i32
      %lt3A = arith.constant 125 : i32
      %lt3A_341 = arith.cmpi slt, %sub3A_340, %lt3A : i32
      %convert_element_type3A = arith.extui %lt3A_341 : i1 to i32
      %cond3A = arith.constant 0 : i32
      %cond3A_342 = arith.cmpi ne, %convert_element_type3A, %cond3A : i32
      scf.if %cond3A_342 {
        %ge3A = arith.constant 1 : i32
        %ge3A_343 = arith.cmpi sge, %add3A_287, %ge3A : i32
        %convert_element_type3A_344 = arith.extui %ge3A_343 : i1 to i32
        %cond3A_345 = arith.constant 0 : i32
        %cond3A_346 = arith.cmpi ne, %convert_element_type3A_344, %cond3A_345 : i32
        scf.if %cond3A_346 {
          %dma_wait3A_381 = arith.constant 0 : i32
          %dma_wait3A_382 = arith.constant 0 : i32
          %dma_wait3A_383 = arith.constant 0 : i32
          %dma_wait3A_384 = tpu.memref_slice %arg10[%dma_wait3A_381, %dma_wait3A_382, %dma_wait3A_383] : memref<6x80x48xf32, #tpu.memory_space<vmem>> -> memref<1x80x48xf32, #tpu.memory_space<vmem>>
          %dma_wait3A_385 = tpu.memref_squeeze %dma_wait3A_384 : memref<1x80x48xf32, #tpu.memory_space<vmem>> -> memref<80x48xf32, #tpu.memory_space<vmem>>
          %dma_wait3A_386 = arith.constant 0 : i32
          %dma_wait3A_387 = tpu.memref_slice %arg6[%mul3A_2, %dma_wait3A_386] : memref<320000x48xf32, #tpu.memory_space<hbm>> -> memref<80x48xf32, #tpu.memory_space<hbm>>
          %dma_wait3A_388 = arith.constant 0 : i32
          %dma_wait3A_389 = tpu.memref_slice %arg6[%mul3A_2, %dma_wait3A_388] : memref<320000x48xf32, #tpu.memory_space<hbm>> -> memref<80x48xf32, #tpu.memory_space<hbm>>
          %dma_wait3A_390 = arith.constant 0 : i32
          %dma_wait3A_391 = arith.constant 0 : i32
          %dma_wait3A_392 = tpu.memref_slice %arg10[%dma_wait3A_381, %dma_wait3A_390, %dma_wait3A_391] : memref<6x80x48xf32, #tpu.memory_space<vmem>> -> memref<1x80x48xf32, #tpu.memory_space<vmem>>
          %dma_wait3A_393 = tpu.memref_squeeze %dma_wait3A_392 : memref<1x80x48xf32, #tpu.memory_space<vmem>> -> memref<80x48xf32, #tpu.memory_space<vmem>>
          tpu.wait_dma2 semaphore(%arg14 : memref<!tpu.dma_semaphore, #tpu.memory_space<semaphore_mem>>) src(%dma_wait3A_393 : memref<80x48xf32, #tpu.memory_space<vmem>>) dst(%dma_wait3A_389 : memref<80x48xf32, #tpu.memory_space<hbm>>)
          %dma_wait3A_394 = arith.constant 0 : i32
          %dma_wait3A_395 = arith.constant 0 : i32
          %dma_wait3A_396 = arith.constant 0 : i32
          %dma_wait3A_397 = tpu.memref_slice %arg11[%dma_wait3A_394, %dma_wait3A_395, %dma_wait3A_396] : memref<6x80x48xf32, #tpu.memory_space<vmem>> -> memref<1x80x48xf32, #tpu.memory_space<vmem>>
          %dma_wait3A_398 = tpu.memref_squeeze %dma_wait3A_397 : memref<1x80x48xf32, #tpu.memory_space<vmem>> -> memref<80x48xf32, #tpu.memory_space<vmem>>
          %dma_wait3A_399 = arith.constant 0 : i32
          %dma_wait3A_400 = tpu.memref_slice %arg7[%mul3A_2, %dma_wait3A_399] : memref<320000x48xf32, #tpu.memory_space<hbm>> -> memref<80x48xf32, #tpu.memory_space<hbm>>
          %dma_wait3A_401 = arith.constant 0 : i32
          %dma_wait3A_402 = tpu.memref_slice %arg7[%mul3A_2, %dma_wait3A_401] : memref<320000x48xf32, #tpu.memory_space<hbm>> -> memref<80x48xf32, #tpu.memory_space<hbm>>
          %dma_wait3A_403 = arith.constant 0 : i32
          %dma_wait3A_404 = arith.constant 0 : i32
          %dma_wait3A_405 = tpu.memref_slice %arg11[%dma_wait3A_394, %dma_wait3A_403, %dma_wait3A_404] : memref<6x80x48xf32, #tpu.memory_space<vmem>> -> memref<1x80x48xf32, #tpu.memory_space<vmem>>
          %dma_wait3A_406 = tpu.memref_squeeze %dma_wait3A_405 : memref<1x80x48xf32, #tpu.memory_space<vmem>> -> memref<80x48xf32, #tpu.memory_space<vmem>>
          tpu.wait_dma2 semaphore(%arg15 : memref<!tpu.dma_semaphore, #tpu.memory_space<semaphore_mem>>) src(%dma_wait3A_406 : memref<80x48xf32, #tpu.memory_space<vmem>>) dst(%dma_wait3A_402 : memref<80x48xf32, #tpu.memory_space<hbm>>)
        } else {
        }
        %add3A_347 = arith.constant 6 : i32
        %add3A_348 = arith.addi %add3A_287, %add3A_347 : i32
        %sub3A_349 = arith.constant 1 : i32
        %sub3A_350 = arith.subi %add3A_348, %sub3A_349 : i32
        %rem3A_351 = arith.constant 6 : i32
        %rem3A_352 = arith.remsi %sub3A_350, %rem3A_351 : i32
        %add3A_353 = arith.constant 6 : i32
        %add3A_354 = arith.addi %add3A_287, %add3A_353 : i32
        %sub3A_355 = arith.constant 1 : i32
        %sub3A_356 = arith.subi %add3A_354, %sub3A_355 : i32
        %dma_start3A_357 = arith.constant 0 : i32
        %dma_start3A_358 = arith.constant 0 : i32
        %dma_start3A_359 = tpu.memref_slice %arg10[%rem3A_352, %dma_start3A_357, %dma_start3A_358] : memref<6x80x48xf32, #tpu.memory_space<vmem>> -> memref<1x80x48xf32, #tpu.memory_space<vmem>>
        %dma_start3A_360 = tpu.memref_squeeze %dma_start3A_359 : memref<1x80x48xf32, #tpu.memory_space<vmem>> -> memref<80x48xf32, #tpu.memory_space<vmem>>
        %dma_start3A_361 = arith.constant 0 : i32
        %dma_start3A_362 = tpu.memref_slice %arg8[%sub3A_356, %dma_start3A_361] : memref<125x80xi32, #tpu.memory_space<vmem>> -> memref<1x80xi32, #tpu.memory_space<vmem>>
        %dma_start3A_363 = tpu.memref_squeeze %dma_start3A_362 : memref<1x80xi32, #tpu.memory_space<vmem>> -> memref<80xi32, #tpu.memory_space<vmem>>
        %dma_start3A_364 = arith.constant 0 : i32
        %dma_start3A_365 = arith.constant 0 : i32
        %dma_start3A_366 = tpu.memref_slice %arg2[%dma_start3A_364, %dma_start3A_365] : memref<10000x48xf32, #tpu.memory_space<hbm>> -> memref<10000x48xf32, #tpu.memory_space<hbm>>
        tpu.enqueue_indirect_dma source(%dma_start3A_366 : memref<10000x48xf32, #tpu.memory_space<hbm>>) target(%dma_start3A_360 : memref<80x48xf32, #tpu.memory_space<vmem>>) offsets(%dma_start3A_363 : memref<80xi32, #tpu.memory_space<vmem>>) semaphore(%arg12 : memref<!tpu.dma_semaphore, #tpu.memory_space<semaphore_mem>>)
        %add3A_367 = arith.constant 6 : i32
        %add3A_368 = arith.addi %add3A_287, %add3A_367 : i32
        %sub3A_369 = arith.constant 1 : i32
        %sub3A_370 = arith.subi %add3A_368, %sub3A_369 : i32
        %dma_start3A_371 = arith.constant 0 : i32
        %dma_start3A_372 = arith.constant 0 : i32
        %dma_start3A_373 = tpu.memref_slice %arg11[%rem3A_352, %dma_start3A_371, %dma_start3A_372] : memref<6x80x48xf32, #tpu.memory_space<vmem>> -> memref<1x80x48xf32, #tpu.memory_space<vmem>>
        %dma_start3A_374 = tpu.memref_squeeze %dma_start3A_373 : memref<1x80x48xf32, #tpu.memory_space<vmem>> -> memref<80x48xf32, #tpu.memory_space<vmem>>
        %dma_start3A_375 = arith.constant 0 : i32
        %dma_start3A_376 = tpu.memref_slice %arg9[%sub3A_370, %dma_start3A_375] : memref<125x80xi32, #tpu.memory_space<vmem>> -> memref<1x80xi32, #tpu.memory_space<vmem>>
        %dma_start3A_377 = tpu.memref_squeeze %dma_start3A_376 : memref<1x80xi32, #tpu.memory_space<vmem>> -> memref<80xi32, #tpu.memory_space<vmem>>
        %dma_start3A_378 = arith.constant 0 : i32
        %dma_start3A_379 = arith.constant 0 : i32
        %dma_start3A_380 = tpu.memref_slice %arg3[%dma_start3A_378, %dma_start3A_379] : memref<10000x48xf32, #tpu.memory_space<hbm>> -> memref<10000x48xf32, #tpu.memory_space<hbm>>
        tpu.enqueue_indirect_dma source(%dma_start3A_380 : memref<10000x48xf32, #tpu.memory_space<hbm>>) target(%dma_start3A_374 : memref<80x48xf32, #tpu.memory_space<vmem>>) offsets(%dma_start3A_377 : memref<80xi32, #tpu.memory_space<vmem>>) semaphore(%arg13 : memref<!tpu.dma_semaphore, #tpu.memory_space<semaphore_mem>>)
      } else {
      }
    }
    %scan3A_127 = arith.constant 125 : i32
    %dma_wait3A = arith.constant 0 : i32
    %dma_wait3A_128 = arith.constant 0 : i32
    %dma_wait3A_129 = arith.constant 0 : i32
    %dma_wait3A_130 = tpu.memref_slice %arg10[%dma_wait3A, %dma_wait3A_128, %dma_wait3A_129] : memref<6x80x48xf32, #tpu.memory_space<vmem>> -> memref<1x80x48xf32, #tpu.memory_space<vmem>>
    %dma_wait3A_131 = tpu.memref_squeeze %dma_wait3A_130 : memref<1x80x48xf32, #tpu.memory_space<vmem>> -> memref<80x48xf32, #tpu.memory_space<vmem>>
    %dma_wait3A_132 = arith.constant 0 : i32
    %dma_wait3A_133 = tpu.memref_slice %arg6[%mul3A_2, %dma_wait3A_132] : memref<320000x48xf32, #tpu.memory_space<hbm>> -> memref<80x48xf32, #tpu.memory_space<hbm>>
    %dma_wait3A_134 = arith.constant 0 : i32
    %dma_wait3A_135 = tpu.memref_slice %arg6[%mul3A_2, %dma_wait3A_134] : memref<320000x48xf32, #tpu.memory_space<hbm>> -> memref<80x48xf32, #tpu.memory_space<hbm>>
    %dma_wait3A_136 = arith.constant 0 : i32
    %dma_wait3A_137 = arith.constant 0 : i32
    %dma_wait3A_138 = tpu.memref_slice %arg10[%dma_wait3A, %dma_wait3A_136, %dma_wait3A_137] : memref<6x80x48xf32, #tpu.memory_space<vmem>> -> memref<1x80x48xf32, #tpu.memory_space<vmem>>
    %dma_wait3A_139 = tpu.memref_squeeze %dma_wait3A_138 : memref<1x80x48xf32, #tpu.memory_space<vmem>> -> memref<80x48xf32, #tpu.memory_space<vmem>>
    tpu.wait_dma2 semaphore(%arg14 : memref<!tpu.dma_semaphore, #tpu.memory_space<semaphore_mem>>) src(%dma_wait3A_139 : memref<80x48xf32, #tpu.memory_space<vmem>>) dst(%dma_wait3A_135 : memref<80x48xf32, #tpu.memory_space<hbm>>)
    %dma_wait3A_140 = arith.constant 0 : i32
    %dma_wait3A_141 = arith.constant 0 : i32
    %dma_wait3A_142 = arith.constant 0 : i32
    %dma_wait3A_143 = tpu.memref_slice %arg11[%dma_wait3A_140, %dma_wait3A_141, %dma_wait3A_142] : memref<6x80x48xf32, #tpu.memory_space<vmem>> -> memref<1x80x48xf32, #tpu.memory_space<vmem>>
    %dma_wait3A_144 = tpu.memref_squeeze %dma_wait3A_143 : memref<1x80x48xf32, #tpu.memory_space<vmem>> -> memref<80x48xf32, #tpu.memory_space<vmem>>
    %dma_wait3A_145 = arith.constant 0 : i32
    %dma_wait3A_146 = tpu.memref_slice %arg7[%mul3A_2, %dma_wait3A_145] : memref<320000x48xf32, #tpu.memory_space<hbm>> -> memref<80x48xf32, #tpu.memory_space<hbm>>
    %dma_wait3A_147 = arith.constant 0 : i32
    %dma_wait3A_148 = tpu.memref_slice %arg7[%mul3A_2, %dma_wait3A_147] : memref<320000x48xf32, #tpu.memory_space<hbm>> -> memref<80x48xf32, #tpu.memory_space<hbm>>
    %dma_wait3A_149 = arith.constant 0 : i32
    %dma_wait3A_150 = arith.constant 0 : i32
    %dma_wait3A_151 = tpu.memref_slice %arg11[%dma_wait3A_140, %dma_wait3A_149, %dma_wait3A_150] : memref<6x80x48xf32, #tpu.memory_space<vmem>> -> memref<1x80x48xf32, #tpu.memory_space<vmem>>
    %dma_wait3A_152 = tpu.memref_squeeze %dma_wait3A_151 : memref<1x80x48xf32, #tpu.memory_space<vmem>> -> memref<80x48xf32, #tpu.memory_space<vmem>>
    tpu.wait_dma2 semaphore(%arg15 : memref<!tpu.dma_semaphore, #tpu.memory_space<semaphore_mem>>) src(%dma_wait3A_152 : memref<80x48xf32, #tpu.memory_space<vmem>>) dst(%dma_wait3A_148 : memref<80x48xf32, #tpu.memory_space<hbm>>)
    %dma_wait3A_153 = arith.constant 0 : i32
    %dma_wait3A_154 = arith.constant 0 : i32
    %dma_wait3A_155 = arith.constant 0 : i32
    %dma_wait3A_156 = tpu.memref_slice %arg10[%dma_wait3A_153, %dma_wait3A_154, %dma_wait3A_155] : memref<6x80x48xf32, #tpu.memory_space<vmem>> -> memref<1x80x48xf32, #tpu.memory_space<vmem>>
    %dma_wait3A_157 = tpu.memref_squeeze %dma_wait3A_156 : memref<1x80x48xf32, #tpu.memory_space<vmem>> -> memref<80x48xf32, #tpu.memory_space<vmem>>
    %dma_wait3A_158 = arith.constant 0 : i32
    %dma_wait3A_159 = tpu.memref_slice %arg6[%mul3A_2, %dma_wait3A_158] : memref<320000x48xf32, #tpu.memory_space<hbm>> -> memref<80x48xf32, #tpu.memory_space<hbm>>
    %dma_wait3A_160 = arith.constant 0 : i32
    %dma_wait3A_161 = tpu.memref_slice %arg6[%mul3A_2, %dma_wait3A_160] : memref<320000x48xf32, #tpu.memory_space<hbm>> -> memref<80x48xf32, #tpu.memory_space<hbm>>
    %dma_wait3A_162 = arith.constant 0 : i32
    %dma_wait3A_163 = arith.constant 0 : i32
    %dma_wait3A_164 = tpu.memref_slice %arg10[%dma_wait3A_153, %dma_wait3A_162, %dma_wait3A_163] : memref<6x80x48xf32, #tpu.memory_space<vmem>> -> memref<1x80x48xf32, #tpu.memory_space<vmem>>
    %dma_wait3A_165 = tpu.memref_squeeze %dma_wait3A_164 : memref<1x80x48xf32, #tpu.memory_space<vmem>> -> memref<80x48xf32, #tpu.memory_space<vmem>>
    tpu.wait_dma2 semaphore(%arg14 : memref<!tpu.dma_semaphore, #tpu.memory_space<semaphore_mem>>) src(%dma_wait3A_165 : memref<80x48xf32, #tpu.memory_space<vmem>>) dst(%dma_wait3A_161 : memref<80x48xf32, #tpu.memory_space<hbm>>)
    %dma_wait3A_166 = arith.constant 0 : i32
    %dma_wait3A_167 = arith.constant 0 : i32
    %dma_wait3A_168 = arith.constant 0 : i32
    %dma_wait3A_169 = tpu.memref_slice %arg11[%dma_wait3A_166, %dma_wait3A_167, %dma_wait3A_168] : memref<6x80x48xf32, #tpu.memory_space<vmem>> -> memref<1x80x48xf32, #tpu.memory_space<vmem>>
    %dma_wait3A_170 = tpu.memref_squeeze %dma_wait3A_169 : memref<1x80x48xf32, #tpu.memory_space<vmem>> -> memref<80x48xf32, #tpu.memory_space<vmem>>
    %dma_wait3A_171 = arith.constant 0 : i32
    %dma_wait3A_172 = tpu.memref_slice %arg7[%mul3A_2, %dma_wait3A_171] : memref<320000x48xf32, #tpu.memory_space<hbm>> -> memref<80x48xf32, #tpu.memory_space<hbm>>
    %dma_wait3A_173 = arith.constant 0 : i32
    %dma_wait3A_174 = tpu.memref_slice %arg7[%mul3A_2, %dma_wait3A_173] : memref<320000x48xf32, #tpu.memory_space<hbm>> -> memref<80x48xf32, #tpu.memory_space<hbm>>
    %dma_wait3A_175 = arith.constant 0 : i32
    %dma_wait3A_176 = arith.constant 0 : i32
    %dma_wait3A_177 = tpu.memref_slice %arg11[%dma_wait3A_166, %dma_wait3A_175, %dma_wait3A_176] : memref<6x80x48xf32, #tpu.memory_space<vmem>> -> memref<1x80x48xf32, #tpu.memory_space<vmem>>
    %dma_wait3A_178 = tpu.memref_squeeze %dma_wait3A_177 : memref<1x80x48xf32, #tpu.memory_space<vmem>> -> memref<80x48xf32, #tpu.memory_space<vmem>>
    tpu.wait_dma2 semaphore(%arg15 : memref<!tpu.dma_semaphore, #tpu.memory_space<semaphore_mem>>) src(%dma_wait3A_178 : memref<80x48xf32, #tpu.memory_space<vmem>>) dst(%dma_wait3A_174 : memref<80x48xf32, #tpu.memory_space<hbm>>)
    %dma_wait3A_179 = arith.constant 0 : i32
    %dma_wait3A_180 = arith.constant 0 : i32
    %dma_wait3A_181 = arith.constant 0 : i32
    %dma_wait3A_182 = tpu.memref_slice %arg10[%dma_wait3A_179, %dma_wait3A_180, %dma_wait3A_181] : memref<6x80x48xf32, #tpu.memory_space<vmem>> -> memref<1x80x48xf32, #tpu.memory_space<vmem>>
    %dma_wait3A_183 = tpu.memref_squeeze %dma_wait3A_182 : memref<1x80x48xf32, #tpu.memory_space<vmem>> -> memref<80x48xf32, #tpu.memory_space<vmem>>
    %dma_wait3A_184 = arith.constant 0 : i32
    %dma_wait3A_185 = tpu.memref_slice %arg6[%mul3A_2, %dma_wait3A_184] : memref<320000x48xf32, #tpu.memory_space<hbm>> -> memref<80x48xf32, #tpu.memory_space<hbm>>
    %dma_wait3A_186 = arith.constant 0 : i32
    %dma_wait3A_187 = tpu.memref_slice %arg6[%mul3A_2, %dma_wait3A_186] : memref<320000x48xf32, #tpu.memory_space<hbm>> -> memref<80x48xf32, #tpu.memory_space<hbm>>
    %dma_wait3A_188 = arith.constant 0 : i32
    %dma_wait3A_189 = arith.constant 0 : i32
    %dma_wait3A_190 = tpu.memref_slice %arg10[%dma_wait3A_179, %dma_wait3A_188, %dma_wait3A_189] : memref<6x80x48xf32, #tpu.memory_space<vmem>> -> memref<1x80x48xf32, #tpu.memory_space<vmem>>
    %dma_wait3A_191 = tpu.memref_squeeze %dma_wait3A_190 : memref<1x80x48xf32, #tpu.memory_space<vmem>> -> memref<80x48xf32, #tpu.memory_space<vmem>>
    tpu.wait_dma2 semaphore(%arg14 : memref<!tpu.dma_semaphore, #tpu.memory_space<semaphore_mem>>) src(%dma_wait3A_191 : memref<80x48xf32, #tpu.memory_space<vmem>>) dst(%dma_wait3A_187 : memref<80x48xf32, #tpu.memory_space<hbm>>)
    %dma_wait3A_192 = arith.constant 0 : i32
    %dma_wait3A_193 = arith.constant 0 : i32
    %dma_wait3A_194 = arith.constant 0 : i32
    %dma_wait3A_195 = tpu.memref_slice %arg11[%dma_wait3A_192, %dma_wait3A_193, %dma_wait3A_194] : memref<6x80x48xf32, #tpu.memory_space<vmem>> -> memref<1x80x48xf32, #tpu.memory_space<vmem>>
    %dma_wait3A_196 = tpu.memref_squeeze %dma_wait3A_195 : memref<1x80x48xf32, #tpu.memory_space<vmem>> -> memref<80x48xf32, #tpu.memory_space<vmem>>
    %dma_wait3A_197 = arith.constant 0 : i32
    %dma_wait3A_198 = tpu.memref_slice %arg7[%mul3A_2, %dma_wait3A_197] : memref<320000x48xf32, #tpu.memory_space<hbm>> -> memref<80x48xf32, #tpu.memory_space<hbm>>
    %dma_wait3A_199 = arith.constant 0 : i32
    %dma_wait3A_200 = tpu.memref_slice %arg7[%mul3A_2, %dma_wait3A_199] : memref<320000x48xf32, #tpu.memory_space<hbm>> -> memref<80x48xf32, #tpu.memory_space<hbm>>
    %dma_wait3A_201 = arith.constant 0 : i32
    %dma_wait3A_202 = arith.constant 0 : i32
    %dma_wait3A_203 = tpu.memref_slice %arg11[%dma_wait3A_192, %dma_wait3A_201, %dma_wait3A_202] : memref<6x80x48xf32, #tpu.memory_space<vmem>> -> memref<1x80x48xf32, #tpu.memory_space<vmem>>
    %dma_wait3A_204 = tpu.memref_squeeze %dma_wait3A_203 : memref<1x80x48xf32, #tpu.memory_space<vmem>> -> memref<80x48xf32, #tpu.memory_space<vmem>>
    tpu.wait_dma2 semaphore(%arg15 : memref<!tpu.dma_semaphore, #tpu.memory_space<semaphore_mem>>) src(%dma_wait3A_204 : memref<80x48xf32, #tpu.memory_space<vmem>>) dst(%dma_wait3A_200 : memref<80x48xf32, #tpu.memory_space<hbm>>)
    %dma_wait3A_205 = arith.constant 0 : i32
    %dma_wait3A_206 = arith.constant 0 : i32
    %dma_wait3A_207 = arith.constant 0 : i32
    %dma_wait3A_208 = tpu.memref_slice %arg10[%dma_wait3A_205, %dma_wait3A_206, %dma_wait3A_207] : memref<6x80x48xf32, #tpu.memory_space<vmem>> -> memref<1x80x48xf32, #tpu.memory_space<vmem>>
    %dma_wait3A_209 = tpu.memref_squeeze %dma_wait3A_208 : memref<1x80x48xf32, #tpu.memory_space<vmem>> -> memref<80x48xf32, #tpu.memory_space<vmem>>
    %dma_wait3A_210 = arith.constant 0 : i32
    %dma_wait3A_211 = tpu.memref_slice %arg6[%mul3A_2, %dma_wait3A_210] : memref<320000x48xf32, #tpu.memory_space<hbm>> -> memref<80x48xf32, #tpu.memory_space<hbm>>
    %dma_wait3A_212 = arith.constant 0 : i32
    %dma_wait3A_213 = tpu.memref_slice %arg6[%mul3A_2, %dma_wait3A_212] : memref<320000x48xf32, #tpu.memory_space<hbm>> -> memref<80x48xf32, #tpu.memory_space<hbm>>
    %dma_wait3A_214 = arith.constant 0 : i32
    %dma_wait3A_215 = arith.constant 0 : i32
    %dma_wait3A_216 = tpu.memref_slice %arg10[%dma_wait3A_205, %dma_wait3A_214, %dma_wait3A_215] : memref<6x80x48xf32, #tpu.memory_space<vmem>> -> memref<1x80x48xf32, #tpu.memory_space<vmem>>
    %dma_wait3A_217 = tpu.memref_squeeze %dma_wait3A_216 : memref<1x80x48xf32, #tpu.memory_space<vmem>> -> memref<80x48xf32, #tpu.memory_space<vmem>>
    tpu.wait_dma2 semaphore(%arg14 : memref<!tpu.dma_semaphore, #tpu.memory_space<semaphore_mem>>) src(%dma_wait3A_217 : memref<80x48xf32, #tpu.memory_space<vmem>>) dst(%dma_wait3A_213 : memref<80x48xf32, #tpu.memory_space<hbm>>)
    %dma_wait3A_218 = arith.constant 0 : i32
    %dma_wait3A_219 = arith.constant 0 : i32
    %dma_wait3A_220 = arith.constant 0 : i32
    %dma_wait3A_221 = tpu.memref_slice %arg11[%dma_wait3A_218, %dma_wait3A_219, %dma_wait3A_220] : memref<6x80x48xf32, #tpu.memory_space<vmem>> -> memref<1x80x48xf32, #tpu.memory_space<vmem>>
    %dma_wait3A_222 = tpu.memref_squeeze %dma_wait3A_221 : memref<1x80x48xf32, #tpu.memory_space<vmem>> -> memref<80x48xf32, #tpu.memory_space<vmem>>
    %dma_wait3A_223 = arith.constant 0 : i32
    %dma_wait3A_224 = tpu.memref_slice %arg7[%mul3A_2, %dma_wait3A_223] : memref<320000x48xf32, #tpu.memory_space<hbm>> -> memref<80x48xf32, #tpu.memory_space<hbm>>
    %dma_wait3A_225 = arith.constant 0 : i32
    %dma_wait3A_226 = tpu.memref_slice %arg7[%mul3A_2, %dma_wait3A_225] : memref<320000x48xf32, #tpu.memory_space<hbm>> -> memref<80x48xf32, #tpu.memory_space<hbm>>
    %dma_wait3A_227 = arith.constant 0 : i32
    %dma_wait3A_228 = arith.constant 0 : i32
    %dma_wait3A_229 = tpu.memref_slice %arg11[%dma_wait3A_218, %dma_wait3A_227, %dma_wait3A_228] : memref<6x80x48xf32, #tpu.memory_space<vmem>> -> memref<1x80x48xf32, #tpu.memory_space<vmem>>
    %dma_wait3A_230 = tpu.memref_squeeze %dma_wait3A_229 : memref<1x80x48xf32, #tpu.memory_space<vmem>> -> memref<80x48xf32, #tpu.memory_space<vmem>>
    tpu.wait_dma2 semaphore(%arg15 : memref<!tpu.dma_semaphore, #tpu.memory_space<semaphore_mem>>) src(%dma_wait3A_230 : memref<80x48xf32, #tpu.memory_space<vmem>>) dst(%dma_wait3A_226 : memref<80x48xf32, #tpu.memory_space<hbm>>)
    %dma_wait3A_231 = arith.constant 0 : i32
    %dma_wait3A_232 = arith.constant 0 : i32
    %dma_wait3A_233 = arith.constant 0 : i32
    %dma_wait3A_234 = tpu.memref_slice %arg10[%dma_wait3A_231, %dma_wait3A_232, %dma_wait3A_233] : memref<6x80x48xf32, #tpu.memory_space<vmem>> -> memref<1x80x48xf32, #tpu.memory_space<vmem>>
    %dma_wait3A_235 = tpu.memref_squeeze %dma_wait3A_234 : memref<1x80x48xf32, #tpu.memory_space<vmem>> -> memref<80x48xf32, #tpu.memory_space<vmem>>
    %dma_wait3A_236 = arith.constant 0 : i32
    %dma_wait3A_237 = tpu.memref_slice %arg6[%mul3A_2, %dma_wait3A_236] : memref<320000x48xf32, #tpu.memory_space<hbm>> -> memref<80x48xf32, #tpu.memory_space<hbm>>
    %dma_wait3A_238 = arith.constant 0 : i32
    %dma_wait3A_239 = tpu.memref_slice %arg6[%mul3A_2, %dma_wait3A_238] : memref<320000x48xf32, #tpu.memory_space<hbm>> -> memref<80x48xf32, #tpu.memory_space<hbm>>
    %dma_wait3A_240 = arith.constant 0 : i32
    %dma_wait3A_241 = arith.constant 0 : i32
    %dma_wait3A_242 = tpu.memref_slice %arg10[%dma_wait3A_231, %dma_wait3A_240, %dma_wait3A_241] : memref<6x80x48xf32, #tpu.memory_space<vmem>> -> memref<1x80x48xf32, #tpu.memory_space<vmem>>
    %dma_wait3A_243 = tpu.memref_squeeze %dma_wait3A_242 : memref<1x80x48xf32, #tpu.memory_space<vmem>> -> memref<80x48xf32, #tpu.memory_space<vmem>>
    tpu.wait_dma2 semaphore(%arg14 : memref<!tpu.dma_semaphore, #tpu.memory_space<semaphore_mem>>) src(%dma_wait3A_243 : memref<80x48xf32, #tpu.memory_space<vmem>>) dst(%dma_wait3A_239 : memref<80x48xf32, #tpu.memory_space<hbm>>)
    %dma_wait3A_244 = arith.constant 0 : i32
    %dma_wait3A_245 = arith.constant 0 : i32
    %dma_wait3A_246 = arith.constant 0 : i32
    %dma_wait3A_247 = tpu.memref_slice %arg11[%dma_wait3A_244, %dma_wait3A_245, %dma_wait3A_246] : memref<6x80x48xf32, #tpu.memory_space<vmem>> -> memref<1x80x48xf32, #tpu.memory_space<vmem>>
    %dma_wait3A_248 = tpu.memref_squeeze %dma_wait3A_247 : memref<1x80x48xf32, #tpu.memory_space<vmem>> -> memref<80x48xf32, #tpu.memory_space<vmem>>
    %dma_wait3A_249 = arith.constant 0 : i32
    %dma_wait3A_250 = tpu.memref_slice %arg7[%mul3A_2, %dma_wait3A_249] : memref<320000x48xf32, #tpu.memory_space<hbm>> -> memref<80x48xf32, #tpu.memory_space<hbm>>
    %dma_wait3A_251 = arith.constant 0 : i32
    %dma_wait3A_252 = tpu.memref_slice %arg7[%mul3A_2, %dma_wait3A_251] : memref<320000x48xf32, #tpu.memory_space<hbm>> -> memref<80x48xf32, #tpu.memory_space<hbm>>
    %dma_wait3A_253 = arith.constant 0 : i32
    %dma_wait3A_254 = arith.constant 0 : i32
    %dma_wait3A_255 = tpu.memref_slice %arg11[%dma_wait3A_244, %dma_wait3A_253, %dma_wait3A_254] : memref<6x80x48xf32, #tpu.memory_space<vmem>> -> memref<1x80x48xf32, #tpu.memory_space<vmem>>
    %dma_wait3A_256 = tpu.memref_squeeze %dma_wait3A_255 : memref<1x80x48xf32, #tpu.memory_space<vmem>> -> memref<80x48xf32, #tpu.memory_space<vmem>>
    tpu.wait_dma2 semaphore(%arg15 : memref<!tpu.dma_semaphore, #tpu.memory_space<semaphore_mem>>) src(%dma_wait3A_256 : memref<80x48xf32, #tpu.memory_space<vmem>>) dst(%dma_wait3A_252 : memref<80x48xf32, #tpu.memory_space<hbm>>)
    %dma_wait3A_257 = arith.constant 0 : i32
    %dma_wait3A_258 = arith.constant 0 : i32
    %dma_wait3A_259 = arith.constant 0 : i32
    %dma_wait3A_260 = tpu.memref_slice %arg10[%dma_wait3A_257, %dma_wait3A_258, %dma_wait3A_259] : memref<6x80x48xf32, #tpu.memory_space<vmem>> -> memref<1x80x48xf32, #tpu.memory_space<vmem>>
    %dma_wait3A_261 = tpu.memref_squeeze %dma_wait3A_260 : memref<1x80x48xf32, #tpu.memory_space<vmem>> -> memref<80x48xf32, #tpu.memory_space<vmem>>
    %dma_wait3A_262 = arith.constant 0 : i32
    %dma_wait3A_263 = tpu.memref_slice %arg6[%mul3A_2, %dma_wait3A_262] : memref<320000x48xf32, #tpu.memory_space<hbm>> -> memref<80x48xf32, #tpu.memory_space<hbm>>
    %dma_wait3A_264 = arith.constant 0 : i32
    %dma_wait3A_265 = tpu.memref_slice %arg6[%mul3A_2, %dma_wait3A_264] : memref<320000x48xf32, #tpu.memory_space<hbm>> -> memref<80x48xf32, #tpu.memory_space<hbm>>
    %dma_wait3A_266 = arith.constant 0 : i32
    %dma_wait3A_267 = arith.constant 0 : i32
    %dma_wait3A_268 = tpu.memref_slice %arg10[%dma_wait3A_257, %dma_wait3A_266, %dma_wait3A_267] : memref<6x80x48xf32, #tpu.memory_space<vmem>> -> memref<1x80x48xf32, #tpu.memory_space<vmem>>
    %dma_wait3A_269 = tpu.memref_squeeze %dma_wait3A_268 : memref<1x80x48xf32, #tpu.memory_space<vmem>> -> memref<80x48xf32, #tpu.memory_space<vmem>>
    tpu.wait_dma2 semaphore(%arg14 : memref<!tpu.dma_semaphore, #tpu.memory_space<semaphore_mem>>) src(%dma_wait3A_269 : memref<80x48xf32, #tpu.memory_space<vmem>>) dst(%dma_wait3A_265 : memref<80x48xf32, #tpu.memory_space<hbm>>)
    %dma_wait3A_270 = arith.constant 0 : i32
    %dma_wait3A_271 = arith.constant 0 : i32
    %dma_wait3A_272 = arith.constant 0 : i32
    %dma_wait3A_273 = tpu.memref_slice %arg11[%dma_wait3A_270, %dma_wait3A_271, %dma_wait3A_272] : memref<6x80x48xf32, #tpu.memory_space<vmem>> -> memref<1x80x48xf32, #tpu.memory_space<vmem>>
    %dma_wait3A_274 = tpu.memref_squeeze %dma_wait3A_273 : memref<1x80x48xf32, #tpu.memory_space<vmem>> -> memref<80x48xf32, #tpu.memory_space<vmem>>
    %dma_wait3A_275 = arith.constant 0 : i32
    %dma_wait3A_276 = tpu.memref_slice %arg7[%mul3A_2, %dma_wait3A_275] : memref<320000x48xf32, #tpu.memory_space<hbm>> -> memref<80x48xf32, #tpu.memory_space<hbm>>
    %dma_wait3A_277 = arith.constant 0 : i32
    %dma_wait3A_278 = tpu.memref_slice %arg7[%mul3A_2, %dma_wait3A_277] : memref<320000x48xf32, #tpu.memory_space<hbm>> -> memref<80x48xf32, #tpu.memory_space<hbm>>
    %dma_wait3A_279 = arith.constant 0 : i32
    %dma_wait3A_280 = arith.constant 0 : i32
    %dma_wait3A_281 = tpu.memref_slice %arg11[%dma_wait3A_270, %dma_wait3A_279, %dma_wait3A_280] : memref<6x80x48xf32, #tpu.memory_space<vmem>> -> memref<1x80x48xf32, #tpu.memory_space<vmem>>
    %dma_wait3A_282 = tpu.memref_squeeze %dma_wait3A_281 : memref<1x80x48xf32, #tpu.memory_space<vmem>> -> memref<80x48xf32, #tpu.memory_space<vmem>>
    tpu.wait_dma2 semaphore(%arg15 : memref<!tpu.dma_semaphore, #tpu.memory_space<semaphore_mem>>) src(%dma_wait3A_282 : memref<80x48xf32, #tpu.memory_space<vmem>>) dst(%dma_wait3A_278 : memref<80x48xf32, #tpu.memory_space<hbm>>)
    return
  }
}

#map = affine_map<(d0, d1) -> (0, 0)>
#map1 = affine_map<(d0, d1) -> (0, 0, 0)>
module attributes {stable_mosaic.version = 14 : i64} {
  func.func @_agg_sc(%arg0: i32, %arg1: i32, %arg2: memref<4000x80xi32, #tpu.memory_space<hbm>>, %arg3: memref<4000x80xf32, #tpu.memory_space<hbm>>, %arg4: memref<320000x16xf32, #tpu.memory_space<hbm>>, %arg5: memref<2x10240xf32, #tpu.memory_space<hbm>>, %arg6: memref<2x10240x16xf32, #tpu.memory_space<hbm>>, %arg7: memref<125x80xi32, #tpu.memory_space<vmem>>, %arg8: memref<125x80xf32, #tpu.memory_space<vmem>>, %arg9: memref<6x80x16xf32, #tpu.memory_space<vmem>>, %arg10: memref<10240xf32, #tpu.memory_space<vmem>>, %arg11: memref<640x16xf32, #tpu.memory_space<vmem>>, %arg12: memref<640xf32, #tpu.memory_space<vmem>>, %arg13: memref<640xf32, #tpu.memory_space<vmem>>, %arg14: memref<16x10240xf32, #tpu.memory_space<vmem_shared>>, %arg15: memref<10240x16xf32, #tpu.memory_space<vmem_shared>>, %arg16: memref<!tpu.dma_semaphore, #tpu.memory_space<semaphore_mem>>) attributes {dimension_semantics = [#tpu.dimension_semantics<core_parallel>, #tpu.dimension_semantics<subcore_parallel>], iteration_bounds = array<i64: 2, 16>, scalar_prefetch = 0 : i64, scratch_operands = 10 : i64, tpu.core_type = #tpu.core_type<sc_vector_subcore>, window_params = [{transform_indices = #map}, {transform_indices = #map}, {transform_indices = #map}, {transform_indices = #map}, {transform_indices = #map1}]} {
    %mul3A = arith.constant 2 : i32
    %mul3A_0 = arith.muli %arg1, %mul3A : i32
    %add3A = arith.addi %mul3A_0, %arg0 : i32
    %mul3A_1 = arith.constant 10000 : i32
    %mul3A_2 = arith.muli %add3A, %mul3A_1 : i32
    %mul3A_3 = arith.constant 125 : i32
    %mul3A_4 = arith.muli %add3A, %mul3A_3 : i32
    "tpu.region"() ({
      %run_scoped3A = tpu.sem_alloc : memref<!tpu.dma_semaphore, #tpu.memory_space<semaphore_mem>>
      %dma_start3A_112 = arith.constant 0 : i32
      %dma_start3A_113 = tpu.memref_slice %arg2[%mul3A_4, %dma_start3A_112] : memref<4000x80xi32, #tpu.memory_space<hbm>> -> memref<125x80xi32, #tpu.memory_space<hbm>>
      %dma_start3A_114 = arith.constant 0 : i32
      %dma_start3A_115 = tpu.memref_slice %arg2[%mul3A_4, %dma_start3A_114] : memref<4000x80xi32, #tpu.memory_space<hbm>> -> memref<125x80xi32, #tpu.memory_space<hbm>>
      tpu.enqueue_dma source(%dma_start3A_115 : memref<125x80xi32, #tpu.memory_space<hbm>>) target(%arg7 : memref<125x80xi32, #tpu.memory_space<vmem>>) target_semaphore(%run_scoped3A : memref<!tpu.dma_semaphore, #tpu.memory_space<semaphore_mem>>)
      %dma_wait3A = arith.constant 0 : i32
      %dma_wait3A_116 = tpu.memref_slice %arg2[%mul3A_4, %dma_wait3A] : memref<4000x80xi32, #tpu.memory_space<hbm>> -> memref<125x80xi32, #tpu.memory_space<hbm>>
      %dma_wait3A_117 = arith.constant 0 : i32
      %dma_wait3A_118 = tpu.memref_slice %arg2[%mul3A_4, %dma_wait3A_117] : memref<4000x80xi32, #tpu.memory_space<hbm>> -> memref<125x80xi32, #tpu.memory_space<hbm>>
      tpu.wait_dma2 semaphore(%run_scoped3A : memref<!tpu.dma_semaphore, #tpu.memory_space<semaphore_mem>>) src(%dma_wait3A_118 : memref<125x80xi32, #tpu.memory_space<hbm>>) dst(%arg7 : memref<125x80xi32, #tpu.memory_space<vmem>>)
      tpu.yield
    }) : () -> ()
    "tpu.region"() ({
      %run_scoped3A = tpu.sem_alloc : memref<!tpu.dma_semaphore, #tpu.memory_space<semaphore_mem>>
      %dma_start3A_112 = arith.constant 0 : i32
      %dma_start3A_113 = tpu.memref_slice %arg3[%mul3A_4, %dma_start3A_112] : memref<4000x80xf32, #tpu.memory_space<hbm>> -> memref<125x80xf32, #tpu.memory_space<hbm>>
      %dma_start3A_114 = arith.constant 0 : i32
      %dma_start3A_115 = tpu.memref_slice %arg3[%mul3A_4, %dma_start3A_114] : memref<4000x80xf32, #tpu.memory_space<hbm>> -> memref<125x80xf32, #tpu.memory_space<hbm>>
      tpu.enqueue_dma source(%dma_start3A_115 : memref<125x80xf32, #tpu.memory_space<hbm>>) target(%arg8 : memref<125x80xf32, #tpu.memory_space<vmem>>) target_semaphore(%run_scoped3A : memref<!tpu.dma_semaphore, #tpu.memory_space<semaphore_mem>>)
      %dma_wait3A = arith.constant 0 : i32
      %dma_wait3A_116 = tpu.memref_slice %arg3[%mul3A_4, %dma_wait3A] : memref<4000x80xf32, #tpu.memory_space<hbm>> -> memref<125x80xf32, #tpu.memory_space<hbm>>
      %dma_wait3A_117 = arith.constant 0 : i32
      %dma_wait3A_118 = tpu.memref_slice %arg3[%mul3A_4, %dma_wait3A_117] : memref<4000x80xf32, #tpu.memory_space<hbm>> -> memref<125x80xf32, #tpu.memory_space<hbm>>
      tpu.wait_dma2 semaphore(%run_scoped3A : memref<!tpu.dma_semaphore, #tpu.memory_space<semaphore_mem>>) src(%dma_wait3A_118 : memref<125x80xf32, #tpu.memory_space<hbm>>) dst(%arg8 : memref<125x80xf32, #tpu.memory_space<vmem>>)
      tpu.yield
    }) : () -> ()
    %scan3A = arith.constant 0 : i32
    %scan3A_5 = arith.constant 640 : i32
    %scan3A_6 = arith.addi %scan3A, %scan3A_5 : i32
    %scan3A_7 = arith.constant 1 : i32
    scf.for %scan3A_112 = %scan3A to %scan3A_6 step %scan3A_7  : i32 {
      %mul3A_113 = arith.constant 1 : i32
      %mul3A_114 = arith.muli %scan3A_112, %mul3A_113 : i32
      %add3A_115 = arith.constant 0 : i32
      %add3A_116 = arith.addi %add3A_115, %mul3A_114 : i32
      %broadcast_in_dim3A = arith.constant 0.000000e+00 : f32
      %broadcast_in_dim3A_117 = vector.broadcast %broadcast_in_dim3A : f32 to vector<16xf32>
      %mul3A_118 = arith.constant 16 : i32
      %mul3A_119 = arith.muli %add3A_116, %mul3A_118 : i32
      %swap3A = arith.index_cast %mul3A_119 : i32 to index
      %swap3A_120 = tpu.vector_load %arg10[%swap3A] {strides = array<i32>} : memref<10240xf32, #tpu.memory_space<vmem>>, vector<16xf32>,
      tpu.vector_store %arg10[%swap3A], %broadcast_in_dim3A_117 {strides = array<i32>} : memref<10240xf32, #tpu.memory_space<vmem>>, vector<16xf32>,
    }
    %scan3A_8 = arith.constant 640 : i32
    %scan3A_9 = arith.constant 0 : i32
    %scan3A_10 = arith.constant 640 : i32
    %scan3A_11 = arith.addi %scan3A_9, %scan3A_10 : i32
    %scan3A_12 = arith.constant 1 : i32
    scf.for %scan3A_112 = %scan3A_9 to %scan3A_11 step %scan3A_12  : i32 {
      %mul3A_113 = arith.constant 1 : i32
      %mul3A_114 = arith.muli %scan3A_112, %mul3A_113 : i32
      %add3A_115 = arith.constant 0 : i32
      %add3A_116 = arith.addi %add3A_115, %mul3A_114 : i32
      %broadcast_in_dim3A = arith.constant 0.000000e+00 : f32
      %broadcast_in_dim3A_117 = vector.broadcast %broadcast_in_dim3A : f32 to vector<16xf32>
      %swap3A = arith.index_cast %add3A_116 : i32 to index
      %swap3A_118 = arith.constant 0 : index
      %swap3A_119 = tpu.vector_load %arg11[%swap3A, %swap3A_118] {strides = array<i32>} : memref<640x16xf32, #tpu.memory_space<vmem>>, vector<16xf32>,
      tpu.vector_store %arg11[%swap3A, %swap3A_118], %broadcast_in_dim3A_117 {strides = array<i32>} : memref<640x16xf32, #tpu.memory_space<vmem>>, vector<16xf32>,
    }
    %scan3A_13 = arith.constant 640 : i32
    %mul3A_14 = arith.constant 640 : i32
    %mul3A_15 = arith.muli %arg1, %mul3A_14 : i32
    "tpu.region"() ({
      %run_scoped3A = tpu.sem_alloc : memref<!tpu.dma_semaphore, #tpu.memory_space<semaphore_mem>>
      %dma_start3A_112 = arith.constant 0 : i32
      %dma_start3A_113 = tpu.memref_slice %arg15[%mul3A_15, %dma_start3A_112] : memref<10240x16xf32, #tpu.memory_space<vmem_shared>> -> memref<640x16xf32, #tpu.memory_space<vmem_shared>>
      %dma_start3A_114 = arith.constant 0 : i32
      %dma_start3A_115 = tpu.memref_slice %arg15[%mul3A_15, %dma_start3A_114] : memref<10240x16xf32, #tpu.memory_space<vmem_shared>> -> memref<640x16xf32, #tpu.memory_space<vmem_shared>>
      tpu.enqueue_dma source(%arg11 : memref<640x16xf32, #tpu.memory_space<vmem>>) target(%dma_start3A_115 : memref<640x16xf32, #tpu.memory_space<vmem_shared>>) target_semaphore(%run_scoped3A : memref<!tpu.dma_semaphore, #tpu.memory_space<semaphore_mem>>)
      %dma_wait3A = arith.constant 0 : i32
      %dma_wait3A_116 = tpu.memref_slice %arg15[%mul3A_15, %dma_wait3A] : memref<10240x16xf32, #tpu.memory_space<vmem_shared>> -> memref<640x16xf32, #tpu.memory_space<vmem_shared>>
      %dma_wait3A_117 = arith.constant 0 : i32
      %dma_wait3A_118 = tpu.memref_slice %arg15[%mul3A_15, %dma_wait3A_117] : memref<10240x16xf32, #tpu.memory_space<vmem_shared>> -> memref<640x16xf32, #tpu.memory_space<vmem_shared>>
      tpu.wait_dma2 semaphore(%run_scoped3A : memref<!tpu.dma_semaphore, #tpu.memory_space<semaphore_mem>>) src(%arg11 : memref<640x16xf32, #tpu.memory_space<vmem>>) dst(%dma_wait3A_118 : memref<640x16xf32, #tpu.memory_space<vmem_shared>>)
      tpu.yield
    }) : () -> ()
    %barrier3A = arith.constant 0 : index
    tpu.barrier barrier_id(%barrier3A)
    %add3A_16 = arith.constant 0 : i32
    %add3A_17 = arith.addi %mul3A_2, %add3A_16 : i32
    %dma_start3A = arith.constant 0 : i32
    %dma_start3A_18 = arith.constant 0 : i32
    %dma_start3A_19 = arith.constant 0 : i32
    %dma_start3A_20 = tpu.memref_slice %arg9[%dma_start3A, %dma_start3A_18, %dma_start3A_19] : memref<6x80x16xf32, #tpu.memory_space<vmem>> -> memref<1x80x16xf32, #tpu.memory_space<vmem>>
    %dma_start3A_21 = tpu.memref_squeeze %dma_start3A_20 : memref<1x80x16xf32, #tpu.memory_space<vmem>> -> memref<80x16xf32, #tpu.memory_space<vmem>>
    %dma_start3A_22 = arith.constant 0 : i32
    %dma_start3A_23 = tpu.memref_slice %arg4[%add3A_17, %dma_start3A_22] : memref<320000x16xf32, #tpu.memory_space<hbm>> -> memref<80x16xf32, #tpu.memory_space<hbm>>
    %dma_start3A_24 = arith.constant 0 : i32
    %dma_start3A_25 = arith.constant 0 : i32
    %dma_start3A_26 = tpu.memref_slice %arg9[%dma_start3A, %dma_start3A_24, %dma_start3A_25] : memref<6x80x16xf32, #tpu.memory_space<vmem>> -> memref<1x80x16xf32, #tpu.memory_space<vmem>>
    %dma_start3A_27 = tpu.memref_squeeze %dma_start3A_26 : memref<1x80x16xf32, #tpu.memory_space<vmem>> -> memref<80x16xf32, #tpu.memory_space<vmem>>
    %dma_start3A_28 = arith.constant 0 : i32
    %dma_start3A_29 = tpu.memref_slice %arg4[%add3A_17, %dma_start3A_28] : memref<320000x16xf32, #tpu.memory_space<hbm>> -> memref<80x16xf32, #tpu.memory_space<hbm>>
    tpu.enqueue_dma source(%dma_start3A_29 : memref<80x16xf32, #tpu.memory_space<hbm>>) target(%dma_start3A_27 : memref<80x16xf32, #tpu.memory_space<vmem>>) target_semaphore(%arg16 : memref<!tpu.dma_semaphore, #tpu.memory_space<semaphore_mem>>)
    %add3A_30 = arith.constant 80 : i32
    %add3A_31 = arith.addi %mul3A_2, %add3A_30 : i32
    %dma_start3A_32 = arith.constant 1 : i32
    %dma_start3A_33 = arith.constant 0 : i32
    %dma_start3A_34 = arith.constant 0 : i32
    %dma_start3A_35 = tpu.memref_slice %arg9[%dma_start3A_32, %dma_start3A_33, %dma_start3A_34] : memref<6x80x16xf32, #tpu.memory_space<vmem>> -> memref<1x80x16xf32, #tpu.memory_space<vmem>>
    %dma_start3A_36 = tpu.memref_squeeze %dma_start3A_35 : memref<1x80x16xf32, #tpu.memory_space<vmem>> -> memref<80x16xf32, #tpu.memory_space<vmem>>
    %dma_start3A_37 = arith.constant 0 : i32
    %dma_start3A_38 = tpu.memref_slice %arg4[%add3A_31, %dma_start3A_37] : memref<320000x16xf32, #tpu.memory_space<hbm>> -> memref<80x16xf32, #tpu.memory_space<hbm>>
    %dma_start3A_39 = arith.constant 0 : i32
    %dma_start3A_40 = arith.constant 0 : i32
    %dma_start3A_41 = tpu.memref_slice %arg9[%dma_start3A_32, %dma_start3A_39, %dma_start3A_40] : memref<6x80x16xf32, #tpu.memory_space<vmem>> -> memref<1x80x16xf32, #tpu.memory_space<vmem>>
    %dma_start3A_42 = tpu.memref_squeeze %dma_start3A_41 : memref<1x80x16xf32, #tpu.memory_space<vmem>> -> memref<80x16xf32, #tpu.memory_space<vmem>>
    %dma_start3A_43 = arith.constant 0 : i32
    %dma_start3A_44 = tpu.memref_slice %arg4[%add3A_31, %dma_start3A_43] : memref<320000x16xf32, #tpu.memory_space<hbm>> -> memref<80x16xf32, #tpu.memory_space<hbm>>
    tpu.enqueue_dma source(%dma_start3A_44 : memref<80x16xf32, #tpu.memory_space<hbm>>) target(%dma_start3A_42 : memref<80x16xf32, #tpu.memory_space<vmem>>) target_semaphore(%arg16 : memref<!tpu.dma_semaphore, #tpu.memory_space<semaphore_mem>>)
    %add3A_45 = arith.constant 160 : i32
    %add3A_46 = arith.addi %mul3A_2, %add3A_45 : i32
    %dma_start3A_47 = arith.constant 2 : i32
    %dma_start3A_48 = arith.constant 0 : i32
    %dma_start3A_49 = arith.constant 0 : i32
    %dma_start3A_50 = tpu.memref_slice %arg9[%dma_start3A_47, %dma_start3A_48, %dma_start3A_49] : memref<6x80x16xf32, #tpu.memory_space<vmem>> -> memref<1x80x16xf32, #tpu.memory_space<vmem>>
    %dma_start3A_51 = tpu.memref_squeeze %dma_start3A_50 : memref<1x80x16xf32, #tpu.memory_space<vmem>> -> memref<80x16xf32, #tpu.memory_space<vmem>>
    %dma_start3A_52 = arith.constant 0 : i32
    %dma_start3A_53 = tpu.memref_slice %arg4[%add3A_46, %dma_start3A_52] : memref<320000x16xf32, #tpu.memory_space<hbm>> -> memref<80x16xf32, #tpu.memory_space<hbm>>
    %dma_start3A_54 = arith.constant 0 : i32
    %dma_start3A_55 = arith.constant 0 : i32
    %dma_start3A_56 = tpu.memref_slice %arg9[%dma_start3A_47, %dma_start3A_54, %dma_start3A_55] : memref<6x80x16xf32, #tpu.memory_space<vmem>> -> memref<1x80x16xf32, #tpu.memory_space<vmem>>
    %dma_start3A_57 = tpu.memref_squeeze %dma_start3A_56 : memref<1x80x16xf32, #tpu.memory_space<vmem>> -> memref<80x16xf32, #tpu.memory_space<vmem>>
    %dma_start3A_58 = arith.constant 0 : i32
    %dma_start3A_59 = tpu.memref_slice %arg4[%add3A_46, %dma_start3A_58] : memref<320000x16xf32, #tpu.memory_space<hbm>> -> memref<80x16xf32, #tpu.memory_space<hbm>>
    tpu.enqueue_dma source(%dma_start3A_59 : memref<80x16xf32, #tpu.memory_space<hbm>>) target(%dma_start3A_57 : memref<80x16xf32, #tpu.memory_space<vmem>>) target_semaphore(%arg16 : memref<!tpu.dma_semaphore, #tpu.memory_space<semaphore_mem>>)
    %add3A_60 = arith.constant 240 : i32
    %add3A_61 = arith.addi %mul3A_2, %add3A_60 : i32
    %dma_start3A_62 = arith.constant 3 : i32
    %dma_start3A_63 = arith.constant 0 : i32
    %dma_start3A_64 = arith.constant 0 : i32
    %dma_start3A_65 = tpu.memref_slice %arg9[%dma_start3A_62, %dma_start3A_63, %dma_start3A_64] : memref<6x80x16xf32, #tpu.memory_space<vmem>> -> memref<1x80x16xf32, #tpu.memory_space<vmem>>
    %dma_start3A_66 = tpu.memref_squeeze %dma_start3A_65 : memref<1x80x16xf32, #tpu.memory_space<vmem>> -> memref<80x16xf32, #tpu.memory_space<vmem>>
    %dma_start3A_67 = arith.constant 0 : i32
    %dma_start3A_68 = tpu.memref_slice %arg4[%add3A_61, %dma_start3A_67] : memref<320000x16xf32, #tpu.memory_space<hbm>> -> memref<80x16xf32, #tpu.memory_space<hbm>>
    %dma_start3A_69 = arith.constant 0 : i32
    %dma_start3A_70 = arith.constant 0 : i32
    %dma_start3A_71 = tpu.memref_slice %arg9[%dma_start3A_62, %dma_start3A_69, %dma_start3A_70] : memref<6x80x16xf32, #tpu.memory_space<vmem>> -> memref<1x80x16xf32, #tpu.memory_space<vmem>>
    %dma_start3A_72 = tpu.memref_squeeze %dma_start3A_71 : memref<1x80x16xf32, #tpu.memory_space<vmem>> -> memref<80x16xf32, #tpu.memory_space<vmem>>
    %dma_start3A_73 = arith.constant 0 : i32
    %dma_start3A_74 = tpu.memref_slice %arg4[%add3A_61, %dma_start3A_73] : memref<320000x16xf32, #tpu.memory_space<hbm>> -> memref<80x16xf32, #tpu.memory_space<hbm>>
    tpu.enqueue_dma source(%dma_start3A_74 : memref<80x16xf32, #tpu.memory_space<hbm>>) target(%dma_start3A_72 : memref<80x16xf32, #tpu.memory_space<vmem>>) target_semaphore(%arg16 : memref<!tpu.dma_semaphore, #tpu.memory_space<semaphore_mem>>)
    %add3A_75 = arith.constant 320 : i32
    %add3A_76 = arith.addi %mul3A_2, %add3A_75 : i32
    %dma_start3A_77 = arith.constant 4 : i32
    %dma_start3A_78 = arith.constant 0 : i32
    %dma_start3A_79 = arith.constant 0 : i32
    %dma_start3A_80 = tpu.memref_slice %arg9[%dma_start3A_77, %dma_start3A_78, %dma_start3A_79] : memref<6x80x16xf32, #tpu.memory_space<vmem>> -> memref<1x80x16xf32, #tpu.memory_space<vmem>>
    %dma_start3A_81 = tpu.memref_squeeze %dma_start3A_80 : memref<1x80x16xf32, #tpu.memory_space<vmem>> -> memref<80x16xf32, #tpu.memory_space<vmem>>
    %dma_start3A_82 = arith.constant 0 : i32
    %dma_start3A_83 = tpu.memref_slice %arg4[%add3A_76, %dma_start3A_82] : memref<320000x16xf32, #tpu.memory_space<hbm>> -> memref<80x16xf32, #tpu.memory_space<hbm>>
    %dma_start3A_84 = arith.constant 0 : i32
    %dma_start3A_85 = arith.constant 0 : i32
    %dma_start3A_86 = tpu.memref_slice %arg9[%dma_start3A_77, %dma_start3A_84, %dma_start3A_85] : memref<6x80x16xf32, #tpu.memory_space<vmem>> -> memref<1x80x16xf32, #tpu.memory_space<vmem>>
    %dma_start3A_87 = tpu.memref_squeeze %dma_start3A_86 : memref<1x80x16xf32, #tpu.memory_space<vmem>> -> memref<80x16xf32, #tpu.memory_space<vmem>>
    %dma_start3A_88 = arith.constant 0 : i32
    %dma_start3A_89 = tpu.memref_slice %arg4[%add3A_76, %dma_start3A_88] : memref<320000x16xf32, #tpu.memory_space<hbm>> -> memref<80x16xf32, #tpu.memory_space<hbm>>
    tpu.enqueue_dma source(%dma_start3A_89 : memref<80x16xf32, #tpu.memory_space<hbm>>) target(%dma_start3A_87 : memref<80x16xf32, #tpu.memory_space<vmem>>) target_semaphore(%arg16 : memref<!tpu.dma_semaphore, #tpu.memory_space<semaphore_mem>>)
    %scan3A_90 = arith.constant 0 : i32
    %scan3A_91 = arith.constant 125 : i32
    %scan3A_92 = arith.addi %scan3A_90, %scan3A_91 : i32
    %scan3A_93 = arith.constant 1 : i32
    scf.for %scan3A_112 = %scan3A_90 to %scan3A_92 step %scan3A_93  : i32 {
      %mul3A_113 = arith.constant 1 : i32
      %mul3A_114 = arith.muli %scan3A_112, %mul3A_113 : i32
      %add3A_115 = arith.constant 0 : i32
      %add3A_116 = arith.addi %add3A_115, %mul3A_114 : i32
      %rem3A = arith.constant 6 : i32
      %rem3A_117 = arith.remsi %add3A_116, %rem3A : i32
      %dma_wait3A = arith.constant 0 : i32
      %dma_wait3A_118 = arith.constant 0 : i32
      %dma_wait3A_119 = tpu.memref_slice %arg9[%rem3A_117, %dma_wait3A, %dma_wait3A_118] : memref<6x80x16xf32, #tpu.memory_space<vmem>> -> memref<1x80x16xf32, #tpu.memory_space<vmem>>
      %dma_wait3A_120 = tpu.memref_squeeze %dma_wait3A_119 : memref<1x80x16xf32, #tpu.memory_space<vmem>> -> memref<80x16xf32, #tpu.memory_space<vmem>>
      %dma_wait3A_121 = arith.constant 0 : i32
      %dma_wait3A_122 = tpu.memref_slice %arg4[%mul3A_2, %dma_wait3A_121] : memref<320000x16xf32, #tpu.memory_space<hbm>> -> memref<80x16xf32, #tpu.memory_space<hbm>>
      %dma_wait3A_123 = arith.constant 0 : i32
      %dma_wait3A_124 = arith.constant 0 : i32
      %dma_wait3A_125 = tpu.memref_slice %arg9[%rem3A_117, %dma_wait3A_123, %dma_wait3A_124] : memref<6x80x16xf32, #tpu.memory_space<vmem>> -> memref<1x80x16xf32, #tpu.memory_space<vmem>>
      %dma_wait3A_126 = tpu.memref_squeeze %dma_wait3A_125 : memref<1x80x16xf32, #tpu.memory_space<vmem>> -> memref<80x16xf32, #tpu.memory_space<vmem>>
      %dma_wait3A_127 = arith.constant 0 : i32
      %dma_wait3A_128 = tpu.memref_slice %arg4[%mul3A_2, %dma_wait3A_127] : memref<320000x16xf32, #tpu.memory_space<hbm>> -> memref<80x16xf32, #tpu.memory_space<hbm>>
      tpu.wait_dma2 semaphore(%arg16 : memref<!tpu.dma_semaphore, #tpu.memory_space<semaphore_mem>>) src(%dma_wait3A_128 : memref<80x16xf32, #tpu.memory_space<hbm>>) dst(%dma_wait3A_126 : memref<80x16xf32, #tpu.memory_space<vmem>>)
      %scan3A_129 = arith.constant 0 : i32
      %scan3A_130 = arith.constant 5 : i32
      %scan3A_131 = arith.addi %scan3A_129, %scan3A_130 : i32
      %scan3A_132 = arith.constant 1 : i32
      scf.for %scan3A_139 = %scan3A_129 to %scan3A_131 step %scan3A_132  : i32 {
        %mul3A_140 = arith.constant 1 : i32
        %mul3A_141 = arith.muli %scan3A_139, %mul3A_140 : i32
        %add3A_142 = arith.constant 0 : i32
        %add3A_143 = arith.addi %add3A_142, %mul3A_141 : i32
        %mul3A_144 = arith.constant 16 : i32
        %mul3A_145 = arith.muli %add3A_143, %mul3A_144 : i32
        %get3A = arith.index_cast %add3A_116 : i32 to index
        %get3A_146 = arith.index_cast %mul3A_145 : i32 to index
        %get3A_147 = tpu.vector_load %arg7[%get3A, %get3A_146] {strides = array<i32>} : memref<125x80xi32, #tpu.memory_space<vmem>>, vector<16xi32>,
        %mul3A_148 = arith.constant 16 : i32
        %mul3A_149 = arith.muli %add3A_143, %mul3A_148 : i32
        %get3A_150 = arith.index_cast %add3A_116 : i32 to index
        %get3A_151 = arith.index_cast %mul3A_149 : i32 to index
        %get3A_152 = tpu.vector_load %arg8[%get3A_150, %get3A_151] {strides = array<i32>} : memref<125x80xf32, #tpu.memory_space<vmem>>, vector<16xf32>,
        tpu.vector_store_idx %arg10[%get3A_147], %get3A_152 {add = true} : memref<10240xf32, #tpu.memory_space<vmem>>[vector<16xi32>], vector<16xf32>,
      }
      %scan3A_133 = arith.constant 5 : i32
      "tpu.region"() ({
        %run_scoped3A = tpu.sem_alloc : memref<!tpu.dma_semaphore, #tpu.memory_space<semaphore_mem>>
        %dma_start3A_139 = arith.constant 0 : i32
        %dma_start3A_140 = arith.constant 0 : i32
        %dma_start3A_141 = tpu.memref_slice %arg9[%rem3A_117, %dma_start3A_139, %dma_start3A_140] : memref<6x80x16xf32, #tpu.memory_space<vmem>> -> memref<1x80x16xf32, #tpu.memory_space<vmem>>
        %dma_start3A_142 = tpu.memref_squeeze %dma_start3A_141 : memref<1x80x16xf32, #tpu.memory_space<vmem>> -> memref<80x16xf32, #tpu.memory_space<vmem>>
        %dma_start3A_143 = arith.constant 0 : i32
        %dma_start3A_144 = tpu.memref_slice %arg7[%add3A_116, %dma_start3A_143] : memref<125x80xi32, #tpu.memory_space<vmem>> -> memref<1x80xi32, #tpu.memory_space<vmem>>
        %dma_start3A_145 = tpu.memref_squeeze %dma_start3A_144 : memref<1x80xi32, #tpu.memory_space<vmem>> -> memref<80xi32, #tpu.memory_space<vmem>>
        %dma_start3A_146 = arith.constant 0 : i32
        %dma_start3A_147 = arith.constant 0 : i32
        %dma_start3A_148 = tpu.memref_slice %arg15[%dma_start3A_146, %dma_start3A_147] : memref<10240x16xf32, #tpu.memory_space<vmem_shared>> -> memref<10240x16xf32, #tpu.memory_space<vmem_shared>>
        tpu.enqueue_indirect_dma source(%dma_start3A_142 : memref<80x16xf32, #tpu.memory_space<vmem>>) target(%dma_start3A_148 : memref<10240x16xf32, #tpu.memory_space<vmem_shared>>) offsets(%dma_start3A_145 : memref<80xi32, #tpu.memory_space<vmem>>) semaphore(%run_scoped3A : memref<!tpu.dma_semaphore, #tpu.memory_space<semaphore_mem>>) {add = true}
        %dma_wait3A_149 = arith.constant 0 : i32
        %dma_wait3A_150 = arith.constant 0 : i32
        %dma_wait3A_151 = tpu.memref_slice %arg9[%rem3A_117, %dma_wait3A_149, %dma_wait3A_150] : memref<6x80x16xf32, #tpu.memory_space<vmem>> -> memref<1x80x16xf32, #tpu.memory_space<vmem>>
        %dma_wait3A_152 = tpu.memref_squeeze %dma_wait3A_151 : memref<1x80x16xf32, #tpu.memory_space<vmem>> -> memref<80x16xf32, #tpu.memory_space<vmem>>
        %dma_wait3A_153 = arith.constant 0 : i32
        %dma_wait3A_154 = tpu.memref_slice %arg7[%add3A_116, %dma_wait3A_153] : memref<125x80xi32, #tpu.memory_space<vmem>> -> memref<1x80xi32, #tpu.memory_space<vmem>>
        %dma_wait3A_155 = tpu.memref_squeeze %dma_wait3A_154 : memref<1x80xi32, #tpu.memory_space<vmem>> -> memref<80xi32, #tpu.memory_space<vmem>>
        %dma_wait3A_156 = arith.constant 0 : i32
        %dma_wait3A_157 = arith.constant 0 : i32
        %dma_wait3A_158 = tpu.memref_slice %arg15[%dma_wait3A_156, %dma_wait3A_157] : memref<10240x16xf32, #tpu.memory_space<vmem_shared>> -> memref<10240x16xf32, #tpu.memory_space<vmem_shared>>
        tpu.wait_indirect_dma semaphore(%run_scoped3A : memref<!tpu.dma_semaphore, #tpu.memory_space<semaphore_mem>>) src(%dma_wait3A_152 : memref<80x16xf32, #tpu.memory_space<vmem>>) dst(%dma_wait3A_158 : memref<10240x16xf32, #tpu.memory_space<vmem_shared>>)
        tpu.yield
      }) : () -> ()
      %add3A_134 = arith.constant 6 : i32
      %add3A_135 = arith.addi %add3A_116, %add3A_134 : i32
      %sub3A = arith.constant 1 : i32
      %sub3A_136 = arith.subi %add3A_135, %sub3A : i32
      %lt3A = arith.constant 125 : i32
      %lt3A_137 = arith.cmpi slt, %sub3A_136, %lt3A : i32
      %convert_element_type3A = arith.extui %lt3A_137 : i1 to i32
      %cond3A = arith.constant 0 : i32
      %cond3A_138 = arith.cmpi ne, %convert_element_type3A, %cond3A : i32
      scf.if %cond3A_138 {
        %add3A_139 = arith.constant 6 : i32
        %add3A_140 = arith.addi %add3A_116, %add3A_139 : i32
        %sub3A_141 = arith.constant 1 : i32
        %sub3A_142 = arith.subi %add3A_140, %sub3A_141 : i32
        %rem3A_143 = arith.constant 6 : i32
        %rem3A_144 = arith.remsi %sub3A_142, %rem3A_143 : i32
        %add3A_145 = arith.constant 6 : i32
        %add3A_146 = arith.addi %add3A_116, %add3A_145 : i32
        %sub3A_147 = arith.constant 1 : i32
        %sub3A_148 = arith.subi %add3A_146, %sub3A_147 : i32
        %mul3A_149 = arith.constant 80 : i32
        %mul3A_150 = arith.muli %sub3A_148, %mul3A_149 : i32
        %add3A_151 = arith.addi %mul3A_2, %mul3A_150 : i32
        %dma_start3A_152 = arith.constant 0 : i32
        %dma_start3A_153 = arith.constant 0 : i32
        %dma_start3A_154 = tpu.memref_slice %arg9[%rem3A_144, %dma_start3A_152, %dma_start3A_153] : memref<6x80x16xf32, #tpu.memory_space<vmem>> -> memref<1x80x16xf32, #tpu.memory_space<vmem>>
        %dma_start3A_155 = tpu.memref_squeeze %dma_start3A_154 : memref<1x80x16xf32, #tpu.memory_space<vmem>> -> memref<80x16xf32, #tpu.memory_space<vmem>>
        %dma_start3A_156 = arith.constant 0 : i32
        %dma_start3A_157 = tpu.memref_slice %arg4[%add3A_151, %dma_start3A_156] : memref<320000x16xf32, #tpu.memory_space<hbm>> -> memref<80x16xf32, #tpu.memory_space<hbm>>
        %dma_start3A_158 = arith.constant 0 : i32
        %dma_start3A_159 = arith.constant 0 : i32
        %dma_start3A_160 = tpu.memref_slice %arg9[%rem3A_144, %dma_start3A_158, %dma_start3A_159] : memref<6x80x16xf32, #tpu.memory_space<vmem>> -> memref<1x80x16xf32, #tpu.memory_space<vmem>>
        %dma_start3A_161 = tpu.memref_squeeze %dma_start3A_160 : memref<1x80x16xf32, #tpu.memory_space<vmem>> -> memref<80x16xf32, #tpu.memory_space<vmem>>
        %dma_start3A_162 = arith.constant 0 : i32
        %dma_start3A_163 = tpu.memref_slice %arg4[%add3A_151, %dma_start3A_162] : memref<320000x16xf32, #tpu.memory_space<hbm>> -> memref<80x16xf32, #tpu.memory_space<hbm>>
        tpu.enqueue_dma source(%dma_start3A_163 : memref<80x16xf32, #tpu.memory_space<hbm>>) target(%dma_start3A_161 : memref<80x16xf32, #tpu.memory_space<vmem>>) target_semaphore(%arg16 : memref<!tpu.dma_semaphore, #tpu.memory_space<semaphore_mem>>)
      } else {
      }
    }
    %scan3A_94 = arith.constant 125 : i32
    "tpu.region"() ({
      %run_scoped3A = tpu.sem_alloc : memref<!tpu.dma_semaphore, #tpu.memory_space<semaphore_mem>>
      %dma_start3A_112 = arith.constant 0 : i32
      %dma_start3A_113 = tpu.memref_slice %arg14[%arg1, %dma_start3A_112] : memref<16x10240xf32, #tpu.memory_space<vmem_shared>> -> memref<1x10240xf32, #tpu.memory_space<vmem_shared>>
      %dma_start3A_114 = tpu.memref_squeeze %dma_start3A_113 : memref<1x10240xf32, #tpu.memory_space<vmem_shared>> -> memref<10240xf32, #tpu.memory_space<vmem_shared>>
      %dma_start3A_115 = arith.constant 0 : i32
      %dma_start3A_116 = tpu.memref_slice %arg14[%arg1, %dma_start3A_115] : memref<16x10240xf32, #tpu.memory_space<vmem_shared>> -> memref<1x10240xf32, #tpu.memory_space<vmem_shared>>
      %dma_start3A_117 = tpu.memref_squeeze %dma_start3A_116 : memref<1x10240xf32, #tpu.memory_space<vmem_shared>> -> memref<10240xf32, #tpu.memory_space<vmem_shared>>
      tpu.enqueue_dma source(%arg10 : memref<10240xf32, #tpu.memory_space<vmem>>) target(%dma_start3A_117 : memref<10240xf32, #tpu.memory_space<vmem_shared>>) target_semaphore(%run_scoped3A : memref<!tpu.dma_semaphore, #tpu.memory_space<semaphore_mem>>)
      %dma_wait3A = arith.constant 0 : i32
      %dma_wait3A_118 = tpu.memref_slice %arg14[%arg1, %dma_wait3A] : memref<16x10240xf32, #tpu.memory_space<vmem_shared>> -> memref<1x10240xf32, #tpu.memory_space<vmem_shared>>
      %dma_wait3A_119 = tpu.memref_squeeze %dma_wait3A_118 : memref<1x10240xf32, #tpu.memory_space<vmem_shared>> -> memref<10240xf32, #tpu.memory_space<vmem_shared>>
      %dma_wait3A_120 = arith.constant 0 : i32
      %dma_wait3A_121 = tpu.memref_slice %arg14[%arg1, %dma_wait3A_120] : memref<16x10240xf32, #tpu.memory_space<vmem_shared>> -> memref<1x10240xf32, #tpu.memory_space<vmem_shared>>
      %dma_wait3A_122 = tpu.memref_squeeze %dma_wait3A_121 : memref<1x10240xf32, #tpu.memory_space<vmem_shared>> -> memref<10240xf32, #tpu.memory_space<vmem_shared>>
      tpu.wait_dma2 semaphore(%run_scoped3A : memref<!tpu.dma_semaphore, #tpu.memory_space<semaphore_mem>>) src(%arg10 : memref<10240xf32, #tpu.memory_space<vmem>>) dst(%dma_wait3A_122 : memref<10240xf32, #tpu.memory_space<vmem_shared>>)
      tpu.yield
    }) : () -> ()
    %barrier3A_95 = arith.constant 0 : index
    tpu.barrier barrier_id(%barrier3A_95)
    %scan3A_96 = arith.constant 0 : i32
    %scan3A_97 = arith.constant 40 : i32
    %scan3A_98 = arith.addi %scan3A_96, %scan3A_97 : i32
    %scan3A_99 = arith.constant 1 : i32
    scf.for %scan3A_112 = %scan3A_96 to %scan3A_98 step %scan3A_99  : i32 {
      %mul3A_113 = arith.constant 1 : i32
      %mul3A_114 = arith.muli %scan3A_112, %mul3A_113 : i32
      %add3A_115 = arith.constant 0 : i32
      %add3A_116 = arith.addi %add3A_115, %mul3A_114 : i32
      %broadcast_in_dim3A = arith.constant 0.000000e+00 : f32
      %broadcast_in_dim3A_117 = vector.broadcast %broadcast_in_dim3A : f32 to vector<16xf32>
      %mul3A_118 = arith.constant 16 : i32
      %mul3A_119 = arith.muli %add3A_116, %mul3A_118 : i32
      %swap3A = arith.index_cast %mul3A_119 : i32 to index
      %swap3A_120 = tpu.vector_load %arg12[%swap3A] {strides = array<i32>} : memref<640xf32, #tpu.memory_space<vmem>>, vector<16xf32>,
      tpu.vector_store %arg12[%swap3A], %broadcast_in_dim3A_117 {strides = array<i32>} : memref<640xf32, #tpu.memory_space<vmem>>, vector<16xf32>,
    }
    %scan3A_100 = arith.constant 40 : i32
    %scan3A_101 = arith.constant 0 : i32
    %scan3A_102 = arith.constant 16 : i32
    %scan3A_103 = arith.addi %scan3A_101, %scan3A_102 : i32
    %scan3A_104 = arith.constant 1 : i32
    scf.for %scan3A_112 = %scan3A_101 to %scan3A_103 step %scan3A_104  : i32 {
      %mul3A_113 = arith.constant 1 : i32
      %mul3A_114 = arith.muli %scan3A_112, %mul3A_113 : i32
      %add3A_115 = arith.constant 0 : i32
      %add3A_116 = arith.addi %add3A_115, %mul3A_114 : i32
      %mul3A_117 = arith.constant 640 : i32
      %mul3A_118 = arith.muli %arg1, %mul3A_117 : i32
      "tpu.region"() ({
        %run_scoped3A = tpu.sem_alloc : memref<!tpu.dma_semaphore, #tpu.memory_space<semaphore_mem>>
        %dma_start3A_124 = tpu.memref_slice %arg14[%add3A_116, %mul3A_118] : memref<16x10240xf32, #tpu.memory_space<vmem_shared>> -> memref<1x640xf32, #tpu.memory_space<vmem_shared>>
        %dma_start3A_125 = tpu.memref_squeeze %dma_start3A_124 : memref<1x640xf32, #tpu.memory_space<vmem_shared>> -> memref<640xf32, #tpu.memory_space<vmem_shared>>
        %dma_start3A_126 = tpu.memref_slice %arg14[%add3A_116, %mul3A_118] : memref<16x10240xf32, #tpu.memory_space<vmem_shared>> -> memref<1x640xf32, #tpu.memory_space<vmem_shared>>
        %dma_start3A_127 = tpu.memref_squeeze %dma_start3A_126 : memref<1x640xf32, #tpu.memory_space<vmem_shared>> -> memref<640xf32, #tpu.memory_space<vmem_shared>>
        tpu.enqueue_dma source(%dma_start3A_127 : memref<640xf32, #tpu.memory_space<vmem_shared>>) target(%arg13 : memref<640xf32, #tpu.memory_space<vmem>>) target_semaphore(%run_scoped3A : memref<!tpu.dma_semaphore, #tpu.memory_space<semaphore_mem>>)
        %dma_wait3A = tpu.memref_slice %arg14[%add3A_116, %mul3A_118] : memref<16x10240xf32, #tpu.memory_space<vmem_shared>> -> memref<1x640xf32, #tpu.memory_space<vmem_shared>>
        %dma_wait3A_128 = tpu.memref_squeeze %dma_wait3A : memref<1x640xf32, #tpu.memory_space<vmem_shared>> -> memref<640xf32, #tpu.memory_space<vmem_shared>>
        %dma_wait3A_129 = tpu.memref_slice %arg14[%add3A_116, %mul3A_118] : memref<16x10240xf32, #tpu.memory_space<vmem_shared>> -> memref<1x640xf32, #tpu.memory_space<vmem_shared>>
        %dma_wait3A_130 = tpu.memref_squeeze %dma_wait3A_129 : memref<1x640xf32, #tpu.memory_space<vmem_shared>> -> memref<640xf32, #tpu.memory_space<vmem_shared>>
        tpu.wait_dma2 semaphore(%run_scoped3A : memref<!tpu.dma_semaphore, #tpu.memory_space<semaphore_mem>>) src(%dma_wait3A_130 : memref<640xf32, #tpu.memory_space<vmem_shared>>) dst(%arg13 : memref<640xf32, #tpu.memory_space<vmem>>)
        tpu.yield
      }) : () -> ()
      %scan3A_119 = arith.constant 0 : i32
      %scan3A_120 = arith.constant 40 : i32
      %scan3A_121 = arith.addi %scan3A_119, %scan3A_120 : i32
      %scan3A_122 = arith.constant 1 : i32
      scf.for %scan3A_124 = %scan3A_119 to %scan3A_121 step %scan3A_122  : i32 {
        %mul3A_125 = arith.constant 1 : i32
        %mul3A_126 = arith.muli %scan3A_124, %mul3A_125 : i32
        %add3A_127 = arith.constant 0 : i32
        %add3A_128 = arith.addi %add3A_127, %mul3A_126 : i32
        %mul3A_129 = arith.constant 16 : i32
        %mul3A_130 = arith.muli %add3A_128, %mul3A_129 : i32
        %get3A = arith.index_cast %mul3A_130 : i32 to index
        %get3A_131 = tpu.vector_load %arg12[%get3A] {strides = array<i32>} : memref<640xf32, #tpu.memory_space<vmem>>, vector<16xf32>,
        %get3A_132 = arith.index_cast %mul3A_130 : i32 to index
        %get3A_133 = tpu.vector_load %arg13[%get3A_132] {strides = array<i32>} : memref<640xf32, #tpu.memory_space<vmem>>, vector<16xf32>,
        %add3A_134 = arith.addf %get3A_131, %get3A_133 : vector<16xf32>
        %swap3A = arith.index_cast %mul3A_130 : i32 to index
        %swap3A_135 = tpu.vector_load %arg12[%swap3A] {strides = array<i32>} : memref<640xf32, #tpu.memory_space<vmem>>, vector<16xf32>,
        tpu.vector_store %arg12[%swap3A], %add3A_134 {strides = array<i32>} : memref<640xf32, #tpu.memory_space<vmem>>, vector<16xf32>,
      }
      %scan3A_123 = arith.constant 40 : i32
    }
    %scan3A_105 = arith.constant 16 : i32
    %mul3A_106 = arith.constant 640 : i32
    %mul3A_107 = arith.muli %arg1, %mul3A_106 : i32
    "tpu.region"() ({
      %run_scoped3A = tpu.sem_alloc : memref<!tpu.dma_semaphore, #tpu.memory_space<semaphore_mem>>
      %dma_start3A_112 = tpu.memref_slice %arg5[%arg0, %mul3A_107] : memref<2x10240xf32, #tpu.memory_space<hbm>> -> memref<1x640xf32, #tpu.memory_space<hbm>>
      %dma_start3A_113 = tpu.memref_squeeze %dma_start3A_112 : memref<1x640xf32, #tpu.memory_space<hbm>> -> memref<640xf32, #tpu.memory_space<hbm>>
      %dma_start3A_114 = tpu.memref_slice %arg5[%arg0, %mul3A_107] : memref<2x10240xf32, #tpu.memory_space<hbm>> -> memref<1x640xf32, #tpu.memory_space<hbm>>
      %dma_start3A_115 = tpu.memref_squeeze %dma_start3A_114 : memref<1x640xf32, #tpu.memory_space<hbm>> -> memref<640xf32, #tpu.memory_space<hbm>>
      tpu.enqueue_dma source(%arg12 : memref<640xf32, #tpu.memory_space<vmem>>) target(%dma_start3A_115 : memref<640xf32, #tpu.memory_space<hbm>>) target_semaphore(%run_scoped3A : memref<!tpu.dma_semaphore, #tpu.memory_space<semaphore_mem>>)
      %dma_wait3A = tpu.memref_slice %arg5[%arg0, %mul3A_107] : memref<2x10240xf32, #tpu.memory_space<hbm>> -> memref<1x640xf32, #tpu.memory_space<hbm>>
      %dma_wait3A_116 = tpu.memref_squeeze %dma_wait3A : memref<1x640xf32, #tpu.memory_space<hbm>> -> memref<640xf32, #tpu.memory_space<hbm>>
      %dma_wait3A_117 = tpu.memref_slice %arg5[%arg0, %mul3A_107] : memref<2x10240xf32, #tpu.memory_space<hbm>> -> memref<1x640xf32, #tpu.memory_space<hbm>>
      %dma_wait3A_118 = tpu.memref_squeeze %dma_wait3A_117 : memref<1x640xf32, #tpu.memory_space<hbm>> -> memref<640xf32, #tpu.memory_space<hbm>>
      tpu.wait_dma2 semaphore(%run_scoped3A : memref<!tpu.dma_semaphore, #tpu.memory_space<semaphore_mem>>) src(%arg12 : memref<640xf32, #tpu.memory_space<vmem>>) dst(%dma_wait3A_118 : memref<640xf32, #tpu.memory_space<hbm>>)
      tpu.yield
    }) : () -> ()
    %mul3A_108 = arith.constant 640 : i32
    %mul3A_109 = arith.muli %arg1, %mul3A_108 : i32
    "tpu.region"() ({
      %run_scoped3A = tpu.sem_alloc : memref<!tpu.dma_semaphore, #tpu.memory_space<semaphore_mem>>
      %dma_start3A_112 = arith.constant 0 : i32
      %dma_start3A_113 = tpu.memref_slice %arg15[%mul3A_109, %dma_start3A_112] : memref<10240x16xf32, #tpu.memory_space<vmem_shared>> -> memref<640x16xf32, #tpu.memory_space<vmem_shared>>
      %dma_start3A_114 = arith.constant 0 : i32
      %dma_start3A_115 = tpu.memref_slice %arg15[%mul3A_109, %dma_start3A_114] : memref<10240x16xf32, #tpu.memory_space<vmem_shared>> -> memref<640x16xf32, #tpu.memory_space<vmem_shared>>
      tpu.enqueue_dma source(%dma_start3A_115 : memref<640x16xf32, #tpu.memory_space<vmem_shared>>) target(%arg11 : memref<640x16xf32, #tpu.memory_space<vmem>>) target_semaphore(%run_scoped3A : memref<!tpu.dma_semaphore, #tpu.memory_space<semaphore_mem>>)
      %dma_wait3A = arith.constant 0 : i32
      %dma_wait3A_116 = tpu.memref_slice %arg15[%mul3A_109, %dma_wait3A] : memref<10240x16xf32, #tpu.memory_space<vmem_shared>> -> memref<640x16xf32, #tpu.memory_space<vmem_shared>>
      %dma_wait3A_117 = arith.constant 0 : i32
      %dma_wait3A_118 = tpu.memref_slice %arg15[%mul3A_109, %dma_wait3A_117] : memref<10240x16xf32, #tpu.memory_space<vmem_shared>> -> memref<640x16xf32, #tpu.memory_space<vmem_shared>>
      tpu.wait_dma2 semaphore(%run_scoped3A : memref<!tpu.dma_semaphore, #tpu.memory_space<semaphore_mem>>) src(%dma_wait3A_118 : memref<640x16xf32, #tpu.memory_space<vmem_shared>>) dst(%arg11 : memref<640x16xf32, #tpu.memory_space<vmem>>)
      tpu.yield
    }) : () -> ()
    %mul3A_110 = arith.constant 640 : i32
    %mul3A_111 = arith.muli %arg1, %mul3A_110 : i32
    "tpu.region"() ({
      %run_scoped3A = tpu.sem_alloc : memref<!tpu.dma_semaphore, #tpu.memory_space<semaphore_mem>>
      %dma_start3A_112 = arith.constant 0 : i32
      %dma_start3A_113 = tpu.memref_slice %arg6[%arg0, %mul3A_111, %dma_start3A_112] : memref<2x10240x16xf32, #tpu.memory_space<hbm>> -> memref<1x640x16xf32, #tpu.memory_space<hbm>>
      %dma_start3A_114 = tpu.memref_squeeze %dma_start3A_113 : memref<1x640x16xf32, #tpu.memory_space<hbm>> -> memref<640x16xf32, #tpu.memory_space<hbm>>
      %dma_start3A_115 = arith.constant 0 : i32
      %dma_start3A_116 = tpu.memref_slice %arg6[%arg0, %mul3A_111, %dma_start3A_115] : memref<2x10240x16xf32, #tpu.memory_space<hbm>> -> memref<1x640x16xf32, #tpu.memory_space<hbm>>
      %dma_start3A_117 = tpu.memref_squeeze %dma_start3A_116 : memref<1x640x16xf32, #tpu.memory_space<hbm>> -> memref<640x16xf32, #tpu.memory_space<hbm>>
      tpu.enqueue_dma source(%arg11 : memref<640x16xf32, #tpu.memory_space<vmem>>) target(%dma_start3A_117 : memref<640x16xf32, #tpu.memory_space<hbm>>) target_semaphore(%run_scoped3A : memref<!tpu.dma_semaphore, #tpu.memory_space<semaphore_mem>>)
      %dma_wait3A = arith.constant 0 : i32
      %dma_wait3A_118 = tpu.memref_slice %arg6[%arg0, %mul3A_111, %dma_wait3A] : memref<2x10240x16xf32, #tpu.memory_space<hbm>> -> memref<1x640x16xf32, #tpu.memory_space<hbm>>
      %dma_wait3A_119 = tpu.memref_squeeze %dma_wait3A_118 : memref<1x640x16xf32, #tpu.memory_space<hbm>> -> memref<640x16xf32, #tpu.memory_space<hbm>>
      %dma_wait3A_120 = arith.constant 0 : i32
      %dma_wait3A_121 = tpu.memref_slice %arg6[%arg0, %mul3A_111, %dma_wait3A_120] : memref<2x10240x16xf32, #tpu.memory_space<hbm>> -> memref<1x640x16xf32, #tpu.memory_space<hbm>>
      %dma_wait3A_122 = tpu.memref_squeeze %dma_wait3A_121 : memref<1x640x16xf32, #tpu.memory_space<hbm>> -> memref<640x16xf32, #tpu.memory_space<hbm>>
      tpu.wait_dma2 semaphore(%run_scoped3A : memref<!tpu.dma_semaphore, #tpu.memory_space<semaphore_mem>>) src(%arg11 : memref<640x16xf32, #tpu.memory_space<vmem>>) dst(%dma_wait3A_122 : memref<640x16xf32, #tpu.memory_space<hbm>>)
      tpu.yield
    }) : () -> ()
    return
  }
}

module attributes {stable_mosaic.version = 14 : i64} {
  func.func @_proj_body(%arg0: i32, %arg1: memref<1000x128xf32, #tpu.memory_space<vmem>>, %arg2: memref<128x48xf32, #tpu.memory_space<vmem>>, %arg3: memref<128x48xf32, #tpu.memory_space<vmem>>, %arg4: memref<1000x48xf32, #tpu.memory_space<vmem>>, %arg5: memref<1000x48xf32, #tpu.memory_space<vmem>>) attributes {dimension_semantics = [#tpu.dimension_semantics<arbitrary>], iteration_bounds = array<i64: 10>, scalar_prefetch = 0 : i64, scratch_operands = 0 : i64, tpu.core_type = #tpu.core_type<tc>, window_params = [{transform_indices = @transform_0, window_bounds = array<i64: 1000, 128>}, {pipeline_mode = #tpu.pipeline_mode<synchronous>, transform_indices = @transform_1, window_bounds = array<i64: 128, 48>}, {pipeline_mode = #tpu.pipeline_mode<synchronous>, transform_indices = @transform_2, window_bounds = array<i64: 128, 48>}, {transform_indices = @transform_3, window_bounds = array<i64: 1000, 48>}, {transform_indices = @transform_4, window_bounds = array<i64: 1000, 48>}]} {
    %get3A = arith.constant 0 : index
    %get3A_0 = arith.constant 0 : index
    %get3A_1 = vector.load %arg1[%get3A, %get3A_0] : memref<1000x128xf32, #tpu.memory_space<vmem>>, vector<1000x128xf32>
    %get3A_2 = arith.constant 0 : index
    %get3A_3 = arith.constant 0 : index
    %get3A_4 = vector.load %arg2[%get3A_2, %get3A_3] : memref<128x48xf32, #tpu.memory_space<vmem>>, vector<128x48xf32>
    %dot_general3A = arith.constant dense<0.000000e+00> : vector<1000x48xf32>
    %dot_general3A_5 = tpu.matmul %get3A_1, %get3A_4, %dot_general3A {dimension_numbers = #tpu.dot_dimension_numbers<[1], [0], [0], [1], [0, 0, 1, 1], [], []>, transpose_lhs_hint = false} : vector<1000x128xf32>, vector<128x48xf32>, vector<1000x48xf32> -> vector<1000x48xf32>
    %swap3A = arith.constant 0 : index
    %swap3A_6 = arith.constant 0 : index
    %swap3A_7 = vector.load %arg4[%swap3A, %swap3A_6] : memref<1000x48xf32, #tpu.memory_space<vmem>>, vector<1000x48xf32>
    tpu.vector_store %arg4[%swap3A, %swap3A_6], %dot_general3A_5 {strides = array<i32>} : memref<1000x48xf32, #tpu.memory_space<vmem>>, vector<1000x48xf32>,
    %get3A_8 = arith.constant 0 : index
    %get3A_9 = arith.constant 0 : index
    %get3A_10 = vector.load %arg3[%get3A_8, %get3A_9] : memref<128x48xf32, #tpu.memory_space<vmem>>, vector<128x48xf32>
    %dot_general3A_11 = arith.constant dense<0.000000e+00> : vector<1000x48xf32>
    %dot_general3A_12 = tpu.matmul %get3A_1, %get3A_10, %dot_general3A_11 {dimension_numbers = #tpu.dot_dimension_numbers<[1], [0], [0], [1], [0, 0, 1, 1], [], []>, transpose_lhs_hint = false} : vector<1000x128xf32>, vector<128x48xf32>, vector<1000x48xf32> -> vector<1000x48xf32>
    %swap3A_13 = arith.constant 0 : index
    %swap3A_14 = arith.constant 0 : index
    %swap3A_15 = vector.load %arg5[%swap3A_13, %swap3A_14] : memref<1000x48xf32, #tpu.memory_space<vmem>>, vector<1000x48xf32>
    tpu.vector_store %arg5[%swap3A_13, %swap3A_14], %dot_general3A_12 {strides = array<i32>} : memref<1000x48xf32, #tpu.memory_space<vmem>>, vector<1000x48xf32>,
    return
  }
  func.func @transform_0(%arg0: i32) -> (i32, i32) {
    %c0_i32 = arith.constant 0 : i32
    %c0_i32_0 = arith.constant 0 : i32
    return %arg0, %c0_i32 : i32, i32
  }
  func.func @transform_1(%arg0: i32) -> (i32, i32) {
    %c0_i32 = arith.constant 0 : i32
    %c0_i32_0 = arith.constant 0 : i32
    %c0_i32_1 = arith.constant 0 : i32
    return %c0_i32, %c0_i32_0 : i32, i32
  }
  func.func @transform_2(%arg0: i32) -> (i32, i32) {
    %c0_i32 = arith.constant 0 : i32
    %c0_i32_0 = arith.constant 0 : i32
    %c0_i32_1 = arith.constant 0 : i32
    return %c0_i32, %c0_i32_0 : i32, i32
  }
  func.func @transform_3(%arg0: i32) -> (i32, i32) {
    %c0_i32 = arith.constant 0 : i32
    %c0_i32_0 = arith.constant 0 : i32
    return %arg0, %c0_i32 : i32, i32
  }
  func.func @transform_4(%arg0: i32) -> (i32, i32) {
    %c0_i32 = arith.constant 0 : i32
    %c0_i32_0 = arith.constant 0 : i32
    return %arg0, %c0_i32 : i32, i32
  }
}

module attributes {stable_mosaic.version = 14 : i64} {
  func.func @_edge_body(%arg0: i32, %arg1: memref<2000x48xf32, #tpu.memory_space<vmem>>, %arg2: memref<2000x48xf32, #tpu.memory_space<vmem>>, %arg3: memref<2000x16xf32, #tpu.memory_space<vmem>>, %arg4: memref<16x48xf32, #tpu.memory_space<vmem>>, %arg5: memref<1x48xf32, #tpu.memory_space<vmem>>, %arg6: memref<1x48xf32, #tpu.memory_space<vmem>>, %arg7: memref<16x64xf32, #tpu.memory_space<vmem>>, %arg8: memref<1x64xf32, #tpu.memory_space<vmem>>, %arg9: memref<1x64xf32, #tpu.memory_space<vmem>>, %arg10: memref<2000x16xf32, #tpu.memory_space<vmem>>, %arg11: memref<2000x16xf32, #tpu.memory_space<vmem>>, %arg12: memref<2000x1xf32, #tpu.memory_space<vmem>>) attributes {dimension_semantics = [#tpu.dimension_semantics<arbitrary>], iteration_bounds = array<i64: 160>, scalar_prefetch = 0 : i64, scratch_operands = 0 : i64, tpu.core_type = #tpu.core_type<tc>, window_params = [{transform_indices = @transform_0, window_bounds = array<i64: 2000, 48>}, {transform_indices = @transform_1, window_bounds = array<i64: 2000, 48>}, {transform_indices = @transform_2, window_bounds = array<i64: 2000, 16>}, {pipeline_mode = #tpu.pipeline_mode<synchronous>, transform_indices = @transform_3, window_bounds = array<i64: 16, 48>}, {pipeline_mode = #tpu.pipeline_mode<synchronous>, transform_indices = @transform_4, window_bounds = array<i64: 1, 48>}, {pipeline_mode = #tpu.pipeline_mode<synchronous>, transform_indices = @transform_5, window_bounds = array<i64: 1, 48>}, {pipeline_mode = #tpu.pipeline_mode<synchronous>, transform_indices = @transform_6, window_bounds = array<i64: 16, 64>}, {pipeline_mode = #tpu.pipeline_mode<synchronous>, transform_indices = @transform_7, window_bounds = array<i64: 1, 64>}, {pipeline_mode = #tpu.pipeline_mode<synchronous>, transform_indices = @transform_8, window_bounds = array<i64: 1, 64>}, {transform_indices = @transform_9, window_bounds = array<i64: 2000, 16>}, {transform_indices = @transform_10, window_bounds = array<i64: 2000, 16>}, {transform_indices = @transform_11, window_bounds = array<i64: 2000, 1>}]} {
    %get3A = arith.constant 0 : index
    %get3A_0 = arith.constant 0 : index
    %get3A_1 = vector.load %arg1[%get3A, %get3A_0] : memref<2000x48xf32, #tpu.memory_space<vmem>>, vector<2000x48xf32>
    %get3A_2 = arith.constant 0 : index
    %get3A_3 = arith.constant 0 : index
    %get3A_4 = vector.load %arg2[%get3A_2, %get3A_3] : memref<2000x48xf32, #tpu.memory_space<vmem>>, vector<2000x48xf32>
    %add3A = arith.addf %get3A_1, %get3A_4 : vector<2000x48xf32>
    %get3A_5 = arith.constant 0 : index
    %get3A_6 = arith.constant 0 : index
    %get3A_7 = vector.load %arg5[%get3A_5, %get3A_6] : memref<1x48xf32, #tpu.memory_space<vmem>>, vector<1x48xf32>
    %add3A_8 = vector.broadcast %get3A_7 : vector<1x48xf32> to vector<2000x48xf32>
    %add3A_9 = arith.addf %add3A, %add3A_8 : vector<2000x48xf32>
    %get3A_10 = arith.constant 0 : index
    %get3A_11 = arith.constant 0 : index
    %get3A_12 = vector.load %arg3[%get3A_10, %get3A_11] : memref<2000x16xf32, #tpu.memory_space<vmem>>, vector<2000x16xf32>
    %get3A_13 = arith.constant 0 : index
    %get3A_14 = arith.constant 0 : index
    %get3A_15 = vector.load %arg4[%get3A_13, %get3A_14] : memref<16x48xf32, #tpu.memory_space<vmem>>, vector<16x48xf32>
    %dot_general3A = arith.constant dense<0.000000e+00> : vector<2000x48xf32>
    %dot_general3A_16 = tpu.matmul %get3A_12, %get3A_15, %dot_general3A {dimension_numbers = #tpu.dot_dimension_numbers<[1], [0], [0], [1], [0, 0, 1, 1], [], []>, transpose_lhs_hint = false} : vector<2000x16xf32>, vector<16x48xf32>, vector<2000x48xf32> -> vector<2000x48xf32>
    %get3A_17 = arith.constant 0 : index
    %get3A_18 = arith.constant 0 : index
    %get3A_19 = vector.load %arg6[%get3A_17, %get3A_18] : memref<1x48xf32, #tpu.memory_space<vmem>>, vector<1x48xf32>
    %add3A_20 = vector.broadcast %get3A_19 : vector<1x48xf32> to vector<2000x48xf32>
    %add3A_21 = arith.addf %dot_general3A_16, %add3A_20 : vector<2000x48xf32>
    %slice3A = vector.extract_strided_slice %add3A_9 {offsets = [0, 0], sizes = [2000, 16], strides = [1, 1]} : vector<2000x48xf32> to vector<2000x16xf32>
    %slice3A_22 = vector.extract_strided_slice %add3A_21 {offsets = [0, 0], sizes = [2000, 16], strides = [1, 1]} : vector<2000x48xf32> to vector<2000x16xf32>
    %add3A_23 = arith.addf %slice3A, %slice3A_22 : vector<2000x16xf32>
    %logistic3A = arith.negf %add3A_23 : vector<2000x16xf32>
    %logistic3A_24 = math.exp %logistic3A : vector<2000x16xf32>
    %logistic3A_25 = arith.constant 1.000000e+00 : f32
    %logistic3A_26 = vector.broadcast %logistic3A_25 : f32 to vector<2000x16xf32>
    %logistic3A_27 = arith.addf %logistic3A_26, %logistic3A_24 : vector<2000x16xf32>
    %logistic3A_28 = arith.divf %logistic3A_26, %logistic3A_27 : vector<2000x16xf32>
    %slice3A_29 = vector.extract_strided_slice %add3A_9 {offsets = [0, 16], sizes = [2000, 16], strides = [1, 1]} : vector<2000x48xf32> to vector<2000x16xf32>
    %slice3A_30 = vector.extract_strided_slice %add3A_21 {offsets = [0, 16], sizes = [2000, 16], strides = [1, 1]} : vector<2000x48xf32> to vector<2000x16xf32>
    %add3A_31 = arith.addf %slice3A_29, %slice3A_30 : vector<2000x16xf32>
    %logistic3A_32 = arith.negf %add3A_31 : vector<2000x16xf32>
    %logistic3A_33 = math.exp %logistic3A_32 : vector<2000x16xf32>
    %logistic3A_34 = arith.constant 1.000000e+00 : f32
    %logistic3A_35 = vector.broadcast %logistic3A_34 : f32 to vector<2000x16xf32>
    %logistic3A_36 = arith.addf %logistic3A_35, %logistic3A_33 : vector<2000x16xf32>
    %logistic3A_37 = arith.divf %logistic3A_35, %logistic3A_36 : vector<2000x16xf32>
    %slice3A_38 = vector.extract_strided_slice %add3A_9 {offsets = [0, 32], sizes = [2000, 16], strides = [1, 1]} : vector<2000x48xf32> to vector<2000x16xf32>
    %slice3A_39 = vector.extract_strided_slice %add3A_21 {offsets = [0, 32], sizes = [2000, 16], strides = [1, 1]} : vector<2000x48xf32> to vector<2000x16xf32>
    %mul3A = arith.mulf %logistic3A_28, %slice3A_39 : vector<2000x16xf32>
    %add3A_40 = arith.addf %slice3A_38, %mul3A : vector<2000x16xf32>
    %tanh3A = math.tanh %add3A_40 : vector<2000x16xf32>
    %sub3A = arith.constant 1.000000e+00 : f32
    %sub3A_41 = vector.broadcast %sub3A : f32 to vector<2000x16xf32>
    %sub3A_42 = arith.subf %sub3A_41, %logistic3A_37 : vector<2000x16xf32>
    %mul3A_43 = arith.mulf %sub3A_42, %tanh3A : vector<2000x16xf32>
    %mul3A_44 = arith.mulf %logistic3A_37, %get3A_12 : vector<2000x16xf32>
    %add3A_45 = arith.addf %mul3A_43, %mul3A_44 : vector<2000x16xf32>
    %swap3A = arith.constant 0 : index
    %swap3A_46 = arith.constant 0 : index
    %swap3A_47 = vector.load %arg10[%swap3A, %swap3A_46] : memref<2000x16xf32, #tpu.memory_space<vmem>>, vector<2000x16xf32>
    tpu.vector_store %arg10[%swap3A, %swap3A_46], %add3A_45 {strides = array<i32>} : memref<2000x16xf32, #tpu.memory_space<vmem>>, vector<2000x16xf32>,
    %get3A_48 = arith.constant 0 : index
    %get3A_49 = arith.constant 0 : index
    %get3A_50 = vector.load %arg7[%get3A_48, %get3A_49] : memref<16x64xf32, #tpu.memory_space<vmem>>, vector<16x64xf32>
    %dot_general3A_51 = arith.constant dense<0.000000e+00> : vector<2000x64xf32>
    %dot_general3A_52 = tpu.matmul %add3A_45, %get3A_50, %dot_general3A_51 {dimension_numbers = #tpu.dot_dimension_numbers<[1], [0], [0], [1], [0, 0, 1, 1], [], []>, transpose_lhs_hint = false} : vector<2000x16xf32>, vector<16x64xf32>, vector<2000x64xf32> -> vector<2000x64xf32>
    %get3A_53 = arith.constant 0 : index
    %get3A_54 = arith.constant 0 : index
    %get3A_55 = vector.load %arg8[%get3A_53, %get3A_54] : memref<1x64xf32, #tpu.memory_space<vmem>>, vector<1x64xf32>
    %add3A_56 = vector.broadcast %get3A_55 : vector<1x64xf32> to vector<2000x64xf32>
    %add3A_57 = arith.addf %dot_general3A_52, %add3A_56 : vector<2000x64xf32>
    %max3A = arith.constant 0.000000e+00 : f32
    %max3A_58 = vector.broadcast %max3A : f32 to vector<2000x64xf32>
    %max3A_59 = arith.maximumf %add3A_57, %max3A_58 : vector<2000x64xf32>
    %get3A_60 = arith.constant 0 : index
    %get3A_61 = arith.constant 0 : index
    %get3A_62 = vector.load %arg9[%get3A_60, %get3A_61] : memref<1x64xf32, #tpu.memory_space<vmem>>, vector<1x64xf32>
    %mul3A_63 = vector.broadcast %get3A_62 : vector<1x64xf32> to vector<2000x64xf32>
    %mul3A_64 = arith.mulf %max3A_59, %mul3A_63 : vector<2000x64xf32>
    %reduce_sum3A = arith.constant dense<0.000000e+00> : vector<2000xf32>
    %reduce_sum3A_65 = vector.multi_reduction <add>, %mul3A_64, %reduce_sum3A [1] : vector<2000x64xf32> to vector<2000xf32>
    %broadcast_in_dim3A = vector.shape_cast %reduce_sum3A_65 : vector<2000xf32> to vector<2000x1xf32>
    %exp3A = math.exp %broadcast_in_dim3A : vector<2000x1xf32>
    %swap3A_66 = arith.constant 0 : index
    %swap3A_67 = arith.constant 0 : index
    %swap3A_68 = vector.load %arg12[%swap3A_66, %swap3A_67] : memref<2000x1xf32, #tpu.memory_space<vmem>>, vector<2000x1xf32>
    tpu.vector_store %arg12[%swap3A_66, %swap3A_67], %exp3A {strides = array<i32>} : memref<2000x1xf32, #tpu.memory_space<vmem>>, vector<2000x1xf32>,
    %mul3A_69 = vector.broadcast %exp3A : vector<2000x1xf32> to vector<2000x16xf32>
    %mul3A_70 = arith.mulf %add3A_45, %mul3A_69 : vector<2000x16xf32>
    %swap3A_71 = arith.constant 0 : index
    %swap3A_72 = arith.constant 0 : index
    %swap3A_73 = vector.load %arg11[%swap3A_71, %swap3A_72] : memref<2000x16xf32, #tpu.memory_space<vmem>>, vector<2000x16xf32>
    tpu.vector_store %arg11[%swap3A_71, %swap3A_72], %mul3A_70 {strides = array<i32>} : memref<2000x16xf32, #tpu.memory_space<vmem>>, vector<2000x16xf32>,
    return
  }
  func.func @transform_0(%arg0: i32) -> (i32, i32) {
    %c0_i32 = arith.constant 0 : i32
    %c0_i32_0 = arith.constant 0 : i32
    return %arg0, %c0_i32 : i32, i32
  }
  func.func @transform_1(%arg0: i32) -> (i32, i32) {
    %c0_i32 = arith.constant 0 : i32
    %c0_i32_0 = arith.constant 0 : i32
    return %arg0, %c0_i32 : i32, i32
  }
  func.func @transform_2(%arg0: i32) -> (i32, i32) {
    %c0_i32 = arith.constant 0 : i32
    %c0_i32_0 = arith.constant 0 : i32
    return %arg0, %c0_i32 : i32, i32
  }
  func.func @transform_3(%arg0: i32) -> (i32, i32) {
    %c0_i32 = arith.constant 0 : i32
    %c0_i32_0 = arith.constant 0 : i32
    %c0_i32_1 = arith.constant 0 : i32
    return %c0_i32, %c0_i32_0 : i32, i32
  }
  func.func @transform_4(%arg0: i32) -> (i32, i32) {
    %c0_i32 = arith.constant 0 : i32
    %c0_i32_0 = arith.constant 0 : i32
    %c0_i32_1 = arith.constant 0 : i32
    return %c0_i32, %c0_i32_0 : i32, i32
  }
  func.func @transform_5(%arg0: i32) -> (i32, i32) {
    %c0_i32 = arith.constant 0 : i32
    %c0_i32_0 = arith.constant 0 : i32
    %c0_i32_1 = arith.constant 0 : i32
    return %c0_i32, %c0_i32_0 : i32, i32
  }
  func.func @transform_6(%arg0: i32) -> (i32, i32) {
    %c0_i32 = arith.constant 0 : i32
    %c0_i32_0 = arith.constant 0 : i32
    %c0_i32_1 = arith.constant 0 : i32
    return %c0_i32, %c0_i32_0 : i32, i32
  }
  func.func @transform_7(%arg0: i32) -> (i32, i32) {
    %c0_i32 = arith.constant 0 : i32
    %c0_i32_0 = arith.constant 0 : i32
    %c0_i32_1 = arith.constant 0 : i32
    return %c0_i32, %c0_i32_0 : i32, i32
  }
  func.func @transform_8(%arg0: i32) -> (i32, i32) {
    %c0_i32 = arith.constant 0 : i32
    %c0_i32_0 = arith.constant 0 : i32
    %c0_i32_1 = arith.constant 0 : i32
    return %c0_i32, %c0_i32_0 : i32, i32
  }
  func.func @transform_9(%arg0: i32) -> (i32, i32) {
    %c0_i32 = arith.constant 0 : i32
    %c0_i32_0 = arith.constant 0 : i32
    return %arg0, %c0_i32 : i32, i32
  }
  func.func @transform_10(%arg0: i32) -> (i32, i32) {
    %c0_i32 = arith.constant 0 : i32
    %c0_i32_0 = arith.constant 0 : i32
    return %arg0, %c0_i32 : i32, i32
  }
  func.func @transform_11(%arg0: i32) -> (i32, i32) {
    %c0_i32 = arith.constant 0 : i32
    %c0_i32_0 = arith.constant 0 : i32
    return %arg0, %c0_i32 : i32, i32
  }
}

module attributes {stable_mosaic.version = 14 : i64} {
  func.func @_node_body(%arg0: i32, %arg1: memref<2x1000x16xf32, #tpu.memory_space<vmem>>, %arg2: memref<2x1000x1xf32, #tpu.memory_space<vmem>>, %arg3: memref<1000x128xf32, #tpu.memory_space<vmem>>, %arg4: memref<16x384xf32, #tpu.memory_space<vmem>>, %arg5: memref<128x384xf32, #tpu.memory_space<vmem>>, %arg6: memref<1x384xf32, #tpu.memory_space<vmem>>, %arg7: memref<1x384xf32, #tpu.memory_space<vmem>>, %arg8: memref<128x48xf32, #tpu.memory_space<vmem>>, %arg9: memref<128x48xf32, #tpu.memory_space<vmem>>, %arg10: memref<1000x128xf32, #tpu.memory_space<vmem>>, %arg11: memref<1000x48xf32, #tpu.memory_space<vmem>>, %arg12: memref<1000x48xf32, #tpu.memory_space<vmem>>) attributes {dimension_semantics = [#tpu.dimension_semantics<arbitrary>], iteration_bounds = array<i64: 10>, scalar_prefetch = 0 : i64, scratch_operands = 0 : i64, tpu.core_type = #tpu.core_type<tc>, window_params = [{transform_indices = @transform_0, window_bounds = array<i64: 2, 1000, 16>}, {transform_indices = @transform_1, window_bounds = array<i64: 2, 1000, 1>}, {transform_indices = @transform_2, window_bounds = array<i64: 1000, 128>}, {pipeline_mode = #tpu.pipeline_mode<synchronous>, transform_indices = @transform_3, window_bounds = array<i64: 16, 384>}, {pipeline_mode = #tpu.pipeline_mode<synchronous>, transform_indices = @transform_4, window_bounds = array<i64: 128, 384>}, {pipeline_mode = #tpu.pipeline_mode<synchronous>, transform_indices = @transform_5, window_bounds = array<i64: 1, 384>}, {pipeline_mode = #tpu.pipeline_mode<synchronous>, transform_indices = @transform_6, window_bounds = array<i64: 1, 384>}, {pipeline_mode = #tpu.pipeline_mode<synchronous>, transform_indices = @transform_7, window_bounds = array<i64: 128, 48>}, {pipeline_mode = #tpu.pipeline_mode<synchronous>, transform_indices = @transform_8, window_bounds = array<i64: 128, 48>}, {transform_indices = @transform_9, window_bounds = array<i64: 1000, 128>}, {transform_indices = @transform_10, window_bounds = array<i64: 1000, 48>}, {transform_indices = @transform_11, window_bounds = array<i64: 1000, 48>}]} {
    %get3A = arith.constant 0 : index
    %get3A_0 = arith.constant 0 : index
    %get3A_1 = arith.constant 0 : index
    %get3A_2 = vector.load %arg1[%get3A, %get3A_0, %get3A_1] : memref<2x1000x16xf32, #tpu.memory_space<vmem>>, vector<1x1000x16xf32>
    %get3A_3 = vector.shape_cast %get3A_2 : vector<1x1000x16xf32> to vector<1000x16xf32>
    %get3A_4 = arith.constant 1 : index
    %get3A_5 = arith.constant 0 : index
    %get3A_6 = arith.constant 0 : index
    %get3A_7 = vector.load %arg1[%get3A_4, %get3A_5, %get3A_6] : memref<2x1000x16xf32, #tpu.memory_space<vmem>>, vector<1x1000x16xf32>
    %get3A_8 = vector.shape_cast %get3A_7 : vector<1x1000x16xf32> to vector<1000x16xf32>
    %add3A = arith.addf %get3A_3, %get3A_8 : vector<1000x16xf32>
    %get3A_9 = arith.constant 0 : index
    %get3A_10 = arith.constant 0 : index
    %get3A_11 = arith.constant 0 : index
    %get3A_12 = vector.load %arg2[%get3A_9, %get3A_10, %get3A_11] : memref<2x1000x1xf32, #tpu.memory_space<vmem>>, vector<1x1000x1xf32>
    %get3A_13 = vector.shape_cast %get3A_12 : vector<1x1000x1xf32> to vector<1000x1xf32>
    %get3A_14 = arith.constant 1 : index
    %get3A_15 = arith.constant 0 : index
    %get3A_16 = arith.constant 0 : index
    %get3A_17 = vector.load %arg2[%get3A_14, %get3A_15, %get3A_16] : memref<2x1000x1xf32, #tpu.memory_space<vmem>>, vector<1x1000x1xf32>
    %get3A_18 = vector.shape_cast %get3A_17 : vector<1x1000x1xf32> to vector<1000x1xf32>
    %add3A_19 = arith.addf %get3A_13, %get3A_18 : vector<1000x1xf32>
    %add3A_20 = arith.constant 1.000000e-16 : f32
    %add3A_21 = vector.broadcast %add3A_20 : f32 to vector<1000x1xf32>
    %add3A_22 = arith.addf %add3A_19, %add3A_21 : vector<1000x1xf32>
    %div3A = arith.constant 1.000000e+00 : f32
    %div3A_23 = vector.broadcast %div3A : f32 to vector<1000x1xf32>
    %div3A_24 = arith.divf %div3A_23, %add3A_22 : vector<1000x1xf32>
    %mul3A = vector.broadcast %div3A_24 : vector<1000x1xf32> to vector<1000x16xf32>
    %mul3A_25 = arith.mulf %add3A, %mul3A : vector<1000x16xf32>
    %get3A_26 = arith.constant 0 : index
    %get3A_27 = arith.constant 0 : index
    %get3A_28 = vector.load %arg3[%get3A_26, %get3A_27] : memref<1000x128xf32, #tpu.memory_space<vmem>>, vector<1000x128xf32>
    %get3A_29 = arith.constant 0 : index
    %get3A_30 = arith.constant 0 : index
    %get3A_31 = vector.load %arg4[%get3A_29, %get3A_30] : memref<16x384xf32, #tpu.memory_space<vmem>>, vector<16x384xf32>
    %dot_general3A = arith.constant dense<0.000000e+00> : vector<1000x384xf32>
    %dot_general3A_32 = tpu.matmul %mul3A_25, %get3A_31, %dot_general3A {dimension_numbers = #tpu.dot_dimension_numbers<[1], [0], [0], [1], [0, 0, 1, 1], [], []>, transpose_lhs_hint = false} : vector<1000x16xf32>, vector<16x384xf32>, vector<1000x384xf32> -> vector<1000x384xf32>
    %get3A_33 = arith.constant 0 : index
    %get3A_34 = arith.constant 0 : index
    %get3A_35 = vector.load %arg6[%get3A_33, %get3A_34] : memref<1x384xf32, #tpu.memory_space<vmem>>, vector<1x384xf32>
    %add3A_36 = vector.broadcast %get3A_35 : vector<1x384xf32> to vector<1000x384xf32>
    %add3A_37 = arith.addf %dot_general3A_32, %add3A_36 : vector<1000x384xf32>
    %get3A_38 = arith.constant 0 : index
    %get3A_39 = arith.constant 0 : index
    %get3A_40 = vector.load %arg5[%get3A_38, %get3A_39] : memref<128x384xf32, #tpu.memory_space<vmem>>, vector<128x384xf32>
    %dot_general3A_41 = arith.constant dense<0.000000e+00> : vector<1000x384xf32>
    %dot_general3A_42 = tpu.matmul %get3A_28, %get3A_40, %dot_general3A_41 {dimension_numbers = #tpu.dot_dimension_numbers<[1], [0], [0], [1], [0, 0, 1, 1], [], []>, transpose_lhs_hint = false} : vector<1000x128xf32>, vector<128x384xf32>, vector<1000x384xf32> -> vector<1000x384xf32>
    %get3A_43 = arith.constant 0 : index
    %get3A_44 = arith.constant 0 : index
    %get3A_45 = vector.load %arg7[%get3A_43, %get3A_44] : memref<1x384xf32, #tpu.memory_space<vmem>>, vector<1x384xf32>
    %add3A_46 = vector.broadcast %get3A_45 : vector<1x384xf32> to vector<1000x384xf32>
    %add3A_47 = arith.addf %dot_general3A_42, %add3A_46 : vector<1000x384xf32>
    %slice3A = vector.extract_strided_slice %add3A_37 {offsets = [0, 0], sizes = [1000, 128], strides = [1, 1]} : vector<1000x384xf32> to vector<1000x128xf32>
    %slice3A_48 = vector.extract_strided_slice %add3A_47 {offsets = [0, 0], sizes = [1000, 128], strides = [1, 1]} : vector<1000x384xf32> to vector<1000x128xf32>
    %add3A_49 = arith.addf %slice3A, %slice3A_48 : vector<1000x128xf32>
    %logistic3A = arith.negf %add3A_49 : vector<1000x128xf32>
    %logistic3A_50 = math.exp %logistic3A : vector<1000x128xf32>
    %logistic3A_51 = arith.constant 1.000000e+00 : f32
    %logistic3A_52 = vector.broadcast %logistic3A_51 : f32 to vector<1000x128xf32>
    %logistic3A_53 = arith.addf %logistic3A_52, %logistic3A_50 : vector<1000x128xf32>
    %logistic3A_54 = arith.divf %logistic3A_52, %logistic3A_53 : vector<1000x128xf32>
    %slice3A_55 = vector.extract_strided_slice %add3A_37 {offsets = [0, 128], sizes = [1000, 128], strides = [1, 1]} : vector<1000x384xf32> to vector<1000x128xf32>
    %slice3A_56 = vector.extract_strided_slice %add3A_47 {offsets = [0, 128], sizes = [1000, 128], strides = [1, 1]} : vector<1000x384xf32> to vector<1000x128xf32>
    %add3A_57 = arith.addf %slice3A_55, %slice3A_56 : vector<1000x128xf32>
    %logistic3A_58 = arith.negf %add3A_57 : vector<1000x128xf32>
    %logistic3A_59 = math.exp %logistic3A_58 : vector<1000x128xf32>
    %logistic3A_60 = arith.constant 1.000000e+00 : f32
    %logistic3A_61 = vector.broadcast %logistic3A_60 : f32 to vector<1000x128xf32>
    %logistic3A_62 = arith.addf %logistic3A_61, %logistic3A_59 : vector<1000x128xf32>
    %logistic3A_63 = arith.divf %logistic3A_61, %logistic3A_62 : vector<1000x128xf32>
    %slice3A_64 = vector.extract_strided_slice %add3A_37 {offsets = [0, 256], sizes = [1000, 128], strides = [1, 1]} : vector<1000x384xf32> to vector<1000x128xf32>
    %slice3A_65 = vector.extract_strided_slice %add3A_47 {offsets = [0, 256], sizes = [1000, 128], strides = [1, 1]} : vector<1000x384xf32> to vector<1000x128xf32>
    %mul3A_66 = arith.mulf %logistic3A_54, %slice3A_65 : vector<1000x128xf32>
    %add3A_67 = arith.addf %slice3A_64, %mul3A_66 : vector<1000x128xf32>
    %tanh3A = math.tanh %add3A_67 : vector<1000x128xf32>
    %sub3A = arith.constant 1.000000e+00 : f32
    %sub3A_68 = vector.broadcast %sub3A : f32 to vector<1000x128xf32>
    %sub3A_69 = arith.subf %sub3A_68, %logistic3A_63 : vector<1000x128xf32>
    %mul3A_70 = arith.mulf %sub3A_69, %tanh3A : vector<1000x128xf32>
    %mul3A_71 = arith.mulf %logistic3A_63, %get3A_28 : vector<1000x128xf32>
    %add3A_72 = arith.addf %mul3A_70, %mul3A_71 : vector<1000x128xf32>
    %swap3A = arith.constant 0 : index
    %swap3A_73 = arith.constant 0 : index
    %swap3A_74 = vector.load %arg10[%swap3A, %swap3A_73] : memref<1000x128xf32, #tpu.memory_space<vmem>>, vector<1000x128xf32>
    tpu.vector_store %arg10[%swap3A, %swap3A_73], %add3A_72 {strides = array<i32>} : memref<1000x128xf32, #tpu.memory_space<vmem>>, vector<1000x128xf32>,
    %get3A_75 = arith.constant 0 : index
    %get3A_76 = arith.constant 0 : index
    %get3A_77 = vector.load %arg8[%get3A_75, %get3A_76] : memref<128x48xf32, #tpu.memory_space<vmem>>, vector<128x48xf32>
    %dot_general3A_78 = arith.constant dense<0.000000e+00> : vector<1000x48xf32>
    %dot_general3A_79 = tpu.matmul %add3A_72, %get3A_77, %dot_general3A_78 {dimension_numbers = #tpu.dot_dimension_numbers<[1], [0], [0], [1], [0, 0, 1, 1], [], []>, transpose_lhs_hint = false} : vector<1000x128xf32>, vector<128x48xf32>, vector<1000x48xf32> -> vector<1000x48xf32>
    %swap3A_80 = arith.constant 0 : index
    %swap3A_81 = arith.constant 0 : index
    %swap3A_82 = vector.load %arg11[%swap3A_80, %swap3A_81] : memref<1000x48xf32, #tpu.memory_space<vmem>>, vector<1000x48xf32>
    tpu.vector_store %arg11[%swap3A_80, %swap3A_81], %dot_general3A_79 {strides = array<i32>} : memref<1000x48xf32, #tpu.memory_space<vmem>>, vector<1000x48xf32>,
    %get3A_83 = arith.constant 0 : index
    %get3A_84 = arith.constant 0 : index
    %get3A_85 = vector.load %arg9[%get3A_83, %get3A_84] : memref<128x48xf32, #tpu.memory_space<vmem>>, vector<128x48xf32>
    %dot_general3A_86 = arith.constant dense<0.000000e+00> : vector<1000x48xf32>
    %dot_general3A_87 = tpu.matmul %add3A_72, %get3A_85, %dot_general3A_86 {dimension_numbers = #tpu.dot_dimension_numbers<[1], [0], [0], [1], [0, 0, 1, 1], [], []>, transpose_lhs_hint = false} : vector<1000x128xf32>, vector<128x48xf32>, vector<1000x48xf32> -> vector<1000x48xf32>
    %swap3A_88 = arith.constant 0 : index
    %swap3A_89 = arith.constant 0 : index
    %swap3A_90 = vector.load %arg12[%swap3A_88, %swap3A_89] : memref<1000x48xf32, #tpu.memory_space<vmem>>, vector<1000x48xf32>
    tpu.vector_store %arg12[%swap3A_88, %swap3A_89], %dot_general3A_87 {strides = array<i32>} : memref<1000x48xf32, #tpu.memory_space<vmem>>, vector<1000x48xf32>,
    return
  }
  func.func @transform_0(%arg0: i32) -> (i32, i32, i32) {
    %c0_i32 = arith.constant 0 : i32
    %c0_i32_0 = arith.constant 0 : i32
    %c0_i32_1 = arith.constant 0 : i32
    return %c0_i32, %arg0, %c0_i32_0 : i32, i32, i32
  }
  func.func @transform_1(%arg0: i32) -> (i32, i32, i32) {
    %c0_i32 = arith.constant 0 : i32
    %c0_i32_0 = arith.constant 0 : i32
    %c0_i32_1 = arith.constant 0 : i32
    return %c0_i32, %arg0, %c0_i32_0 : i32, i32, i32
  }
  func.func @transform_2(%arg0: i32) -> (i32, i32) {
    %c0_i32 = arith.constant 0 : i32
    %c0_i32_0 = arith.constant 0 : i32
    return %arg0, %c0_i32 : i32, i32
  }
  func.func @transform_3(%arg0: i32) -> (i32, i32) {
    %c0_i32 = arith.constant 0 : i32
    %c0_i32_0 = arith.constant 0 : i32
    %c0_i32_1 = arith.constant 0 : i32
    return %c0_i32, %c0_i32_0 : i32, i32
  }
  func.func @transform_4(%arg0: i32) -> (i32, i32) {
    %c0_i32 = arith.constant 0 : i32
    %c0_i32_0 = arith.constant 0 : i32
    %c0_i32_1 = arith.constant 0 : i32
    return %c0_i32, %c0_i32_0 : i32, i32
  }
  func.func @transform_5(%arg0: i32) -> (i32, i32) {
    %c0_i32 = arith.constant 0 : i32
    %c0_i32_0 = arith.constant 0 : i32
    %c0_i32_1 = arith.constant 0 : i32
    return %c0_i32, %c0_i32_0 : i32, i32
  }
  func.func @transform_6(%arg0: i32) -> (i32, i32) {
    %c0_i32 = arith.constant 0 : i32
    %c0_i32_0 = arith.constant 0 : i32
    %c0_i32_1 = arith.constant 0 : i32
    return %c0_i32, %c0_i32_0 : i32, i32
  }
  func.func @transform_7(%arg0: i32) -> (i32, i32) {
    %c0_i32 = arith.constant 0 : i32
    %c0_i32_0 = arith.constant 0 : i32
    %c0_i32_1 = arith.constant 0 : i32
    return %c0_i32, %c0_i32_0 : i32, i32
  }
  func.func @transform_8(%arg0: i32) -> (i32, i32) {
    %c0_i32 = arith.constant 0 : i32
    %c0_i32_0 = arith.constant 0 : i32
    %c0_i32_1 = arith.constant 0 : i32
    return %c0_i32, %c0_i32_0 : i32, i32
  }
  func.func @transform_9(%arg0: i32) -> (i32, i32) {
    %c0_i32 = arith.constant 0 : i32
    %c0_i32_0 = arith.constant 0 : i32
    return %arg0, %c0_i32 : i32, i32
  }
  func.func @transform_10(%arg0: i32) -> (i32, i32) {
    %c0_i32 = arith.constant 0 : i32
    %c0_i32_0 = arith.constant 0 : i32
    return %arg0, %c0_i32 : i32, i32
  }
  func.func @transform_11(%arg0: i32) -> (i32, i32) {
    %c0_i32 = arith.constant 0 : i32
    %c0_i32_0 = arith.constant 0 : i32
    return %arg0, %c0_i32 : i32, i32
  }
}

module attributes {stable_mosaic.version = 14 : i64} {
  func.func @_node_body(%arg0: i32, %arg1: memref<2x1000x16xf32, #tpu.memory_space<vmem>>, %arg2: memref<2x1000x1xf32, #tpu.memory_space<vmem>>, %arg3: memref<1000x128xf32, #tpu.memory_space<vmem>>, %arg4: memref<16x384xf32, #tpu.memory_space<vmem>>, %arg5: memref<128x384xf32, #tpu.memory_space<vmem>>, %arg6: memref<1x384xf32, #tpu.memory_space<vmem>>, %arg7: memref<1x384xf32, #tpu.memory_space<vmem>>, %arg8: memref<128x48xf32, #tpu.memory_space<vmem>>, %arg9: memref<128x48xf32, #tpu.memory_space<vmem>>, %arg10: memref<1000x128xf32, #tpu.memory_space<vmem>>, %arg11: memref<1000x48xf32, #tpu.memory_space<vmem>>, %arg12: memref<1000x48xf32, #tpu.memory_space<vmem>>) attributes {dimension_semantics = [#tpu.dimension_semantics<arbitrary>], iteration_bounds = array<i64: 10>, scalar_prefetch = 0 : i64, scratch_operands = 0 : i64, tpu.core_type = #tpu.core_type<tc>, window_params = [{transform_indices = @transform_0, window_bounds = array<i64: 2, 1000, 16>}, {transform_indices = @transform_1, window_bounds = array<i64: 2, 1000, 1>}, {transform_indices = @transform_2, window_bounds = array<i64: 1000, 128>}, {pipeline_mode = #tpu.pipeline_mode<synchronous>, transform_indices = @transform_3, window_bounds = array<i64: 16, 384>}, {pipeline_mode = #tpu.pipeline_mode<synchronous>, transform_indices = @transform_4, window_bounds = array<i64: 128, 384>}, {pipeline_mode = #tpu.pipeline_mode<synchronous>, transform_indices = @transform_5, window_bounds = array<i64: 1, 384>}, {pipeline_mode = #tpu.pipeline_mode<synchronous>, transform_indices = @transform_6, window_bounds = array<i64: 1, 384>}, {pipeline_mode = #tpu.pipeline_mode<synchronous>, transform_indices = @transform_7, window_bounds = array<i64: 128, 48>}, {pipeline_mode = #tpu.pipeline_mode<synchronous>, transform_indices = @transform_8, window_bounds = array<i64: 128, 48>}, {transform_indices = @transform_9, window_bounds = array<i64: 1000, 128>}, {transform_indices = @transform_10, window_bounds = array<i64: 1000, 48>}, {transform_indices = @transform_11, window_bounds = array<i64: 1000, 48>}]} {
    %get3A = arith.constant 0 : index
    %get3A_0 = arith.constant 0 : index
    %get3A_1 = arith.constant 0 : index
    %get3A_2 = vector.load %arg1[%get3A, %get3A_0, %get3A_1] : memref<2x1000x16xf32, #tpu.memory_space<vmem>>, vector<1x1000x16xf32>
    %get3A_3 = vector.shape_cast %get3A_2 : vector<1x1000x16xf32> to vector<1000x16xf32>
    %get3A_4 = arith.constant 1 : index
    %get3A_5 = arith.constant 0 : index
    %get3A_6 = arith.constant 0 : index
    %get3A_7 = vector.load %arg1[%get3A_4, %get3A_5, %get3A_6] : memref<2x1000x16xf32, #tpu.memory_space<vmem>>, vector<1x1000x16xf32>
    %get3A_8 = vector.shape_cast %get3A_7 : vector<1x1000x16xf32> to vector<1000x16xf32>
    %add3A = arith.addf %get3A_3, %get3A_8 : vector<1000x16xf32>
    %get3A_9 = arith.constant 0 : index
    %get3A_10 = arith.constant 0 : index
    %get3A_11 = arith.constant 0 : index
    %get3A_12 = vector.load %arg2[%get3A_9, %get3A_10, %get3A_11] : memref<2x1000x1xf32, #tpu.memory_space<vmem>>, vector<1x1000x1xf32>
    %get3A_13 = vector.shape_cast %get3A_12 : vector<1x1000x1xf32> to vector<1000x1xf32>
    %get3A_14 = arith.constant 1 : index
    %get3A_15 = arith.constant 0 : index
    %get3A_16 = arith.constant 0 : index
    %get3A_17 = vector.load %arg2[%get3A_14, %get3A_15, %get3A_16] : memref<2x1000x1xf32, #tpu.memory_space<vmem>>, vector<1x1000x1xf32>
    %get3A_18 = vector.shape_cast %get3A_17 : vector<1x1000x1xf32> to vector<1000x1xf32>
    %add3A_19 = arith.addf %get3A_13, %get3A_18 : vector<1000x1xf32>
    %add3A_20 = arith.constant 1.000000e-16 : f32
    %add3A_21 = vector.broadcast %add3A_20 : f32 to vector<1000x1xf32>
    %add3A_22 = arith.addf %add3A_19, %add3A_21 : vector<1000x1xf32>
    %div3A = arith.constant 1.000000e+00 : f32
    %div3A_23 = vector.broadcast %div3A : f32 to vector<1000x1xf32>
    %div3A_24 = arith.divf %div3A_23, %add3A_22 : vector<1000x1xf32>
    %mul3A = vector.broadcast %div3A_24 : vector<1000x1xf32> to vector<1000x16xf32>
    %mul3A_25 = arith.mulf %add3A, %mul3A : vector<1000x16xf32>
    %get3A_26 = arith.constant 0 : index
    %get3A_27 = arith.constant 0 : index
    %get3A_28 = vector.load %arg3[%get3A_26, %get3A_27] : memref<1000x128xf32, #tpu.memory_space<vmem>>, vector<1000x128xf32>
    %get3A_29 = arith.constant 0 : index
    %get3A_30 = arith.constant 0 : index
    %get3A_31 = vector.load %arg4[%get3A_29, %get3A_30] : memref<16x384xf32, #tpu.memory_space<vmem>>, vector<16x384xf32>
    %dot_general3A = arith.constant dense<0.000000e+00> : vector<1000x384xf32>
    %dot_general3A_32 = tpu.matmul %mul3A_25, %get3A_31, %dot_general3A {dimension_numbers = #tpu.dot_dimension_numbers<[1], [0], [0], [1], [0, 0, 1, 1], [], []>, transpose_lhs_hint = false} : vector<1000x16xf32>, vector<16x384xf32>, vector<1000x384xf32> -> vector<1000x384xf32>
    %get3A_33 = arith.constant 0 : index
    %get3A_34 = arith.constant 0 : index
    %get3A_35 = vector.load %arg6[%get3A_33, %get3A_34] : memref<1x384xf32, #tpu.memory_space<vmem>>, vector<1x384xf32>
    %add3A_36 = vector.broadcast %get3A_35 : vector<1x384xf32> to vector<1000x384xf32>
    %add3A_37 = arith.addf %dot_general3A_32, %add3A_36 : vector<1000x384xf32>
    %get3A_38 = arith.constant 0 : index
    %get3A_39 = arith.constant 0 : index
    %get3A_40 = vector.load %arg5[%get3A_38, %get3A_39] : memref<128x384xf32, #tpu.memory_space<vmem>>, vector<128x384xf32>
    %dot_general3A_41 = arith.constant dense<0.000000e+00> : vector<1000x384xf32>
    %dot_general3A_42 = tpu.matmul %get3A_28, %get3A_40, %dot_general3A_41 {dimension_numbers = #tpu.dot_dimension_numbers<[1], [0], [0], [1], [0, 0, 1, 1], [], []>, transpose_lhs_hint = false} : vector<1000x128xf32>, vector<128x384xf32>, vector<1000x384xf32> -> vector<1000x384xf32>
    %get3A_43 = arith.constant 0 : index
    %get3A_44 = arith.constant 0 : index
    %get3A_45 = vector.load %arg7[%get3A_43, %get3A_44] : memref<1x384xf32, #tpu.memory_space<vmem>>, vector<1x384xf32>
    %add3A_46 = vector.broadcast %get3A_45 : vector<1x384xf32> to vector<1000x384xf32>
    %add3A_47 = arith.addf %dot_general3A_42, %add3A_46 : vector<1000x384xf32>
    %slice3A = vector.extract_strided_slice %add3A_37 {offsets = [0, 0], sizes = [1000, 128], strides = [1, 1]} : vector<1000x384xf32> to vector<1000x128xf32>
    %slice3A_48 = vector.extract_strided_slice %add3A_47 {offsets = [0, 0], sizes = [1000, 128], strides = [1, 1]} : vector<1000x384xf32> to vector<1000x128xf32>
    %add3A_49 = arith.addf %slice3A, %slice3A_48 : vector<1000x128xf32>
    %logistic3A = arith.negf %add3A_49 : vector<1000x128xf32>
    %logistic3A_50 = math.exp %logistic3A : vector<1000x128xf32>
    %logistic3A_51 = arith.constant 1.000000e+00 : f32
    %logistic3A_52 = vector.broadcast %logistic3A_51 : f32 to vector<1000x128xf32>
    %logistic3A_53 = arith.addf %logistic3A_52, %logistic3A_50 : vector<1000x128xf32>
    %logistic3A_54 = arith.divf %logistic3A_52, %logistic3A_53 : vector<1000x128xf32>
    %slice3A_55 = vector.extract_strided_slice %add3A_37 {offsets = [0, 128], sizes = [1000, 128], strides = [1, 1]} : vector<1000x384xf32> to vector<1000x128xf32>
    %slice3A_56 = vector.extract_strided_slice %add3A_47 {offsets = [0, 128], sizes = [1000, 128], strides = [1, 1]} : vector<1000x384xf32> to vector<1000x128xf32>
    %add3A_57 = arith.addf %slice3A_55, %slice3A_56 : vector<1000x128xf32>
    %logistic3A_58 = arith.negf %add3A_57 : vector<1000x128xf32>
    %logistic3A_59 = math.exp %logistic3A_58 : vector<1000x128xf32>
    %logistic3A_60 = arith.constant 1.000000e+00 : f32
    %logistic3A_61 = vector.broadcast %logistic3A_60 : f32 to vector<1000x128xf32>
    %logistic3A_62 = arith.addf %logistic3A_61, %logistic3A_59 : vector<1000x128xf32>
    %logistic3A_63 = arith.divf %logistic3A_61, %logistic3A_62 : vector<1000x128xf32>
    %slice3A_64 = vector.extract_strided_slice %add3A_37 {offsets = [0, 256], sizes = [1000, 128], strides = [1, 1]} : vector<1000x384xf32> to vector<1000x128xf32>
    %slice3A_65 = vector.extract_strided_slice %add3A_47 {offsets = [0, 256], sizes = [1000, 128], strides = [1, 1]} : vector<1000x384xf32> to vector<1000x128xf32>
    %mul3A_66 = arith.mulf %logistic3A_54, %slice3A_65 : vector<1000x128xf32>
    %add3A_67 = arith.addf %slice3A_64, %mul3A_66 : vector<1000x128xf32>
    %tanh3A = math.tanh %add3A_67 : vector<1000x128xf32>
    %sub3A = arith.constant 1.000000e+00 : f32
    %sub3A_68 = vector.broadcast %sub3A : f32 to vector<1000x128xf32>
    %sub3A_69 = arith.subf %sub3A_68, %logistic3A_63 : vector<1000x128xf32>
    %mul3A_70 = arith.mulf %sub3A_69, %tanh3A : vector<1000x128xf32>
    %mul3A_71 = arith.mulf %logistic3A_63, %get3A_28 : vector<1000x128xf32>
    %add3A_72 = arith.addf %mul3A_70, %mul3A_71 : vector<1000x128xf32>
    %swap3A = arith.constant 0 : index
    %swap3A_73 = arith.constant 0 : index
    %swap3A_74 = vector.load %arg10[%swap3A, %swap3A_73] : memref<1000x128xf32, #tpu.memory_space<vmem>>, vector<1000x128xf32>
    tpu.vector_store %arg10[%swap3A, %swap3A_73], %add3A_72 {strides = array<i32>} : memref<1000x128xf32, #tpu.memory_space<vmem>>, vector<1000x128xf32>,
    %get3A_75 = arith.constant 0 : index
    %get3A_76 = arith.constant 0 : index
    %get3A_77 = vector.load %arg8[%get3A_75, %get3A_76] : memref<128x48xf32, #tpu.memory_space<vmem>>, vector<128x48xf32>
    %dot_general3A_78 = arith.constant dense<0.000000e+00> : vector<1000x48xf32>
    %dot_general3A_79 = tpu.matmul %add3A_72, %get3A_77, %dot_general3A_78 {dimension_numbers = #tpu.dot_dimension_numbers<[1], [0], [0], [1], [0, 0, 1, 1], [], []>, transpose_lhs_hint = false} : vector<1000x128xf32>, vector<128x48xf32>, vector<1000x48xf32> -> vector<1000x48xf32>
    %swap3A_80 = arith.constant 0 : index
    %swap3A_81 = arith.constant 0 : index
    %swap3A_82 = vector.load %arg11[%swap3A_80, %swap3A_81] : memref<1000x48xf32, #tpu.memory_space<vmem>>, vector<1000x48xf32>
    tpu.vector_store %arg11[%swap3A_80, %swap3A_81], %dot_general3A_79 {strides = array<i32>} : memref<1000x48xf32, #tpu.memory_space<vmem>>, vector<1000x48xf32>,
    %get3A_83 = arith.constant 0 : index
    %get3A_84 = arith.constant 0 : index
    %get3A_85 = vector.load %arg9[%get3A_83, %get3A_84] : memref<128x48xf32, #tpu.memory_space<vmem>>, vector<128x48xf32>
    %dot_general3A_86 = arith.constant dense<0.000000e+00> : vector<1000x48xf32>
    %dot_general3A_87 = tpu.matmul %add3A_72, %get3A_85, %dot_general3A_86 {dimension_numbers = #tpu.dot_dimension_numbers<[1], [0], [0], [1], [0, 0, 1, 1], [], []>, transpose_lhs_hint = false} : vector<1000x128xf32>, vector<128x48xf32>, vector<1000x48xf32> -> vector<1000x48xf32>
    %swap3A_88 = arith.constant 0 : index
    %swap3A_89 = arith.constant 0 : index
    %swap3A_90 = vector.load %arg12[%swap3A_88, %swap3A_89] : memref<1000x48xf32, #tpu.memory_space<vmem>>, vector<1000x48xf32>
    tpu.vector_store %arg12[%swap3A_88, %swap3A_89], %dot_general3A_87 {strides = array<i32>} : memref<1000x48xf32, #tpu.memory_space<vmem>>, vector<1000x48xf32>,
    return
  }
  func.func @transform_0(%arg0: i32) -> (i32, i32, i32) {
    %c0_i32 = arith.constant 0 : i32
    %c0_i32_0 = arith.constant 0 : i32
    %c0_i32_1 = arith.constant 0 : i32
    return %c0_i32, %arg0, %c0_i32_0 : i32, i32, i32
  }
  func.func @transform_1(%arg0: i32) -> (i32, i32, i32) {
    %c0_i32 = arith.constant 0 : i32
    %c0_i32_0 = arith.constant 0 : i32
    %c0_i32_1 = arith.constant 0 : i32
    return %c0_i32, %arg0, %c0_i32_0 : i32, i32, i32
  }
  func.func @transform_2(%arg0: i32) -> (i32, i32) {
    %c0_i32 = arith.constant 0 : i32
    %c0_i32_0 = arith.constant 0 : i32
    return %arg0, %c0_i32 : i32, i32
  }
  func.func @transform_3(%arg0: i32) -> (i32, i32) {
    %c0_i32 = arith.constant 0 : i32
    %c0_i32_0 = arith.constant 0 : i32
    %c0_i32_1 = arith.constant 0 : i32
    return %c0_i32, %c0_i32_0 : i32, i32
  }
  func.func @transform_4(%arg0: i32) -> (i32, i32) {
    %c0_i32 = arith.constant 0 : i32
    %c0_i32_0 = arith.constant 0 : i32
    %c0_i32_1 = arith.constant 0 : i32
    return %c0_i32, %c0_i32_0 : i32, i32
  }
  func.func @transform_5(%arg0: i32) -> (i32, i32) {
    %c0_i32 = arith.constant 0 : i32
    %c0_i32_0 = arith.constant 0 : i32
    %c0_i32_1 = arith.constant 0 : i32
    return %c0_i32, %c0_i32_0 : i32, i32
  }
  func.func @transform_6(%arg0: i32) -> (i32, i32) {
    %c0_i32 = arith.constant 0 : i32
    %c0_i32_0 = arith.constant 0 : i32
    %c0_i32_1 = arith.constant 0 : i32
    return %c0_i32, %c0_i32_0 : i32, i32
  }
  func.func @transform_7(%arg0: i32) -> (i32, i32) {
    %c0_i32 = arith.constant 0 : i32
    %c0_i32_0 = arith.constant 0 : i32
    %c0_i32_1 = arith.constant 0 : i32
    return %c0_i32, %c0_i32_0 : i32, i32
  }
  func.func @transform_8(%arg0: i32) -> (i32, i32) {
    %c0_i32 = arith.constant 0 : i32
    %c0_i32_0 = arith.constant 0 : i32
    %c0_i32_1 = arith.constant 0 : i32
    return %c0_i32, %c0_i32_0 : i32, i32
  }
  func.func @transform_9(%arg0: i32) -> (i32, i32) {
    %c0_i32 = arith.constant 0 : i32
    %c0_i32_0 = arith.constant 0 : i32
    return %arg0, %c0_i32 : i32, i32
  }
  func.func @transform_10(%arg0: i32) -> (i32, i32) {
    %c0_i32 = arith.constant 0 : i32
    %c0_i32_0 = arith.constant 0 : i32
    return %arg0, %c0_i32 : i32, i32
  }
  func.func @transform_11(%arg0: i32) -> (i32, i32) {
    %c0_i32 = arith.constant 0 : i32
    %c0_i32_0 = arith.constant 0 : i32
    return %arg0, %c0_i32 : i32, i32
  }
}

</mosaic_0001>

<sc_bundles>
// kernel: kernel.15.cloned.1.call-start
scs
__scs_entry_jumppad:
0x0: {  	(pc) =	sbr.rel $0x88, $3  }
0x1: {  	(tag) =	ssettag $0x0;
	lr =	simm.s32 $0x1  }
0x2: {  	[smem:$0x3F93] =	sst lr;
	_ =	strace $0xD0000000  }
0x3: {  	_ = 	snop  }
0x4: {  	_ = 	snop  }
0x5: {  	_ = 	snop  }
0x6: {  	_ = 	snop  }
0x7: {  	_ = 	snop  }
__scs_overlays_trampoline_lowered:
0x8: {  	[smem:$0x3FA2] =	sst s0  }
0x9: {  	[smem:$0x3FA3] =	sst s1  }
0xa: {  	[smem:$0x3FA4] =	sst s2  }
0xb: {  	[smem:$0x3FA5] =	sst s3  }
0xc: {  	[smem:$0x3FA6] =	sst s4  }
0xd: {  	[smem:$0x3FA7] =	sst s5  }
0xe: {  	[smem:$0x3FA8] =	sst s6  }
0xf: {  	[smem:$0x3FA9] =	sst s7  }
0x10: {  	[smem:$0x3FAA] =	sst s8  }
0x11: {  	[smem:$0x3FAB] =	sst s9;
	s0 =	simm.s32 @!p0 $0x0  }
0x12: {  	s1 =	sld [smem:$0x3F91];
	s0 =	simm.s32 @p0 $0x1  }
0x13: {  	[smem:$0x3FAC] =	sst s0;
	s0 =	simm.s32 @!p1 $0x0  }
0x14: {  	s2 =	sld [smem:$0x3F90];
	s0 =	simm.s32 @p1 $0x1  }
0x15: {  	[smem:$0x3FAD] =	sst s0;
	s0 =	simm.s32 @!p2 $0x0  }
0x16: {  	s3 =	sld [smem:$0x3FDB];
	s0 =	simm.s32 @p2 $0x1  }
0x17: {  	s4 =	simm.s32 $0x1BF5;
	[smem:$0x3FAF] =	sst s0  }
0x18: {  	s0 =	sld [smem:$0x3F92];
	_ =	swait.ge [sflag:s4], $0x0  }
0x19: {  	s7 =	sld [smem:$0x3F93]  }
0x1a: {  	s8 =	sadd.s32 $0xFFFFE003, lr  }
0x1b: {  	s9 =	sadd.s32 $0xFFFFFEF7, lr;
	s5 =	simm.s32 $0xFFFFFFFF;
	p2 =	slt.u32 s8, $0xFFFFF086  }
0x1c: {  	p1 =	slt.u32 s9, $0xF7A;
	s5 =	simm.s32 @!p2 $0x0  }
0x1d: {  	s5 =	simm.s32 @p1 $0x1;
	p0 =	seq.s32 s7, s2  }
0x1e: {  	s7 =	smul.u32 @!p0 $0xF7A, s2;
	p2 =	seq.s32 @!p0 s5, $0x0  }
0x1f: {  	s9 =	smul.u32 $0xF7A, s1;
	s8 =	simm.s32 @!p0 $0x1BF5;
	p2 =	por !p2, p0  }
0x20: {  	[sflag:s8] =	ssyncset.s32 @!p0 $0xFFFFF086;
	s6 =	sadd.s32 @!p0 s3, s7;
	s7 =	simm.s32 @!p0 $0x108  }
0x21: {  	s3 =	sadd.s32 s3, s9;
	s6 =	sadd.s32 @!p0 $0x88, s6;
	s7 =	simm.s32 @p2 $0x1082  }
0x22: {  	[simem:s7], [sflag:s8] =	dma.local @!p0 [hbm:s6], $0xF7A  }
0x23: {  	s9 =	sor.u32 $0xD0000000, s2;
	s6 =	simm.s32 $0x108;
	_ =	swait.ge @!p0 [sflag:s8], $0x0  }
0x24: {  	s3 =	sadd.s32 $0x88, s3;
	s6 =	simm.s32 @!p1 $0x1082;
	[sflag:s4] =	ssyncset.s32 $0xFFFFF086  }
0x25: {  	[simem:s6], [sflag:s4] =	dma.local [hbm:s3], $0xF7A  }
0x26: {  	[smem:$0x3F93] =	sst s1;
	(tag) =	ssettag s2;
	_ =	strace s9  }
0x27: {  	s1 =	sld [smem:$0x3FA3]  }
0x28: {  	s2 =	sld [smem:$0x3FA4]  }
0x29: {  	s4 =	sld [smem:$0x3FA6]  }
0x2a: {  	p0 =	seq.s32 s5, $0x0;
	s5 =	sld [smem:$0x3FA7]  }
0x2b: {  	s6 =	sld [smem:$0x3FA8]  }
0x2c: {  	s7 =	sld [smem:$0x3FA9]  }
0x2d: {  	s3 =	simm.s32 $0x108;
	s8 =	sld [smem:$0x3FAA]  }
0x2e: {  	s3 =	simm.s32 @!p0 $0x1082;
	s9 =	sld [smem:$0x3FAB]  }
0x2f: {  	lr =	sadd.s32 s0, s3;
	s0 =	sld [smem:$0x3FA2]  }
0x30: {  	s3 =	sld [smem:$0x3FA5]  }
0x31: {  	[smem:$0x3FAE] =	sst s10  }
0x32: {  	s10 =	sld [smem:$0x3FAC];
	_ =	sdelay $0x3  }
0x33: {  	p0 =	seq.s32 s10, $0x1;
	s10 =	sld [smem:$0x3FAE];
	_ =	sdelay $0x3  }
0x34: {  	[smem:$0x3FAE] =	sst s10  }
0x35: {  	s10 =	sld [smem:$0x3FAD];
	_ =	sdelay $0x3  }
0x36: {  	p1 =	seq.s32 s10, $0x1;
	s10 =	sld [smem:$0x3FAE];
	_ =	sdelay $0x3  }
0x37: {  	[smem:$0x3FAE] =	sst s10  }
0x38: {  	s10 =	sld [smem:$0x3FAF]  }
0x39: {  	_ = 	snop;
	(pc) =	sbr.ind lr, $3  }
0x3a: {  	_ = 	snop  }
0x3b: {  	_ = 	snop  }
0x3c: {  	p2 =	seq.s32 s10, $0x1;
	s10 =	sld [smem:$0x3FAE]  }
0x3d: {  	_ =	shalt  }
0x3e: {  	_ =	shalt  }
0x3f: {  	_ =	shalt  }
0x40: {  	_ =	shalt  }
0x41: {  	_ =	shalt  }
0x42: {  	_ =	shalt  }
0x43: {  	_ =	shalt  }
0x44: {  	_ =	shalt  }
0x45: {  	_ =	shalt  }
0x46: {  	_ =	shalt  }
0x47: {  	_ =	shalt  }
0x48: {  	_ =	shalt  }
0x49: {  	_ =	shalt  }
0x4a: {  	_ =	shalt  }
0x4b: {  	_ =	shalt  }
0x4c: {  	_ =	shalt  }
0x4d: {  	_ =	shalt  }
0x4e: {  	_ =	shalt  }
0x4f: {  	_ =	shalt  }
0x50: {  	_ =	shalt  }
0x51: {  	_ =	shalt  }
0x52: {  	_ =	shalt  }
0x53: {  	_ =	shalt  }
0x54: {  	_ =	shalt  }
0x55: {  	_ =	shalt  }
0x56: {  	_ =	shalt  }
0x57: {  	_ =	shalt  }
0x58: {  	_ =	shalt  }
0x59: {  	_ =	shalt  }
0x5a: {  	_ =	shalt  }
0x5b: {  	_ =	shalt  }
0x5c: {  	_ =	shalt  }
0x5d: {  	_ =	shalt  }
0x5e: {  	_ =	shalt  }
0x5f: {  	_ =	shalt  }
0x60: {  	_ =	shalt  }
0x61: {  	_ =	shalt  }
0x62: {  	_ =	shalt  }
0x63: {  	_ =	shalt  }
0x64: {  	_ =	shalt  }
0x65: {  	_ =	shalt  }
0x66: {  	_ =	shalt  }
0x67: {  	_ =	shalt  }
0x68: {  	_ =	shalt  }
0x69: {  	_ =	shalt  }
0x6a: {  	_ =	shalt  }
0x6b: {  	_ =	shalt  }
0x6c: {  	_ =	shalt  }
0x6d: {  	_ =	shalt  }
0x6e: {  	_ =	shalt  }
0x6f: {  	_ =	shalt  }
0x70: {  	_ =	shalt  }
0x71: {  	_ =	shalt  }
0x72: {  	_ =	shalt  }
0x73: {  	_ =	shalt  }
0x74: {  	_ =	shalt  }
0x75: {  	_ =	shalt  }
0x76: {  	_ =	shalt  }
0x77: {  	_ =	shalt  }
0x78: {  	_ =	shalt  }
0x79: {  	_ =	shalt  }
0x7a: {  	_ =	shalt  }
0x7b: {  	_ =	shalt  }
0x7c: {  	_ =	shalt  }
0x7d: {  	_ =	shalt  }
0x7e: {  	_ =	shalt  }
0x7f: {  	_ =	shalt  }
0x80: {  	_ =	shalt  }
0x81: {  	_ =	shalt  }
0x82: {  	_ =	shalt  }
0x83: {  	_ =	shalt  }
0x84: {  	_ =	shalt  }
0x85: {  	_ =	shalt  }
0x86: {  	_ =	shalt  }
0x87: {  	_ =	shalt  }
.Lfunc_end0:
.L_simem_size_0:
called_computation_lowered:
.L_overlay_start_0:
0x88: {  	s2 =	sld [smem:$0x3FD9]  }
0x89: {  	s3 =	sld [smem:$0x3FFE];
	_ =	sdelay $0x1  }
0x8a: {  	s1 =	srdreg.scid  }
0x8b: {  	s0 =	sand.u32 $0x1, s1  }
0x8c: {  	s14 =	sshll.u32 s0, $0xA;
	s2 =	sadd.s32 s3, s2  }
0x8d: {  	s2 =	sadd.s32 s2, s14  }
0x8e: {  	[smem:$0x3FBA] =	sst s2  }
0x8f: {  	_ = 	snop  }
0x90: {  	s2 =	sld [smem:$0x3FD0];
	_ =	sdelay $0x2  }
0x91: {  	s15 =	simm.s32 $0xA;
	s4 =	simm.s32 $0x10  }
0x92: {  	[smem:s4], [sflag:s15] =	dma.local [hbm:s2], $0x1  }
0x93: {  	_ =	swait.eq [sflag:s15], $0x1  }
0x94: {  	[sflag:s15] =	ssyncset.done $0x0  }
0x95: {  	s16 =	sld [smem:$0x10];
	[sflag:s15] =	ssyncadd.s32 $0xFFFFFFFF  }
0x96: {  	s17 =	sld [smem:$0x11];
	(tm) =	ssettm $0x1  }
0x97: {  	s18 =	sld [smem:$0x3FFB];
	_ =	sdelay $0x3  }
0x98: {  	_ =	strace s18  }
0x99: {  	s4 =	sld [smem:$0x3FFC];
	_ =	sdelay $0x3  }
0x9a: {  	_ =	strace s4  }
0x9b: {  	s4 =	sld [smem:$0x3FFD];
	_ =	sdelay $0x3  }
0x9c: {  	_ =	strace s4  }
0x9d: {  	_ =	strace $0x8FFFFFFF  }
0x9e: {  	s19 =	sld [smem:$0x3FDB];
	_ =	sdelay $0x1  }
0x9f: {  	s5 =	simm.s32 $_scs_section_size  }
0xa0: {  	s6 =	simm.s32 $_size__tile_overlayer_lowered;
	s7 =	simm.s32 $_tile_overlayer_lowered  }
0xa1: {  	s22 =	simm.s32 $0x1BFF;
	s21 =	sshll.u32 s7, $0x1;
	s4 =	sadd.s32 s5, s19  }
0xa2: {  	s8 =	simm.s32 $0x0;
	s20 =	sshll.u32 s6, $0x1;
	s6 =	sadd.s32 s21, s4  }
0xa3: {  	[timem:s8], [sflag:s22] =	dma.local [hbm:s6], s20  }
0xa4: {  	_ =	swait.ge [sflag:s22], s20  }
0xa5: {  	s5 =	ssub.s32 $0x0, s20;
	[sflag:s22] =	ssyncset.done $0x0  }
0xa6: {  	[sflag:s22] =	ssyncadd.s32 s5;
	_ =	sdelay $0x1  }
0xa7: {  	s23 =	simm.s32 $0x1B8B  }
0xa8: {  	_ =	swait.ge [sflag:s23], $0x1  }
0xa9: {  	[sflag:s23] =	ssyncset.done $0x0  }
0xaa: {  	s25 =	simm.s32 $0x1B8E;
	s24 =	sld [smem:$0x3FFE];
	[sflag:s23] =	ssyncadd.s32 $0xFFFFFFFF  }
0xab: {  	s26 =	simm.s32 $execute0_lowered;
	[smem:$0x3FD2] =	sst s25  }
0xac: {  	s6 =	sshll.u32 s26, $0x1;
	_ =	strace $0x80000046;
	[dreg:$0x1] =	wrdreg $0xFFFFFFFF  }
0xad: {  	s28 =	simm.s32 $_size_execute0_lowered;
	s4 =	sadd.s32 s4, s6;
	[dreg:$0x0] =	wrdreg $0x0  }
0xae: {  	s6 =	sshll.u32 s28, $0x1;
	[dreg:$0x2] =	wrdreg s4  }
0xaf: {  	[dreg:$0x3] =	wrdreg s6  }
0xb0: {  	[dreg:$0x4] =	wrdreg $0xC0  }
0xb1: {  	_ =	task [dreg:s8], $0x5FFFF  }
0xb2: {  	[dreg:$0x1] =	wrdreg $0xFFFFFFFF  }
0xb3: {  	[dreg:$0x0] =	wrdreg $0x60  }
0xb4: {  	[dreg:$0x2] =	wrdreg s16  }
0xb5: {  	[dreg:$0x3] =	wrdreg s17  }
0xb6: {  	[dreg:$0x4] =	wrdreg s24  }
0xb7: {  	[dreg:$0x5] =	wrdreg $0x9  }
0xb8: {  	_ =	task.clear_ibuf [dreg:s8], $0x6FFFF;
	_ =	strace $0x90000046  }
0xb9: {  	s29 =	simm.s32 $0x9;
	_ =	strace $0x80000048  }
0xba: {  	_ =	swait.ge [sflag:s29], $0x1  }
0xbb: {  	[sflag:s29] =	ssyncadd.s32 $0xFFFFFFFF  }
0xbc: {  	_ =	strace $0x90000048  }
0xbd: {  	_ =	sfence  }
0xbe: {  	s30 =	sld [smem:$0x0];
	_ =	sdelay $0x2  }
0xbf: {  	s31 =	sshll.u32 s1, $0xD;
	s1 =	sshrl.u32 s1, $0x2  }
0xc0: {  	s3 =	sand.u32 $0x4000, s31;
	s1 =	sadd.s32 s1, s30  }
0xc1: {  	s0 =	sor.u32 s3, s0;
	s1 =	sshll.u32 s1, $0x11  }
0xc2: {  	s0 =	sor.u32 s1, s0  }
0xc3: {  	s0 =	sadd.s32 $0x8F2B, s0  }
0xc4: {  	[sflag:s0] =	ssyncadd.remote.s32 $0x1  }
0xc5: {  	_ =	sfence.sel $0xFFFF  }
0xc6: {  	[dreg:$0x0] =	wrdreg $0xFFFFFFFF;
	(pc) =	sbr.abs _section_cstart, $3  }
0xc7: {  	[dreg:$0x1] =	wrdreg $0xFFFFFFFF  }
0xc8: {  	_ =	task.clear_ibuf [dreg:s8], $0x2FFFF;
	_ =	strace $0x9FFFFFFF  }
0xc9: {  	(tm) =	ssettm $0x7FFFFFFF  }
tec
execute0_lowered:
.L_overlay_start_1:
0x0: {  	(tag) =	ssettag $0x1  }
0x1: {  	s1 =	rddreg [dreg:$0x0]  }
0x2: {  	s0 =	srdreg.scid;
	s3 =	rddreg [dreg:$0x1]  }
0x3: {  	s6 =	stileid.u32;
	s5 =	rddreg [dreg:$0x2]  }
0x4: {  	s4 =	simm.s32 $0x0;
	s10 =	simm.s32 $0x2710;
	s11 =	simm.s32 $0x50  }
0x5: {  	s30 =	simm.s32 $0x1;
	s31 =	simm.s32 $0x2;
	s12 =	simm.s32 $0x0  }
0x6: {  	s0 =	sand.u32 $0x1, s0;
	s2 =	sshll.u32 s6, $0x1;
	s6 =	smul.u32 $0x1D4C0, s6  }
0x7: {  	s2 =	sor.u32 s0, s2;
	s7 =	ssub.s32 $0x2, s0;
	s0 =	smul.u32 $0xEA60, s0  }
0x8: {  	[smem:$0x7FF] =	sst s4;
	s2 =	smul.u32 $0x4E2, s2;
	s8 =	sshrl.u32 s7, $0x1  }
0x9: {  	_ =	strace $0x80000047;
	s9 =	sadd.s32 s6, s5;
	s7 =	ssub.s32 s7, s8  }
0xa: {  	s0 =	sadd.s32 s0, s9;
	s2 =	sadd.s32 s2, s5;
	s7 =	smax.u32 s7, $0x1  }
0xb: {  	s8 =	sadd.s32 $0x1F4200, s0;
	s9 =	sadd.s32 $0x1F600, s0;
	s0 =	simm.s32 $0x4  }
0xc: {  	s5 =	sadd.s32 $0xBA00, s2;
	s6 =	sadd.s32 $0x15800, s2;
	s2 =	simm.s32 $0x3  }
.LBB2_1:
0xd: {  	[tilespmem:s4], [sflag:$0x5] =	stream.linear.gather [hbm4b:s5+s4], $0x2710, $0x38;
	[tilespmem:$0x10220] =	vst v63  }
0xe: {  	s15 =	simm.s32 $0x5  }
0xf: {  	_ =	swait.ge [sflag:s15], $0x2710  }
0x10: {  	[sflag:s15] =	ssyncset.done $0x0  }
0x11: {  	[sflag:s15] =	ssyncadd.s32 $0xFFFFD8F0  }
0x12: {  	[tilespmem:s10], [sflag:$0x5] =	stream.linear.gather [hbm4b:s6+s4], $0x2710, $0x38;
	[tilespmem:$0x10220] =	vst v63  }
0x13: {  	s13 =	simm.s32 $0x4E20;
	s26 =	simm.s32 $0xA820;
	_ =	swait.ge [sflag:s15], $0x2710  }
0x14: {  	s28 =	simm.s32 $0x5D20;
	s29 =	simm.s32 $0x2760;
	[sflag:s15] =	ssyncset.done $0x0  }
0x15: {  	s14 =	simm.s32 $0xB720;
	s16 =	simm.s32 $0x6C20;
	[sflag:s15] =	ssyncadd.s32 $0xFFFFD8F0  }
0x16: {  	[tilespmem:s13], [sflag:$0x1] =	stream.indirect.gather [hbm4b:s1+s11], $0x30, s4, s11, $0xb8;
	[tilespmem:$0x10220] =	vst v63  }
0x17: {  	s17 =	simm.s32 $0x27B0;
	s18 =	simm.s32 $0xC620;
	s19 =	simm.s32 $0xF0  }
0x18: {  	[tilespmem:s26], [sflag:$0x2] =	stream.indirect.gather [hbm4b:s3+s11], $0x30, s10, s11, $0xb8;
	[tilespmem:$0x10220] =	vst v63  }
0x19: {  	s20 =	simm.s32 $0x7B20;
	s21 =	simm.s32 $0x2800;
	p1 =	por $0x0, $0x0  }
0x1a: {  	[tilespmem:s28], [sflag:$0x1] =	stream.indirect.gather [hbm4b:s1+s11], $0x30, s11, s11, $0xb8;
	[tilespmem:$0x10220] =	vst v63  }
0x1b: {  	s22 =	simm.s32 $0xD520;
	s23 =	simm.s32 $0x140;
	p0 =	por p1, p1  }
0x1c: {  	[tilespmem:s14], [sflag:$0x2] =	stream.indirect.gather [hbm4b:s3+s11], $0x30, s29, s11, $0xb8;
	[tilespmem:$0x10220] =	vst v63  }
0x1d: {  	s15 =	smul.u32 @!p1 $0xAB, s15;
	p1 =	por @!p1 $0x1, $0x1;
	s14 =	simm.s32 $0xA0  }
0x1e: {  	[tilespmem:s16], [sflag:$0x1] =	stream.indirect.gather [hbm4b:s1+s11], $0x30, s14, s11, $0xb8;
	[tilespmem:$0x10220] =	vst v63  }
0x1f: {  	s24 =	simm.s32 $0x8A20;
	s25 =	simm.s32 $0x0;
	p2 =	por p1, p0  }
0x20: {  	[tilespmem:s18], [sflag:$0x2] =	stream.indirect.gather [hbm4b:s3+s11], $0x30, s17, s11, $0xb8;
	[tilespmem:$0x10220] =	vst v63  }
0x21: {  	s13 =	smul.u32 $0xAB, s25;
	s15 =	sshrl.u32 @!p0 s15, $0xA;
	s25 =	simm.s32 @!p2 $0x3  }
0x22: {  	[tilespmem:s20], [sflag:$0x1] =	stream.indirect.gather [hbm4b:s1+s11], $0x30, s19, s11, $0xb8;
	[tilespmem:$0x10220] =	vst v63  }
0x23: {  	s26 =	simm.s32 $0x2850;
	s13 =	sshrl.u32 s13, $0xA;
	s15 =	sand.u32 @!p0 $0x3F, s15  }
0x24: {  	[tilespmem:s22], [sflag:$0x2] =	stream.indirect.gather [hbm4b:s3+s11], $0x30, s21, s11, $0xb8;
	[tilespmem:$0x10220] =	vst v63  }
0x25: {  	s15 =	smul.u32 @!p0 $0x6, s15;
	s28 =	sand.u32 $0x3F, s13;
	s13 =	simm.s32 $0x28A0  }
0x26: {  	[tilespmem:s24], [sflag:$0x1] =	stream.indirect.gather [hbm4b:s1+s11], $0x30, s23, s11, $0xb8;
	[tilespmem:$0x10220] =	vst v63  }
0x27: {  	s15 =	ssub.s32 @!p0 $0x5, s15;
	s29 =	smul.u32 $0x6, s28;
	s16 =	simm.s32 $0xE420  }
0x28: {  	[tilespmem:s16], [sflag:$0x2] =	stream.indirect.gather [hbm4b:s3+s11], $0x30, s26, s11, $0xb8;
	[tilespmem:$0x10220] =	vst v63  }
0x29: {  	s15 =	sand.u32 @!p0 $0xFF, s15;
	s14 =	simm.s32 $0x6;
	_ =	swait.ge [sflag:s30], $0xF00  }
0x2a: {  	s17 =	simm.s32 $0x190;
	s16 =	ssub.s32 $0x0, s29;
	[sflag:s30] =	ssyncset.done $0x0  }
0x2b: {  	s18 =	sadd.s32 $0x1E0, s8;
	s16 =	sand.u32 $0xFF, s16;
	[sflag:s30] =	ssyncadd.s32 $0xFFFFF100  }
0x2c: {  	s19 =	simm.s32 $0x7;
	s20 =	smul.u32 $0xF00, s16;
	_ =	swait.ge [sflag:s31], $0xF00  }
0x2d: {  	s21 =	simm.s32 $0x1;
	s23 =	smul.u32 @!p0 $0xF00, s15;
	[sflag:s31] =	ssyncset.done $0x0  }
0x2e: {  	s15 =	simm.s32 $0x1E0;
	s16 =	sadd.s32 $0x4E20, s20;
	[sflag:s31] =	ssyncadd.s32 $0xFFFFF100  }
0x2f: {  	[hbm4b:s8+s4] =	stream.linear.scatter [tilespmem:s16], [sflag:$0x3], $0xF00, $0x38;
	[tilespmem:$0x10220] =	vst v63  }
0x30: {  	s26 =	smul.u32 $0xAB, s21;
	s24 =	sadd.s32 @!p0 $0x4E20, s23;
	s20 =	sadd.s32 $0xA820, s20  }
0x31: {  	[hbm4b:s9+s4] =	stream.linear.scatter [tilespmem:s20], [sflag:$0x4], $0xF00, $0x38;
	[tilespmem:$0x10220] =	vst v63  }
0x32: {  	s16 =	sadd.s32 $0x1E0, s9;
	s20 =	simm.s32 $0x28A0;
	_ =	swait.ge @!p2 [sflag:s25], $0xF00  }
.LBB2_2:
0x33: {  	[sflag:s25] =	ssyncset.done @!p2 $0x0;
	s13 =	sadd.s32 $0x50, s13;
	s28 =	smov.u32 s14  }
0x34: {  	s14 =	smov.u32 s19;
	s19 =	sadd.s32 $0x1, s19;
	s22 =	smov.u32 s16  }
0x35: {  	s26 =	sshrl.u32 s26, $0xA;
	[sflag:s25] =	ssyncadd.s32 @!p2 $0xFFFFF100;
	s25 =	simm.s32 @!p2 $0x4  }
0x36: {  	s23 =	sadd.s32 @!p0 $0xA820, s23;
	s26 =	sand.u32 $0x3F, s26;
	_ =	swait.ge @!p2 [sflag:s25], $0xF00  }
0x37: {  	p1 =	sne.s32 s19, $0x82;
	s26 =	smul.u32 $0x6, s26;
	[sflag:s25] =	ssyncset.done @!p2 $0x0  }
0x38: {  	s29 =	smov.u32 s18;
	[sflag:s25] =	ssyncadd.s32 @!p2 $0xFFFFF100;
	s25 =	simm.s32 @!p0 $0x50  }
0x39: {  	[tilespmem:s24], [sflag:$0x1] =	stream.indirect.gather @!p0 [hbm4b:s1+s25], $0x30, s17, s25, $0xb8;
	[tilespmem:$0x10220] =	vst v63  }
0x3a: {  	p3 =	sgt.u32 s21, $0x77;
	s24 =	ssub.s32 s21, s26;
	s17 =	smov.u32 s15  }
0x3b: {  	[tilespmem:s23], [sflag:$0x2] =	stream.indirect.gather @!p0 [hbm4b:s3+s25], $0x30, s20, s25, $0xb8;
	[tilespmem:$0x10220] =	vst v63  }
0x3c: {  	s21 =	smul.u32 @!p3 $0xAB, s28;
	s20 =	sand.u32 $0xFF, s24;
	_ =	swait.ge [sflag:s30], $0xF00  }
0x3d: {  	p2 =	seq.s32 @!p3 s28, $0x5;
	s23 =	smul.u32 $0xF00, s20;
	[sflag:s30] =	ssyncset.done $0x0  }
0x3e: {  	p0 =	por p3, p3;
	s20 =	smov.u32 s13;
	[sflag:s30] =	ssyncadd.s32 $0xFFFFF100  }
0x3f: {  	s16 =	sadd.s32 $0x1E0, s16;
	s21 =	sshrl.u32 @!p0 s21, $0xA;
	_ =	swait.ge [sflag:s31], $0xF00  }
0x40: {  	s18 =	sadd.s32 $0x1E0, s18;
	s21 =	sand.u32 @!p0 $0x3F, s21;
	[sflag:s31] =	ssyncset.done $0x0  }
0x41: {  	s24 =	sadd.s32 $0x4E20, s23;
	s21 =	smul.u32 @!p0 $0x6, s21;
	[sflag:s31] =	ssyncadd.s32 $0xFFFFF100  }
0x42: {  	[hbm4b:s29+s4] =	stream.linear.scatter [tilespmem:s24], [sflag:$0x3], $0xF00, $0x38;
	[tilespmem:$0x10220] =	vst v63  }
.Ltmp0:
0x43: {  	s15 =	sadd.s32 $0x50, s15;
	s21 =	ssub.s32 @!p0 s28, s21;
	(pc) =	sbr.rel @p1 .LBB2_2-.Ltmp0, $4  }
0x44: {  	p2 =	por p2, p0;
	s24 =	sadd.s32 $0xA820, s23;
	s23 =	sand.u32 @!p0 $0xFF, s21  }
0x45: {  	s25 =	simm.s32 @!p2 $0x3;
	s21 =	sadd.s32 $0xFFFFFFFB, s14;
	s23 =	smul.u32 @!p0 $0xF00, s23  }
0x46: {  	[hbm4b:s22+s4] =	stream.linear.scatter [tilespmem:s24], [sflag:$0x4], $0xF00, $0x38;
	[tilespmem:$0x10220] =	vst v63  }
0x47: {  	s26 =	smul.u32 $0xAB, s21;
	s24 =	sadd.s32 @!p0 $0x4E20, s23;
	_ =	swait.ge @!p2 [sflag:s25], $0xF00  }
0x48: {  	[sflag:s25] =	ssyncset.done @!p2 $0x0  }
0x49: {  	s19 =	simm.s32 @!p2 $0x4;
	[sflag:s25] =	ssyncadd.s32 @!p2 $0xFFFFF100  }
0x4a: {  	_ =	swait.ge @!p2 [sflag:s19], $0xF00  }
0x4b: {  	s22 =	sshrl.u32 s26, $0xA;
	[sflag:s19] =	ssyncset.done @!p2 $0x0  }
0x4c: {  	s22 =	sand.u32 $0x3F, s22;
	[sflag:s19] =	ssyncadd.s32 @!p2 $0xFFFFF100;
	s19 =	simm.s32 @!p0 $0x50  }
0x4d: {  	[tilespmem:s24], [sflag:$0x1] =	stream.indirect.gather @!p0 [hbm4b:s1+s19], $0x30, s17, s19, $0xb8;
	[tilespmem:$0x10220] =	vst v63  }
0x4e: {  	s22 =	smul.u32 $0x6, s22;
	s17 =	sadd.s32 @!p0 $0xA820, s23  }
0x4f: {  	[tilespmem:s17], [sflag:$0x2] =	stream.indirect.gather @!p0 [hbm4b:s3+s19], $0x30, s20, s19, $0xb8;
	[tilespmem:$0x10220] =	vst v63  }
0x50: {  	_ =	swait.ge [sflag:s30], $0xF00  }
0x51: {  	s28 =	ssub.s32 s21, s22;
	p0 =	sgt.u32 s21, $0x77;
	[sflag:s30] =	ssyncset.done $0x0  }
0x52: {  	s17 =	sand.u32 $0xFF, s28;
	s19 =	smul.u32 @!p0 $0xAB, s14;
	[sflag:s30] =	ssyncadd.s32 $0xFFFFF100  }
0x53: {  	s17 =	smul.u32 $0xF00, s17;
	_ =	swait.ge [sflag:s31], $0xF00  }
0x54: {  	p1 =	seq.s32 @!p0 s14, $0x5;
	p0 =	por p0, p0;
	[sflag:s31] =	ssyncset.done $0x0  }
0x55: {  	s19 =	sshrl.u32 @!p0 s19, $0xA;
	s29 =	sadd.s32 $0x4E20, s17;
	[sflag:s31] =	ssyncadd.s32 $0xFFFFF100  }
0x56: {  	[hbm4b:s18+s4] =	stream.linear.scatter [tilespmem:s29], [sflag:$0x3], $0xF00, $0x38;
	[tilespmem:$0x10220] =	vst v63  }
0x57: {  	p1 =	por p1, p0;
	s18 =	sand.u32 @!p0 $0x3F, s19  }
0x58: {  	s17 =	sadd.s32 $0xA820, s17;
	s19 =	simm.s32 @!p1 $0x3;
	s18 =	smul.u32 @!p0 $0x6, s18  }
0x59: {  	[hbm4b:s16+s4] =	stream.linear.scatter [tilespmem:s17], [sflag:$0x4], $0xF00, $0x38;
	[tilespmem:$0x10220] =	vst v63  }
0x5a: {  	_ =	swait.ge @!p1 [sflag:s19], $0xF00  }
0x5b: {  	s14 =	ssub.s32 @!p0 s14, s18;
	[sflag:s19] =	ssyncset.done @!p1 $0x0  }
0x5c: {  	s16 =	simm.s32 @!p1 $0x4;
	s14 =	sand.u32 @!p0 $0xFF, s14;
	[sflag:s19] =	ssyncadd.s32 @!p1 $0xFFFFF100  }
0x5d: {  	s14 =	smul.u32 @!p0 $0xF00, s14;
	_ =	swait.ge @!p1 [sflag:s16], $0xF00  }
0x5e: {  	[sflag:s16] =	ssyncset.done @!p1 $0x0  }
0x5f: {  	s17 =	sadd.s32 @!p0 $0x4E20, s14;
	[sflag:s16] =	ssyncadd.s32 @!p1 $0xFFFFF100;
	s16 =	simm.s32 @!p0 $0x50  }
0x60: {  	[tilespmem:s17], [sflag:$0x1] =	stream.indirect.gather @!p0 [hbm4b:s1+s16], $0x30, s15, s16, $0xb8;
	[tilespmem:$0x10220] =	vst v63  }
0x61: {  	s13 =	sadd.s32 $0x50, s13;
	s14 =	sadd.s32 @!p0 $0xA820, s14  }
0x62: {  	[tilespmem:s14], [sflag:$0x2] =	stream.indirect.gather @!p0 [hbm4b:s3+s16], $0x30, s13, s16, $0xb8;
	[tilespmem:$0x10220] =	vst v63  }
0x63: {  	_ =	swait.ge [sflag:s2], $0xF00  }
0x64: {  	[sflag:s2] =	ssyncset.done $0x0  }
0x65: {  	[sflag:s2] =	ssyncadd.s32 $0xFFFFF100  }
0x66: {  	_ =	swait.ge [sflag:s0], $0xF00  }
0x67: {  	[sflag:s0] =	ssyncset.done $0x0  }
0x68: {  	[sflag:s0] =	ssyncadd.s32 $0xFFFFF100  }
0x69: {  	_ =	swait.ge [sflag:s2], $0xF00  }
0x6a: {  	[sflag:s2] =	ssyncset.done $0x0  }
0x6b: {  	[sflag:s2] =	ssyncadd.s32 $0xFFFFF100  }
0x6c: {  	_ =	swait.ge [sflag:s0], $0xF00  }
0x6d: {  	[sflag:s0] =	ssyncset.done $0x0  }
0x6e: {  	[sflag:s0] =	ssyncadd.s32 $0xFFFFF100  }
0x6f: {  	_ =	swait.ge [sflag:s2], $0xF00  }
0x70: {  	[sflag:s2] =	ssyncset.done $0x0  }
0x71: {  	[sflag:s2] =	ssyncadd.s32 $0xFFFFF100  }
0x72: {  	_ =	swait.ge [sflag:s0], $0xF00  }
0x73: {  	[sflag:s0] =	ssyncset.done $0x0  }
0x74: {  	[sflag:s0] =	ssyncadd.s32 $0xFFFFF100  }
0x75: {  	_ =	swait.ge [sflag:s2], $0xF00  }
0x76: {  	[sflag:s2] =	ssyncset.done $0x0  }
0x77: {  	[sflag:s2] =	ssyncadd.s32 $0xFFFFF100  }
0x78: {  	_ =	swait.ge [sflag:s0], $0xF00  }
0x79: {  	[sflag:s0] =	ssyncset.done $0x0  }
0x7a: {  	[sflag:s0] =	ssyncadd.s32 $0xFFFFF100  }
0x7b: {  	_ =	swait.ge [sflag:s2], $0xF00  }
0x7c: {  	[sflag:s2] =	ssyncset.done $0x0  }
0x7d: {  	[sflag:s2] =	ssyncadd.s32 $0xFFFFF100  }
0x7e: {  	_ =	swait.ge [sflag:s0], $0xF00  }
0x7f: {  	[sflag:s0] =	ssyncset.done $0x0  }
0x80: {  	s12 =	sadd.s32 $0x1, s12;
	[sflag:s0] =	ssyncadd.s32 $0xFFFFF100  }
0x81: {  	p0 =	sne.s32 s12, s7;
	_ =	swait.ge [sflag:s2], $0xF00  }
.Ltmp1:
0x82: {  	[sflag:s2] =	ssyncset.done $0x0;
	(pc) =	sbr.rel @p0 .LBB2_1-.Ltmp1, $4  }
0x83: {  	[sflag:s2] =	ssyncadd.s32 $0xFFFFF100  }
0x84: {  	_ =	swait.ge [sflag:s0], $0xF00  }
0x85: {  	[sflag:s0] =	ssyncset.done $0x0  }
0x86: {  	[sflag:s0] =	ssyncadd.s32 $0xFFFFF100  }
0x87: {  	_ =	sfence.sel $0x180000  }
0x88: {  	[bflag:$0x0] =	sbarrier.arrive $0xFFFF  }
0x89: {  	_ =	strace $0x90000047  }
0x8a: {  	s0 =	stileid.u32;
	[bflag:$0x2] =	sbarrier.arrive $0xFFFF  }
0x8b: {  	p0 =	sne.s32 s0, $0x0;
	s0 =	rddreg [dreg:$0x3]  }
0x8c: {  	s0 =	sadd.s32 @!p0 $0x100000, s0  }
0x8d: {  	[sflag:s0] =	ssyncadd.tile.s32 @!p0 $0x1;
	_ =	shalt  }
.Lfunc_end2:
_tile_overlayer_lowered:
.L_overlay_start_2:
0x8e: {  	(tag) =	ssettag $0x2  }
0x8f: {  	s0 =	rddreg [dreg:$0x0];
	s2 =	stileid.u32  }
0x90: {  	s1 =	rddreg [dreg:$0x1];
	p0 =	sne.s32 s2, $0x0  }
0x91: {  	s3 =	rddreg [dreg:$0x2];
	[bflag:$0x3] =	sbarrier.arrive $0xFFFF;
	s2 =	simm.s32 @!p0 $0x1C05  }
0x92: {  	[timem:s3], [sflag:s2] =	dma.local @!p0 [hbm:s0], s1  }
0x93: {  	s0 =	simm.s32 @!p0 $0x5  }
0x94: {  	_ =	swait.ge @!p0 [sflag:s0], s1  }
0x95: {  	s1 =	ssub.s32 @!p0 $0x0, s1;
	[sflag:s0] =	ssyncset.done @!p0 $0x0  }
0x96: {  	[sflag:s0] =	ssyncadd.s32 @!p0 s1  }
0x97: {  	[bflag:$0x3] =	sbarrier.arrive $0xFFFF  }
0x98: {  	_ =	shalt  }

// kernel: kernel.18.cloned.1.call-start
scs
__scs_entry_jumppad:
0x0: {  	(pc) =	sbr.rel $0x88, $3  }
0x1: {  	(tag) =	ssettag $0x0;
	lr =	simm.s32 $0x1  }
0x2: {  	[smem:$0x3F93] =	sst lr;
	_ =	strace $0xD0000000  }
0x3: {  	_ = 	snop  }
0x4: {  	_ = 	snop  }
0x5: {  	_ = 	snop  }
0x6: {  	_ = 	snop  }
0x7: {  	_ = 	snop  }
__scs_overlays_trampoline_lowered:
0x8: {  	[smem:$0x3FA2] =	sst s0  }
0x9: {  	[smem:$0x3FA3] =	sst s1  }
0xa: {  	[smem:$0x3FA4] =	sst s2  }
0xb: {  	[smem:$0x3FA5] =	sst s3  }
0xc: {  	[smem:$0x3FA6] =	sst s4  }
0xd: {  	[smem:$0x3FA7] =	sst s5  }
0xe: {  	[smem:$0x3FA8] =	sst s6  }
0xf: {  	[smem:$0x3FA9] =	sst s7  }
0x10: {  	[smem:$0x3FAA] =	sst s8  }
0x11: {  	[smem:$0x3FAB] =	sst s9;
	s0 =	simm.s32 @!p0 $0x0  }
0x12: {  	s1 =	sld [smem:$0x3F91];
	s0 =	simm.s32 @p0 $0x1  }
0x13: {  	[smem:$0x3FAC] =	sst s0;
	s0 =	simm.s32 @!p1 $0x0  }
0x14: {  	s2 =	sld [smem:$0x3F90];
	s0 =	simm.s32 @p1 $0x1  }
0x15: {  	[smem:$0x3FAD] =	sst s0;
	s0 =	simm.s32 @!p2 $0x0  }
0x16: {  	s3 =	sld [smem:$0x3FDB];
	s0 =	simm.s32 @p2 $0x1  }
0x17: {  	s4 =	simm.s32 $0x1BF5;
	[smem:$0x3FAF] =	sst s0  }
0x18: {  	s0 =	sld [smem:$0x3F92];
	_ =	swait.ge [sflag:s4], $0x0  }
0x19: {  	s7 =	sld [smem:$0x3F93]  }
0x1a: {  	s8 =	sadd.s32 $0xFFFFE003, lr  }
0x1b: {  	s9 =	sadd.s32 $0xFFFFFEF7, lr;
	s5 =	simm.s32 $0xFFFFFFFF;
	p2 =	slt.u32 s8, $0xFFFFF086  }
0x1c: {  	p1 =	slt.u32 s9, $0xF7A;
	s5 =	simm.s32 @!p2 $0x0  }
0x1d: {  	s5 =	simm.s32 @p1 $0x1;
	p0 =	seq.s32 s7, s2  }
0x1e: {  	s7 =	smul.u32 @!p0 $0xF7A, s2;
	p2 =	seq.s32 @!p0 s5, $0x0  }
0x1f: {  	s9 =	smul.u32 $0xF7A, s1;
	s8 =	simm.s32 @!p0 $0x1BF5;
	p2 =	por !p2, p0  }
0x20: {  	[sflag:s8] =	ssyncset.s32 @!p0 $0xFFFFF086;
	s6 =	sadd.s32 @!p0 s3, s7;
	s7 =	simm.s32 @!p0 $0x108  }
0x21: {  	s3 =	sadd.s32 s3, s9;
	s6 =	sadd.s32 @!p0 $0x88, s6;
	s7 =	simm.s32 @p2 $0x1082  }
0x22: {  	[simem:s7], [sflag:s8] =	dma.local @!p0 [hbm:s6], $0xF7A  }
0x23: {  	s9 =	sor.u32 $0xD0000000, s2;
	s6 =	simm.s32 $0x108;
	_ =	swait.ge @!p0 [sflag:s8], $0x0  }
0x24: {  	s3 =	sadd.s32 $0x88, s3;
	s6 =	simm.s32 @!p1 $0x1082;
	[sflag:s4] =	ssyncset.s32 $0xFFFFF086  }
0x25: {  	[simem:s6], [sflag:s4] =	dma.local [hbm:s3], $0xF7A  }
0x26: {  	[smem:$0x3F93] =	sst s1;
	(tag) =	ssettag s2;
	_ =	strace s9  }
0x27: {  	s1 =	sld [smem:$0x3FA3]  }
0x28: {  	s2 =	sld [smem:$0x3FA4]  }
0x29: {  	s4 =	sld [smem:$0x3FA6]  }
0x2a: {  	p0 =	seq.s32 s5, $0x0;
	s5 =	sld [smem:$0x3FA7]  }
0x2b: {  	s6 =	sld [smem:$0x3FA8]  }
0x2c: {  	s7 =	sld [smem:$0x3FA9]  }
0x2d: {  	s3 =	simm.s32 $0x108;
	s8 =	sld [smem:$0x3FAA]  }
0x2e: {  	s3 =	simm.s32 @!p0 $0x1082;
	s9 =	sld [smem:$0x3FAB]  }
0x2f: {  	lr =	sadd.s32 s0, s3;
	s0 =	sld [smem:$0x3FA2]  }
0x30: {  	s3 =	sld [smem:$0x3FA5]  }
0x31: {  	[smem:$0x3FAE] =	sst s10  }
0x32: {  	s10 =	sld [smem:$0x3FAC];
	_ =	sdelay $0x3  }
0x33: {  	p0 =	seq.s32 s10, $0x1;
	s10 =	sld [smem:$0x3FAE];
	_ =	sdelay $0x3  }
0x34: {  	[smem:$0x3FAE] =	sst s10  }
0x35: {  	s10 =	sld [smem:$0x3FAD];
	_ =	sdelay $0x3  }
0x36: {  	p1 =	seq.s32 s10, $0x1;
	s10 =	sld [smem:$0x3FAE];
	_ =	sdelay $0x3  }
0x37: {  	[smem:$0x3FAE] =	sst s10  }
0x38: {  	s10 =	sld [smem:$0x3FAF]  }
0x39: {  	_ = 	snop;
	(pc) =	sbr.ind lr, $3  }
0x3a: {  	_ = 	snop  }
0x3b: {  	_ = 	snop  }
0x3c: {  	p2 =	seq.s32 s10, $0x1;
	s10 =	sld [smem:$0x3FAE]  }
0x3d: {  	_ =	shalt  }
0x3e: {  	_ =	shalt  }
0x3f: {  	_ =	shalt  }
0x40: {  	_ =	shalt  }
0x41: {  	_ =	shalt  }
0x42: {  	_ =	shalt  }
0x43: {  	_ =	shalt  }
0x44: {  	_ =	shalt  }
0x45: {  	_ =	shalt  }
0x46: {  	_ =	shalt  }
0x47: {  	_ =	shalt  }
0x48: {  	_ =	shalt  }
0x49: {  	_ =	shalt  }
0x4a: {  	_ =	shalt  }
0x4b: {  	_ =	shalt  }
0x4c: {  	_ =	shalt  }
0x4d: {  	_ =	shalt  }
0x4e: {  	_ =	shalt  }
0x4f: {  	_ =	shalt  }
0x50: {  	_ =	shalt  }
0x51: {  	_ =	shalt  }
0x52: {  	_ =	shalt  }
0x53: {  	_ =	shalt  }
0x54: {  	_ =	shalt  }
0x55: {  	_ =	shalt  }
0x56: {  	_ =	shalt  }
0x57: {  	_ =	shalt  }
0x58: {  	_ =	shalt  }
0x59: {  	_ =	shalt  }
0x5a: {  	_ =	shalt  }
0x5b: {  	_ =	shalt  }
0x5c: {  	_ =	shalt  }
0x5d: {  	_ =	shalt  }
0x5e: {  	_ =	shalt  }
0x5f: {  	_ =	shalt  }
0x60: {  	_ =	shalt  }
0x61: {  	_ =	shalt  }
0x62: {  	_ =	shalt  }
0x63: {  	_ =	shalt  }
0x64: {  	_ =	shalt  }
0x65: {  	_ =	shalt  }
0x66: {  	_ =	shalt  }
0x67: {  	_ =	shalt  }
0x68: {  	_ =	shalt  }
0x69: {  	_ =	shalt  }
0x6a: {  	_ =	shalt  }
0x6b: {  	_ =	shalt  }
0x6c: {  	_ =	shalt  }
0x6d: {  	_ =	shalt  }
0x6e: {  	_ =	shalt  }
0x6f: {  	_ =	shalt  }
0x70: {  	_ =	shalt  }
0x71: {  	_ =	shalt  }
0x72: {  	_ =	shalt  }
0x73: {  	_ =	shalt  }
0x74: {  	_ =	shalt  }
0x75: {  	_ =	shalt  }
0x76: {  	_ =	shalt  }
0x77: {  	_ =	shalt  }
0x78: {  	_ =	shalt  }
0x79: {  	_ =	shalt  }
0x7a: {  	_ =	shalt  }
0x7b: {  	_ =	shalt  }
0x7c: {  	_ =	shalt  }
0x7d: {  	_ =	shalt  }
0x7e: {  	_ =	shalt  }
0x7f: {  	_ =	shalt  }
0x80: {  	_ =	shalt  }
0x81: {  	_ =	shalt  }
0x82: {  	_ =	shalt  }
0x83: {  	_ =	shalt  }
0x84: {  	_ =	shalt  }
0x85: {  	_ =	shalt  }
0x86: {  	_ =	shalt  }
0x87: {  	_ =	shalt  }
.Lfunc_end0:
.L_simem_size_0:
called_computation.1_lowered:
.L_overlay_start_0:
0x88: {  	s2 =	sld [smem:$0x3FD9]  }
0x89: {  	s3 =	sld [smem:$0x3FFE];
	_ =	sdelay $0x1  }
0x8a: {  	s1 =	srdreg.scid  }
0x8b: {  	s0 =	sand.u32 $0x1, s1  }
0x8c: {  	s14 =	sshll.u32 s0, $0xA;
	s2 =	sadd.s32 s3, s2  }
0x8d: {  	s2 =	sadd.s32 s2, s14  }
0x8e: {  	[smem:$0x3FBA] =	sst s2  }
0x8f: {  	_ = 	snop  }
0x90: {  	s2 =	sld [smem:$0x3FD0];
	_ =	sdelay $0x2  }
0x91: {  	s15 =	simm.s32 $0xA;
	s4 =	simm.s32 $0x10  }
0x92: {  	[smem:s4], [sflag:s15] =	dma.local [hbm:s2], $0x1  }
0x93: {  	_ =	swait.eq [sflag:s15], $0x1  }
0x94: {  	[sflag:s15] =	ssyncset.done $0x0  }
0x95: {  	s16 =	sld [smem:$0x10];
	[sflag:s15] =	ssyncadd.s32 $0xFFFFFFFF  }
0x96: {  	s17 =	sld [smem:$0x11];
	(tm) =	ssettm $0x1  }
0x97: {  	s18 =	sld [smem:$0x3FFB];
	_ =	sdelay $0x3  }
0x98: {  	_ =	strace s18  }
0x99: {  	s4 =	sld [smem:$0x3FFC];
	_ =	sdelay $0x3  }
0x9a: {  	_ =	strace s4  }
0x9b: {  	s4 =	sld [smem:$0x3FFD];
	_ =	sdelay $0x3  }
0x9c: {  	_ =	strace s4  }
0x9d: {  	_ =	strace $0x8FFFFFFF  }
0x9e: {  	s19 =	sld [smem:$0x3FDB];
	_ =	sdelay $0x1  }
0x9f: {  	s5 =	simm.s32 $_scs_section_size  }
0xa0: {  	s6 =	simm.s32 $_size__tile_overlayer_lowered;
	s7 =	simm.s32 $_tile_overlayer_lowered  }
0xa1: {  	s22 =	simm.s32 $0x1BFF;
	s21 =	sshll.u32 s7, $0x1;
	s4 =	sadd.s32 s5, s19  }
0xa2: {  	s8 =	simm.s32 $0x0;
	s20 =	sshll.u32 s6, $0x1;
	s6 =	sadd.s32 s21, s4  }
0xa3: {  	[timem:s8], [sflag:s22] =	dma.local [hbm:s6], s20  }
0xa4: {  	_ =	swait.ge [sflag:s22], s20  }
0xa5: {  	s5 =	ssub.s32 $0x0, s20;
	[sflag:s22] =	ssyncset.done $0x0  }
0xa6: {  	[sflag:s22] =	ssyncadd.s32 s5;
	_ =	sdelay $0x1  }
0xa7: {  	s23 =	simm.s32 $0x1B8B  }
0xa8: {  	_ =	swait.ge [sflag:s23], $0x1  }
0xa9: {  	[sflag:s23] =	ssyncset.done $0x0  }
0xaa: {  	s25 =	simm.s32 $0x1B8E;
	s24 =	sld [smem:$0x3FFE];
	[sflag:s23] =	ssyncadd.s32 $0xFFFFFFFF  }
0xab: {  	s26 =	simm.s32 $execute0_lowered;
	[smem:$0x3FD2] =	sst s25  }
0xac: {  	s6 =	sshll.u32 s26, $0x1;
	_ =	strace $0x80000049;
	[dreg:$0x1] =	wrdreg $0xFFFFFFFF  }
0xad: {  	s28 =	simm.s32 $_size_execute0_lowered;
	s4 =	sadd.s32 s4, s6;
	[dreg:$0x0] =	wrdreg $0x0  }
0xae: {  	s6 =	sshll.u32 s28, $0x1;
	[dreg:$0x2] =	wrdreg s4  }
0xaf: {  	[dreg:$0x3] =	wrdreg s6  }
0xb0: {  	[dreg:$0x4] =	wrdreg $0xC0  }
0xb1: {  	_ =	task [dreg:s8], $0x5FFFF  }
0xb2: {  	[dreg:$0x1] =	wrdreg $0xFFFFFFFF  }
0xb3: {  	[dreg:$0x0] =	wrdreg $0x60  }
0xb4: {  	[dreg:$0x2] =	wrdreg s24  }
0xb5: {  	[dreg:$0x3] =	wrdreg s17  }
0xb6: {  	[dreg:$0x4] =	wrdreg s16  }
0xb7: {  	[dreg:$0x5] =	wrdreg $0xE9200  }
0xb8: {  	[dreg:$0x6] =	wrdreg $0xC1200  }
0xb9: {  	[dreg:$0x7] =	wrdreg $0x9  }
0xba: {  	_ =	task.clear_ibuf [dreg:s8], $0x8FFFF;
	_ =	strace $0x90000049  }
0xbb: {  	s29 =	simm.s32 $0x9;
	_ =	strace $0x8000004B  }
0xbc: {  	_ =	swait.ge [sflag:s29], $0x1  }
0xbd: {  	[sflag:s29] =	ssyncadd.s32 $0xFFFFFFFF  }
0xbe: {  	_ =	strace $0x9000004B  }
0xbf: {  	_ =	sfence  }
0xc0: {  	s30 =	sld [smem:$0x0];
	_ =	sdelay $0x2  }
0xc1: {  	s31 =	sshll.u32 s1, $0xD;
	s1 =	sshrl.u32 s1, $0x2  }
0xc2: {  	s3 =	sand.u32 $0x4000, s31;
	s1 =	sadd.s32 s1, s30  }
0xc3: {  	s0 =	sor.u32 s3, s0;
	s1 =	sshll.u32 s1, $0x11  }
0xc4: {  	s0 =	sor.u32 s1, s0  }
0xc5: {  	s0 =	sadd.s32 $0x8F2B, s0  }
0xc6: {  	[sflag:s0] =	ssyncadd.remote.s32 $0x1  }
0xc7: {  	_ =	sfence.sel $0xFFFF  }
0xc8: {  	[dreg:$0x0] =	wrdreg $0xFFFFFFFF;
	(pc) =	sbr.abs _section_cstart, $3  }
0xc9: {  	[dreg:$0x1] =	wrdreg $0xFFFFFFFF  }
0xca: {  	_ =	task.clear_ibuf [dreg:s8], $0x2FFFF;
	_ =	strace $0x9FFFFFFF  }
0xcb: {  	(tm) =	ssettm $0x7FFFFFFF  }
tec
execute0_lowered:
.L_overlay_start_1:
0x0: {  	(tag) =	ssettag $0x1  }
0x1: {  	s0 =	rddreg [dreg:$0x0];
	s1 =	srdreg.scid  }
0x2: {  	s12 =	stileid.u32;
	s17 =	rddreg [dreg:$0x1]  }
0x3: {  	s15 =	rddreg [dreg:$0x2];
	s14 =	smul.u32 $0x280, s12  }
0x4: {  	s13 =	rddreg [dreg:$0x4];
	s3 =	simm.s32 $0x0;
	s16 =	smul.u32 $0x2800, s12  }
0x5: {  	s28 =	simm.s32 $0x6C20;
	s1 =	sand.u32 $0x1, s1;
	s10 =	smul.u32 $0xA000, s12  }
0x6: {  	s29 =	simm.s32 $0x50;
	s30 =	simm.s32 $0xBEA0;
	s6 =	smul.u32 $0x2800, s1  }
0x7: {  	s2 =	sshll.u32 s12, $0x1;
	[smem:$0x7FF] =	sst s3;
	s19 =	smul.u32 $0x28000, s1  }
0x8: {  	s5 =	sor.u32 s1, s2;
	s21 =	ssub.s32 $0x2, s1;
	s1 =	smul.u32 $0x2710, s1  }
0x9: {  	s31 =	simm.s32 $0xBC20;
	s2 =	rddreg [dreg:$0x3];
	s4 =	smul.u32 $0x4E2, s5  }
0xa: {  	_ =	strace $0x8000004A;
	s22 =	sshrl.u32 s21, $0x1;
	s8 =	smul.u32 $0x27100, s5  }
0xb: {  	s9 =	smul.u32 $0x4E20, s5;
	s24 =	sshrl.u32 s10, $0x2;
	s20 =	sadd.s32 s14, s6  }
0xc: {  	s18 =	ssub.s32 s21, s22;
	s6 =	sadd.s32 s16, s2;
	s16 =	sadd.s32 s16, s19  }
0xd: {  	s7 =	sadd.s32 s4, s0;
	s4 =	sshrl.u32 s20, $0x3;
	s23 =	sshrl.u32 s8, $0x3  }
0xe: {  	s20 =	smul.u32 $0x4E20, s12;
	s12 =	sadd.s32 s24, s13;
	s13 =	sadd.s32 s14, s13  }
0xf: {  	s25 =	sshrl.u32 s16, $0x3;
	s16 =	smax.u32 s18, $0x1;
	s18 =	simm.s32 $0x2  }
0x10: {  	s0 =	sadd.s32 s4, s0;
	s4 =	sadd.s32 $0x15800, s7;
	s5 =	sadd.s32 $0x1F600, s7  }
0x11: {  	s11 =	sadd.s32 s17, s23;
	s7 =	sadd.s32 s17, s9;
	s15 =	sadd.s32 s15, s25  }
0x12: {  	s8 =	sadd.s32 $0xA0, s11;
	s9 =	sadd.s32 $0x140, s11;
	s1 =	sadd.s32 s1, s20  }
0x13: {  	s10 =	sadd.s32 $0x1E0, s11;
	s11 =	sadd.s32 $0x280, s11;
	s1 =	sshll.u32 s1, $0x1  }
0x14: {  	s14 =	sadd.s32 $0x29400, s0;
	s20 =	simm.s32 $0x9420;
	s26 =	sadd.s32 s17, s1  }
0x15: {  	v0 =	vimm.f32 $0.0e+00;
	s1 =	simm.s32 $0x0;
	s21 =	sadd.s32 $0x320, s26;
	s26 =	simm.s32 $0x1  }
.LBB2_1:
0x16: {  	[tilespmem:s3], [sflag:$0x2] =	stream.linear.gather [hbm4b:s4+s3], $0x2710, $0x38;
	[tilespmem:$0x11120] =	vst v63  }
0x17: {  	_ =	swait.ge [sflag:s18], $0x2710  }
0x18: {  	[sflag:s18] =	ssyncset.done $0x0  }
0x19: {  	s0 =	simm.s32 $0x2710;
	[sflag:s18] =	ssyncadd.s32 $0xFFFFD8F0  }
0x1a: {  	[tilespmem:s0], [sflag:$0x2] =	stream.linear.gather [hbm4b:s5+s3], $0x2710, $0x38;
	[tilespmem:$0x11120] =	vst v63  }
0x1b: {  	_ =	swait.ge [sflag:s18], $0x2710  }
0x1c: {  	[sflag:s18] =	ssyncset.done $0x0  }
0x1d: {  	s0 =	simm.s32 $0x0;
	[sflag:s18] =	ssyncadd.s32 $0xFFFFD8F0  }
.LBB2_2:
0x1e: {  	p0 =	sne.s32 s0, $0x9FC0  }
.Ltmp0:
0x1f: {  	_ = 	snop;
	(pc) =	sbr.rel @p0 .LBB2_2-.Ltmp0, $3  }
0x20: {  	_ =	sdelay $0x1  }
0x21: {  	s17 =	sshra.s32 s0, $0x2  }
0x22: {  	s0 =	sadd.s32 $0x40, s0;
	[tilespmem:s17+$0x6C20] =	vst v0  }
0x23: {  	s0 =	simm.s32 $0x40;
	s17 =	simm.s32 $0x0  }
.LBB2_4:
0x24: {  	p0 =	sne.s32 s0, $0x9FC0;
	[tilespmem:s17+$0x9420] =	vst v0;
	s17 =	smov.u32 s0;
	s0 =	sadd.s32 $0x40, s0  }
.Ltmp1:
0x25: {  	(pc) =	sbr.rel @p0 .LBB2_4-.Ltmp1, $2  }
0x26: {  	_ =	sdelay $0x2  }
0x27: {  	s17 =	sshra.s32 s17, $0x2  }
0x28: {  	[tilespmem:s17+$0x9420] =	vst v0  }
0x29: {  	[spmem:s6] =	stream.linear.scatter [tilespmem:s20], [sflag:$0x2], $0x2800, $0x38;
	[tilespmem:$0x11120] =	vst v63  }
0x2a: {  	_ =	swait.ge [sflag:s18], $0x2800  }
0x2b: {  	[sflag:s18] =	ssyncset.done $0x0  }
0x2c: {  	[sflag:s18] =	ssyncadd.s32 $0xFFFFD800  }
0x2d: {  	s0 =	simm.s32 $0x0;
	s19 =	simm.s32 $0x4E20;
	[bflag:$0x0] =	sbarrier.arrive $0xFFFF  }
0x2e: {  	[tilespmem:s19], [sflag:$0x1] =	stream.linear.gather [hbm4b:s7+s0], $0x500, $0x38;
	[tilespmem:$0x11120] =	vst v63  }
0x2f: {  	s22 =	simm.s32 $0x5320  }
0x30: {  	[tilespmem:s22], [sflag:$0x1] =	stream.linear.gather [hbm4b:s8+s0], $0x500, $0x38;
	[tilespmem:$0x11120] =	vst v63  }
0x31: {  	s23 =	simm.s32 $0x5820  }
0x32: {  	[tilespmem:s23], [sflag:$0x1] =	stream.linear.gather [hbm4b:s9+s0], $0x500, $0x38;
	[tilespmem:$0x11120] =	vst v63  }
0x33: {  	s24 =	simm.s32 $0x5D20;
	s25 =	simm.s32 $0x6220  }
0x34: {  	[tilespmem:s24], [sflag:$0x1] =	stream.linear.gather [hbm4b:s10+s0], $0x500, $0x38;
	[tilespmem:$0x11120] =	vst v63  }
0x35: {  	s17 =	smov.u32 s21;
	s19 =	simm.s32 $0x2730;
	s22 =	simm.s32 $0x0  }
0x36: {  	[tilespmem:s25], [sflag:$0x1] =	stream.linear.gather [hbm4b:s11+s0], $0x500, $0x38;
	[tilespmem:$0x11120] =	vst v63  }
.LBB2_6:
0x37: {  	_ =	swait.ge [sflag:s26], $0x500  }
0x38: {  	[sflag:s26] =	ssyncset.done $0x0  }
0x39: {  	[sflag:s26] =	ssyncadd.s32 $0xFFFFFB00  }
0x3a: {  	v1 =	vld [tilespmem:s0+$0x0];
	_ =	sdelay $0x2  }
0x3b: {  	v2 =	vld [tilespmem:s19+$0xFFFFFFE0];
	_ =	sdelay $0x4  }
0x3c: {  	[tilespmem:v1+s28+$0x0] =	vst.idx.add.f32.msk $0xffff, v2  }
0x3d: {  	v1 =	vld [tilespmem:s0+$0x10];
	_ =	sdelay $0x2  }
0x3e: {  	v2 =	vld [tilespmem:s19+$0xFFFFFFF0];
	_ =	sdelay $0x4  }
0x3f: {  	[tilespmem:v1+s28+$0x0] =	vst.idx.add.f32.msk $0xffff, v2  }
0x40: {  	v1 =	vld [tilespmem:s0+$0x20];
	_ =	sdelay $0x2  }
0x41: {  	v2 =	vld [tilespmem:s19+$0x0];
	_ =	sdelay $0x4  }
0x42: {  	[tilespmem:v1+s28+$0x0] =	vst.idx.add.f32.msk $0xffff, v2  }
0x43: {  	v1 =	vld [tilespmem:s0+$0x30];
	_ =	sdelay $0x2  }
0x44: {  	v2 =	vld [tilespmem:s19+$0x10];
	_ =	sdelay $0x2  }
0x45: {  	s23 =	smul.u32 $0xAB, s22;
	_ =	sdelay $0x1  }
0x46: {  	s23 =	sshrl.u32 s23, $0xA;
	[tilespmem:v1+s28+$0x0] =	vst.idx.add.f32.msk $0xffff, v2  }
0x47: {  	s23 =	sand.u32 $0x3F, s23;
	v1 =	vld [tilespmem:s0+$0x40]  }
0x48: {  	s23 =	smul.u32 $0x6, s23  }
0x49: {  	p0 =	sgt.u32 s22, $0x77  }
0x4a: {  	s24 =	sadd.s32 @!p0 $0x5, s22;
	s23 =	ssub.s32 s22, s23;
	v2 =	vld [tilespmem:s19+$0x20]  }
0x4b: {  	s25 =	smul.u32 @!p0 $0xAB, s24;
	s23 =	sand.u32 $0xFF, s23  }
0x4c: {  	s23 =	smul.u32 $0x1400, s23  }
0x4d: {  	s25 =	sshrl.u32 @!p0 s25, $0xA  }
0x4e: {  	s25 =	sand.u32 @!p0 $0x3F, s25;
	s23 =	sshrl.u32 s23, $0x2  }
0x4f: {  	s25 =	smul.u32 @!p0 $0x6, s25;
	s23 =	sadd.s32 $0x4E20, s23;
	[tilespmem:v1+s28+$0x0] =	vst.idx.add.f32.msk $0xffff, v2  }
0x50: {  	[spmem:s2] =	stream.indirect.scatter.add.f32 [tilespmem:s23], [sflag:$0x2], $0x10, s0, s29, $0xb8;
	[tilespmem:$0x11120] =	vst v63  }
0x51: {  	s23 =	ssub.s32 @!p0 s24, s25  }
0x52: {  	s23 =	sand.u32 @!p0 $0xFF, s23  }
0x53: {  	s23 =	smul.u32 @!p0 $0x1400, s23  }
0x54: {  	_ =	swait.ge [sflag:s18], $0x500  }
0x55: {  	s22 =	sadd.s32 $0x1, s22;
	[sflag:s18] =	ssyncset.done $0x0;
	s23 =	sshrl.u32 @!p0 s23, $0x2  }
0x56: {  	s24 =	simm.s32 @!p0 $0x0;
	[sflag:s18] =	ssyncadd.s32 $0xFFFFFB00;
	s23 =	sadd.s32 @!p0 $0x4E20, s23  }
0x57: {  	[tilespmem:s23], [sflag:$0x1] =	stream.linear.gather @!p0 [hbm4b:s17+s24], $0x500, $0x38;
	[tilespmem:$0x11120] =	vst v63  }
0x58: {  	p0 =	sne.s32 s22, $0x7D  }
.Ltmp2:
0x59: {  	_ = 	snop;
	(pc) =	sbr.rel @p0 .LBB2_6-.Ltmp2, $2  }
0x5a: {  	_ =	sdelay $0x2  }
0x5b: {  	s19 =	sadd.s32 $0x50, s19;
	s0 =	sadd.s32 $0x50, s0;
	s17 =	sadd.s32 $0xA0, s17  }
0x5c: {  	[spmem:s12] =	stream.linear.scatter [tilespmem:s28], [sflag:$0x2], $0x2800, $0x38;
	[tilespmem:$0x11120] =	vst v63  }
0x5d: {  	_ =	swait.ge [sflag:s18], $0x2800  }
0x5e: {  	[sflag:s18] =	ssyncset.done $0x0  }
0x5f: {  	[sflag:s18] =	ssyncadd.s32 $0xFFFFD800  }
0x60: {  	[bflag:$0x0] =	sbarrier.arrive $0xFFFF  }
0x61: {  	[tilespmem:$0xBC20] =	vst v0  }
0x62: {  	[tilespmem:$0xBC30] =	vst v0  }
0x63: {  	[tilespmem:$0xBC40] =	vst v0  }
0x64: {  	[tilespmem:$0xBC50] =	vst v0  }
0x65: {  	[tilespmem:$0xBC60] =	vst v0  }
0x66: {  	[tilespmem:$0xBC70] =	vst v0  }
0x67: {  	[tilespmem:$0xBC80] =	vst v0  }
0x68: {  	[tilespmem:$0xBC90] =	vst v0  }
0x69: {  	[tilespmem:$0xBCA0] =	vst v0  }
0x6a: {  	[tilespmem:$0xBCB0] =	vst v0  }
0x6b: {  	[tilespmem:$0xBCC0] =	vst v0  }
0x6c: {  	[tilespmem:$0xBCD0] =	vst v0  }
0x6d: {  	[tilespmem:$0xBCE0] =	vst v0  }
0x6e: {  	[tilespmem:$0xBCF0] =	vst v0  }
0x6f: {  	[tilespmem:$0xBD00] =	vst v0  }
0x70: {  	[tilespmem:$0xBD10] =	vst v0  }
0x71: {  	[tilespmem:$0xBD20] =	vst v0  }
0x72: {  	[tilespmem:$0xBD30] =	vst v0  }
0x73: {  	[tilespmem:$0xBD40] =	vst v0  }
0x74: {  	[tilespmem:$0xBD50] =	vst v0  }
0x75: {  	[tilespmem:$0xBD60] =	vst v0  }
0x76: {  	[tilespmem:$0xBD70] =	vst v0  }
0x77: {  	[tilespmem:$0xBD80] =	vst v0  }
0x78: {  	[tilespmem:$0xBD90] =	vst v0  }
0x79: {  	[tilespmem:$0xBDA0] =	vst v0  }
0x7a: {  	[tilespmem:$0xBDB0] =	vst v0  }
0x7b: {  	[tilespmem:$0xBDC0] =	vst v0  }
0x7c: {  	[tilespmem:$0xBDD0] =	vst v0  }
0x7d: {  	[tilespmem:$0xBDE0] =	vst v0  }
0x7e: {  	[tilespmem:$0xBDF0] =	vst v0  }
0x7f: {  	[tilespmem:$0xBE00] =	vst v0  }
0x80: {  	[tilespmem:$0xBE10] =	vst v0  }
0x81: {  	[tilespmem:$0xBE20] =	vst v0  }
0x82: {  	[tilespmem:$0xBE30] =	vst v0  }
0x83: {  	[tilespmem:$0xBE40] =	vst v0  }
0x84: {  	[tilespmem:$0xBE50] =	vst v0  }
0x85: {  	[tilespmem:$0xBE60] =	vst v0  }
0x86: {  	[tilespmem:$0xBE70] =	vst v0  }
0x87: {  	[tilespmem:$0xBE80] =	vst v0  }
0x88: {  	s0 =	simm.s32 $0x0;
	[tilespmem:$0xBE90] =	vst v0  }
.LBB2_8:
0x89: {  	s17 =	smul.u32 $0xA000, s0;
	_ =	sdelay $0x1  }
0x8a: {  	s17 =	sshra.s32 s17, $0x2  }
0x8b: {  	s17 =	sadd.s32 s17, s13  }
0x8c: {  	[tilespmem:s30], [sflag:$0x2] =	stream.linear.gather [spmem:s17], $0x280, $0x38;
	[tilespmem:$0x11120] =	vst v63  }
0x8d: {  	_ =	swait.ge [sflag:s18], $0x280  }
0x8e: {  	[sflag:s18] =	ssyncset.done $0x0  }
0x8f: {  	s17 =	simm.s32 $0x0;
	[sflag:s18] =	ssyncadd.s32 $0xFFFFFD80  }
0x90: {  	s19 =	simm.s32 $0x40;
	v1 =	vld [tilespmem:s17+$0xBEA0]  }
.LBB2_9:
0x91: {  	p0 =	sne.s32 s19, $0x9C0;
	v2 =	vld [tilespmem:s17+$0xBC20];
	_ =	sdelay $0x2  }
.Ltmp3:
0x92: {  	(pc) =	sbr.rel @p0 .LBB2_9-.Ltmp3, $4  }
0x93: {  	_ = 	snop  }
0x94: {  	v2 =	vadd.f32 v1, v2  }
0x95: {  	s22 =	sshra.s32 s19, $0x2  }
0x96: {  	s19 =	sadd.s32 $0x40, s19;
	v1 =	vld [tilespmem:s22+$0xBEA0];
	[tilespmem:s17+$0xBC20] =	vst v2;
	s17 =	smov.u32 s22  }
0x97: {  	v2 =	vld [tilespmem:s17+$0xBC20]  }
0x98: {  	s0 =	sadd.s32 $0x1, s0  }
0x99: {  	p0 =	sne.s32 s0, $0x10  }
.Ltmp4:
0x9a: {  	_ = 	snop;
	(pc) =	sbr.rel @p0 .LBB2_8-.Ltmp4, $3  }
0x9b: {  	_ = 	snop  }
0x9c: {  	v1 =	vadd.f32 v1, v2;
	_ =	sdelay $0x1  }
0x9d: {  	[tilespmem:s17+$0xBC20] =	vst v1  }
0x9e: {  	[hbm4b:s14+s3] =	stream.linear.scatter [tilespmem:s31], [sflag:$0x2], $0x280, $0x38;
	[tilespmem:$0x11120] =	vst v63  }
0x9f: {  	_ =	swait.ge [sflag:s18], $0x280  }
0xa0: {  	[sflag:s18] =	ssyncset.done $0x0  }
0xa1: {  	[sflag:s18] =	ssyncadd.s32 $0xFFFFFD80  }
0xa2: {  	[tilespmem:s20], [sflag:$0x2] =	stream.linear.gather [spmem:s6], $0x2800, $0x38;
	[tilespmem:$0x11120] =	vst v63  }
0xa3: {  	s1 =	sadd.s32 $0x1, s1;
	_ =	swait.ge [sflag:s18], $0x2800  }
0xa4: {  	p0 =	sne.s32 s1, s16;
	[sflag:s18] =	ssyncset.done $0x0  }
.Ltmp5:
0xa5: {  	[sflag:s18] =	ssyncadd.s32 $0xFFFFD800;
	(pc) =	sbr.rel @p0 .LBB2_1-.Ltmp5, $4  }
0xa6: {  	[hbm4b:s15+s3] =	stream.linear.scatter [tilespmem:s20], [sflag:$0x2], $0x2800, $0x38;
	[tilespmem:$0x11120] =	vst v63  }
0xa7: {  	_ =	swait.ge [sflag:s18], $0x2800  }
0xa8: {  	[sflag:s18] =	ssyncset.done $0x0  }
0xa9: {  	[sflag:s18] =	ssyncadd.s32 $0xFFFFD800  }
0xaa: {  	_ =	sfence.sel $0x180000  }
0xab: {  	[bflag:$0x0] =	sbarrier.arrive $0xFFFF  }
0xac: {  	_ =	strace $0x9000004A  }
0xad: {  	s0 =	stileid.u32;
	[bflag:$0x2] =	sbarrier.arrive $0xFFFF  }
0xae: {  	p0 =	sne.s32 s0, $0x0;
	s0 =	rddreg [dreg:$0x5]  }
0xaf: {  	s0 =	sadd.s32 @!p0 $0x100000, s0  }
0xb0: {  	[sflag:s0] =	ssyncadd.tile.s32 @!p0 $0x1;
	_ =	shalt  }
.Lfunc_end2:
_tile_overlayer_lowered:
.L_overlay_start_2:
0xb1: {  	(tag) =	ssettag $0x2  }
0xb2: {  	s0 =	rddreg [dreg:$0x0];
	s2 =	stileid.u32  }
0xb3: {  	s1 =	rddreg [dreg:$0x1];
	p0 =	sne.s32 s2, $0x0  }
0xb4: {  	s3 =	rddreg [dreg:$0x2];
	[bflag:$0x3] =	sbarrier.arrive $0xFFFF;
	s2 =	simm.s32 @!p0 $0x1C02  }
0xb5: {  	[timem:s3], [sflag:s2] =	dma.local @!p0 [hbm:s0], s1  }
0xb6: {  	s0 =	simm.s32 @!p0 $0x2  }
0xb7: {  	_ =	swait.ge @!p0 [sflag:s0], s1  }
0xb8: {  	s1 =	ssub.s32 @!p0 $0x0, s1;
	[sflag:s0] =	ssyncset.done @!p0 $0x0  }
0xb9: {  	[sflag:s0] =	ssyncadd.s32 @!p0 s1  }
0xba: {  	[bflag:$0x3] =	sbarrier.arrive $0xFFFF  }
0xbb: {  	_ =	shalt  }

// kernel: kernel.21.cloned.1.call-start
scs
__scs_entry_jumppad:
0x0: {  	(pc) =	sbr.rel $0x88, $3  }
0x1: {  	(tag) =	ssettag $0x0;
	lr =	simm.s32 $0x1  }
0x2: {  	[smem:$0x3F93] =	sst lr;
	_ =	strace $0xD0000000  }
0x3: {  	_ = 	snop  }
0x4: {  	_ = 	snop  }
0x5: {  	_ = 	snop  }
0x6: {  	_ = 	snop  }
0x7: {  	_ = 	snop  }
__scs_overlays_trampoline_lowered:
0x8: {  	[smem:$0x3FA2] =	sst s0  }
0x9: {  	[smem:$0x3FA3] =	sst s1  }
0xa: {  	[smem:$0x3FA4] =	sst s2  }
0xb: {  	[smem:$0x3FA5] =	sst s3  }
0xc: {  	[smem:$0x3FA6] =	sst s4  }
0xd: {  	[smem:$0x3FA7] =	sst s5  }
0xe: {  	[smem:$0x3FA8] =	sst s6  }
0xf: {  	[smem:$0x3FA9] =	sst s7  }
0x10: {  	[smem:$0x3FAA] =	sst s8  }
0x11: {  	[smem:$0x3FAB] =	sst s9;
	s0 =	simm.s32 @!p0 $0x0  }
0x12: {  	s1 =	sld [smem:$0x3F91];
	s0 =	simm.s32 @p0 $0x1  }
0x13: {  	[smem:$0x3FAC] =	sst s0;
	s0 =	simm.s32 @!p1 $0x0  }
0x14: {  	s2 =	sld [smem:$0x3F90];
	s0 =	simm.s32 @p1 $0x1  }
0x15: {  	[smem:$0x3FAD] =	sst s0;
	s0 =	simm.s32 @!p2 $0x0  }
0x16: {  	s3 =	sld [smem:$0x3FDB];
	s0 =	simm.s32 @p2 $0x1  }
0x17: {  	s4 =	simm.s32 $0x1BF5;
	[smem:$0x3FAF] =	sst s0  }
0x18: {  	s0 =	sld [smem:$0x3F92];
	_ =	swait.ge [sflag:s4], $0x0  }
0x19: {  	s7 =	sld [smem:$0x3F93]  }
0x1a: {  	s8 =	sadd.s32 $0xFFFFE003, lr  }
0x1b: {  	s9 =	sadd.s32 $0xFFFFFEF7, lr;
	s5 =	simm.s32 $0xFFFFFFFF;
	p2 =	slt.u32 s8, $0xFFFFF086  }
0x1c: {  	p1 =	slt.u32 s9, $0xF7A;
	s5 =	simm.s32 @!p2 $0x0  }
0x1d: {  	s5 =	simm.s32 @p1 $0x1;
	p0 =	seq.s32 s7, s2  }
0x1e: {  	s7 =	smul.u32 @!p0 $0xF7A, s2;
	p2 =	seq.s32 @!p0 s5, $0x0  }
0x1f: {  	s9 =	smul.u32 $0xF7A, s1;
	s8 =	simm.s32 @!p0 $0x1BF5;
	p2 =	por !p2, p0  }
0x20: {  	[sflag:s8] =	ssyncset.s32 @!p0 $0xFFFFF086;
	s6 =	sadd.s32 @!p0 s3, s7;
	s7 =	simm.s32 @!p0 $0x108  }
0x21: {  	s3 =	sadd.s32 s3, s9;
	s6 =	sadd.s32 @!p0 $0x88, s6;
	s7 =	simm.s32 @p2 $0x1082  }
0x22: {  	[simem:s7], [sflag:s8] =	dma.local @!p0 [hbm:s6], $0xF7A  }
0x23: {  	s9 =	sor.u32 $0xD0000000, s2;
	s6 =	simm.s32 $0x108;
	_ =	swait.ge @!p0 [sflag:s8], $0x0  }
0x24: {  	s3 =	sadd.s32 $0x88, s3;
	s6 =	simm.s32 @!p1 $0x1082;
	[sflag:s4] =	ssyncset.s32 $0xFFFFF086  }
0x25: {  	[simem:s6], [sflag:s4] =	dma.local [hbm:s3], $0xF7A  }
0x26: {  	[smem:$0x3F93] =	sst s1;
	(tag) =	ssettag s2;
	_ =	strace s9  }
0x27: {  	s1 =	sld [smem:$0x3FA3]  }
0x28: {  	s2 =	sld [smem:$0x3FA4]  }
0x29: {  	s4 =	sld [smem:$0x3FA6]  }
0x2a: {  	p0 =	seq.s32 s5, $0x0;
	s5 =	sld [smem:$0x3FA7]  }
0x2b: {  	s6 =	sld [smem:$0x3FA8]  }
0x2c: {  	s7 =	sld [smem:$0x3FA9]  }
0x2d: {  	s3 =	simm.s32 $0x108;
	s8 =	sld [smem:$0x3FAA]  }
0x2e: {  	s3 =	simm.s32 @!p0 $0x1082;
	s9 =	sld [smem:$0x3FAB]  }
0x2f: {  	lr =	sadd.s32 s0, s3;
	s0 =	sld [smem:$0x3FA2]  }
0x30: {  	s3 =	sld [smem:$0x3FA5]  }
0x31: {  	[smem:$0x3FAE] =	sst s10  }
0x32: {  	s10 =	sld [smem:$0x3FAC];
	_ =	sdelay $0x3  }
0x33: {  	p0 =	seq.s32 s10, $0x1;
	s10 =	sld [smem:$0x3FAE];
	_ =	sdelay $0x3  }
0x34: {  	[smem:$0x3FAE] =	sst s10  }
0x35: {  	s10 =	sld [smem:$0x3FAD];
	_ =	sdelay $0x3  }
0x36: {  	p1 =	seq.s32 s10, $0x1;
	s10 =	sld [smem:$0x3FAE];
	_ =	sdelay $0x3  }
0x37: {  	[smem:$0x3FAE] =	sst s10  }
0x38: {  	s10 =	sld [smem:$0x3FAF]  }
0x39: {  	_ = 	snop;
	(pc) =	sbr.ind lr, $3  }
0x3a: {  	_ = 	snop  }
0x3b: {  	_ = 	snop  }
0x3c: {  	p2 =	seq.s32 s10, $0x1;
	s10 =	sld [smem:$0x3FAE]  }
0x3d: {  	_ =	shalt  }
0x3e: {  	_ =	shalt  }
0x3f: {  	_ =	shalt  }
0x40: {  	_ =	shalt  }
0x41: {  	_ =	shalt  }
0x42: {  	_ =	shalt  }
0x43: {  	_ =	shalt  }
0x44: {  	_ =	shalt  }
0x45: {  	_ =	shalt  }
0x46: {  	_ =	shalt  }
0x47: {  	_ =	shalt  }
0x48: {  	_ =	shalt  }
0x49: {  	_ =	shalt  }
0x4a: {  	_ =	shalt  }
0x4b: {  	_ =	shalt  }
0x4c: {  	_ =	shalt  }
0x4d: {  	_ =	shalt  }
0x4e: {  	_ =	shalt  }
0x4f: {  	_ =	shalt  }
0x50: {  	_ =	shalt  }
0x51: {  	_ =	shalt  }
0x52: {  	_ =	shalt  }
0x53: {  	_ =	shalt  }
0x54: {  	_ =	shalt  }
0x55: {  	_ =	shalt  }
0x56: {  	_ =	shalt  }
0x57: {  	_ =	shalt  }
0x58: {  	_ =	shalt  }
0x59: {  	_ =	shalt  }
0x5a: {  	_ =	shalt  }
0x5b: {  	_ =	shalt  }
0x5c: {  	_ =	shalt  }
0x5d: {  	_ =	shalt  }
0x5e: {  	_ =	shalt  }
0x5f: {  	_ =	shalt  }
0x60: {  	_ =	shalt  }
0x61: {  	_ =	shalt  }
0x62: {  	_ =	shalt  }
0x63: {  	_ =	shalt  }
0x64: {  	_ =	shalt  }
0x65: {  	_ =	shalt  }
0x66: {  	_ =	shalt  }
0x67: {  	_ =	shalt  }
0x68: {  	_ =	shalt  }
0x69: {  	_ =	shalt  }
0x6a: {  	_ =	shalt  }
0x6b: {  	_ =	shalt  }
0x6c: {  	_ =	shalt  }
0x6d: {  	_ =	shalt  }
0x6e: {  	_ =	shalt  }
0x6f: {  	_ =	shalt  }
0x70: {  	_ =	shalt  }
0x71: {  	_ =	shalt  }
0x72: {  	_ =	shalt  }
0x73: {  	_ =	shalt  }
0x74: {  	_ =	shalt  }
0x75: {  	_ =	shalt  }
0x76: {  	_ =	shalt  }
0x77: {  	_ =	shalt  }
0x78: {  	_ =	shalt  }
0x79: {  	_ =	shalt  }
0x7a: {  	_ =	shalt  }
0x7b: {  	_ =	shalt  }
0x7c: {  	_ =	shalt  }
0x7d: {  	_ =	shalt  }
0x7e: {  	_ =	shalt  }
0x7f: {  	_ =	shalt  }
0x80: {  	_ =	shalt  }
0x81: {  	_ =	shalt  }
0x82: {  	_ =	shalt  }
0x83: {  	_ =	shalt  }
0x84: {  	_ =	shalt  }
0x85: {  	_ =	shalt  }
0x86: {  	_ =	shalt  }
0x87: {  	_ =	shalt  }
.Lfunc_end0:
.L_simem_size_0:
called_computation.2_lowered:
.L_overlay_start_0:
0x88: {  	s2 =	sld [smem:$0x3FD9]  }
0x89: {  	s3 =	sld [smem:$0x3FFE];
	_ =	sdelay $0x1  }
0x8a: {  	s1 =	srdreg.scid  }
0x8b: {  	s0 =	sand.u32 $0x1, s1  }
0x8c: {  	s14 =	sshll.u32 s0, $0xA;
	s2 =	sadd.s32 s3, s2  }
0x8d: {  	s2 =	sadd.s32 s2, s14  }
0x8e: {  	[smem:$0x3FBA] =	sst s2  }
0x8f: {  	_ = 	snop  }
0x90: {  	s2 =	sld [smem:$0x3FD0];
	_ =	sdelay $0x2  }
0x91: {  	s15 =	simm.s32 $0xA;
	s4 =	simm.s32 $0x10  }
0x92: {  	[smem:s4], [sflag:s15] =	dma.local [hbm:s2], $0x1  }
0x93: {  	_ =	swait.eq [sflag:s15], $0x1  }
0x94: {  	[sflag:s15] =	ssyncset.done $0x0  }
0x95: {  	[sflag:s15] =	ssyncadd.s32 $0xFFFFFFFF  }
0x96: {  	s16 =	sld [smem:$0x11];
	(tm) =	ssettm $0x1  }
0x97: {  	s17 =	sld [smem:$0x3FFB];
	_ =	sdelay $0x3  }
0x98: {  	_ =	strace s17  }
0x99: {  	s3 =	sld [smem:$0x3FFC];
	_ =	sdelay $0x3  }
0x9a: {  	_ =	strace s3  }
0x9b: {  	s3 =	sld [smem:$0x3FFD];
	_ =	sdelay $0x3  }
0x9c: {  	_ =	strace s3  }
0x9d: {  	_ =	strace $0x8FFFFFFF  }
0x9e: {  	s18 =	sld [smem:$0x3FDB];
	_ =	sdelay $0x1  }
0x9f: {  	s19 =	simm.s32 $_scs_section_size  }
0xa0: {  	s5 =	simm.s32 $_size__tile_overlayer_lowered;
	s6 =	simm.s32 $_tile_overlayer_lowered  }
0xa1: {  	s22 =	simm.s32 $0x1BFF;
	s21 =	sshll.u32 s6, $0x1;
	s3 =	sadd.s32 s19, s18  }
0xa2: {  	s7 =	simm.s32 $0x0;
	s20 =	sshll.u32 s5, $0x1;
	s5 =	sadd.s32 s21, s3  }
0xa3: {  	[timem:s7], [sflag:s22] =	dma.local [hbm:s5], s20  }
0xa4: {  	_ =	swait.ge [sflag:s22], s20  }
0xa5: {  	s4 =	ssub.s32 $0x0, s20;
	[sflag:s22] =	ssyncset.done $0x0  }
0xa6: {  	[sflag:s22] =	ssyncadd.s32 s4;
	_ =	sdelay $0x1  }
0xa7: {  	s23 =	simm.s32 $0x1B8B  }
0xa8: {  	_ =	swait.ge [sflag:s23], $0x1  }
0xa9: {  	[sflag:s23] =	ssyncset.done $0x0  }
0xaa: {  	s25 =	simm.s32 $0x1B8E;
	s24 =	sld [smem:$0x3FFE];
	[sflag:s23] =	ssyncadd.s32 $0xFFFFFFFF  }
0xab: {  	s26 =	simm.s32 $execute0_lowered;
	[smem:$0x3FD2] =	sst s25  }
0xac: {  	s5 =	sshll.u32 s26, $0x1;
	_ =	strace $0x8000004C;
	[dreg:$0x1] =	wrdreg $0xFFFFFFFF  }
0xad: {  	s28 =	simm.s32 $_size_execute0_lowered;
	s3 =	sadd.s32 s3, s5;
	[dreg:$0x0] =	wrdreg $0x0  }
0xae: {  	s5 =	sshll.u32 s28, $0x1;
	[dreg:$0x2] =	wrdreg s3  }
0xaf: {  	[dreg:$0x3] =	wrdreg s5  }
0xb0: {  	[dreg:$0x4] =	wrdreg $0xC0  }
0xb1: {  	_ =	task [dreg:s7], $0x5FFFF  }
0xb2: {  	[dreg:$0x1] =	wrdreg $0xFFFFFFFF  }
0xb3: {  	[dreg:$0x0] =	wrdreg $0x60  }
0xb4: {  	[dreg:$0x2] =	wrdreg s16  }
0xb5: {  	[dreg:$0x3] =	wrdreg s24  }
0xb6: {  	[dreg:$0x4] =	wrdreg $0x9  }
0xb7: {  	_ =	task.clear_ibuf [dreg:s7], $0x5FFFF;
	_ =	strace $0x9000004C  }
0xb8: {  	s29 =	simm.s32 $0x9;
	_ =	strace $0x8000004E  }
0xb9: {  	_ =	swait.ge [sflag:s29], $0x1  }
0xba: {  	[sflag:s29] =	ssyncadd.s32 $0xFFFFFFFF  }
0xbb: {  	_ =	strace $0x9000004E  }
0xbc: {  	_ =	sfence  }
0xbd: {  	s30 =	sld [smem:$0x0];
	_ =	sdelay $0x2  }
0xbe: {  	s31 =	sshll.u32 s1, $0xD;
	s1 =	sshrl.u32 s1, $0x2  }
0xbf: {  	s3 =	sand.u32 $0x4000, s31;
	s1 =	sadd.s32 s1, s30  }
0xc0: {  	s0 =	sor.u32 s3, s0;
	s1 =	sshll.u32 s1, $0x11  }
0xc1: {  	s0 =	sor.u32 s1, s0  }
0xc2: {  	s0 =	sadd.s32 $0x8F2B, s0  }
0xc3: {  	[sflag:s0] =	ssyncadd.remote.s32 $0x1  }
0xc4: {  	_ =	sfence.sel $0xFFFF  }
0xc5: {  	[dreg:$0x0] =	wrdreg $0xFFFFFFFF;
	(pc) =	sbr.abs _section_cstart, $3  }
0xc6: {  	[dreg:$0x1] =	wrdreg $0xFFFFFFFF  }
0xc7: {  	_ =	task.clear_ibuf [dreg:s7], $0x2FFFF;
	_ =	strace $0x9FFFFFFF  }
0xc8: {  	(tm) =	ssettm $0x7FFFFFFF  }
0xc9: {  	_ =	shalt  }
tec
execute0_lowered:
.L_overlay_start_1:
0x0: {  	(tag) =	ssettag $0x1  }
0x1: {  	s2 =	rddreg [dreg:$0x0];
	s0 =	srdreg.scid  }
0x2: {  	s6 =	stileid.u32;
	s1 =	rddreg [dreg:$0x1];
	s3 =	simm.s32 $0x0  }
0x3: {  	s10 =	simm.s32 $0x2710;
	s11 =	simm.s32 $0x50;
	s30 =	simm.s32 $0x1  }
0x4: {  	s31 =	simm.s32 $0x2;
	s0 =	sand.u32 $0x1, s0;
	s4 =	sshll.u32 s6, $0x1  }
0x5: {  	s12 =	simm.s32 $0x0;
	s6 =	smul.u32 $0x1D4C0, s6;
	s4 =	sor.u32 s0, s4  }
0x6: {  	[smem:$0x7FF] =	sst s3;
	s7 =	ssub.s32 $0x2, s0;
	s5 =	smul.u32 $0x4E2, s4  }
0x7: {  	_ =	strace $0x8000004D;
	s0 =	smul.u32 $0xEA60, s0;
	s8 =	sshrl.u32 s7, $0x1  }
0x8: {  	s4 =	sadd.s32 $0x2BA00, s1;
	s7 =	ssub.s32 s7, s8;
	s9 =	sadd.s32 s5, s1  }
0x9: {  	s1 =	sadd.s32 s6, s1;
	s7 =	smax.u32 s7, $0x1;
	s5 =	sadd.s32 $0xBA00, s9  }
0xa: {  	s6 =	sadd.s32 $0x15800, s9;
	s0 =	sadd.s32 s0, s1;
	s1 =	simm.s32 $0x3  }
0xb: {  	s8 =	sadd.s32 $0x20F200, s0;
	s9 =	sadd.s32 $0x3A600, s0;
	s0 =	simm.s32 $0x4  }
.LBB2_1:
0xc: {  	[tilespmem:s3], [sflag:$0x5] =	stream.linear.gather [hbm4b:s5+s3], $0x2710, $0x38;
	[tilespmem:$0x10220] =	vst v63  }
0xd: {  	s15 =	simm.s32 $0x5  }
0xe: {  	_ =	swait.ge [sflag:s15], $0x2710  }
0xf: {  	[sflag:s15] =	ssyncset.done $0x0  }
0x10: {  	[sflag:s15] =	ssyncadd.s32 $0xFFFFD8F0  }
0x11: {  	[tilespmem:s10], [sflag:$0x5] =	stream.linear.gather [hbm4b:s6+s3], $0x2710, $0x38;
	[tilespmem:$0x10220] =	vst v63  }
0x12: {  	s13 =	simm.s32 $0x4E20;
	s26 =	simm.s32 $0xA820;
	_ =	swait.ge [sflag:s15], $0x2710  }
0x13: {  	s28 =	simm.s32 $0x5D20;
	s29 =	simm.s32 $0x2760;
	[sflag:s15] =	ssyncset.done $0x0  }
0x14: {  	s14 =	simm.s32 $0xB720;
	s16 =	simm.s32 $0x6C20;
	[sflag:s15] =	ssyncadd.s32 $0xFFFFD8F0  }
0x15: {  	[tilespmem:s13], [sflag:$0x1] =	stream.indirect.gather [hbm4b:s2+s11], $0x30, s3, s11, $0xb8;
	[tilespmem:$0x10220] =	vst v63  }
0x16: {  	s17 =	simm.s32 $0x27B0;
	s18 =	simm.s32 $0xC620;
	s19 =	simm.s32 $0xF0  }
0x17: {  	[tilespmem:s26], [sflag:$0x2] =	stream.indirect.gather [hbm4b:s4+s11], $0x30, s10, s11, $0xb8;
	[tilespmem:$0x10220] =	vst v63  }
0x18: {  	s20 =	simm.s32 $0x7B20;
	s21 =	simm.s32 $0x2800;
	p1 =	por $0x0, $0x0  }
0x19: {  	[tilespmem:s28], [sflag:$0x1] =	stream.indirect.gather [hbm4b:s2+s11], $0x30, s11, s11, $0xb8;
	[tilespmem:$0x10220] =	vst v63  }
0x1a: {  	s22 =	simm.s32 $0xD520;
	s23 =	simm.s32 $0x140;
	p0 =	por p1, p1  }
0x1b: {  	[tilespmem:s14], [sflag:$0x2] =	stream.indirect.gather [hbm4b:s4+s11], $0x30, s29, s11, $0xb8;
	[tilespmem:$0x10220] =	vst v63  }
0x1c: {  	s15 =	smul.u32 @!p1 $0xAB, s15;
	p1 =	por @!p1 $0x1, $0x1;
	s14 =	simm.s32 $0xA0  }
0x1d: {  	[tilespmem:s16], [sflag:$0x1] =	stream.indirect.gather [hbm4b:s2+s11], $0x30, s14, s11, $0xb8;
	[tilespmem:$0x10220] =	vst v63  }
0x1e: {  	s24 =	simm.s32 $0x8A20;
	s25 =	simm.s32 $0x0;
	p2 =	por p1, p0  }
0x1f: {  	[tilespmem:s18], [sflag:$0x2] =	stream.indirect.gather [hbm4b:s4+s11], $0x30, s17, s11, $0xb8;
	[tilespmem:$0x10220] =	vst v63  }
0x20: {  	s13 =	smul.u32 $0xAB, s25;
	s15 =	sshrl.u32 @!p0 s15, $0xA;
	s25 =	simm.s32 @!p2 $0x3  }
0x21: {  	[tilespmem:s20], [sflag:$0x1] =	stream.indirect.gather [hbm4b:s2+s11], $0x30, s19, s11, $0xb8;
	[tilespmem:$0x10220] =	vst v63  }
0x22: {  	s26 =	simm.s32 $0x2850;
	s13 =	sshrl.u32 s13, $0xA;
	s15 =	sand.u32 @!p0 $0x3F, s15  }
0x23: {  	[tilespmem:s22], [sflag:$0x2] =	stream.indirect.gather [hbm4b:s4+s11], $0x30, s21, s11, $0xb8;
	[tilespmem:$0x10220] =	vst v63  }
0x24: {  	s15 =	smul.u32 @!p0 $0x6, s15;
	s28 =	sand.u32 $0x3F, s13;
	s13 =	simm.s32 $0x28A0  }
0x25: {  	[tilespmem:s24], [sflag:$0x1] =	stream.indirect.gather [hbm4b:s2+s11], $0x30, s23, s11, $0xb8;
	[tilespmem:$0x10220] =	vst v63  }
0x26: {  	s15 =	ssub.s32 @!p0 $0x5, s15;
	s29 =	smul.u32 $0x6, s28;
	s16 =	simm.s32 $0xE420  }
0x27: {  	[tilespmem:s16], [sflag:$0x2] =	stream.indirect.gather [hbm4b:s4+s11], $0x30, s26, s11, $0xb8;
	[tilespmem:$0x10220] =	vst v63  }
0x28: {  	s15 =	sand.u32 @!p0 $0xFF, s15;
	s14 =	simm.s32 $0x6;
	_ =	swait.ge [sflag:s30], $0xF00  }
0x29: {  	s17 =	simm.s32 $0x190;
	s16 =	ssub.s32 $0x0, s29;
	[sflag:s30] =	ssyncset.done $0x0  }
0x2a: {  	s18 =	sadd.s32 $0x1E0, s8;
	s16 =	sand.u32 $0xFF, s16;
	[sflag:s30] =	ssyncadd.s32 $0xFFFFF100  }
0x2b: {  	s19 =	simm.s32 $0x7;
	s20 =	smul.u32 $0xF00, s16;
	_ =	swait.ge [sflag:s31], $0xF00  }
0x2c: {  	s21 =	simm.s32 $0x1;
	s23 =	smul.u32 @!p0 $0xF00, s15;
	[sflag:s31] =	ssyncset.done $0x0  }
0x2d: {  	s15 =	simm.s32 $0x1E0;
	s16 =	sadd.s32 $0x4E20, s20;
	[sflag:s31] =	ssyncadd.s32 $0xFFFFF100  }
0x2e: {  	[hbm4b:s8+s3] =	stream.linear.scatter [tilespmem:s16], [sflag:$0x3], $0xF00, $0x38;
	[tilespmem:$0x10220] =	vst v63  }
0x2f: {  	s26 =	smul.u32 $0xAB, s21;
	s24 =	sadd.s32 @!p0 $0x4E20, s23;
	s20 =	sadd.s32 $0xA820, s20  }
0x30: {  	[hbm4b:s9+s3] =	stream.linear.scatter [tilespmem:s20], [sflag:$0x4], $0xF00, $0x38;
	[tilespmem:$0x10220] =	vst v63  }
0x31: {  	s16 =	sadd.s32 $0x1E0, s9;
	s20 =	simm.s32 $0x28A0;
	_ =	swait.ge @!p2 [sflag:s25], $0xF00  }
.LBB2_2:
0x32: {  	[sflag:s25] =	ssyncset.done @!p2 $0x0;
	s13 =	sadd.s32 $0x50, s13;
	s28 =	smov.u32 s14  }
0x33: {  	s14 =	smov.u32 s19;
	s19 =	sadd.s32 $0x1, s19;
	s22 =	smov.u32 s16  }
0x34: {  	s26 =	sshrl.u32 s26, $0xA;
	[sflag:s25] =	ssyncadd.s32 @!p2 $0xFFFFF100;
	s25 =	simm.s32 @!p2 $0x4  }
0x35: {  	s23 =	sadd.s32 @!p0 $0xA820, s23;
	s26 =	sand.u32 $0x3F, s26;
	_ =	swait.ge @!p2 [sflag:s25], $0xF00  }
0x36: {  	p1 =	sne.s32 s19, $0x82;
	s26 =	smul.u32 $0x6, s26;
	[sflag:s25] =	ssyncset.done @!p2 $0x0  }
0x37: {  	s29 =	smov.u32 s18;
	[sflag:s25] =	ssyncadd.s32 @!p2 $0xFFFFF100;
	s25 =	simm.s32 @!p0 $0x50  }
0x38: {  	[tilespmem:s24], [sflag:$0x1] =	stream.indirect.gather @!p0 [hbm4b:s2+s25], $0x30, s17, s25, $0xb8;
	[tilespmem:$0x10220] =	vst v63  }
0x39: {  	p3 =	sgt.u32 s21, $0x77;
	s24 =	ssub.s32 s21, s26;
	s17 =	smov.u32 s15  }
0x3a: {  	[tilespmem:s23], [sflag:$0x2] =	stream.indirect.gather @!p0 [hbm4b:s4+s25], $0x30, s20, s25, $0xb8;
	[tilespmem:$0x10220] =	vst v63  }
0x3b: {  	s21 =	smul.u32 @!p3 $0xAB, s28;
	s20 =	sand.u32 $0xFF, s24;
	_ =	swait.ge [sflag:s30], $0xF00  }
0x3c: {  	p2 =	seq.s32 @!p3 s28, $0x5;
	s23 =	smul.u32 $0xF00, s20;
	[sflag:s30] =	ssyncset.done $0x0  }
0x3d: {  	p0 =	por p3, p3;
	s20 =	smov.u32 s13;
	[sflag:s30] =	ssyncadd.s32 $0xFFFFF100  }
0x3e: {  	s16 =	sadd.s32 $0x1E0, s16;
	s21 =	sshrl.u32 @!p0 s21, $0xA;
	_ =	swait.ge [sflag:s31], $0xF00  }
0x3f: {  	s18 =	sadd.s32 $0x1E0, s18;
	s21 =	sand.u32 @!p0 $0x3F, s21;
	[sflag:s31] =	ssyncset.done $0x0  }
0x40: {  	s24 =	sadd.s32 $0x4E20, s23;
	s21 =	smul.u32 @!p0 $0x6, s21;
	[sflag:s31] =	ssyncadd.s32 $0xFFFFF100  }
0x41: {  	[hbm4b:s29+s3] =	stream.linear.scatter [tilespmem:s24], [sflag:$0x3], $0xF00, $0x38;
	[tilespmem:$0x10220] =	vst v63  }
.Ltmp0:
0x42: {  	s15 =	sadd.s32 $0x50, s15;
	s21 =	ssub.s32 @!p0 s28, s21;
	(pc) =	sbr.rel @p1 .LBB2_2-.Ltmp0, $4  }
0x43: {  	p2 =	por p2, p0;
	s24 =	sadd.s32 $0xA820, s23;
	s23 =	sand.u32 @!p0 $0xFF, s21  }
0x44: {  	s25 =	simm.s32 @!p2 $0x3;
	s21 =	sadd.s32 $0xFFFFFFFB, s14;
	s23 =	smul.u32 @!p0 $0xF00, s23  }
0x45: {  	[hbm4b:s22+s3] =	stream.linear.scatter [tilespmem:s24], [sflag:$0x4], $0xF00, $0x38;
	[tilespmem:$0x10220] =	vst v63  }
0x46: {  	s26 =	smul.u32 $0xAB, s21;
	s24 =	sadd.s32 @!p0 $0x4E20, s23;
	_ =	swait.ge @!p2 [sflag:s25], $0xF00  }
0x47: {  	[sflag:s25] =	ssyncset.done @!p2 $0x0  }
0x48: {  	s19 =	simm.s32 @!p2 $0x4;
	[sflag:s25] =	ssyncadd.s32 @!p2 $0xFFFFF100  }
0x49: {  	_ =	swait.ge @!p2 [sflag:s19], $0xF00  }
0x4a: {  	s22 =	sshrl.u32 s26, $0xA;
	[sflag:s19] =	ssyncset.done @!p2 $0x0  }
0x4b: {  	s22 =	sand.u32 $0x3F, s22;
	[sflag:s19] =	ssyncadd.s32 @!p2 $0xFFFFF100;
	s19 =	simm.s32 @!p0 $0x50  }
0x4c: {  	[tilespmem:s24], [sflag:$0x1] =	stream.indirect.gather @!p0 [hbm4b:s2+s19], $0x30, s17, s19, $0xb8;
	[tilespmem:$0x10220] =	vst v63  }
0x4d: {  	s22 =	smul.u32 $0x6, s22;
	s17 =	sadd.s32 @!p0 $0xA820, s23  }
0x4e: {  	[tilespmem:s17], [sflag:$0x2] =	stream.indirect.gather @!p0 [hbm4b:s4+s19], $0x30, s20, s19, $0xb8;
	[tilespmem:$0x10220] =	vst v63  }
0x4f: {  	_ =	swait.ge [sflag:s30], $0xF00  }
0x50: {  	s28 =	ssub.s32 s21, s22;
	p0 =	sgt.u32 s21, $0x77;
	[sflag:s30] =	ssyncset.done $0x0  }
0x51: {  	s17 =	sand.u32 $0xFF, s28;
	s19 =	smul.u32 @!p0 $0xAB, s14;
	[sflag:s30] =	ssyncadd.s32 $0xFFFFF100  }
0x52: {  	s17 =	smul.u32 $0xF00, s17;
	_ =	swait.ge [sflag:s31], $0xF00  }
0x53: {  	p1 =	seq.s32 @!p0 s14, $0x5;
	p0 =	por p0, p0;
	[sflag:s31] =	ssyncset.done $0x0  }
0x54: {  	s19 =	sshrl.u32 @!p0 s19, $0xA;
	s29 =	sadd.s32 $0x4E20, s17;
	[sflag:s31] =	ssyncadd.s32 $0xFFFFF100  }
0x55: {  	[hbm4b:s18+s3] =	stream.linear.scatter [tilespmem:s29], [sflag:$0x3], $0xF00, $0x38;
	[tilespmem:$0x10220] =	vst v63  }
0x56: {  	p1 =	por p1, p0;
	s18 =	sand.u32 @!p0 $0x3F, s19  }
0x57: {  	s17 =	sadd.s32 $0xA820, s17;
	s19 =	simm.s32 @!p1 $0x3;
	s18 =	smul.u32 @!p0 $0x6, s18  }
0x58: {  	[hbm4b:s16+s3] =	stream.linear.scatter [tilespmem:s17], [sflag:$0x4], $0xF00, $0x38;
	[tilespmem:$0x10220] =	vst v63  }
0x59: {  	_ =	swait.ge @!p1 [sflag:s19], $0xF00  }
0x5a: {  	s14 =	ssub.s32 @!p0 s14, s18;
	[sflag:s19] =	ssyncset.done @!p1 $0x0  }
0x5b: {  	s16 =	simm.s32 @!p1 $0x4;
	s14 =	sand.u32 @!p0 $0xFF, s14;
	[sflag:s19] =	ssyncadd.s32 @!p1 $0xFFFFF100  }
0x5c: {  	s14 =	smul.u32 @!p0 $0xF00, s14;
	_ =	swait.ge @!p1 [sflag:s16], $0xF00  }
0x5d: {  	[sflag:s16] =	ssyncset.done @!p1 $0x0  }
0x5e: {  	s17 =	sadd.s32 @!p0 $0x4E20, s14;
	[sflag:s16] =	ssyncadd.s32 @!p1 $0xFFFFF100;
	s16 =	simm.s32 @!p0 $0x50  }
0x5f: {  	[tilespmem:s17], [sflag:$0x1] =	stream.indirect.gather @!p0 [hbm4b:s2+s16], $0x30, s15, s16, $0xb8;
	[tilespmem:$0x10220] =	vst v63  }
0x60: {  	s13 =	sadd.s32 $0x50, s13;
	s14 =	sadd.s32 @!p0 $0xA820, s14  }
0x61: {  	[tilespmem:s14], [sflag:$0x2] =	stream.indirect.gather @!p0 [hbm4b:s4+s16], $0x30, s13, s16, $0xb8;
	[tilespmem:$0x10220] =	vst v63  }
0x62: {  	_ =	swait.ge [sflag:s1], $0xF00  }
0x63: {  	[sflag:s1] =	ssyncset.done $0x0  }
0x64: {  	[sflag:s1] =	ssyncadd.s32 $0xFFFFF100  }
0x65: {  	_ =	swait.ge [sflag:s0], $0xF00  }
0x66: {  	[sflag:s0] =	ssyncset.done $0x0  }
0x67: {  	[sflag:s0] =	ssyncadd.s32 $0xFFFFF100  }
0x68: {  	_ =	swait.ge [sflag:s1], $0xF00  }
0x69: {  	[sflag:s1] =	ssyncset.done $0x0  }
0x6a: {  	[sflag:s1] =	ssyncadd.s32 $0xFFFFF100  }
0x6b: {  	_ =	swait.ge [sflag:s0], $0xF00  }
0x6c: {  	[sflag:s0] =	ssyncset.done $0x0  }
0x6d: {  	[sflag:s0] =	ssyncadd.s32 $0xFFFFF100  }
0x6e: {  	_ =	swait.ge [sflag:s1], $0xF00  }
0x6f: {  	[sflag:s1] =	ssyncset.done $0x0  }
0x70: {  	[sflag:s1] =	ssyncadd.s32 $0xFFFFF100  }
0x71: {  	_ =	swait.ge [sflag:s0], $0xF00  }
0x72: {  	[sflag:s0] =	ssyncset.done $0x0  }
0x73: {  	[sflag:s0] =	ssyncadd.s32 $0xFFFFF100  }
0x74: {  	_ =	swait.ge [sflag:s1], $0xF00  }
0x75: {  	[sflag:s1] =	ssyncset.done $0x0  }
0x76: {  	[sflag:s1] =	ssyncadd.s32 $0xFFFFF100  }
0x77: {  	_ =	swait.ge [sflag:s0], $0xF00  }
0x78: {  	[sflag:s0] =	ssyncset.done $0x0  }
0x79: {  	[sflag:s0] =	ssyncadd.s32 $0xFFFFF100  }
0x7a: {  	_ =	swait.ge [sflag:s1], $0xF00  }
0x7b: {  	[sflag:s1] =	ssyncset.done $0x0  }
0x7c: {  	[sflag:s1] =	ssyncadd.s32 $0xFFFFF100  }
0x7d: {  	_ =	swait.ge [sflag:s0], $0xF00  }
0x7e: {  	[sflag:s0] =	ssyncset.done $0x0  }
0x7f: {  	s12 =	sadd.s32 $0x1, s12;
	[sflag:s0] =	ssyncadd.s32 $0xFFFFF100  }
0x80: {  	p0 =	sne.s32 s12, s7;
	_ =	swait.ge [sflag:s1], $0xF00  }
.Ltmp1:
0x81: {  	[sflag:s1] =	ssyncset.done $0x0;
	(pc) =	sbr.rel @p0 .LBB2_1-.Ltmp1, $4  }
0x82: {  	[sflag:s1] =	ssyncadd.s32 $0xFFFFF100  }
0x83: {  	_ =	swait.ge [sflag:s0], $0xF00  }
0x84: {  	[sflag:s0] =	ssyncset.done $0x0  }
0x85: {  	[sflag:s0] =	ssyncadd.s32 $0xFFFFF100  }
0x86: {  	_ =	sfence.sel $0x180000  }
0x87: {  	[bflag:$0x0] =	sbarrier.arrive $0xFFFF  }
0x88: {  	_ =	strace $0x9000004D  }
0x89: {  	s0 =	stileid.u32;
	[bflag:$0x2] =	sbarrier.arrive $0xFFFF  }
0x8a: {  	p0 =	sne.s32 s0, $0x0;
	s0 =	rddreg [dreg:$0x2]  }
0x8b: {  	s0 =	sadd.s32 @!p0 $0x100000, s0  }
0x8c: {  	[sflag:s0] =	ssyncadd.tile.s32 @!p0 $0x1;
	_ =	shalt  }
.Lfunc_end2:
_tile_overlayer_lowered:
.L_overlay_start_2:
0x8d: {  	(tag) =	ssettag $0x2  }
0x8e: {  	s0 =	rddreg [dreg:$0x0];
	s2 =	stileid.u32  }
0x8f: {  	s1 =	rddreg [dreg:$0x1];
	p0 =	sne.s32 s2, $0x0  }
0x90: {  	s3 =	rddreg [dreg:$0x2];
	[bflag:$0x3] =	sbarrier.arrive $0xFFFF;
	s2 =	simm.s32 @!p0 $0x1C05  }
0x91: {  	[timem:s3], [sflag:s2] =	dma.local @!p0 [hbm:s0], s1  }
0x92: {  	s0 =	simm.s32 @!p0 $0x5  }
0x93: {  	_ =	swait.ge @!p0 [sflag:s0], s1  }
0x94: {  	s1 =	ssub.s32 @!p0 $0x0, s1;
	[sflag:s0] =	ssyncset.done @!p0 $0x0  }
0x95: {  	[sflag:s0] =	ssyncadd.s32 @!p0 s1  }
0x96: {  	[bflag:$0x3] =	sbarrier.arrive $0xFFFF  }
0x97: {  	_ =	shalt  }

// kernel: kernel.24.cloned.1.call-start
scs
__scs_entry_jumppad:
0x0: {  	(pc) =	sbr.rel $0x88, $3  }
0x1: {  	(tag) =	ssettag $0x0;
	lr =	simm.s32 $0x1  }
0x2: {  	[smem:$0x3F93] =	sst lr;
	_ =	strace $0xD0000000  }
0x3: {  	_ = 	snop  }
0x4: {  	_ = 	snop  }
0x5: {  	_ = 	snop  }
0x6: {  	_ = 	snop  }
0x7: {  	_ = 	snop  }
__scs_overlays_trampoline_lowered:
0x8: {  	[smem:$0x3FA2] =	sst s0  }
0x9: {  	[smem:$0x3FA3] =	sst s1  }
0xa: {  	[smem:$0x3FA4] =	sst s2  }
0xb: {  	[smem:$0x3FA5] =	sst s3  }
0xc: {  	[smem:$0x3FA6] =	sst s4  }
0xd: {  	[smem:$0x3FA7] =	sst s5  }
0xe: {  	[smem:$0x3FA8] =	sst s6  }
0xf: {  	[smem:$0x3FA9] =	sst s7  }
0x10: {  	[smem:$0x3FAA] =	sst s8  }
0x11: {  	[smem:$0x3FAB] =	sst s9;
	s0 =	simm.s32 @!p0 $0x0  }
0x12: {  	s1 =	sld [smem:$0x3F91];
	s0 =	simm.s32 @p0 $0x1  }
0x13: {  	[smem:$0x3FAC] =	sst s0;
	s0 =	simm.s32 @!p1 $0x0  }
0x14: {  	s2 =	sld [smem:$0x3F90];
	s0 =	simm.s32 @p1 $0x1  }
0x15: {  	[smem:$0x3FAD] =	sst s0;
	s0 =	simm.s32 @!p2 $0x0  }
0x16: {  	s3 =	sld [smem:$0x3FDB];
	s0 =	simm.s32 @p2 $0x1  }
0x17: {  	s4 =	simm.s32 $0x1BF5;
	[smem:$0x3FAF] =	sst s0  }
0x18: {  	s0 =	sld [smem:$0x3F92];
	_ =	swait.ge [sflag:s4], $0x0  }
0x19: {  	s7 =	sld [smem:$0x3F93]  }
0x1a: {  	s8 =	sadd.s32 $0xFFFFE003, lr  }
0x1b: {  	s9 =	sadd.s32 $0xFFFFFEF7, lr;
	s5 =	simm.s32 $0xFFFFFFFF;
	p2 =	slt.u32 s8, $0xFFFFF086  }
0x1c: {  	p1 =	slt.u32 s9, $0xF7A;
	s5 =	simm.s32 @!p2 $0x0  }
0x1d: {  	s5 =	simm.s32 @p1 $0x1;
	p0 =	seq.s32 s7, s2  }
0x1e: {  	s7 =	smul.u32 @!p0 $0xF7A, s2;
	p2 =	seq.s32 @!p0 s5, $0x0  }
0x1f: {  	s9 =	smul.u32 $0xF7A, s1;
	s8 =	simm.s32 @!p0 $0x1BF5;
	p2 =	por !p2, p0  }
0x20: {  	[sflag:s8] =	ssyncset.s32 @!p0 $0xFFFFF086;
	s6 =	sadd.s32 @!p0 s3, s7;
	s7 =	simm.s32 @!p0 $0x108  }
0x21: {  	s3 =	sadd.s32 s3, s9;
	s6 =	sadd.s32 @!p0 $0x88, s6;
	s7 =	simm.s32 @p2 $0x1082  }
0x22: {  	[simem:s7], [sflag:s8] =	dma.local @!p0 [hbm:s6], $0xF7A  }
0x23: {  	s9 =	sor.u32 $0xD0000000, s2;
	s6 =	simm.s32 $0x108;
	_ =	swait.ge @!p0 [sflag:s8], $0x0  }
0x24: {  	s3 =	sadd.s32 $0x88, s3;
	s6 =	simm.s32 @!p1 $0x1082;
	[sflag:s4] =	ssyncset.s32 $0xFFFFF086  }
0x25: {  	[simem:s6], [sflag:s4] =	dma.local [hbm:s3], $0xF7A  }
0x26: {  	[smem:$0x3F93] =	sst s1;
	(tag) =	ssettag s2;
	_ =	strace s9  }
0x27: {  	s1 =	sld [smem:$0x3FA3]  }
0x28: {  	s2 =	sld [smem:$0x3FA4]  }
0x29: {  	s4 =	sld [smem:$0x3FA6]  }
0x2a: {  	p0 =	seq.s32 s5, $0x0;
	s5 =	sld [smem:$0x3FA7]  }
0x2b: {  	s6 =	sld [smem:$0x3FA8]  }
0x2c: {  	s7 =	sld [smem:$0x3FA9]  }
0x2d: {  	s3 =	simm.s32 $0x108;
	s8 =	sld [smem:$0x3FAA]  }
0x2e: {  	s3 =	simm.s32 @!p0 $0x1082;
	s9 =	sld [smem:$0x3FAB]  }
0x2f: {  	lr =	sadd.s32 s0, s3;
	s0 =	sld [smem:$0x3FA2]  }
0x30: {  	s3 =	sld [smem:$0x3FA5]  }
0x31: {  	[smem:$0x3FAE] =	sst s10  }
0x32: {  	s10 =	sld [smem:$0x3FAC];
	_ =	sdelay $0x3  }
0x33: {  	p0 =	seq.s32 s10, $0x1;
	s10 =	sld [smem:$0x3FAE];
	_ =	sdelay $0x3  }
0x34: {  	[smem:$0x3FAE] =	sst s10  }
0x35: {  	s10 =	sld [smem:$0x3FAD];
	_ =	sdelay $0x3  }
0x36: {  	p1 =	seq.s32 s10, $0x1;
	s10 =	sld [smem:$0x3FAE];
	_ =	sdelay $0x3  }
0x37: {  	[smem:$0x3FAE] =	sst s10  }
0x38: {  	s10 =	sld [smem:$0x3FAF]  }
0x39: {  	_ = 	snop;
	(pc) =	sbr.ind lr, $3  }
0x3a: {  	_ = 	snop  }
0x3b: {  	_ = 	snop  }
0x3c: {  	p2 =	seq.s32 s10, $0x1;
	s10 =	sld [smem:$0x3FAE]  }
0x3d: {  	_ =	shalt  }
0x3e: {  	_ =	shalt  }
0x3f: {  	_ =	shalt  }
0x40: {  	_ =	shalt  }
0x41: {  	_ =	shalt  }
0x42: {  	_ =	shalt  }
0x43: {  	_ =	shalt  }
0x44: {  	_ =	shalt  }
0x45: {  	_ =	shalt  }
0x46: {  	_ =	shalt  }
0x47: {  	_ =	shalt  }
0x48: {  	_ =	shalt  }
0x49: {  	_ =	shalt  }
0x4a: {  	_ =	shalt  }
0x4b: {  	_ =	shalt  }
0x4c: {  	_ =	shalt  }
0x4d: {  	_ =	shalt  }
0x4e: {  	_ =	shalt  }
0x4f: {  	_ =	shalt  }
0x50: {  	_ =	shalt  }
0x51: {  	_ =	shalt  }
0x52: {  	_ =	shalt  }
0x53: {  	_ =	shalt  }
0x54: {  	_ =	shalt  }
0x55: {  	_ =	shalt  }
0x56: {  	_ =	shalt  }
0x57: {  	_ =	shalt  }
0x58: {  	_ =	shalt  }
0x59: {  	_ =	shalt  }
0x5a: {  	_ =	shalt  }
0x5b: {  	_ =	shalt  }
0x5c: {  	_ =	shalt  }
0x5d: {  	_ =	shalt  }
0x5e: {  	_ =	shalt  }
0x5f: {  	_ =	shalt  }
0x60: {  	_ =	shalt  }
0x61: {  	_ =	shalt  }
0x62: {  	_ =	shalt  }
0x63: {  	_ =	shalt  }
0x64: {  	_ =	shalt  }
0x65: {  	_ =	shalt  }
0x66: {  	_ =	shalt  }
0x67: {  	_ =	shalt  }
0x68: {  	_ =	shalt  }
0x69: {  	_ =	shalt  }
0x6a: {  	_ =	shalt  }
0x6b: {  	_ =	shalt  }
0x6c: {  	_ =	shalt  }
0x6d: {  	_ =	shalt  }
0x6e: {  	_ =	shalt  }
0x6f: {  	_ =	shalt  }
0x70: {  	_ =	shalt  }
0x71: {  	_ =	shalt  }
0x72: {  	_ =	shalt  }
0x73: {  	_ =	shalt  }
0x74: {  	_ =	shalt  }
0x75: {  	_ =	shalt  }
0x76: {  	_ =	shalt  }
0x77: {  	_ =	shalt  }
0x78: {  	_ =	shalt  }
0x79: {  	_ =	shalt  }
0x7a: {  	_ =	shalt  }
0x7b: {  	_ =	shalt  }
0x7c: {  	_ =	shalt  }
0x7d: {  	_ =	shalt  }
0x7e: {  	_ =	shalt  }
0x7f: {  	_ =	shalt  }
0x80: {  	_ =	shalt  }
0x81: {  	_ =	shalt  }
0x82: {  	_ =	shalt  }
0x83: {  	_ =	shalt  }
0x84: {  	_ =	shalt  }
0x85: {  	_ =	shalt  }
0x86: {  	_ =	shalt  }
0x87: {  	_ =	shalt  }
.Lfunc_end0:
.L_simem_size_0:
called_computation.3_lowered:
.L_overlay_start_0:
0x88: {  	s2 =	sld [smem:$0x3FD9]  }
0x89: {  	s3 =	sld [smem:$0x3FFE];
	_ =	sdelay $0x1  }
0x8a: {  	s1 =	srdreg.scid  }
0x8b: {  	s0 =	sand.u32 $0x1, s1  }
0x8c: {  	s14 =	sshll.u32 s0, $0xA;
	s2 =	sadd.s32 s3, s2  }
0x8d: {  	s2 =	sadd.s32 s2, s14  }
0x8e: {  	[smem:$0x3FBA] =	sst s2  }
0x8f: {  	_ = 	snop  }
0x90: {  	s2 =	sld [smem:$0x3FD0];
	_ =	sdelay $0x2  }
0x91: {  	s15 =	simm.s32 $0xA;
	s4 =	simm.s32 $0x10  }
0x92: {  	[smem:s4], [sflag:s15] =	dma.local [hbm:s2], $0x1  }
0x93: {  	_ =	swait.eq [sflag:s15], $0x1  }
0x94: {  	[sflag:s15] =	ssyncset.done $0x0  }
0x95: {  	[sflag:s15] =	ssyncadd.s32 $0xFFFFFFFF  }
0x96: {  	s16 =	sld [smem:$0x11];
	(tm) =	ssettm $0x1  }
0x97: {  	s17 =	sld [smem:$0x3FFB];
	_ =	sdelay $0x3  }
0x98: {  	_ =	strace s17  }
0x99: {  	s3 =	sld [smem:$0x3FFC];
	_ =	sdelay $0x3  }
0x9a: {  	_ =	strace s3  }
0x9b: {  	s3 =	sld [smem:$0x3FFD];
	_ =	sdelay $0x3  }
0x9c: {  	_ =	strace s3  }
0x9d: {  	_ =	strace $0x8FFFFFFF  }
0x9e: {  	s18 =	sld [smem:$0x3FDB];
	_ =	sdelay $0x1  }
0x9f: {  	s19 =	simm.s32 $_scs_section_size  }
0xa0: {  	s5 =	simm.s32 $_size__tile_overlayer_lowered;
	s6 =	simm.s32 $_tile_overlayer_lowered  }
0xa1: {  	s22 =	simm.s32 $0x1BFF;
	s21 =	sshll.u32 s6, $0x1;
	s3 =	sadd.s32 s19, s18  }
0xa2: {  	s7 =	simm.s32 $0x0;
	s20 =	sshll.u32 s5, $0x1;
	s5 =	sadd.s32 s21, s3  }
0xa3: {  	[timem:s7], [sflag:s22] =	dma.local [hbm:s5], s20  }
0xa4: {  	_ =	swait.ge [sflag:s22], s20  }
0xa5: {  	s4 =	ssub.s32 $0x0, s20;
	[sflag:s22] =	ssyncset.done $0x0  }
0xa6: {  	[sflag:s22] =	ssyncadd.s32 s4;
	_ =	sdelay $0x1  }
0xa7: {  	s23 =	simm.s32 $0x1B8B  }
0xa8: {  	_ =	swait.ge [sflag:s23], $0x1  }
0xa9: {  	[sflag:s23] =	ssyncset.done $0x0  }
0xaa: {  	s25 =	simm.s32 $0x1B8E;
	s24 =	sld [smem:$0x3FFE];
	[sflag:s23] =	ssyncadd.s32 $0xFFFFFFFF  }
0xab: {  	s26 =	simm.s32 $execute0_lowered;
	[smem:$0x3FD2] =	sst s25  }
0xac: {  	s5 =	sshll.u32 s26, $0x1;
	_ =	strace $0x8000004F;
	[dreg:$0x1] =	wrdreg $0xFFFFFFFF  }
0xad: {  	s28 =	simm.s32 $_size_execute0_lowered;
	s3 =	sadd.s32 s3, s5;
	[dreg:$0x0] =	wrdreg $0x0  }
0xae: {  	s5 =	sshll.u32 s28, $0x1;
	[dreg:$0x2] =	wrdreg s3  }
0xaf: {  	[dreg:$0x3] =	wrdreg s5  }
0xb0: {  	[dreg:$0x4] =	wrdreg $0xC0  }
0xb1: {  	_ =	task [dreg:s7], $0x5FFFF  }
0xb2: {  	[dreg:$0x1] =	wrdreg $0xFFFFFFFF  }
0xb3: {  	[dreg:$0x0] =	wrdreg $0x60  }
0xb4: {  	[dreg:$0x2] =	wrdreg s24  }
0xb5: {  	[dreg:$0x3] =	wrdreg s16  }
0xb6: {  	[dreg:$0x4] =	wrdreg $0xE9200  }
0xb7: {  	[dreg:$0x5] =	wrdreg $0xC1200  }
0xb8: {  	[dreg:$0x6] =	wrdreg $0x9  }
0xb9: {  	_ =	task.clear_ibuf [dreg:s7], $0x7FFFF;
	_ =	strace $0x9000004F  }
0xba: {  	s29 =	simm.s32 $0x9;
	_ =	strace $0x80000051  }
0xbb: {  	_ =	swait.ge [sflag:s29], $0x1  }
0xbc: {  	[sflag:s29] =	ssyncadd.s32 $0xFFFFFFFF  }
0xbd: {  	_ =	strace $0x90000051  }
0xbe: {  	_ =	sfence  }
0xbf: {  	s30 =	sld [smem:$0x0];
	_ =	sdelay $0x2  }
0xc0: {  	s31 =	sshll.u32 s1, $0xD;
	s1 =	sshrl.u32 s1, $0x2  }
0xc1: {  	s3 =	sand.u32 $0x4000, s31;
	s1 =	sadd.s32 s1, s30  }
0xc2: {  	s0 =	sor.u32 s3, s0;
	s1 =	sshll.u32 s1, $0x11  }
0xc3: {  	s0 =	sor.u32 s1, s0  }
0xc4: {  	s0 =	sadd.s32 $0x8F2B, s0  }
0xc5: {  	[sflag:s0] =	ssyncadd.remote.s32 $0x1  }
0xc6: {  	_ =	sfence.sel $0xFFFF  }
0xc7: {  	[dreg:$0x0] =	wrdreg $0xFFFFFFFF;
	(pc) =	sbr.abs _section_cstart, $3  }
0xc8: {  	[dreg:$0x1] =	wrdreg $0xFFFFFFFF  }
0xc9: {  	_ =	task.clear_ibuf [dreg:s7], $0x2FFFF;
	_ =	strace $0x9FFFFFFF  }
0xca: {  	(tm) =	ssettm $0x7FFFFFFF  }
0xcb: {  	_ =	shalt  }
tec
execute0_lowered:
.L_overlay_start_1:
0x0: {  	(tag) =	ssettag $0x1  }
0x1: {  	s0 =	srdreg.scid  }
0x2: {  	s9 =	stileid.u32;
	s4 =	rddreg [dreg:$0x0]  }
0x3: {  	s17 =	rddreg [dreg:$0x1];
	s13 =	smul.u32 $0x280, s9  }
0x4: {  	s2 =	rddreg [dreg:$0x2];
	s7 =	smul.u32 $0x2800, s9  }
0x5: {  	s14 =	rddreg [dreg:$0x3];
	s11 =	smul.u32 $0xA000, s9  }
0x6: {  	s3 =	simm.s32 $0x0;
	s0 =	sand.u32 $0x1, s0;
	s19 =	smul.u32 $0x4E20, s9  }
0x7: {  	s20 =	simm.s32 $0x9420;
	s28 =	simm.s32 $0x6C20;
	s6 =	smul.u32 $0x2800, s0  }
0x8: {  	s29 =	simm.s32 $0x50;
	s1 =	sshll.u32 s9, $0x1;
	s8 =	smul.u32 $0x28000, s0  }
0x9: {  	s1 =	sor.u32 s0, s1;
	s22 =	ssub.s32 $0x2, s0;
	s0 =	smul.u32 $0x2710, s0  }
0xa: {  	s30 =	simm.s32 $0xBEA0;
	[smem:$0x7FF] =	sst s3;
	s5 =	smul.u32 $0x4E2, s1  }
0xb: {  	s31 =	simm.s32 $0xBC20;
	_ =	strace $0x80000050;
	s24 =	smul.u32 $0x27100, s1  }
0xc: {  	s23 =	sshrl.u32 s22, $0x1;
	s1 =	smul.u32 $0x4E20, s1;
	s26 =	sshrl.u32 s11, $0x2  }
0xd: {  	s6 =	sadd.s32 s13, s6;
	s8 =	sadd.s32 s7, s8;
	s18 =	ssub.s32 s22, s23  }
0xe: {  	s0 =	sadd.s32 s0, s19;
	s13 =	sadd.s32 s13, s14;
	s5 =	sadd.s32 s5, s4  }
0xf: {  	s6 =	sshrl.u32 s6, $0x3;
	s21 =	sshrl.u32 s8, $0x3;
	s25 =	sshrl.u32 s24, $0x3  }
0x10: {  	s0 =	sshll.u32 s0, $0x1;
	s15 =	sadd.s32 s6, s4;
	s16 =	sadd.s32 s21, s4  }
0x11: {  	s4 =	sadd.s32 $0x15800, s5;
	s5 =	sadd.s32 $0x1F600, s5;
	s6 =	sadd.s32 s7, s2  }
0x12: {  	s12 =	sadd.s32 s17, s25;
	s7 =	sadd.s32 s17, s1;
	s0 =	sadd.s32 s17, s0  }
0x13: {  	s1 =	simm.s32 $0x0;
	s8 =	sadd.s32 $0xA0, s12;
	s9 =	sadd.s32 $0x140, s12  }
0x14: {  	s10 =	sadd.s32 $0x1E0, s12;
	s11 =	sadd.s32 $0x280, s12;
	s12 =	sadd.s32 s26, s14  }
0x15: {  	s14 =	sadd.s32 $0x29400, s15;
	s15 =	sadd.s32 $0x2BA00, s16;
	s16 =	smax.u32 s18, $0x1  }
0x16: {  	v0 =	vimm.f32 $0.0e+00;
	s21 =	sadd.s32 $0x320, s0;
	s18 =	simm.s32 $0x2;
	s26 =	simm.s32 $0x1  }
.LBB2_1:
0x17: {  	[tilespmem:s3], [sflag:$0x2] =	stream.linear.gather [hbm4b:s4+s3], $0x2710, $0x38;
	[tilespmem:$0x11120] =	vst v63  }
0x18: {  	_ =	swait.ge [sflag:s18], $0x2710  }
0x19: {  	[sflag:s18] =	ssyncset.done $0x0  }
0x1a: {  	s0 =	simm.s32 $0x2710;
	[sflag:s18] =	ssyncadd.s32 $0xFFFFD8F0  }
0x1b: {  	[tilespmem:s0], [sflag:$0x2] =	stream.linear.gather [hbm4b:s5+s3], $0x2710, $0x38;
	[tilespmem:$0x11120] =	vst v63  }
0x1c: {  	_ =	swait.ge [sflag:s18], $0x2710  }
0x1d: {  	[sflag:s18] =	ssyncset.done $0x0  }
0x1e: {  	s0 =	simm.s32 $0x0;
	[sflag:s18] =	ssyncadd.s32 $0xFFFFD8F0  }
.LBB2_2:
0x1f: {  	p0 =	sne.s32 s0, $0x9FC0  }
.Ltmp0:
0x20: {  	_ = 	snop;
	(pc) =	sbr.rel @p0 .LBB2_2-.Ltmp0, $3  }
0x21: {  	_ =	sdelay $0x1  }
0x22: {  	s17 =	sshra.s32 s0, $0x2  }
0x23: {  	s0 =	sadd.s32 $0x40, s0;
	[tilespmem:s17+$0x6C20] =	vst v0  }
0x24: {  	s0 =	simm.s32 $0x40;
	s17 =	simm.s32 $0x0  }
.LBB2_4:
0x25: {  	p0 =	sne.s32 s0, $0x9FC0;
	[tilespmem:s17+$0x9420] =	vst v0;
	s17 =	smov.u32 s0;
	s0 =	sadd.s32 $0x40, s0  }
.Ltmp1:
0x26: {  	(pc) =	sbr.rel @p0 .LBB2_4-.Ltmp1, $2  }
0x27: {  	_ =	sdelay $0x2  }
0x28: {  	s17 =	sshra.s32 s17, $0x2  }
0x29: {  	[tilespmem:s17+$0x9420] =	vst v0  }
0x2a: {  	[spmem:s6] =	stream.linear.scatter [tilespmem:s20], [sflag:$0x2], $0x2800, $0x38;
	[tilespmem:$0x11120] =	vst v63  }
0x2b: {  	_ =	swait.ge [sflag:s18], $0x2800  }
0x2c: {  	[sflag:s18] =	ssyncset.done $0x0  }
0x2d: {  	[sflag:s18] =	ssyncadd.s32 $0xFFFFD800  }
0x2e: {  	s0 =	simm.s32 $0x0;
	s19 =	simm.s32 $0x4E20;
	[bflag:$0x0] =	sbarrier.arrive $0xFFFF  }
0x2f: {  	[tilespmem:s19], [sflag:$0x1] =	stream.linear.gather [hbm4b:s7+s0], $0x500, $0x38;
	[tilespmem:$0x11120] =	vst v63  }
0x30: {  	s22 =	simm.s32 $0x5320  }
0x31: {  	[tilespmem:s22], [sflag:$0x1] =	stream.linear.gather [hbm4b:s8+s0], $0x500, $0x38;
	[tilespmem:$0x11120] =	vst v63  }
0x32: {  	s23 =	simm.s32 $0x5820  }
0x33: {  	[tilespmem:s23], [sflag:$0x1] =	stream.linear.gather [hbm4b:s9+s0], $0x500, $0x38;
	[tilespmem:$0x11120] =	vst v63  }
0x34: {  	s24 =	simm.s32 $0x5D20;
	s25 =	simm.s32 $0x6220  }
0x35: {  	[tilespmem:s24], [sflag:$0x1] =	stream.linear.gather [hbm4b:s10+s0], $0x500, $0x38;
	[tilespmem:$0x11120] =	vst v63  }
0x36: {  	s17 =	smov.u32 s21;
	s19 =	simm.s32 $0x2730;
	s22 =	simm.s32 $0x0  }
0x37: {  	[tilespmem:s25], [sflag:$0x1] =	stream.linear.gather [hbm4b:s11+s0], $0x500, $0x38;
	[tilespmem:$0x11120] =	vst v63  }
.LBB2_6:
0x38: {  	_ =	swait.ge [sflag:s26], $0x500  }
0x39: {  	[sflag:s26] =	ssyncset.done $0x0  }
0x3a: {  	[sflag:s26] =	ssyncadd.s32 $0xFFFFFB00  }
0x3b: {  	v1 =	vld [tilespmem:s0+$0x0];
	_ =	sdelay $0x2  }
0x3c: {  	v2 =	vld [tilespmem:s19+$0xFFFFFFE0];
	_ =	sdelay $0x4  }
0x3d: {  	[tilespmem:v1+s28+$0x0] =	vst.idx.add.f32.msk $0xffff, v2  }
0x3e: {  	v1 =	vld [tilespmem:s0+$0x10];
	_ =	sdelay $0x2  }
0x3f: {  	v2 =	vld [tilespmem:s19+$0xFFFFFFF0];
	_ =	sdelay $0x4  }
0x40: {  	[tilespmem:v1+s28+$0x0] =	vst.idx.add.f32.msk $0xffff, v2  }
0x41: {  	v1 =	vld [tilespmem:s0+$0x20];
	_ =	sdelay $0x2  }
0x42: {  	v2 =	vld [tilespmem:s19+$0x0];
	_ =	sdelay $0x4  }
0x43: {  	[tilespmem:v1+s28+$0x0] =	vst.idx.add.f32.msk $0xffff, v2  }
0x44: {  	v1 =	vld [tilespmem:s0+$0x30];
	_ =	sdelay $0x2  }
0x45: {  	v2 =	vld [tilespmem:s19+$0x10];
	_ =	sdelay $0x2  }
0x46: {  	s23 =	smul.u32 $0xAB, s22;
	_ =	sdelay $0x1  }
0x47: {  	s23 =	sshrl.u32 s23, $0xA;
	[tilespmem:v1+s28+$0x0] =	vst.idx.add.f32.msk $0xffff, v2  }
0x48: {  	s23 =	sand.u32 $0x3F, s23;
	v1 =	vld [tilespmem:s0+$0x40]  }
0x49: {  	s23 =	smul.u32 $0x6, s23  }
0x4a: {  	p0 =	sgt.u32 s22, $0x77  }
0x4b: {  	s24 =	sadd.s32 @!p0 $0x5, s22;
	s23 =	ssub.s32 s22, s23;
	v2 =	vld [tilespmem:s19+$0x20]  }
0x4c: {  	s25 =	smul.u32 @!p0 $0xAB, s24;
	s23 =	sand.u32 $0xFF, s23  }
0x4d: {  	s23 =	smul.u32 $0x1400, s23  }
0x4e: {  	s25 =	sshrl.u32 @!p0 s25, $0xA  }
0x4f: {  	s25 =	sand.u32 @!p0 $0x3F, s25;
	s23 =	sshrl.u32 s23, $0x2  }
0x50: {  	s25 =	smul.u32 @!p0 $0x6, s25;
	s23 =	sadd.s32 $0x4E20, s23;
	[tilespmem:v1+s28+$0x0] =	vst.idx.add.f32.msk $0xffff, v2  }
0x51: {  	[spmem:s2] =	stream.indirect.scatter.add.f32 [tilespmem:s23], [sflag:$0x2], $0x10, s0, s29, $0xb8;
	[tilespmem:$0x11120] =	vst v63  }
0x52: {  	s23 =	ssub.s32 @!p0 s24, s25  }
0x53: {  	s23 =	sand.u32 @!p0 $0xFF, s23  }
0x54: {  	s23 =	smul.u32 @!p0 $0x1400, s23  }
0x55: {  	_ =	swait.ge [sflag:s18], $0x500  }
0x56: {  	s22 =	sadd.s32 $0x1, s22;
	[sflag:s18] =	ssyncset.done $0x0;
	s23 =	sshrl.u32 @!p0 s23, $0x2  }
0x57: {  	s24 =	simm.s32 @!p0 $0x0;
	[sflag:s18] =	ssyncadd.s32 $0xFFFFFB00;
	s23 =	sadd.s32 @!p0 $0x4E20, s23  }
0x58: {  	[tilespmem:s23], [sflag:$0x1] =	stream.linear.gather @!p0 [hbm4b:s17+s24], $0x500, $0x38;
	[tilespmem:$0x11120] =	vst v63  }
0x59: {  	p0 =	sne.s32 s22, $0x7D  }
.Ltmp2:
0x5a: {  	_ = 	snop;
	(pc) =	sbr.rel @p0 .LBB2_6-.Ltmp2, $2  }
0x5b: {  	_ =	sdelay $0x2  }
0x5c: {  	s19 =	sadd.s32 $0x50, s19;
	s0 =	sadd.s32 $0x50, s0;
	s17 =	sadd.s32 $0xA0, s17  }
0x5d: {  	[spmem:s12] =	stream.linear.scatter [tilespmem:s28], [sflag:$0x2], $0x2800, $0x38;
	[tilespmem:$0x11120] =	vst v63  }
0x5e: {  	_ =	swait.ge [sflag:s18], $0x2800  }
0x5f: {  	[sflag:s18] =	ssyncset.done $0x0  }
0x60: {  	[sflag:s18] =	ssyncadd.s32 $0xFFFFD800  }
0x61: {  	[bflag:$0x0] =	sbarrier.arrive $0xFFFF  }
0x62: {  	[tilespmem:$0xBC20] =	vst v0  }
0x63: {  	[tilespmem:$0xBC30] =	vst v0  }
0x64: {  	[tilespmem:$0xBC40] =	vst v0  }
0x65: {  	[tilespmem:$0xBC50] =	vst v0  }
0x66: {  	[tilespmem:$0xBC60] =	vst v0  }
0x67: {  	[tilespmem:$0xBC70] =	vst v0  }
0x68: {  	[tilespmem:$0xBC80] =	vst v0  }
0x69: {  	[tilespmem:$0xBC90] =	vst v0  }
0x6a: {  	[tilespmem:$0xBCA0] =	vst v0  }
0x6b: {  	[tilespmem:$0xBCB0] =	vst v0  }
0x6c: {  	[tilespmem:$0xBCC0] =	vst v0  }
0x6d: {  	[tilespmem:$0xBCD0] =	vst v0  }
0x6e: {  	[tilespmem:$0xBCE0] =	vst v0  }
0x6f: {  	[tilespmem:$0xBCF0] =	vst v0  }
0x70: {  	[tilespmem:$0xBD00] =	vst v0  }
0x71: {  	[tilespmem:$0xBD10] =	vst v0  }
0x72: {  	[tilespmem:$0xBD20] =	vst v0  }
0x73: {  	[tilespmem:$0xBD30] =	vst v0  }
0x74: {  	[tilespmem:$0xBD40] =	vst v0  }
0x75: {  	[tilespmem:$0xBD50] =	vst v0  }
0x76: {  	[tilespmem:$0xBD60] =	vst v0  }
0x77: {  	[tilespmem:$0xBD70] =	vst v0  }
0x78: {  	[tilespmem:$0xBD80] =	vst v0  }
0x79: {  	[tilespmem:$0xBD90] =	vst v0  }
0x7a: {  	[tilespmem:$0xBDA0] =	vst v0  }
0x7b: {  	[tilespmem:$0xBDB0] =	vst v0  }
0x7c: {  	[tilespmem:$0xBDC0] =	vst v0  }
0x7d: {  	[tilespmem:$0xBDD0] =	vst v0  }
0x7e: {  	[tilespmem:$0xBDE0] =	vst v0  }
0x7f: {  	[tilespmem:$0xBDF0] =	vst v0  }
0x80: {  	[tilespmem:$0xBE00] =	vst v0  }
0x81: {  	[tilespmem:$0xBE10] =	vst v0  }
0x82: {  	[tilespmem:$0xBE20] =	vst v0  }
0x83: {  	[tilespmem:$0xBE30] =	vst v0  }
0x84: {  	[tilespmem:$0xBE40] =	vst v0  }
0x85: {  	[tilespmem:$0xBE50] =	vst v0  }
0x86: {  	[tilespmem:$0xBE60] =	vst v0  }
0x87: {  	[tilespmem:$0xBE70] =	vst v0  }
0x88: {  	[tilespmem:$0xBE80] =	vst v0  }
0x89: {  	s0 =	simm.s32 $0x0;
	[tilespmem:$0xBE90] =	vst v0  }
.LBB2_8:
0x8a: {  	s17 =	smul.u32 $0xA000, s0;
	_ =	sdelay $0x1  }
0x8b: {  	s17 =	sshra.s32 s17, $0x2  }
0x8c: {  	s17 =	sadd.s32 s17, s13  }
0x8d: {  	[tilespmem:s30], [sflag:$0x2] =	stream.linear.gather [spmem:s17], $0x280, $0x38;
	[tilespmem:$0x11120] =	vst v63  }
0x8e: {  	_ =	swait.ge [sflag:s18], $0x280  }
0x8f: {  	[sflag:s18] =	ssyncset.done $0x0  }
0x90: {  	s17 =	simm.s32 $0x0;
	[sflag:s18] =	ssyncadd.s32 $0xFFFFFD80  }
0x91: {  	s19 =	simm.s32 $0x40;
	v1 =	vld [tilespmem:s17+$0xBEA0]  }
.LBB2_9:
0x92: {  	p0 =	sne.s32 s19, $0x9C0;
	v2 =	vld [tilespmem:s17+$0xBC20];
	_ =	sdelay $0x2  }
.Ltmp3:
0x93: {  	(pc) =	sbr.rel @p0 .LBB2_9-.Ltmp3, $4  }
0x94: {  	_ = 	snop  }
0x95: {  	v2 =	vadd.f32 v1, v2  }
0x96: {  	s22 =	sshra.s32 s19, $0x2  }
0x97: {  	s19 =	sadd.s32 $0x40, s19;
	v1 =	vld [tilespmem:s22+$0xBEA0];
	[tilespmem:s17+$0xBC20] =	vst v2;
	s17 =	smov.u32 s22  }
0x98: {  	v2 =	vld [tilespmem:s17+$0xBC20]  }
0x99: {  	s0 =	sadd.s32 $0x1, s0  }
0x9a: {  	p0 =	sne.s32 s0, $0x10  }
.Ltmp4:
0x9b: {  	_ = 	snop;
	(pc) =	sbr.rel @p0 .LBB2_8-.Ltmp4, $3  }
0x9c: {  	_ = 	snop  }
0x9d: {  	v1 =	vadd.f32 v1, v2;
	_ =	sdelay $0x1  }
0x9e: {  	[tilespmem:s17+$0xBC20] =	vst v1  }
0x9f: {  	[hbm4b:s14+s3] =	stream.linear.scatter [tilespmem:s31], [sflag:$0x2], $0x280, $0x38;
	[tilespmem:$0x11120] =	vst v63  }
0xa0: {  	_ =	swait.ge [sflag:s18], $0x280  }
0xa1: {  	[sflag:s18] =	ssyncset.done $0x0  }
0xa2: {  	[sflag:s18] =	ssyncadd.s32 $0xFFFFFD80  }
0xa3: {  	[tilespmem:s20], [sflag:$0x2] =	stream.linear.gather [spmem:s6], $0x2800, $0x38;
	[tilespmem:$0x11120] =	vst v63  }
0xa4: {  	s1 =	sadd.s32 $0x1, s1;
	_ =	swait.ge [sflag:s18], $0x2800  }
0xa5: {  	p0 =	sne.s32 s1, s16;
	[sflag:s18] =	ssyncset.done $0x0  }
.Ltmp5:
0xa6: {  	[sflag:s18] =	ssyncadd.s32 $0xFFFFD800;
	(pc) =	sbr.rel @p0 .LBB2_1-.Ltmp5, $4  }
0xa7: {  	[hbm4b:s15+s3] =	stream.linear.scatter [tilespmem:s20], [sflag:$0x2], $0x2800, $0x38;
	[tilespmem:$0x11120] =	vst v63  }
0xa8: {  	_ =	swait.ge [sflag:s18], $0x2800  }
0xa9: {  	[sflag:s18] =	ssyncset.done $0x0  }
0xaa: {  	[sflag:s18] =	ssyncadd.s32 $0xFFFFD800  }
0xab: {  	_ =	sfence.sel $0x180000  }
0xac: {  	[bflag:$0x0] =	sbarrier.arrive $0xFFFF  }
0xad: {  	_ =	strace $0x90000050  }
0xae: {  	s0 =	stileid.u32;
	[bflag:$0x2] =	sbarrier.arrive $0xFFFF  }
0xaf: {  	p0 =	sne.s32 s0, $0x0;
	s0 =	rddreg [dreg:$0x4]  }
0xb0: {  	s0 =	sadd.s32 @!p0 $0x100000, s0  }
0xb1: {  	[sflag:s0] =	ssyncadd.tile.s32 @!p0 $0x1;
	_ =	shalt  }
.Lfunc_end2:
_tile_overlayer_lowered:
.L_overlay_start_2:
0xb2: {  	(tag) =	ssettag $0x2  }
0xb3: {  	s0 =	rddreg [dreg:$0x0];
	s2 =	stileid.u32  }
0xb4: {  	s1 =	rddreg [dreg:$0x1];
	p0 =	sne.s32 s2, $0x0  }
0xb5: {  	s3 =	rddreg [dreg:$0x2];
	[bflag:$0x3] =	sbarrier.arrive $0xFFFF;
	s2 =	simm.s32 @!p0 $0x1C02  }
0xb6: {  	[timem:s3], [sflag:s2] =	dma.local @!p0 [hbm:s0], s1  }
0xb7: {  	s0 =	simm.s32 @!p0 $0x2  }
0xb8: {  	_ =	swait.ge @!p0 [sflag:s0], s1  }
0xb9: {  	s1 =	ssub.s32 @!p0 $0x0, s1;
	[sflag:s0] =	ssyncset.done @!p0 $0x0  }
0xba: {  	[sflag:s0] =	ssyncadd.s32 @!p0 s1  }
0xbb: {  	[bflag:$0x3] =	sbarrier.arrive $0xFFFF  }
0xbc: {  	_ =	shalt  }

// kernel: kernel.27.cloned.1.call-start
scs
__scs_entry_jumppad:
0x0: {  	(pc) =	sbr.rel $0x88, $3  }
0x1: {  	(tag) =	ssettag $0x0;
	lr =	simm.s32 $0x1  }
0x2: {  	[smem:$0x3F93] =	sst lr;
	_ =	strace $0xD0000000  }
0x3: {  	_ = 	snop  }
0x4: {  	_ = 	snop  }
0x5: {  	_ = 	snop  }
0x6: {  	_ = 	snop  }
0x7: {  	_ = 	snop  }
__scs_overlays_trampoline_lowered:
0x8: {  	[smem:$0x3FA2] =	sst s0  }
0x9: {  	[smem:$0x3FA3] =	sst s1  }
0xa: {  	[smem:$0x3FA4] =	sst s2  }
0xb: {  	[smem:$0x3FA5] =	sst s3  }
0xc: {  	[smem:$0x3FA6] =	sst s4  }
0xd: {  	[smem:$0x3FA7] =	sst s5  }
0xe: {  	[smem:$0x3FA8] =	sst s6  }
0xf: {  	[smem:$0x3FA9] =	sst s7  }
0x10: {  	[smem:$0x3FAA] =	sst s8  }
0x11: {  	[smem:$0x3FAB] =	sst s9;
	s0 =	simm.s32 @!p0 $0x0  }
0x12: {  	s1 =	sld [smem:$0x3F91];
	s0 =	simm.s32 @p0 $0x1  }
0x13: {  	[smem:$0x3FAC] =	sst s0;
	s0 =	simm.s32 @!p1 $0x0  }
0x14: {  	s2 =	sld [smem:$0x3F90];
	s0 =	simm.s32 @p1 $0x1  }
0x15: {  	[smem:$0x3FAD] =	sst s0;
	s0 =	simm.s32 @!p2 $0x0  }
0x16: {  	s3 =	sld [smem:$0x3FDB];
	s0 =	simm.s32 @p2 $0x1  }
0x17: {  	s4 =	simm.s32 $0x1BF5;
	[smem:$0x3FAF] =	sst s0  }
0x18: {  	s0 =	sld [smem:$0x3F92];
	_ =	swait.ge [sflag:s4], $0x0  }
0x19: {  	s7 =	sld [smem:$0x3F93]  }
0x1a: {  	s8 =	sadd.s32 $0xFFFFE003, lr  }
0x1b: {  	s9 =	sadd.s32 $0xFFFFFEF7, lr;
	s5 =	simm.s32 $0xFFFFFFFF;
	p2 =	slt.u32 s8, $0xFFFFF086  }
0x1c: {  	p1 =	slt.u32 s9, $0xF7A;
	s5 =	simm.s32 @!p2 $0x0  }
0x1d: {  	s5 =	simm.s32 @p1 $0x1;
	p0 =	seq.s32 s7, s2  }
0x1e: {  	s7 =	smul.u32 @!p0 $0xF7A, s2;
	p2 =	seq.s32 @!p0 s5, $0x0  }
0x1f: {  	s9 =	smul.u32 $0xF7A, s1;
	s8 =	simm.s32 @!p0 $0x1BF5;
	p2 =	por !p2, p0  }
0x20: {  	[sflag:s8] =	ssyncset.s32 @!p0 $0xFFFFF086;
	s6 =	sadd.s32 @!p0 s3, s7;
	s7 =	simm.s32 @!p0 $0x108  }
0x21: {  	s3 =	sadd.s32 s3, s9;
	s6 =	sadd.s32 @!p0 $0x88, s6;
	s7 =	simm.s32 @p2 $0x1082  }
0x22: {  	[simem:s7], [sflag:s8] =	dma.local @!p0 [hbm:s6], $0xF7A  }
0x23: {  	s9 =	sor.u32 $0xD0000000, s2;
	s6 =	simm.s32 $0x108;
	_ =	swait.ge @!p0 [sflag:s8], $0x0  }
0x24: {  	s3 =	sadd.s32 $0x88, s3;
	s6 =	simm.s32 @!p1 $0x1082;
	[sflag:s4] =	ssyncset.s32 $0xFFFFF086  }
0x25: {  	[simem:s6], [sflag:s4] =	dma.local [hbm:s3], $0xF7A  }
0x26: {  	[smem:$0x3F93] =	sst s1;
	(tag) =	ssettag s2;
	_ =	strace s9  }
0x27: {  	s1 =	sld [smem:$0x3FA3]  }
0x28: {  	s2 =	sld [smem:$0x3FA4]  }
0x29: {  	s4 =	sld [smem:$0x3FA6]  }
0x2a: {  	p0 =	seq.s32 s5, $0x0;
	s5 =	sld [smem:$0x3FA7]  }
0x2b: {  	s6 =	sld [smem:$0x3FA8]  }
0x2c: {  	s7 =	sld [smem:$0x3FA9]  }
0x2d: {  	s3 =	simm.s32 $0x108;
	s8 =	sld [smem:$0x3FAA]  }
0x2e: {  	s3 =	simm.s32 @!p0 $0x1082;
	s9 =	sld [smem:$0x3FAB]  }
0x2f: {  	lr =	sadd.s32 s0, s3;
	s0 =	sld [smem:$0x3FA2]  }
0x30: {  	s3 =	sld [smem:$0x3FA5]  }
0x31: {  	[smem:$0x3FAE] =	sst s10  }
0x32: {  	s10 =	sld [smem:$0x3FAC];
	_ =	sdelay $0x3  }
0x33: {  	p0 =	seq.s32 s10, $0x1;
	s10 =	sld [smem:$0x3FAE];
	_ =	sdelay $0x3  }
0x34: {  	[smem:$0x3FAE] =	sst s10  }
0x35: {  	s10 =	sld [smem:$0x3FAD];
	_ =	sdelay $0x3  }
0x36: {  	p1 =	seq.s32 s10, $0x1;
	s10 =	sld [smem:$0x3FAE];
	_ =	sdelay $0x3  }
0x37: {  	[smem:$0x3FAE] =	sst s10  }
0x38: {  	s10 =	sld [smem:$0x3FAF]  }
0x39: {  	_ = 	snop;
	(pc) =	sbr.ind lr, $3  }
0x3a: {  	_ = 	snop  }
0x3b: {  	_ = 	snop  }
0x3c: {  	p2 =	seq.s32 s10, $0x1;
	s10 =	sld [smem:$0x3FAE]  }
0x3d: {  	_ =	shalt  }
0x3e: {  	_ =	shalt  }
0x3f: {  	_ =	shalt  }
0x40: {  	_ =	shalt  }
0x41: {  	_ =	shalt  }
0x42: {  	_ =	shalt  }
0x43: {  	_ =	shalt  }
0x44: {  	_ =	shalt  }
0x45: {  	_ =	shalt  }
0x46: {  	_ =	shalt  }
0x47: {  	_ =	shalt  }
0x48: {  	_ =	shalt  }
0x49: {  	_ =	shalt  }
0x4a: {  	_ =	shalt  }
0x4b: {  	_ =	shalt  }
0x4c: {  	_ =	shalt  }
0x4d: {  	_ =	shalt  }
0x4e: {  	_ =	shalt  }
0x4f: {  	_ =	shalt  }
0x50: {  	_ =	shalt  }
0x51: {  	_ =	shalt  }
0x52: {  	_ =	shalt  }
0x53: {  	_ =	shalt  }
0x54: {  	_ =	shalt  }
0x55: {  	_ =	shalt  }
0x56: {  	_ =	shalt  }
0x57: {  	_ =	shalt  }
0x58: {  	_ =	shalt  }
0x59: {  	_ =	shalt  }
0x5a: {  	_ =	shalt  }
0x5b: {  	_ =	shalt  }
0x5c: {  	_ =	shalt  }
0x5d: {  	_ =	shalt  }
0x5e: {  	_ =	shalt  }
0x5f: {  	_ =	shalt  }
0x60: {  	_ =	shalt  }
0x61: {  	_ =	shalt  }
0x62: {  	_ =	shalt  }
0x63: {  	_ =	shalt  }
0x64: {  	_ =	shalt  }
0x65: {  	_ =	shalt  }
0x66: {  	_ =	shalt  }
0x67: {  	_ =	shalt  }
0x68: {  	_ =	shalt  }
0x69: {  	_ =	shalt  }
0x6a: {  	_ =	shalt  }
0x6b: {  	_ =	shalt  }
0x6c: {  	_ =	shalt  }
0x6d: {  	_ =	shalt  }
0x6e: {  	_ =	shalt  }
0x6f: {  	_ =	shalt  }
0x70: {  	_ =	shalt  }
0x71: {  	_ =	shalt  }
0x72: {  	_ =	shalt  }
0x73: {  	_ =	shalt  }
0x74: {  	_ =	shalt  }
0x75: {  	_ =	shalt  }
0x76: {  	_ =	shalt  }
0x77: {  	_ =	shalt  }
0x78: {  	_ =	shalt  }
0x79: {  	_ =	shalt  }
0x7a: {  	_ =	shalt  }
0x7b: {  	_ =	shalt  }
0x7c: {  	_ =	shalt  }
0x7d: {  	_ =	shalt  }
0x7e: {  	_ =	shalt  }
0x7f: {  	_ =	shalt  }
0x80: {  	_ =	shalt  }
0x81: {  	_ =	shalt  }
0x82: {  	_ =	shalt  }
0x83: {  	_ =	shalt  }
0x84: {  	_ =	shalt  }
0x85: {  	_ =	shalt  }
0x86: {  	_ =	shalt  }
0x87: {  	_ =	shalt  }
.Lfunc_end0:
.L_simem_size_0:
called_computation.4_lowered:
.L_overlay_start_0:
0x88: {  	s2 =	sld [smem:$0x3FD9]  }
0x89: {  	s3 =	sld [smem:$0x3FFE];
	_ =	sdelay $0x1  }
0x8a: {  	s1 =	srdreg.scid  }
0x8b: {  	s0 =	sand.u32 $0x1, s1  }
0x8c: {  	s14 =	sshll.u32 s0, $0xA;
	s2 =	sadd.s32 s3, s2  }
0x8d: {  	s2 =	sadd.s32 s2, s14  }
0x8e: {  	[smem:$0x3FBA] =	sst s2  }
0x8f: {  	_ = 	snop  }
0x90: {  	s2 =	sld [smem:$0x3FD0];
	_ =	sdelay $0x2  }
0x91: {  	s15 =	simm.s32 $0xA;
	s4 =	simm.s32 $0x10  }
0x92: {  	[smem:s4], [sflag:s15] =	dma.local [hbm:s2], $0x1  }
0x93: {  	_ =	swait.eq [sflag:s15], $0x1  }
0x94: {  	[sflag:s15] =	ssyncset.done $0x0  }
0x95: {  	[sflag:s15] =	ssyncadd.s32 $0xFFFFFFFF  }
0x96: {  	s16 =	sld [smem:$0x11];
	(tm) =	ssettm $0x1  }
0x97: {  	s17 =	sld [smem:$0x3FFB];
	_ =	sdelay $0x3  }
0x98: {  	_ =	strace s17  }
0x99: {  	s3 =	sld [smem:$0x3FFC];
	_ =	sdelay $0x3  }
0x9a: {  	_ =	strace s3  }
0x9b: {  	s3 =	sld [smem:$0x3FFD];
	_ =	sdelay $0x3  }
0x9c: {  	_ =	strace s3  }
0x9d: {  	_ =	strace $0x8FFFFFFF  }
0x9e: {  	s18 =	sld [smem:$0x3FDB];
	_ =	sdelay $0x1  }
0x9f: {  	s19 =	simm.s32 $_scs_section_size  }
0xa0: {  	s5 =	simm.s32 $_size__tile_overlayer_lowered;
	s6 =	simm.s32 $_tile_overlayer_lowered  }
0xa1: {  	s22 =	simm.s32 $0x1BFF;
	s21 =	sshll.u32 s6, $0x1;
	s3 =	sadd.s32 s19, s18  }
0xa2: {  	s7 =	simm.s32 $0x0;
	s20 =	sshll.u32 s5, $0x1;
	s5 =	sadd.s32 s21, s3  }
0xa3: {  	[timem:s7], [sflag:s22] =	dma.local [hbm:s5], s20  }
0xa4: {  	_ =	swait.ge [sflag:s22], s20  }
0xa5: {  	s4 =	ssub.s32 $0x0, s20;
	[sflag:s22] =	ssyncset.done $0x0  }
0xa6: {  	[sflag:s22] =	ssyncadd.s32 s4;
	_ =	sdelay $0x1  }
0xa7: {  	s23 =	simm.s32 $0x1B8B  }
0xa8: {  	_ =	swait.ge [sflag:s23], $0x1  }
0xa9: {  	[sflag:s23] =	ssyncset.done $0x0  }
0xaa: {  	s25 =	simm.s32 $0x1B8E;
	s24 =	sld [smem:$0x3FFE];
	[sflag:s23] =	ssyncadd.s32 $0xFFFFFFFF  }
0xab: {  	s26 =	simm.s32 $execute0_lowered;
	[smem:$0x3FD2] =	sst s25  }
0xac: {  	s5 =	sshll.u32 s26, $0x1;
	_ =	strace $0x80000052;
	[dreg:$0x1] =	wrdreg $0xFFFFFFFF  }
0xad: {  	s28 =	simm.s32 $_size_execute0_lowered;
	s3 =	sadd.s32 s3, s5;
	[dreg:$0x0] =	wrdreg $0x0  }
0xae: {  	s5 =	sshll.u32 s28, $0x1;
	[dreg:$0x2] =	wrdreg s3  }
0xaf: {  	[dreg:$0x3] =	wrdreg s5  }
0xb0: {  	[dreg:$0x4] =	wrdreg $0xC0  }
0xb1: {  	_ =	task [dreg:s7], $0x5FFFF  }
0xb2: {  	[dreg:$0x1] =	wrdreg $0xFFFFFFFF  }
0xb3: {  	[dreg:$0x0] =	wrdreg $0x60  }
0xb4: {  	[dreg:$0x2] =	wrdreg s16  }
0xb5: {  	[dreg:$0x3] =	wrdreg s24  }
0xb6: {  	[dreg:$0x4] =	wrdreg $0x9  }
0xb7: {  	_ =	task.clear_ibuf [dreg:s7], $0x5FFFF;
	_ =	strace $0x90000052  }
0xb8: {  	s29 =	simm.s32 $0x9;
	_ =	strace $0x80000054  }
0xb9: {  	_ =	swait.ge [sflag:s29], $0x1  }
0xba: {  	[sflag:s29] =	ssyncadd.s32 $0xFFFFFFFF  }
0xbb: {  	_ =	strace $0x90000054  }
0xbc: {  	_ =	sfence  }
0xbd: {  	s30 =	sld [smem:$0x0];
	_ =	sdelay $0x2  }
0xbe: {  	s31 =	sshll.u32 s1, $0xD;
	s1 =	sshrl.u32 s1, $0x2  }
0xbf: {  	s3 =	sand.u32 $0x4000, s31;
	s1 =	sadd.s32 s1, s30  }
0xc0: {  	s0 =	sor.u32 s3, s0;
	s1 =	sshll.u32 s1, $0x11  }
0xc1: {  	s0 =	sor.u32 s1, s0  }
0xc2: {  	s0 =	sadd.s32 $0x8F2B, s0  }
0xc3: {  	[sflag:s0] =	ssyncadd.remote.s32 $0x1  }
0xc4: {  	_ =	sfence.sel $0xFFFF  }
0xc5: {  	[dreg:$0x0] =	wrdreg $0xFFFFFFFF;
	(pc) =	sbr.abs _section_cstart, $3  }
0xc6: {  	[dreg:$0x1] =	wrdreg $0xFFFFFFFF  }
0xc7: {  	_ =	task.clear_ibuf [dreg:s7], $0x2FFFF;
	_ =	strace $0x9FFFFFFF  }
0xc8: {  	(tm) =	ssettm $0x7FFFFFFF  }
0xc9: {  	_ =	shalt  }
tec
execute0_lowered:
.L_overlay_start_1:
0x0: {  	(tag) =	ssettag $0x1  }
0x1: {  	s2 =	rddreg [dreg:$0x0];
	s0 =	srdreg.scid  }
0x2: {  	s6 =	stileid.u32;
	s1 =	rddreg [dreg:$0x1];
	s3 =	simm.s32 $0x0  }
0x3: {  	s10 =	simm.s32 $0x2710;
	s11 =	simm.s32 $0x50;
	s30 =	simm.s32 $0x1  }
0x4: {  	s31 =	simm.s32 $0x2;
	s0 =	sand.u32 $0x1, s0;
	s4 =	sshll.u32 s6, $0x1  }
0x5: {  	s12 =	simm.s32 $0x0;
	s6 =	smul.u32 $0x1D4C0, s6;
	s4 =	sor.u32 s0, s4  }
0x6: {  	[smem:$0x7FF] =	sst s3;
	s7 =	ssub.s32 $0x2, s0;
	s5 =	smul.u32 $0x4E2, s4  }
0x7: {  	_ =	strace $0x80000053;
	s0 =	smul.u32 $0xEA60, s0;
	s8 =	sshrl.u32 s7, $0x1  }
0x8: {  	s4 =	sadd.s32 $0x2BA00, s1;
	s7 =	ssub.s32 s7, s8;
	s9 =	sadd.s32 s5, s1  }
0x9: {  	s1 =	sadd.s32 s6, s1;
	s7 =	smax.u32 s7, $0x1;
	s5 =	sadd.s32 $0xBA00, s9  }
0xa: {  	s6 =	sadd.s32 $0x15800, s9;
	s0 =	sadd.s32 s0, s1;
	s1 =	simm.s32 $0x3  }
0xb: {  	s8 =	sadd.s32 $0x20F200, s0;
	s9 =	sadd.s32 $0x3A600, s0;
	s0 =	simm.s32 $0x4  }
.LBB2_1:
0xc: {  	[tilespmem:s3], [sflag:$0x5] =	stream.linear.gather [hbm4b:s5+s3], $0x2710, $0x38;
	[tilespmem:$0x10220] =	vst v63  }
0xd: {  	s15 =	simm.s32 $0x5  }
0xe: {  	_ =	swait.ge [sflag:s15], $0x2710  }
0xf: {  	[sflag:s15] =	ssyncset.done $0x0  }
0x10: {  	[sflag:s15] =	ssyncadd.s32 $0xFFFFD8F0  }
0x11: {  	[tilespmem:s10], [sflag:$0x5] =	stream.linear.gather [hbm4b:s6+s3], $0x2710, $0x38;
	[tilespmem:$0x10220] =	vst v63  }
0x12: {  	s13 =	simm.s32 $0x4E20;
	s26 =	simm.s32 $0xA820;
	_ =	swait.ge [sflag:s15], $0x2710  }
0x13: {  	s28 =	simm.s32 $0x5D20;
	s29 =	simm.s32 $0x2760;
	[sflag:s15] =	ssyncset.done $0x0  }
0x14: {  	s14 =	simm.s32 $0xB720;
	s16 =	simm.s32 $0x6C20;
	[sflag:s15] =	ssyncadd.s32 $0xFFFFD8F0  }
0x15: {  	[tilespmem:s13], [sflag:$0x1] =	stream.indirect.gather [hbm4b:s2+s11], $0x30, s3, s11, $0xb8;
	[tilespmem:$0x10220] =	vst v63  }
0x16: {  	s17 =	simm.s32 $0x27B0;
	s18 =	simm.s32 $0xC620;
	s19 =	simm.s32 $0xF0  }
0x17: {  	[tilespmem:s26], [sflag:$0x2] =	stream.indirect.gather [hbm4b:s4+s11], $0x30, s10, s11, $0xb8;
	[tilespmem:$0x10220] =	vst v63  }
0x18: {  	s20 =	simm.s32 $0x7B20;
	s21 =	simm.s32 $0x2800;
	p1 =	por $0x0, $0x0  }
0x19: {  	[tilespmem:s28], [sflag:$0x1] =	stream.indirect.gather [hbm4b:s2+s11], $0x30, s11, s11, $0xb8;
	[tilespmem:$0x10220] =	vst v63  }
0x1a: {  	s22 =	simm.s32 $0xD520;
	s23 =	simm.s32 $0x140;
	p0 =	por p1, p1  }
0x1b: {  	[tilespmem:s14], [sflag:$0x2] =	stream.indirect.gather [hbm4b:s4+s11], $0x30, s29, s11, $0xb8;
	[tilespmem:$0x10220] =	vst v63  }
0x1c: {  	s15 =	smul.u32 @!p1 $0xAB, s15;
	p1 =	por @!p1 $0x1, $0x1;
	s14 =	simm.s32 $0xA0  }
0x1d: {  	[tilespmem:s16], [sflag:$0x1] =	stream.indirect.gather [hbm4b:s2+s11], $0x30, s14, s11, $0xb8;
	[tilespmem:$0x10220] =	vst v63  }
0x1e: {  	s24 =	simm.s32 $0x8A20;
	s25 =	simm.s32 $0x0;
	p2 =	por p1, p0  }
0x1f: {  	[tilespmem:s18], [sflag:$0x2] =	stream.indirect.gather [hbm4b:s4+s11], $0x30, s17, s11, $0xb8;
	[tilespmem:$0x10220] =	vst v63  }
0x20: {  	s13 =	smul.u32 $0xAB, s25;
	s15 =	sshrl.u32 @!p0 s15, $0xA;
	s25 =	simm.s32 @!p2 $0x3  }
0x21: {  	[tilespmem:s20], [sflag:$0x1] =	stream.indirect.gather [hbm4b:s2+s11], $0x30, s19, s11, $0xb8;
	[tilespmem:$0x10220] =	vst v63  }
0x22: {  	s26 =	simm.s32 $0x2850;
	s13 =	sshrl.u32 s13, $0xA;
	s15 =	sand.u32 @!p0 $0x3F, s15  }
0x23: {  	[tilespmem:s22], [sflag:$0x2] =	stream.indirect.gather [hbm4b:s4+s11], $0x30, s21, s11, $0xb8;
	[tilespmem:$0x10220] =	vst v63  }
0x24: {  	s15 =	smul.u32 @!p0 $0x6, s15;
	s28 =	sand.u32 $0x3F, s13;
	s13 =	simm.s32 $0x28A0  }
0x25: {  	[tilespmem:s24], [sflag:$0x1] =	stream.indirect.gather [hbm4b:s2+s11], $0x30, s23, s11, $0xb8;
	[tilespmem:$0x10220] =	vst v63  }
0x26: {  	s15 =	ssub.s32 @!p0 $0x5, s15;
	s29 =	smul.u32 $0x6, s28;
	s16 =	simm.s32 $0xE420  }
0x27: {  	[tilespmem:s16], [sflag:$0x2] =	stream.indirect.gather [hbm4b:s4+s11], $0x30, s26, s11, $0xb8;
	[tilespmem:$0x10220] =	vst v63  }
0x28: {  	s15 =	sand.u32 @!p0 $0xFF, s15;
	s14 =	simm.s32 $0x6;
	_ =	swait.ge [sflag:s30], $0xF00  }
0x29: {  	s17 =	simm.s32 $0x190;
	s16 =	ssub.s32 $0x0, s29;
	[sflag:s30] =	ssyncset.done $0x0  }
0x2a: {  	s18 =	sadd.s32 $0x1E0, s8;
	s16 =	sand.u32 $0xFF, s16;
	[sflag:s30] =	ssyncadd.s32 $0xFFFFF100  }
0x2b: {  	s19 =	simm.s32 $0x7;
	s20 =	smul.u32 $0xF00, s16;
	_ =	swait.ge [sflag:s31], $0xF00  }
0x2c: {  	s21 =	simm.s32 $0x1;
	s23 =	smul.u32 @!p0 $0xF00, s15;
	[sflag:s31] =	ssyncset.done $0x0  }
0x2d: {  	s15 =	simm.s32 $0x1E0;
	s16 =	sadd.s32 $0x4E20, s20;
	[sflag:s31] =	ssyncadd.s32 $0xFFFFF100  }
0x2e: {  	[hbm4b:s8+s3] =	stream.linear.scatter [tilespmem:s16], [sflag:$0x3], $0xF00, $0x38;
	[tilespmem:$0x10220] =	vst v63  }
0x2f: {  	s26 =	smul.u32 $0xAB, s21;
	s24 =	sadd.s32 @!p0 $0x4E20, s23;
	s20 =	sadd.s32 $0xA820, s20  }
0x30: {  	[hbm4b:s9+s3] =	stream.linear.scatter [tilespmem:s20], [sflag:$0x4], $0xF00, $0x38;
	[tilespmem:$0x10220] =	vst v63  }
0x31: {  	s16 =	sadd.s32 $0x1E0, s9;
	s20 =	simm.s32 $0x28A0;
	_ =	swait.ge @!p2 [sflag:s25], $0xF00  }
.LBB2_2:
0x32: {  	[sflag:s25] =	ssyncset.done @!p2 $0x0;
	s13 =	sadd.s32 $0x50, s13;
	s28 =	smov.u32 s14  }
0x33: {  	s14 =	smov.u32 s19;
	s19 =	sadd.s32 $0x1, s19;
	s22 =	smov.u32 s16  }
0x34: {  	s26 =	sshrl.u32 s26, $0xA;
	[sflag:s25] =	ssyncadd.s32 @!p2 $0xFFFFF100;
	s25 =	simm.s32 @!p2 $0x4  }
0x35: {  	s23 =	sadd.s32 @!p0 $0xA820, s23;
	s26 =	sand.u32 $0x3F, s26;
	_ =	swait.ge @!p2 [sflag:s25], $0xF00  }
0x36: {  	p1 =	sne.s32 s19, $0x82;
	s26 =	smul.u32 $0x6, s26;
	[sflag:s25] =	ssyncset.done @!p2 $0x0  }
0x37: {  	s29 =	smov.u32 s18;
	[sflag:s25] =	ssyncadd.s32 @!p2 $0xFFFFF100;
	s25 =	simm.s32 @!p0 $0x50  }
0x38: {  	[tilespmem:s24], [sflag:$0x1] =	stream.indirect.gather @!p0 [hbm4b:s2+s25], $0x30, s17, s25, $0xb8;
	[tilespmem:$0x10220] =	vst v63  }
0x39: {  	p3 =	sgt.u32 s21, $0x77;
	s24 =	ssub.s32 s21, s26;
	s17 =	smov.u32 s15  }
0x3a: {  	[tilespmem:s23], [sflag:$0x2] =	stream.indirect.gather @!p0 [hbm4b:s4+s25], $0x30, s20, s25, $0xb8;
	[tilespmem:$0x10220] =	vst v63  }
0x3b: {  	s21 =	smul.u32 @!p3 $0xAB, s28;
	s20 =	sand.u32 $0xFF, s24;
	_ =	swait.ge [sflag:s30], $0xF00  }
0x3c: {  	p2 =	seq.s32 @!p3 s28, $0x5;
	s23 =	smul.u32 $0xF00, s20;
	[sflag:s30] =	ssyncset.done $0x0  }
0x3d: {  	p0 =	por p3, p3;
	s20 =	smov.u32 s13;
	[sflag:s30] =	ssyncadd.s32 $0xFFFFF100  }
0x3e: {  	s16 =	sadd.s32 $0x1E0, s16;
	s21 =	sshrl.u32 @!p0 s21, $0xA;
	_ =	swait.ge [sflag:s31], $0xF00  }
0x3f: {  	s18 =	sadd.s32 $0x1E0, s18;
	s21 =	sand.u32 @!p0 $0x3F, s21;
	[sflag:s31] =	ssyncset.done $0x0  }
0x40: {  	s24 =	sadd.s32 $0x4E20, s23;
	s21 =	smul.u32 @!p0 $0x6, s21;
	[sflag:s31] =	ssyncadd.s32 $0xFFFFF100  }
0x41: {  	[hbm4b:s29+s3] =	stream.linear.scatter [tilespmem:s24], [sflag:$0x3], $0xF00, $0x38;
	[tilespmem:$0x10220] =	vst v63  }
.Ltmp0:
0x42: {  	s15 =	sadd.s32 $0x50, s15;
	s21 =	ssub.s32 @!p0 s28, s21;
	(pc) =	sbr.rel @p1 .LBB2_2-.Ltmp0, $4  }
0x43: {  	p2 =	por p2, p0;
	s24 =	sadd.s32 $0xA820, s23;
	s23 =	sand.u32 @!p0 $0xFF, s21  }
0x44: {  	s25 =	simm.s32 @!p2 $0x3;
	s21 =	sadd.s32 $0xFFFFFFFB, s14;
	s23 =	smul.u32 @!p0 $0xF00, s23  }
0x45: {  	[hbm4b:s22+s3] =	stream.linear.scatter [tilespmem:s24], [sflag:$0x4], $0xF00, $0x38;
	[tilespmem:$0x10220] =	vst v63  }
0x46: {  	s26 =	smul.u32 $0xAB, s21;
	s24 =	sadd.s32 @!p0 $0x4E20, s23;
	_ =	swait.ge @!p2 [sflag:s25], $0xF00  }
0x47: {  	[sflag:s25] =	ssyncset.done @!p2 $0x0  }
0x48: {  	s19 =	simm.s32 @!p2 $0x4;
	[sflag:s25] =	ssyncadd.s32 @!p2 $0xFFFFF100  }
0x49: {  	_ =	swait.ge @!p2 [sflag:s19], $0xF00  }
0x4a: {  	s22 =	sshrl.u32 s26, $0xA;
	[sflag:s19] =	ssyncset.done @!p2 $0x0  }
0x4b: {  	s22 =	sand.u32 $0x3F, s22;
	[sflag:s19] =	ssyncadd.s32 @!p2 $0xFFFFF100;
	s19 =	simm.s32 @!p0 $0x50  }
0x4c: {  	[tilespmem:s24], [sflag:$0x1] =	stream.indirect.gather @!p0 [hbm4b:s2+s19], $0x30, s17, s19, $0xb8;
	[tilespmem:$0x10220] =	vst v63  }
0x4d: {  	s22 =	smul.u32 $0x6, s22;
	s17 =	sadd.s32 @!p0 $0xA820, s23  }
0x4e: {  	[tilespmem:s17], [sflag:$0x2] =	stream.indirect.gather @!p0 [hbm4b:s4+s19], $0x30, s20, s19, $0xb8;
	[tilespmem:$0x10220] =	vst v63  }
0x4f: {  	_ =	swait.ge [sflag:s30], $0xF00  }
0x50: {  	s28 =	ssub.s32 s21, s22;
	p0 =	sgt.u32 s21, $0x77;
	[sflag:s30] =	ssyncset.done $0x0  }
0x51: {  	s17 =	sand.u32 $0xFF, s28;
	s19 =	smul.u32 @!p0 $0xAB, s14;
	[sflag:s30] =	ssyncadd.s32 $0xFFFFF100  }
0x52: {  	s17 =	smul.u32 $0xF00, s17;
	_ =	swait.ge [sflag:s31], $0xF00  }
0x53: {  	p1 =	seq.s32 @!p0 s14, $0x5;
	p0 =	por p0, p0;
	[sflag:s31] =	ssyncset.done $0x0  }
0x54: {  	s19 =	sshrl.u32 @!p0 s19, $0xA;
	s29 =	sadd.s32 $0x4E20, s17;
	[sflag:s31] =	ssyncadd.s32 $0xFFFFF100  }
0x55: {  	[hbm4b:s18+s3] =	stream.linear.scatter [tilespmem:s29], [sflag:$0x3], $0xF00, $0x38;
	[tilespmem:$0x10220] =	vst v63  }
0x56: {  	p1 =	por p1, p0;
	s18 =	sand.u32 @!p0 $0x3F, s19  }
0x57: {  	s17 =	sadd.s32 $0xA820, s17;
	s19 =	simm.s32 @!p1 $0x3;
	s18 =	smul.u32 @!p0 $0x6, s18  }
0x58: {  	[hbm4b:s16+s3] =	stream.linear.scatter [tilespmem:s17], [sflag:$0x4], $0xF00, $0x38;
	[tilespmem:$0x10220] =	vst v63  }
0x59: {  	_ =	swait.ge @!p1 [sflag:s19], $0xF00  }
0x5a: {  	s14 =	ssub.s32 @!p0 s14, s18;
	[sflag:s19] =	ssyncset.done @!p1 $0x0  }
0x5b: {  	s16 =	simm.s32 @!p1 $0x4;
	s14 =	sand.u32 @!p0 $0xFF, s14;
	[sflag:s19] =	ssyncadd.s32 @!p1 $0xFFFFF100  }
0x5c: {  	s14 =	smul.u32 @!p0 $0xF00, s14;
	_ =	swait.ge @!p1 [sflag:s16], $0xF00  }
0x5d: {  	[sflag:s16] =	ssyncset.done @!p1 $0x0  }
0x5e: {  	s17 =	sadd.s32 @!p0 $0x4E20, s14;
	[sflag:s16] =	ssyncadd.s32 @!p1 $0xFFFFF100;
	s16 =	simm.s32 @!p0 $0x50  }
0x5f: {  	[tilespmem:s17], [sflag:$0x1] =	stream.indirect.gather @!p0 [hbm4b:s2+s16], $0x30, s15, s16, $0xb8;
	[tilespmem:$0x10220] =	vst v63  }
0x60: {  	s13 =	sadd.s32 $0x50, s13;
	s14 =	sadd.s32 @!p0 $0xA820, s14  }
0x61: {  	[tilespmem:s14], [sflag:$0x2] =	stream.indirect.gather @!p0 [hbm4b:s4+s16], $0x30, s13, s16, $0xb8;
	[tilespmem:$0x10220] =	vst v63  }
0x62: {  	_ =	swait.ge [sflag:s1], $0xF00  }
0x63: {  	[sflag:s1] =	ssyncset.done $0x0  }
0x64: {  	[sflag:s1] =	ssyncadd.s32 $0xFFFFF100  }
0x65: {  	_ =	swait.ge [sflag:s0], $0xF00  }
0x66: {  	[sflag:s0] =	ssyncset.done $0x0  }
0x67: {  	[sflag:s0] =	ssyncadd.s32 $0xFFFFF100  }
0x68: {  	_ =	swait.ge [sflag:s1], $0xF00  }
0x69: {  	[sflag:s1] =	ssyncset.done $0x0  }
0x6a: {  	[sflag:s1] =	ssyncadd.s32 $0xFFFFF100  }
0x6b: {  	_ =	swait.ge [sflag:s0], $0xF00  }
0x6c: {  	[sflag:s0] =	ssyncset.done $0x0  }
0x6d: {  	[sflag:s0] =	ssyncadd.s32 $0xFFFFF100  }
0x6e: {  	_ =	swait.ge [sflag:s1], $0xF00  }
0x6f: {  	[sflag:s1] =	ssyncset.done $0x0  }
0x70: {  	[sflag:s1] =	ssyncadd.s32 $0xFFFFF100  }
0x71: {  	_ =	swait.ge [sflag:s0], $0xF00  }
0x72: {  	[sflag:s0] =	ssyncset.done $0x0  }
0x73: {  	[sflag:s0] =	ssyncadd.s32 $0xFFFFF100  }
0x74: {  	_ =	swait.ge [sflag:s1], $0xF00  }
0x75: {  	[sflag:s1] =	ssyncset.done $0x0  }
0x76: {  	[sflag:s1] =	ssyncadd.s32 $0xFFFFF100  }
0x77: {  	_ =	swait.ge [sflag:s0], $0xF00  }
0x78: {  	[sflag:s0] =	ssyncset.done $0x0  }
0x79: {  	[sflag:s0] =	ssyncadd.s32 $0xFFFFF100  }
0x7a: {  	_ =	swait.ge [sflag:s1], $0xF00  }
0x7b: {  	[sflag:s1] =	ssyncset.done $0x0  }
0x7c: {  	[sflag:s1] =	ssyncadd.s32 $0xFFFFF100  }
0x7d: {  	_ =	swait.ge [sflag:s0], $0xF00  }
0x7e: {  	[sflag:s0] =	ssyncset.done $0x0  }
0x7f: {  	s12 =	sadd.s32 $0x1, s12;
	[sflag:s0] =	ssyncadd.s32 $0xFFFFF100  }
0x80: {  	p0 =	sne.s32 s12, s7;
	_ =	swait.ge [sflag:s1], $0xF00  }
.Ltmp1:
0x81: {  	[sflag:s1] =	ssyncset.done $0x0;
	(pc) =	sbr.rel @p0 .LBB2_1-.Ltmp1, $4  }
0x82: {  	[sflag:s1] =	ssyncadd.s32 $0xFFFFF100  }
0x83: {  	_ =	swait.ge [sflag:s0], $0xF00  }
0x84: {  	[sflag:s0] =	ssyncset.done $0x0  }
0x85: {  	[sflag:s0] =	ssyncadd.s32 $0xFFFFF100  }
0x86: {  	_ =	sfence.sel $0x180000  }
0x87: {  	[bflag:$0x0] =	sbarrier.arrive $0xFFFF  }
0x88: {  	_ =	strace $0x90000053  }
0x89: {  	s0 =	stileid.u32;
	[bflag:$0x2] =	sbarrier.arrive $0xFFFF  }
0x8a: {  	p0 =	sne.s32 s0, $0x0;
	s0 =	rddreg [dreg:$0x2]  }
0x8b: {  	s0 =	sadd.s32 @!p0 $0x100000, s0  }
0x8c: {  	[sflag:s0] =	ssyncadd.tile.s32 @!p0 $0x1;
	_ =	shalt  }
.Lfunc_end2:
_tile_overlayer_lowered:
.L_overlay_start_2:
0x8d: {  	(tag) =	ssettag $0x2  }
0x8e: {  	s0 =	rddreg [dreg:$0x0];
	s2 =	stileid.u32  }
0x8f: {  	s1 =	rddreg [dreg:$0x1];
	p0 =	sne.s32 s2, $0x0  }
0x90: {  	s3 =	rddreg [dreg:$0x2];
	[bflag:$0x3] =	sbarrier.arrive $0xFFFF;
	s2 =	simm.s32 @!p0 $0x1C05  }
0x91: {  	[timem:s3], [sflag:s2] =	dma.local @!p0 [hbm:s0], s1  }
0x92: {  	s0 =	simm.s32 @!p0 $0x5  }
0x93: {  	_ =	swait.ge @!p0 [sflag:s0], s1  }
0x94: {  	s1 =	ssub.s32 @!p0 $0x0, s1;
	[sflag:s0] =	ssyncset.done @!p0 $0x0  }
0x95: {  	[sflag:s0] =	ssyncadd.s32 @!p0 s1  }
0x96: {  	[bflag:$0x3] =	sbarrier.arrive $0xFFFF  }
0x97: {  	_ =	shalt  }

// kernel: kernel.30.cloned.1.call-start
scs
__scs_entry_jumppad:
0x0: {  	(pc) =	sbr.rel $0x88, $3  }
0x1: {  	(tag) =	ssettag $0x0;
	lr =	simm.s32 $0x1  }
0x2: {  	[smem:$0x3F93] =	sst lr;
	_ =	strace $0xD0000000  }
0x3: {  	_ = 	snop  }
0x4: {  	_ = 	snop  }
0x5: {  	_ = 	snop  }
0x6: {  	_ = 	snop  }
0x7: {  	_ = 	snop  }
__scs_overlays_trampoline_lowered:
0x8: {  	[smem:$0x3FA2] =	sst s0  }
0x9: {  	[smem:$0x3FA3] =	sst s1  }
0xa: {  	[smem:$0x3FA4] =	sst s2  }
0xb: {  	[smem:$0x3FA5] =	sst s3  }
0xc: {  	[smem:$0x3FA6] =	sst s4  }
0xd: {  	[smem:$0x3FA7] =	sst s5  }
0xe: {  	[smem:$0x3FA8] =	sst s6  }
0xf: {  	[smem:$0x3FA9] =	sst s7  }
0x10: {  	[smem:$0x3FAA] =	sst s8  }
0x11: {  	[smem:$0x3FAB] =	sst s9;
	s0 =	simm.s32 @!p0 $0x0  }
0x12: {  	s1 =	sld [smem:$0x3F91];
	s0 =	simm.s32 @p0 $0x1  }
0x13: {  	[smem:$0x3FAC] =	sst s0;
	s0 =	simm.s32 @!p1 $0x0  }
0x14: {  	s2 =	sld [smem:$0x3F90];
	s0 =	simm.s32 @p1 $0x1  }
0x15: {  	[smem:$0x3FAD] =	sst s0;
	s0 =	simm.s32 @!p2 $0x0  }
0x16: {  	s3 =	sld [smem:$0x3FDB];
	s0 =	simm.s32 @p2 $0x1  }
0x17: {  	s4 =	simm.s32 $0x1BF5;
	[smem:$0x3FAF] =	sst s0  }
0x18: {  	s0 =	sld [smem:$0x3F92];
	_ =	swait.ge [sflag:s4], $0x0  }
0x19: {  	s7 =	sld [smem:$0x3F93]  }
0x1a: {  	s8 =	sadd.s32 $0xFFFFE003, lr  }
0x1b: {  	s9 =	sadd.s32 $0xFFFFFEF7, lr;
	s5 =	simm.s32 $0xFFFFFFFF;
	p2 =	slt.u32 s8, $0xFFFFF086  }
0x1c: {  	p1 =	slt.u32 s9, $0xF7A;
	s5 =	simm.s32 @!p2 $0x0  }
0x1d: {  	s5 =	simm.s32 @p1 $0x1;
	p0 =	seq.s32 s7, s2  }
0x1e: {  	s7 =	smul.u32 @!p0 $0xF7A, s2;
	p2 =	seq.s32 @!p0 s5, $0x0  }
0x1f: {  	s9 =	smul.u32 $0xF7A, s1;
	s8 =	simm.s32 @!p0 $0x1BF5;
	p2 =	por !p2, p0  }
0x20: {  	[sflag:s8] =	ssyncset.s32 @!p0 $0xFFFFF086;
	s6 =	sadd.s32 @!p0 s3, s7;
	s7 =	simm.s32 @!p0 $0x108  }
0x21: {  	s3 =	sadd.s32 s3, s9;
	s6 =	sadd.s32 @!p0 $0x88, s6;
	s7 =	simm.s32 @p2 $0x1082  }
0x22: {  	[simem:s7], [sflag:s8] =	dma.local @!p0 [hbm:s6], $0xF7A  }
0x23: {  	s9 =	sor.u32 $0xD0000000, s2;
	s6 =	simm.s32 $0x108;
	_ =	swait.ge @!p0 [sflag:s8], $0x0  }
0x24: {  	s3 =	sadd.s32 $0x88, s3;
	s6 =	simm.s32 @!p1 $0x1082;
	[sflag:s4] =	ssyncset.s32 $0xFFFFF086  }
0x25: {  	[simem:s6], [sflag:s4] =	dma.local [hbm:s3], $0xF7A  }
0x26: {  	[smem:$0x3F93] =	sst s1;
	(tag) =	ssettag s2;
	_ =	strace s9  }
0x27: {  	s1 =	sld [smem:$0x3FA3]  }
0x28: {  	s2 =	sld [smem:$0x3FA4]  }
0x29: {  	s4 =	sld [smem:$0x3FA6]  }
0x2a: {  	p0 =	seq.s32 s5, $0x0;
	s5 =	sld [smem:$0x3FA7]  }
0x2b: {  	s6 =	sld [smem:$0x3FA8]  }
0x2c: {  	s7 =	sld [smem:$0x3FA9]  }
0x2d: {  	s3 =	simm.s32 $0x108;
	s8 =	sld [smem:$0x3FAA]  }
0x2e: {  	s3 =	simm.s32 @!p0 $0x1082;
	s9 =	sld [smem:$0x3FAB]  }
0x2f: {  	lr =	sadd.s32 s0, s3;
	s0 =	sld [smem:$0x3FA2]  }
0x30: {  	s3 =	sld [smem:$0x3FA5]  }
0x31: {  	[smem:$0x3FAE] =	sst s10  }
0x32: {  	s10 =	sld [smem:$0x3FAC];
	_ =	sdelay $0x3  }
0x33: {  	p0 =	seq.s32 s10, $0x1;
	s10 =	sld [smem:$0x3FAE];
	_ =	sdelay $0x3  }
0x34: {  	[smem:$0x3FAE] =	sst s10  }
0x35: {  	s10 =	sld [smem:$0x3FAD];
	_ =	sdelay $0x3  }
0x36: {  	p1 =	seq.s32 s10, $0x1;
	s10 =	sld [smem:$0x3FAE];
	_ =	sdelay $0x3  }
0x37: {  	[smem:$0x3FAE] =	sst s10  }
0x38: {  	s10 =	sld [smem:$0x3FAF]  }
0x39: {  	_ = 	snop;
	(pc) =	sbr.ind lr, $3  }
0x3a: {  	_ = 	snop  }
0x3b: {  	_ = 	snop  }
0x3c: {  	p2 =	seq.s32 s10, $0x1;
	s10 =	sld [smem:$0x3FAE]  }
0x3d: {  	_ =	shalt  }
0x3e: {  	_ =	shalt  }
0x3f: {  	_ =	shalt  }
0x40: {  	_ =	shalt  }
0x41: {  	_ =	shalt  }
0x42: {  	_ =	shalt  }
0x43: {  	_ =	shalt  }
0x44: {  	_ =	shalt  }
0x45: {  	_ =	shalt  }
0x46: {  	_ =	shalt  }
0x47: {  	_ =	shalt  }
0x48: {  	_ =	shalt  }
0x49: {  	_ =	shalt  }
0x4a: {  	_ =	shalt  }
0x4b: {  	_ =	shalt  }
0x4c: {  	_ =	shalt  }
0x4d: {  	_ =	shalt  }
0x4e: {  	_ =	shalt  }
0x4f: {  	_ =	shalt  }
0x50: {  	_ =	shalt  }
0x51: {  	_ =	shalt  }
0x52: {  	_ =	shalt  }
0x53: {  	_ =	shalt  }
0x54: {  	_ =	shalt  }
0x55: {  	_ =	shalt  }
0x56: {  	_ =	shalt  }
0x57: {  	_ =	shalt  }
0x58: {  	_ =	shalt  }
0x59: {  	_ =	shalt  }
0x5a: {  	_ =	shalt  }
0x5b: {  	_ =	shalt  }
0x5c: {  	_ =	shalt  }
0x5d: {  	_ =	shalt  }
0x5e: {  	_ =	shalt  }
0x5f: {  	_ =	shalt  }
0x60: {  	_ =	shalt  }
0x61: {  	_ =	shalt  }
0x62: {  	_ =	shalt  }
0x63: {  	_ =	shalt  }
0x64: {  	_ =	shalt  }
0x65: {  	_ =	shalt  }
0x66: {  	_ =	shalt  }
0x67: {  	_ =	shalt  }
0x68: {  	_ =	shalt  }
0x69: {  	_ =	shalt  }
0x6a: {  	_ =	shalt  }
0x6b: {  	_ =	shalt  }
0x6c: {  	_ =	shalt  }
0x6d: {  	_ =	shalt  }
0x6e: {  	_ =	shalt  }
0x6f: {  	_ =	shalt  }
0x70: {  	_ =	shalt  }
0x71: {  	_ =	shalt  }
0x72: {  	_ =	shalt  }
0x73: {  	_ =	shalt  }
0x74: {  	_ =	shalt  }
0x75: {  	_ =	shalt  }
0x76: {  	_ =	shalt  }
0x77: {  	_ =	shalt  }
0x78: {  	_ =	shalt  }
0x79: {  	_ =	shalt  }
0x7a: {  	_ =	shalt  }
0x7b: {  	_ =	shalt  }
0x7c: {  	_ =	shalt  }
0x7d: {  	_ =	shalt  }
0x7e: {  	_ =	shalt  }
0x7f: {  	_ =	shalt  }
0x80: {  	_ =	shalt  }
0x81: {  	_ =	shalt  }
0x82: {  	_ =	shalt  }
0x83: {  	_ =	shalt  }
0x84: {  	_ =	shalt  }
0x85: {  	_ =	shalt  }
0x86: {  	_ =	shalt  }
0x87: {  	_ =	shalt  }
.Lfunc_end0:
.L_simem_size_0:
called_computation.5_lowered:
.L_overlay_start_0:
0x88: {  	s2 =	sld [smem:$0x3FD9]  }
0x89: {  	s3 =	sld [smem:$0x3FFE];
	_ =	sdelay $0x1  }
0x8a: {  	s1 =	srdreg.scid  }
0x8b: {  	s0 =	sand.u32 $0x1, s1  }
0x8c: {  	s16 =	sshll.u32 s0, $0xA;
	s2 =	sadd.s32 s3, s2  }
0x8d: {  	s2 =	sadd.s32 s2, s16  }
0x8e: {  	[smem:$0x3FBA] =	sst s2  }
0x8f: {  	_ = 	snop  }
0x90: {  	(tm) =	ssettm $0x1  }
0x91: {  	s17 =	sld [smem:$0x3FFB];
	_ =	sdelay $0x3  }
0x92: {  	_ =	strace s17  }
0x93: {  	s2 =	sld [smem:$0x3FFC];
	_ =	sdelay $0x3  }
0x94: {  	_ =	strace s2  }
0x95: {  	s2 =	sld [smem:$0x3FFD];
	_ =	sdelay $0x3  }
0x96: {  	_ =	strace s2  }
0x97: {  	_ =	strace $0x8FFFFFFF  }
0x98: {  	s18 =	sld [smem:$0x3FDB];
	_ =	sdelay $0x1  }
0x99: {  	s19 =	simm.s32 $_scs_section_size  }
0x9a: {  	s4 =	simm.s32 $_size__tile_overlayer_lowered;
	s5 =	simm.s32 $_tile_overlayer_lowered  }
0x9b: {  	s22 =	simm.s32 $0x1BFF;
	s21 =	sshll.u32 s5, $0x1;
	s2 =	sadd.s32 s19, s18  }
0x9c: {  	s6 =	simm.s32 $0x0;
	s20 =	sshll.u32 s4, $0x1;
	s4 =	sadd.s32 s21, s2  }
0x9d: {  	[timem:s6], [sflag:s22] =	dma.local [hbm:s4], s20  }
0x9e: {  	_ =	swait.ge [sflag:s22], s20  }
0x9f: {  	s3 =	ssub.s32 $0x0, s20;
	[sflag:s22] =	ssyncset.done $0x0  }
0xa0: {  	[sflag:s22] =	ssyncadd.s32 s3;
	_ =	sdelay $0x1  }
0xa1: {  	s23 =	simm.s32 $0x1B8B  }
0xa2: {  	_ =	swait.ge [sflag:s23], $0x1  }
0xa3: {  	[sflag:s23] =	ssyncset.done $0x0  }
0xa4: {  	s25 =	simm.s32 $0x1B8E;
	s24 =	sld [smem:$0x3FFE];
	[sflag:s23] =	ssyncadd.s32 $0xFFFFFFFF  }
0xa5: {  	s26 =	simm.s32 $execute0_lowered;
	[smem:$0x3FD2] =	sst s25  }
0xa6: {  	s4 =	sshll.u32 s26, $0x1;
	_ =	strace $0x80000055;
	[dreg:$0x1] =	wrdreg $0xFFFFFFFF  }
0xa7: {  	s28 =	simm.s32 $_size_execute0_lowered;
	s2 =	sadd.s32 s2, s4;
	[dreg:$0x0] =	wrdreg $0x0  }
0xa8: {  	s4 =	sshll.u32 s28, $0x1;
	[dreg:$0x2] =	wrdreg s2  }
0xa9: {  	[dreg:$0x3] =	wrdreg s4  }
0xaa: {  	[dreg:$0x4] =	wrdreg $0xC0  }
0xab: {  	_ =	task [dreg:s6], $0x5FFFF  }
0xac: {  	[dreg:$0x1] =	wrdreg $0xFFFFFFFF  }
0xad: {  	[dreg:$0x0] =	wrdreg $0x60  }
0xae: {  	[dreg:$0x2] =	wrdreg s24  }
0xaf: {  	[dreg:$0x3] =	wrdreg $0xE9200  }
0xb0: {  	[dreg:$0x4] =	wrdreg $0xC1200  }
0xb1: {  	[dreg:$0x5] =	wrdreg $0x9  }
0xb2: {  	_ =	task.clear_ibuf [dreg:s6], $0x6FFFF;
	_ =	strace $0x90000055  }
0xb3: {  	s29 =	simm.s32 $0x9;
	_ =	strace $0x80000057  }
0xb4: {  	_ =	swait.ge [sflag:s29], $0x1  }
0xb5: {  	[sflag:s29] =	ssyncadd.s32 $0xFFFFFFFF  }
0xb6: {  	_ =	strace $0x90000057  }
0xb7: {  	_ =	sfence  }
0xb8: {  	s30 =	sld [smem:$0x0];
	_ =	sdelay $0x2  }
0xb9: {  	s31 =	sshll.u32 s1, $0xD;
	s1 =	sshrl.u32 s1, $0x2  }
0xba: {  	s3 =	sand.u32 $0x4000, s31;
	s1 =	sadd.s32 s1, s30  }
0xbb: {  	s0 =	sor.u32 s3, s0;
	s1 =	sshll.u32 s1, $0x11  }
0xbc: {  	s0 =	sor.u32 s1, s0  }
0xbd: {  	s0 =	sadd.s32 $0x8F2B, s0  }
0xbe: {  	[sflag:s0] =	ssyncadd.remote.s32 $0x1  }
0xbf: {  	_ =	sfence.sel $0xFFFF  }
0xc0: {  	[dreg:$0x0] =	wrdreg $0xFFFFFFFF;
	(pc) =	sbr.abs _section_cstart, $3  }
0xc1: {  	[dreg:$0x1] =	wrdreg $0xFFFFFFFF  }
0xc2: {  	_ =	task.clear_ibuf [dreg:s6], $0x2FFFF;
	_ =	strace $0x9FFFFFFF  }
0xc3: {  	(tm) =	ssettm $0x7FFFFFFF  }
tec
execute0_lowered:
.L_overlay_start_1:
0x0: {  	(tag) =	ssettag $0x1  }
0x1: {  	s0 =	srdreg.scid;
	s9 =	stileid.u32  }
0x2: {  	s4 =	rddreg [dreg:$0x0];
	s13 =	smul.u32 $0x280, s9  }
0x3: {  	s2 =	rddreg [dreg:$0x1];
	s7 =	smul.u32 $0x2800, s9  }
0x4: {  	s14 =	rddreg [dreg:$0x2];
	s3 =	simm.s32 $0x0;
	s11 =	smul.u32 $0xA000, s9  }
0x5: {  	s20 =	simm.s32 $0x9420;
	s0 =	sand.u32 $0x1, s0;
	s19 =	smul.u32 $0x4E20, s9  }
0x6: {  	s28 =	simm.s32 $0x6C20;
	s29 =	simm.s32 $0x50;
	s6 =	smul.u32 $0x2800, s0  }
0x7: {  	s30 =	simm.s32 $0xBEA0;
	s1 =	sshll.u32 s9, $0x1;
	s8 =	smul.u32 $0x28000, s0  }
0x8: {  	s1 =	sor.u32 s0, s1;
	s22 =	ssub.s32 $0x2, s0;
	s0 =	smul.u32 $0x2710, s0  }
0x9: {  	s31 =	simm.s32 $0xBC20;
	[smem:$0x7FF] =	sst s3;
	s5 =	smul.u32 $0x4E2, s1  }
0xa: {  	s17 =	sadd.s32 $0x2BA00, s4;
	_ =	strace $0x80000056;
	s24 =	smul.u32 $0x27100, s1  }
0xb: {  	s23 =	sshrl.u32 s22, $0x1;
	s1 =	smul.u32 $0x4E20, s1;
	s26 =	sshrl.u32 s11, $0x2  }
0xc: {  	s6 =	sadd.s32 s13, s6;
	s8 =	sadd.s32 s7, s8;
	s18 =	ssub.s32 s22, s23  }
0xd: {  	s0 =	sadd.s32 s0, s19;
	s13 =	sadd.s32 s13, s14;
	s5 =	sadd.s32 s5, s4  }
0xe: {  	s6 =	sshrl.u32 s6, $0x3;
	s21 =	sshrl.u32 s8, $0x3;
	s25 =	sshrl.u32 s24, $0x3  }
0xf: {  	s0 =	sshll.u32 s0, $0x1;
	s15 =	sadd.s32 s6, s4;
	s16 =	sadd.s32 s21, s4  }
0x10: {  	s4 =	sadd.s32 $0x15800, s5;
	s5 =	sadd.s32 $0xBA00, s5;
	s6 =	sadd.s32 s7, s2  }
0x11: {  	s12 =	sadd.s32 s17, s25;
	s7 =	sadd.s32 s17, s1;
	s0 =	sadd.s32 s17, s0  }
0x12: {  	s1 =	simm.s32 $0x0;
	s8 =	sadd.s32 $0xA0, s12;
	s9 =	sadd.s32 $0x140, s12  }
0x13: {  	s10 =	sadd.s32 $0x1E0, s12;
	s11 =	sadd.s32 $0x280, s12;
	s12 =	sadd.s32 s26, s14  }
0x14: {  	s14 =	sadd.s32 $0x1F600, s15;
	s15 =	sadd.s32 $0xC7E00, s16;
	s16 =	smax.u32 s18, $0x1  }
0x15: {  	v0 =	vimm.f32 $0.0e+00;
	s21 =	sadd.s32 $0x320, s0;
	s18 =	simm.s32 $0x2;
	s26 =	simm.s32 $0x1  }
.LBB2_1:
0x16: {  	[tilespmem:s3], [sflag:$0x2] =	stream.linear.gather [hbm4b:s4+s3], $0x2710, $0x38;
	[tilespmem:$0x11120] =	vst v63  }
0x17: {  	_ =	swait.ge [sflag:s18], $0x2710  }
0x18: {  	[sflag:s18] =	ssyncset.done $0x0  }
0x19: {  	s0 =	simm.s32 $0x2710;
	[sflag:s18] =	ssyncadd.s32 $0xFFFFD8F0  }
0x1a: {  	[tilespmem:s0], [sflag:$0x2] =	stream.linear.gather [hbm4b:s5+s3], $0x2710, $0x38;
	[tilespmem:$0x11120] =	vst v63  }
0x1b: {  	_ =	swait.ge [sflag:s18], $0x2710  }
0x1c: {  	[sflag:s18] =	ssyncset.done $0x0  }
0x1d: {  	s0 =	simm.s32 $0x0;
	[sflag:s18] =	ssyncadd.s32 $0xFFFFD8F0  }
.LBB2_2:
0x1e: {  	p0 =	sne.s32 s0, $0x9FC0  }
.Ltmp0:
0x1f: {  	_ = 	snop;
	(pc) =	sbr.rel @p0 .LBB2_2-.Ltmp0, $3  }
0x20: {  	_ =	sdelay $0x1  }
0x21: {  	s17 =	sshra.s32 s0, $0x2  }
0x22: {  	s0 =	sadd.s32 $0x40, s0;
	[tilespmem:s17+$0x6C20] =	vst v0  }
0x23: {  	s0 =	simm.s32 $0x40;
	s17 =	simm.s32 $0x0  }
.LBB2_4:
0x24: {  	p0 =	sne.s32 s0, $0x9FC0;
	[tilespmem:s17+$0x9420] =	vst v0;
	s17 =	smov.u32 s0;
	s0 =	sadd.s32 $0x40, s0  }
.Ltmp1:
0x25: {  	(pc) =	sbr.rel @p0 .LBB2_4-.Ltmp1, $2  }
0x26: {  	_ =	sdelay $0x2  }
0x27: {  	s17 =	sshra.s32 s17, $0x2  }
0x28: {  	[tilespmem:s17+$0x9420] =	vst v0  }
0x29: {  	[spmem:s6] =	stream.linear.scatter [tilespmem:s20], [sflag:$0x2], $0x2800, $0x38;
	[tilespmem:$0x11120] =	vst v63  }
0x2a: {  	_ =	swait.ge [sflag:s18], $0x2800  }
0x2b: {  	[sflag:s18] =	ssyncset.done $0x0  }
0x2c: {  	[sflag:s18] =	ssyncadd.s32 $0xFFFFD800  }
0x2d: {  	s0 =	simm.s32 $0x0;
	s19 =	simm.s32 $0x4E20;
	[bflag:$0x0] =	sbarrier.arrive $0xFFFF  }
0x2e: {  	[tilespmem:s19], [sflag:$0x1] =	stream.linear.gather [hbm4b:s7+s0], $0x500, $0x38;
	[tilespmem:$0x11120] =	vst v63  }
0x2f: {  	s22 =	simm.s32 $0x5320  }
0x30: {  	[tilespmem:s22], [sflag:$0x1] =	stream.linear.gather [hbm4b:s8+s0], $0x500, $0x38;
	[tilespmem:$0x11120] =	vst v63  }
0x31: {  	s23 =	simm.s32 $0x5820  }
0x32: {  	[tilespmem:s23], [sflag:$0x1] =	stream.linear.gather [hbm4b:s9+s0], $0x500, $0x38;
	[tilespmem:$0x11120] =	vst v63  }
0x33: {  	s24 =	simm.s32 $0x5D20;
	s25 =	simm.s32 $0x6220  }
0x34: {  	[tilespmem:s24], [sflag:$0x1] =	stream.linear.gather [hbm4b:s10+s0], $0x500, $0x38;
	[tilespmem:$0x11120] =	vst v63  }
0x35: {  	s17 =	smov.u32 s21;
	s19 =	simm.s32 $0x2730;
	s22 =	simm.s32 $0x0  }
0x36: {  	[tilespmem:s25], [sflag:$0x1] =	stream.linear.gather [hbm4b:s11+s0], $0x500, $0x38;
	[tilespmem:$0x11120] =	vst v63  }
.LBB2_6:
0x37: {  	_ =	swait.ge [sflag:s26], $0x500  }
0x38: {  	[sflag:s26] =	ssyncset.done $0x0  }
0x39: {  	[sflag:s26] =	ssyncadd.s32 $0xFFFFFB00  }
0x3a: {  	v1 =	vld [tilespmem:s0+$0x0];
	_ =	sdelay $0x2  }
0x3b: {  	v2 =	vld [tilespmem:s19+$0xFFFFFFE0];
	_ =	sdelay $0x4  }
0x3c: {  	[tilespmem:v1+s28+$0x0] =	vst.idx.add.f32.msk $0xffff, v2  }
0x3d: {  	v1 =	vld [tilespmem:s0+$0x10];
	_ =	sdelay $0x2  }
0x3e: {  	v2 =	vld [tilespmem:s19+$0xFFFFFFF0];
	_ =	sdelay $0x4  }
0x3f: {  	[tilespmem:v1+s28+$0x0] =	vst.idx.add.f32.msk $0xffff, v2  }
0x40: {  	v1 =	vld [tilespmem:s0+$0x20];
	_ =	sdelay $0x2  }
0x41: {  	v2 =	vld [tilespmem:s19+$0x0];
	_ =	sdelay $0x4  }
0x42: {  	[tilespmem:v1+s28+$0x0] =	vst.idx.add.f32.msk $0xffff, v2  }
0x43: {  	v1 =	vld [tilespmem:s0+$0x30];
	_ =	sdelay $0x2  }
0x44: {  	v2 =	vld [tilespmem:s19+$0x10];
	_ =	sdelay $0x2  }
0x45: {  	s23 =	smul.u32 $0xAB, s22;
	_ =	sdelay $0x1  }
0x46: {  	s23 =	sshrl.u32 s23, $0xA;
	[tilespmem:v1+s28+$0x0] =	vst.idx.add.f32.msk $0xffff, v2  }
0x47: {  	s23 =	sand.u32 $0x3F, s23;
	v1 =	vld [tilespmem:s0+$0x40]  }
0x48: {  	s23 =	smul.u32 $0x6, s23  }
0x49: {  	p0 =	sgt.u32 s22, $0x77  }
0x4a: {  	s24 =	sadd.s32 @!p0 $0x5, s22;
	s23 =	ssub.s32 s22, s23;
	v2 =	vld [tilespmem:s19+$0x20]  }
0x4b: {  	s25 =	smul.u32 @!p0 $0xAB, s24;
	s23 =	sand.u32 $0xFF, s23  }
0x4c: {  	s23 =	smul.u32 $0x1400, s23  }
0x4d: {  	s25 =	sshrl.u32 @!p0 s25, $0xA  }
0x4e: {  	s25 =	sand.u32 @!p0 $0x3F, s25;
	s23 =	sshrl.u32 s23, $0x2  }
0x4f: {  	s25 =	smul.u32 @!p0 $0x6, s25;
	s23 =	sadd.s32 $0x4E20, s23;
	[tilespmem:v1+s28+$0x0] =	vst.idx.add.f32.msk $0xffff, v2  }
0x50: {  	[spmem:s2] =	stream.indirect.scatter.add.f32 [tilespmem:s23], [sflag:$0x2], $0x10, s0, s29, $0xb8;
	[tilespmem:$0x11120] =	vst v63  }
0x51: {  	s23 =	ssub.s32 @!p0 s24, s25  }
0x52: {  	s23 =	sand.u32 @!p0 $0xFF, s23  }
0x53: {  	s23 =	smul.u32 @!p0 $0x1400, s23  }
0x54: {  	_ =	swait.ge [sflag:s18], $0x500  }
0x55: {  	s22 =	sadd.s32 $0x1, s22;
	[sflag:s18] =	ssyncset.done $0x0;
	s23 =	sshrl.u32 @!p0 s23, $0x2  }
0x56: {  	s24 =	simm.s32 @!p0 $0x0;
	[sflag:s18] =	ssyncadd.s32 $0xFFFFFB00;
	s23 =	sadd.s32 @!p0 $0x4E20, s23  }
0x57: {  	[tilespmem:s23], [sflag:$0x1] =	stream.linear.gather @!p0 [hbm4b:s17+s24], $0x500, $0x38;
	[tilespmem:$0x11120] =	vst v63  }
0x58: {  	p0 =	sne.s32 s22, $0x7D  }
.Ltmp2:
0x59: {  	_ = 	snop;
	(pc) =	sbr.rel @p0 .LBB2_6-.Ltmp2, $2  }
0x5a: {  	_ =	sdelay $0x2  }
0x5b: {  	s19 =	sadd.s32 $0x50, s19;
	s0 =	sadd.s32 $0x50, s0;
	s17 =	sadd.s32 $0xA0, s17  }
0x5c: {  	[spmem:s12] =	stream.linear.scatter [tilespmem:s28], [sflag:$0x2], $0x2800, $0x38;
	[tilespmem:$0x11120] =	vst v63  }
0x5d: {  	_ =	swait.ge [sflag:s18], $0x2800  }
0x5e: {  	[sflag:s18] =	ssyncset.done $0x0  }
0x5f: {  	[sflag:s18] =	ssyncadd.s32 $0xFFFFD800  }
0x60: {  	[bflag:$0x0] =	sbarrier.arrive $0xFFFF  }
0x61: {  	[tilespmem:$0xBC20] =	vst v0  }
0x62: {  	[tilespmem:$0xBC30] =	vst v0  }
0x63: {  	[tilespmem:$0xBC40] =	vst v0  }
0x64: {  	[tilespmem:$0xBC50] =	vst v0  }
0x65: {  	[tilespmem:$0xBC60] =	vst v0  }
0x66: {  	[tilespmem:$0xBC70] =	vst v0  }
0x67: {  	[tilespmem:$0xBC80] =	vst v0  }
0x68: {  	[tilespmem:$0xBC90] =	vst v0  }
0x69: {  	[tilespmem:$0xBCA0] =	vst v0  }
0x6a: {  	[tilespmem:$0xBCB0] =	vst v0  }
0x6b: {  	[tilespmem:$0xBCC0] =	vst v0  }
0x6c: {  	[tilespmem:$0xBCD0] =	vst v0  }
0x6d: {  	[tilespmem:$0xBCE0] =	vst v0  }
0x6e: {  	[tilespmem:$0xBCF0] =	vst v0  }
0x6f: {  	[tilespmem:$0xBD00] =	vst v0  }
0x70: {  	[tilespmem:$0xBD10] =	vst v0  }
0x71: {  	[tilespmem:$0xBD20] =	vst v0  }
0x72: {  	[tilespmem:$0xBD30] =	vst v0  }
0x73: {  	[tilespmem:$0xBD40] =	vst v0  }
0x74: {  	[tilespmem:$0xBD50] =	vst v0  }
0x75: {  	[tilespmem:$0xBD60] =	vst v0  }
0x76: {  	[tilespmem:$0xBD70] =	vst v0  }
0x77: {  	[tilespmem:$0xBD80] =	vst v0  }
0x78: {  	[tilespmem:$0xBD90] =	vst v0  }
0x79: {  	[tilespmem:$0xBDA0] =	vst v0  }
0x7a: {  	[tilespmem:$0xBDB0] =	vst v0  }
0x7b: {  	[tilespmem:$0xBDC0] =	vst v0  }
0x7c: {  	[tilespmem:$0xBDD0] =	vst v0  }
0x7d: {  	[tilespmem:$0xBDE0] =	vst v0  }
0x7e: {  	[tilespmem:$0xBDF0] =	vst v0  }
0x7f: {  	[tilespmem:$0xBE00] =	vst v0  }
0x80: {  	[tilespmem:$0xBE10] =	vst v0  }
0x81: {  	[tilespmem:$0xBE20] =	vst v0  }
0x82: {  	[tilespmem:$0xBE30] =	vst v0  }
0x83: {  	[tilespmem:$0xBE40] =	vst v0  }
0x84: {  	[tilespmem:$0xBE50] =	vst v0  }
0x85: {  	[tilespmem:$0xBE60] =	vst v0  }
0x86: {  	[tilespmem:$0xBE70] =	vst v0  }
0x87: {  	[tilespmem:$0xBE80] =	vst v0  }
0x88: {  	s0 =	simm.s32 $0x0;
	[tilespmem:$0xBE90] =	vst v0  }
.LBB2_8:
0x89: {  	s17 =	smul.u32 $0xA000, s0;
	_ =	sdelay $0x1  }
0x8a: {  	s17 =	sshra.s32 s17, $0x2  }
0x8b: {  	s17 =	sadd.s32 s17, s13  }
0x8c: {  	[tilespmem:s30], [sflag:$0x2] =	stream.linear.gather [spmem:s17], $0x280, $0x38;
	[tilespmem:$0x11120] =	vst v63  }
0x8d: {  	_ =	swait.ge [sflag:s18], $0x280  }
0x8e: {  	[sflag:s18] =	ssyncset.done $0x0  }
0x8f: {  	s17 =	simm.s32 $0x0;
	[sflag:s18] =	ssyncadd.s32 $0xFFFFFD80  }
0x90: {  	s19 =	simm.s32 $0x40;
	v1 =	vld [tilespmem:s17+$0xBEA0]  }
.LBB2_9:
0x91: {  	p0 =	sne.s32 s19, $0x9C0;
	v2 =	vld [tilespmem:s17+$0xBC20];
	_ =	sdelay $0x2  }
.Ltmp3:
0x92: {  	(pc) =	sbr.rel @p0 .LBB2_9-.Ltmp3, $4  }
0x93: {  	_ = 	snop  }
0x94: {  	v2 =	vadd.f32 v1, v2  }
0x95: {  	s22 =	sshra.s32 s19, $0x2  }
0x96: {  	s19 =	sadd.s32 $0x40, s19;
	v1 =	vld [tilespmem:s22+$0xBEA0];
	[tilespmem:s17+$0xBC20] =	vst v2;
	s17 =	smov.u32 s22  }
0x97: {  	v2 =	vld [tilespmem:s17+$0xBC20]  }
0x98: {  	s0 =	sadd.s32 $0x1, s0  }
0x99: {  	p0 =	sne.s32 s0, $0x10  }
.Ltmp4:
0x9a: {  	_ = 	snop;
	(pc) =	sbr.rel @p0 .LBB2_8-.Ltmp4, $3  }
0x9b: {  	_ = 	snop  }
0x9c: {  	v1 =	vadd.f32 v1, v2;
	_ =	sdelay $0x1  }
0x9d: {  	[tilespmem:s17+$0xBC20] =	vst v1  }
0x9e: {  	[hbm4b:s14+s3] =	stream.linear.scatter [tilespmem:s31], [sflag:$0x2], $0x280, $0x38;
	[tilespmem:$0x11120] =	vst v63  }
0x9f: {  	_ =	swait.ge [sflag:s18], $0x280  }
0xa0: {  	[sflag:s18] =	ssyncset.done $0x0  }
0xa1: {  	[sflag:s18] =	ssyncadd.s32 $0xFFFFFD80  }
0xa2: {  	[tilespmem:s20], [sflag:$0x2] =	stream.linear.gather [spmem:s6], $0x2800, $0x38;
	[tilespmem:$0x11120] =	vst v63  }
0xa3: {  	s1 =	sadd.s32 $0x1, s1;
	_ =	swait.ge [sflag:s18], $0x2800  }
0xa4: {  	p0 =	sne.s32 s1, s16;
	[sflag:s18] =	ssyncset.done $0x0  }
.Ltmp5:
0xa5: {  	[sflag:s18] =	ssyncadd.s32 $0xFFFFD800;
	(pc) =	sbr.rel @p0 .LBB2_1-.Ltmp5, $4  }
0xa6: {  	[hbm4b:s15+s3] =	stream.linear.scatter [tilespmem:s20], [sflag:$0x2], $0x2800, $0x38;
	[tilespmem:$0x11120] =	vst v63  }
0xa7: {  	_ =	swait.ge [sflag:s18], $0x2800  }
0xa8: {  	[sflag:s18] =	ssyncset.done $0x0  }
0xa9: {  	[sflag:s18] =	ssyncadd.s32 $0xFFFFD800  }
0xaa: {  	_ =	sfence.sel $0x180000  }
0xab: {  	[bflag:$0x0] =	sbarrier.arrive $0xFFFF  }
0xac: {  	_ =	strace $0x90000056  }
0xad: {  	s0 =	stileid.u32;
	[bflag:$0x2] =	sbarrier.arrive $0xFFFF  }
0xae: {  	p0 =	sne.s32 s0, $0x0;
	s0 =	rddreg [dreg:$0x3]  }
0xaf: {  	s0 =	sadd.s32 @!p0 $0x100000, s0  }
0xb0: {  	[sflag:s0] =	ssyncadd.tile.s32 @!p0 $0x1;
	_ =	shalt  }
.Lfunc_end2:
_tile_overlayer_lowered:
.L_overlay_start_2:
0xb1: {  	(tag) =	ssettag $0x2  }
0xb2: {  	s0 =	rddreg [dreg:$0x0];
	s2 =	stileid.u32  }
0xb3: {  	s1 =	rddreg [dreg:$0x1];
	p0 =	sne.s32 s2, $0x0  }
0xb4: {  	s3 =	rddreg [dreg:$0x2];
	[bflag:$0x3] =	sbarrier.arrive $0xFFFF;
	s2 =	simm.s32 @!p0 $0x1C02  }
0xb5: {  	[timem:s3], [sflag:s2] =	dma.local @!p0 [hbm:s0], s1  }
0xb6: {  	s0 =	simm.s32 @!p0 $0x2  }
0xb7: {  	_ =	swait.ge @!p0 [sflag:s0], s1  }
0xb8: {  	s1 =	ssub.s32 @!p0 $0x0, s1;
	[sflag:s0] =	ssyncset.done @!p0 $0x0  }
0xb9: {  	[sflag:s0] =	ssyncadd.s32 @!p0 s1  }
0xba: {  	[bflag:$0x3] =	sbarrier.arrive $0xFFFF  }
0xbb: {  	_ =	shalt  }

</sc_bundles>
